<compile_context>
chip_gen: v7x
topology: tpu7x:2x2x1
jax: 0.10.2.dev20260603
libtpu: 0.0.44.dev20260713+nightly
codegen_flags: <defaults>
</compile_context>

<pallas_src>
import jax
import jax.numpy as jnp
from jax import lax
from jax.experimental import pallas as pl
from jax.experimental.pallas import tpu as pltpu
from jax.experimental.pallas import tpu_sc as plsc

M = 262144
D = 64
DP = 128
B = 131072
H = 128

NC = 2
NS = 16
L = 16

MH = M // NC
CHUNK = 8192
NPASS = MH // CHUNK
SCAN = B // NS
ROWS_PT = CHUNK // NS
ZROWS = 32
CH = 64
NTRASH = 16
CAP = SCAN + 2 * CH



def _mlp_body(valT_ref, w1_ref, b1_ref, w2_ref, b2_ref, out_ref):
    h = lax.dot_general(valT_ref[...], w1_ref[...],
                        (((0,), (0,)), ((), ())),
                        preferred_element_type=jnp.float32)
    h = h + b1_ref[...]
    h = jnp.where(h >= 0, h, 0.25 * h)
    u = jnp.dot(h, w2_ref[...], preferred_element_type=jnp.float32)
    u = u + b2_ref[...]
    out_ref[...] = jnp.where(u >= 0, u, 0.25 * u)


def _mlp(valT, W1, b1, W2p, b2p):
    blk = 8192
    grid = (B // blk,)
    return pl.pallas_call(
        _mlp_body,
        grid=grid,
        in_specs=[
            pl.BlockSpec((D, blk), lambda i: (0, i)),
            pl.BlockSpec((D, H), lambda i: (0, 0)),
            pl.BlockSpec((1, H), lambda i: (0, 0)),
            pl.BlockSpec((H, DP), lambda i: (0, 0)),
            pl.BlockSpec((1, DP), lambda i: (0, 0)),
        ],
        out_specs=pl.BlockSpec((blk, DP), lambda i: (i, 0)),
        out_shape=jax.ShapeDtypeStruct((B, DP), jnp.float32),
    )(valT, W1, b1.reshape(1, H), W2p, b2p)



UNR = 8


HS = None


def _sc_body(idx_hbm, upd_hbm, delta_hbm,
             idx_v, myidx, mypos, posf, rowf, pos2a, row2a, pos2b, row2b,
             gbufa, gbufb, zbuf, shared, sema, semb, zsem, wsema, wsemb):
    c = lax.axis_index("c")
    s = lax.axis_index("s")

    pltpu.sync_copy(idx_hbm.at[pl.ds(s * SCAN, SCAN)], idx_v)

    lanes = lax.iota(jnp.int32, L)
    zeros = jnp.zeros((L,), jnp.float32)
    for r in range(ZROWS):
        for g in range(DP // L):
            zbuf[r, pl.ds(g * L, L)] = zeros

    vbase = c * MH

    def pre_step(i, n):
        pfs, vs, ms = [], [], []
        for t in range(UNR):
            v = idx_v[pl.ds((i * UNR + t) * L, L)]
            m = (v >= vbase) & (v < vbase + MH)
            pfs.append(plsc.cumsum(m.astype(jnp.int32)))
            vs.append(v)
            ms.append(m)
        for t in range(UNR):
            off = n + pfs[t] - 1
            pos = s * SCAN + (i * UNR + t) * L + lanes
            plsc.store_scatter(mypos, [off], pos, mask=ms[t])
            plsc.store_scatter(myidx, [off], vs[t], mask=ms[t])
            n = n + pfs[t][L - 1]
        return n

    nmy = lax.fori_loop(0, SCAN // (L * UNR), pre_step, jnp.int32(0))

    p0 = (nmy // L) * L
    for t in range(UNR + 1):
        a = p0 + t * L
        keep = (a + lanes) < nmy
        iv = myidx[pl.ds(a, L)]
        myidx[pl.ds(a, L)] = jnp.where(keep, iv, jnp.int32(-1))
    nblk = (nmy + L * UNR - 1) // (L * UNR)

    def fire_zero(base, rows):
        for t in range(rows // ZROWS):
            pltpu.async_copy(
                zbuf, shared.at[pl.ds(base + t * ZROWS, ZROWS)], zsem)

    def drain_zero(rows):
        for t in range(rows // ZROWS):
            pltpu.make_async_copy(
                zbuf, shared.at[pl.ds(s * ROWS_PT + t * ZROWS, ZROWS)],
                zsem).wait()

    fire_zero(s * ROWS_PT, ROWS_PT)

    def one_pass(k, _):
        gbase = vbase + k * CHUNK

        def scan_step(i, n):
            pfs, vs, ms, ps = [], [], [], []
            for t in range(UNR):
                v = myidx[pl.ds((i * UNR + t) * L, L)]
                p = mypos[pl.ds((i * UNR + t) * L, L)]
                lv = v - gbase
                m = (lv >= 0) & (lv < CHUNK)
                pfs.append(plsc.cumsum(m.astype(jnp.int32)))
                vs.append(lv)
                ms.append(m)
                ps.append(p)
            for t in range(UNR):
                off = n + pfs[t] - 1
                plsc.store_scatter(posf, [off], ps[t], mask=ms[t])
                plsc.store_scatter(rowf, [off], vs[t], mask=ms[t])
                n = n + pfs[t][L - 1]
            return n

        n = lax.fori_loop(0, nblk, scan_step, jnp.int32(0))

        a0 = (n // L) * L
        for t in range(CH // L + 1):
            a = a0 + t * L
            keep = (a + lanes) < n
            pv = posf[pl.ds(a, L)]
            rv = rowf[pl.ds(a, L)]
            posf[pl.ds(a, L)] = jnp.where(keep, pv, lanes)
            rowf[pl.ds(a, L)] = jnp.where(keep, rv, CHUNK + lanes)

        drain_zero(ROWS_PT)
        plsc.subcore_barrier()

        nch = jnp.maximum((n + CH - 1) // CH, 1)

        def fill(j, posb, rowb):
            for t in range(CH // L):
                posb[pl.ds(t * L, L)] = posf[pl.ds(j * CH + t * L, L)]
                rowb[pl.ds(t * L, L)] = rowf[pl.ds(j * CH + t * L, L)]

        fill(0, pos2a, row2a)
        pltpu.async_copy(upd_hbm.at[pos2a], gbufa, sema)

        def pair_step(h, _):
            j0 = h * 2
            @pl.when(j0 + 1 < nch)
            def _():
                fill(j0 + 1, pos2b, row2b)
                pltpu.async_copy(upd_hbm.at[pos2b], gbufb, semb)
            pltpu.make_async_copy(upd_hbm.at[pos2a], gbufa, sema).wait()
            pltpu.sync_copy(gbufa, shared.at[row2a], add=True)
            @pl.when(j0 + 2 < nch)
            def _():
                fill(j0 + 2, pos2a, row2a)
                pltpu.async_copy(upd_hbm.at[pos2a], gbufa, sema)
            @pl.when(j0 + 1 < nch)
            def _():
                pltpu.make_async_copy(upd_hbm.at[pos2b], gbufb, semb).wait()
                pltpu.sync_copy(gbufb, shared.at[row2b], add=True)
            return 0

        lax.fori_loop(0, (nch + 1) // 2, pair_step, 0)
        plsc.subcore_barrier()

        half = ROWS_PT // 2
        wa = pltpu.async_copy(
            shared.at[pl.ds(s * ROWS_PT, half)],
            delta_hbm.at[pl.ds(gbase + s * ROWS_PT, half)], wsema)
        wb = pltpu.async_copy(
            shared.at[pl.ds(s * ROWS_PT + half, half)],
            delta_hbm.at[pl.ds(gbase + s * ROWS_PT + half, half)], wsemb)
        wa.wait()
        fire_zero(s * ROWS_PT, half)
        wb.wait()
        fire_zero(s * ROWS_PT + half, half)
        return 0

    lax.fori_loop(0, NPASS, one_pass, 0)
    drain_zero(ROWS_PT)


def _scatter(idx, upd):
    mesh = plsc.VectorSubcoreMesh(core_axis_name="c", subcore_axis_name="s")
    f = pl.kernel(
        _sc_body,
        out_type=jax.ShapeDtypeStruct((M, DP), jnp.float32),
        mesh=mesh,
        compiler_params=pltpu.CompilerParams(needs_layout_passes=False),
        scratch_types=[
            pltpu.VMEM((SCAN,), jnp.int32),
            pltpu.VMEM((CAP,), jnp.int32),
            pltpu.VMEM((CAP,), jnp.int32),
            pltpu.VMEM((CAP,), jnp.int32),
            pltpu.VMEM((CAP,), jnp.int32),
            pltpu.VMEM((CH,), jnp.int32),
            pltpu.VMEM((CH,), jnp.int32),
            pltpu.VMEM((CH,), jnp.int32),
            pltpu.VMEM((CH,), jnp.int32),
            pltpu.VMEM((CH, DP), jnp.float32),
            pltpu.VMEM((CH, DP), jnp.float32),
            pltpu.VMEM((ZROWS, DP), jnp.float32),
            pltpu.VMEM_SHARED((CHUNK + NTRASH, DP), jnp.float32),
            pltpu.SemaphoreType.DMA,
            pltpu.SemaphoreType.DMA,
            pltpu.SemaphoreType.DMA,
            pltpu.SemaphoreType.DMA,
            pltpu.SemaphoreType.DMA,
        ],
    )
    return f(idx, upd)



def _merge_body(memT_ref, delta_ref, outT_ref):
    outT_ref[...] = memT_ref[...] + delta_ref[:, :D].T


def _merge(memT, delta):
    blk = 8192
    grid = (M // blk,)
    return pl.pallas_call(
        _merge_body,
        grid=grid,
        in_specs=[
            pl.BlockSpec((D, blk), lambda i: (0, i)),
            pl.BlockSpec((blk, DP), lambda i: (i, 0)),
        ],
        out_specs=pl.BlockSpec((D, blk), lambda i: (0, i)),
        out_shape=jax.ShapeDtypeStruct((D, M), jnp.float32),
    )(memT, delta)


def kernel(mem, idx, val, W1, b1, W2, b2):
    W2p = jnp.zeros((H, DP), jnp.float32).at[:, :D].set(W2)
    b2p = jnp.zeros((1, DP), jnp.float32).at[:, :D].set(b2)
    upd = _mlp(val.T, W1, b1, W2p, b2p)
    delta = _scatter(idx, upd)
    return _merge(mem.T, delta).T

# --- scband reference (transcript-rebuilt; emitter-appended) ---
"""Pipeline reference for scband-risk-interaction-42863773614500 (READ-ONLY COPY).

The authoritative reference and input builder live on the scoring server;
editing this copy changes nothing except your own understanding.
"""

import jax, jax.numpy as jnp
import numpy as np

M = 262144
D = 64
B = 131072
H = 128


def _prelu(x, a=0.25):
    return jnp.where(x >= 0, x, a * x)


def setup_inputs(seed: int = 0) -> dict:
    key = jax.random.key(seed)
    k1, k2, k3, k4, k5 = jax.random.split(key, 5)
    mem = jax.random.normal(k1, (M, D), dtype=jnp.float32)
    idx = jax.random.randint(k2, (B,), 0, M, dtype=jnp.int32)
    val = jax.random.normal(k3, (B, D), dtype=jnp.float32)
    W1 = jax.random.normal(k4, (D, H), dtype=jnp.float32) * 0.05
    b1 = jnp.zeros((H,), dtype=jnp.float32)
    W2 = jax.random.normal(k5, (H, D), dtype=jnp.float32) * 0.05
    b2 = jnp.zeros((D,), dtype=jnp.float32)
    return {"mem": mem, "idx": idx, "val": val, "W1": W1, "b1": b1, "W2": W2, "b2": b2}


def reference(mem, idx, val, W1, b1, W2, b2):
    # Per-update risk transform (MLP with PReLU, as in the original MLP blocks),
    # then scatter-accumulate the risk-interaction updates into the shared
    # risk memory / interaction matrix rows addressed by idx.
    h = _prelu(val @ W1 + b1)
    upd = _prelu(h @ W2 + b2)
    new_mem = mem.at[idx].add(upd)
    return new_mem

if __name__ == "__main__":
    import jax
    _d = setup_inputs()
    print(jax.jit(kernel)(*tuple(_d.values())))

</pallas_src>

<mosaic_0001>
#map = affine_map<(d0, d1) -> (0)>
#map1 = affine_map<(d0, d1) -> (0, 0)>
module attributes {stable_mosaic.version = 14 : i64} {
  func.func @_sc_body(%arg0: i32, %arg1: i32, %arg2: memref<131072xi32, #tpu.memory_space<hbm>>, %arg3: memref<131072x128xf32, #tpu.memory_space<hbm>>, %arg4: memref<262144x128xf32, #tpu.memory_space<hbm>>, %arg5: memref<8192xi32, #tpu.memory_space<vmem>>, %arg6: memref<8320xi32, #tpu.memory_space<vmem>>, %arg7: memref<8320xi32, #tpu.memory_space<vmem>>, %arg8: memref<8320xi32, #tpu.memory_space<vmem>>, %arg9: memref<8320xi32, #tpu.memory_space<vmem>>, %arg10: memref<64xi32, #tpu.memory_space<vmem>>, %arg11: memref<64xi32, #tpu.memory_space<vmem>>, %arg12: memref<64xi32, #tpu.memory_space<vmem>>, %arg13: memref<64xi32, #tpu.memory_space<vmem>>, %arg14: memref<64x128xf32, #tpu.memory_space<vmem>>, %arg15: memref<64x128xf32, #tpu.memory_space<vmem>>, %arg16: memref<32x128xf32, #tpu.memory_space<vmem>>, %arg17: memref<8208x128xf32, #tpu.memory_space<vmem_shared>>, %arg18: memref<!tpu.dma_semaphore, #tpu.memory_space<semaphore_mem>>, %arg19: memref<!tpu.dma_semaphore, #tpu.memory_space<semaphore_mem>>, %arg20: memref<!tpu.dma_semaphore, #tpu.memory_space<semaphore_mem>>, %arg21: memref<!tpu.dma_semaphore, #tpu.memory_space<semaphore_mem>>, %arg22: memref<!tpu.dma_semaphore, #tpu.memory_space<semaphore_mem>>) attributes {dimension_semantics = [#tpu.dimension_semantics<core_parallel>, #tpu.dimension_semantics<subcore_parallel>], iteration_bounds = array<i64: 2, 16>, scalar_prefetch = 0 : i64, scratch_operands = 18 : i64, tpu.core_type = #tpu.core_type<sc_vector_subcore>, window_params = [{transform_indices = #map}, {transform_indices = #map1}, {transform_indices = #map1}]} {
    %mul3A = arith.constant 8192 : i32
    %mul3A_0 = arith.muli %arg1, %mul3A : i32
    "tpu.region"() ({
      %run_scoped3A = tpu.sem_alloc : memref<!tpu.dma_semaphore, #tpu.memory_space<semaphore_mem>>
      %dma_start3A_1424 = tpu.memref_slice %arg2[%mul3A_0] : memref<131072xi32, #tpu.memory_space<hbm>> -> memref<8192xi32, #tpu.memory_space<hbm>>
      %dma_start3A_1425 = tpu.memref_slice %arg2[%mul3A_0] : memref<131072xi32, #tpu.memory_space<hbm>> -> memref<8192xi32, #tpu.memory_space<hbm>>
      tpu.enqueue_dma source(%dma_start3A_1425 : memref<8192xi32, #tpu.memory_space<hbm>>) target(%arg5 : memref<8192xi32, #tpu.memory_space<vmem>>) target_semaphore(%run_scoped3A : memref<!tpu.dma_semaphore, #tpu.memory_space<semaphore_mem>>)
      %dma_wait3A_1426 = tpu.memref_slice %arg2[%mul3A_0] : memref<131072xi32, #tpu.memory_space<hbm>> -> memref<8192xi32, #tpu.memory_space<hbm>>
      %dma_wait3A_1427 = tpu.memref_slice %arg2[%mul3A_0] : memref<131072xi32, #tpu.memory_space<hbm>> -> memref<8192xi32, #tpu.memory_space<hbm>>
      tpu.wait_dma2 semaphore(%run_scoped3A : memref<!tpu.dma_semaphore, #tpu.memory_space<semaphore_mem>>) src(%dma_wait3A_1427 : memref<8192xi32, #tpu.memory_space<hbm>>) dst(%arg5 : memref<8192xi32, #tpu.memory_space<vmem>>)
      tpu.yield
    }) : () -> ()
    %iota3A = tpu.iota {dimensions = array<i32: 0>} : vector<16xi32>
    %broadcast_in_dim3A = arith.constant 0.000000e+00 : f32
    %broadcast_in_dim3A_1 = vector.broadcast %broadcast_in_dim3A : f32 to vector<16xf32>
    %swap3A = arith.constant 0 : i32
    %swap3A_2 = arith.index_cast %swap3A : i32 to index
    %swap3A_3 = arith.constant 0 : index
    %swap3A_4 = tpu.vector_load %arg16[%swap3A_2, %swap3A_3] {strides = array<i32>} : memref<32x128xf32, #tpu.memory_space<vmem>>, vector<16xf32>,
    tpu.vector_store %arg16[%swap3A_2, %swap3A_3], %broadcast_in_dim3A_1 {strides = array<i32>} : memref<32x128xf32, #tpu.memory_space<vmem>>, vector<16xf32>,
    %swap3A_5 = arith.constant 0 : i32
    %swap3A_6 = arith.index_cast %swap3A_5 : i32 to index
    %swap3A_7 = arith.constant 16 : index
    %swap3A_8 = tpu.vector_load %arg16[%swap3A_6, %swap3A_7] {strides = array<i32>} : memref<32x128xf32, #tpu.memory_space<vmem>>, vector<16xf32>,
    tpu.vector_store %arg16[%swap3A_6, %swap3A_7], %broadcast_in_dim3A_1 {strides = array<i32>} : memref<32x128xf32, #tpu.memory_space<vmem>>, vector<16xf32>,
    %swap3A_9 = arith.constant 0 : i32
    %swap3A_10 = arith.index_cast %swap3A_9 : i32 to index
    %swap3A_11 = arith.constant 32 : index
    %swap3A_12 = tpu.vector_load %arg16[%swap3A_10, %swap3A_11] {strides = array<i32>} : memref<32x128xf32, #tpu.memory_space<vmem>>, vector<16xf32>,
    tpu.vector_store %arg16[%swap3A_10, %swap3A_11], %broadcast_in_dim3A_1 {strides = array<i32>} : memref<32x128xf32, #tpu.memory_space<vmem>>, vector<16xf32>,
    %swap3A_13 = arith.constant 0 : i32
    %swap3A_14 = arith.index_cast %swap3A_13 : i32 to index
    %swap3A_15 = arith.constant 48 : index
    %swap3A_16 = tpu.vector_load %arg16[%swap3A_14, %swap3A_15] {strides = array<i32>} : memref<32x128xf32, #tpu.memory_space<vmem>>, vector<16xf32>,
    tpu.vector_store %arg16[%swap3A_14, %swap3A_15], %broadcast_in_dim3A_1 {strides = array<i32>} : memref<32x128xf32, #tpu.memory_space<vmem>>, vector<16xf32>,
    %swap3A_17 = arith.constant 0 : i32
    %swap3A_18 = arith.index_cast %swap3A_17 : i32 to index
    %swap3A_19 = arith.constant 64 : index
    %swap3A_20 = tpu.vector_load %arg16[%swap3A_18, %swap3A_19] {strides = array<i32>} : memref<32x128xf32, #tpu.memory_space<vmem>>, vector<16xf32>,
    tpu.vector_store %arg16[%swap3A_18, %swap3A_19], %broadcast_in_dim3A_1 {strides = array<i32>} : memref<32x128xf32, #tpu.memory_space<vmem>>, vector<16xf32>,
    %swap3A_21 = arith.constant 0 : i32
    %swap3A_22 = arith.index_cast %swap3A_21 : i32 to index
    %swap3A_23 = arith.constant 80 : index
    %swap3A_24 = tpu.vector_load %arg16[%swap3A_22, %swap3A_23] {strides = array<i32>} : memref<32x128xf32, #tpu.memory_space<vmem>>, vector<16xf32>,
    tpu.vector_store %arg16[%swap3A_22, %swap3A_23], %broadcast_in_dim3A_1 {strides = array<i32>} : memref<32x128xf32, #tpu.memory_space<vmem>>, vector<16xf32>,
    %swap3A_25 = arith.constant 0 : i32
    %swap3A_26 = arith.index_cast %swap3A_25 : i32 to index
    %swap3A_27 = arith.constant 96 : index
    %swap3A_28 = tpu.vector_load %arg16[%swap3A_26, %swap3A_27] {strides = array<i32>} : memref<32x128xf32, #tpu.memory_space<vmem>>, vector<16xf32>,
    tpu.vector_store %arg16[%swap3A_26, %swap3A_27], %broadcast_in_dim3A_1 {strides = array<i32>} : memref<32x128xf32, #tpu.memory_space<vmem>>, vector<16xf32>,
    %swap3A_29 = arith.constant 0 : i32
    %swap3A_30 = arith.index_cast %swap3A_29 : i32 to index
    %swap3A_31 = arith.constant 112 : index
    %swap3A_32 = tpu.vector_load %arg16[%swap3A_30, %swap3A_31] {strides = array<i32>} : memref<32x128xf32, #tpu.memory_space<vmem>>, vector<16xf32>,
    tpu.vector_store %arg16[%swap3A_30, %swap3A_31], %broadcast_in_dim3A_1 {strides = array<i32>} : memref<32x128xf32, #tpu.memory_space<vmem>>, vector<16xf32>,
    %swap3A_33 = arith.constant 1 : i32
    %swap3A_34 = arith.index_cast %swap3A_33 : i32 to index
    %swap3A_35 = arith.constant 0 : index
    %swap3A_36 = tpu.vector_load %arg16[%swap3A_34, %swap3A_35] {strides = array<i32>} : memref<32x128xf32, #tpu.memory_space<vmem>>, vector<16xf32>,
    tpu.vector_store %arg16[%swap3A_34, %swap3A_35], %broadcast_in_dim3A_1 {strides = array<i32>} : memref<32x128xf32, #tpu.memory_space<vmem>>, vector<16xf32>,
    %swap3A_37 = arith.constant 1 : i32
    %swap3A_38 = arith.index_cast %swap3A_37 : i32 to index
    %swap3A_39 = arith.constant 16 : index
    %swap3A_40 = tpu.vector_load %arg16[%swap3A_38, %swap3A_39] {strides = array<i32>} : memref<32x128xf32, #tpu.memory_space<vmem>>, vector<16xf32>,
    tpu.vector_store %arg16[%swap3A_38, %swap3A_39], %broadcast_in_dim3A_1 {strides = array<i32>} : memref<32x128xf32, #tpu.memory_space<vmem>>, vector<16xf32>,
    %swap3A_41 = arith.constant 1 : i32
    %swap3A_42 = arith.index_cast %swap3A_41 : i32 to index
    %swap3A_43 = arith.constant 32 : index
    %swap3A_44 = tpu.vector_load %arg16[%swap3A_42, %swap3A_43] {strides = array<i32>} : memref<32x128xf32, #tpu.memory_space<vmem>>, vector<16xf32>,
    tpu.vector_store %arg16[%swap3A_42, %swap3A_43], %broadcast_in_dim3A_1 {strides = array<i32>} : memref<32x128xf32, #tpu.memory_space<vmem>>, vector<16xf32>,
    %swap3A_45 = arith.constant 1 : i32
    %swap3A_46 = arith.index_cast %swap3A_45 : i32 to index
    %swap3A_47 = arith.constant 48 : index
    %swap3A_48 = tpu.vector_load %arg16[%swap3A_46, %swap3A_47] {strides = array<i32>} : memref<32x128xf32, #tpu.memory_space<vmem>>, vector<16xf32>,
    tpu.vector_store %arg16[%swap3A_46, %swap3A_47], %broadcast_in_dim3A_1 {strides = array<i32>} : memref<32x128xf32, #tpu.memory_space<vmem>>, vector<16xf32>,
    %swap3A_49 = arith.constant 1 : i32
    %swap3A_50 = arith.index_cast %swap3A_49 : i32 to index
    %swap3A_51 = arith.constant 64 : index
    %swap3A_52 = tpu.vector_load %arg16[%swap3A_50, %swap3A_51] {strides = array<i32>} : memref<32x128xf32, #tpu.memory_space<vmem>>, vector<16xf32>,
    tpu.vector_store %arg16[%swap3A_50, %swap3A_51], %broadcast_in_dim3A_1 {strides = array<i32>} : memref<32x128xf32, #tpu.memory_space<vmem>>, vector<16xf32>,
    %swap3A_53 = arith.constant 1 : i32
    %swap3A_54 = arith.index_cast %swap3A_53 : i32 to index
    %swap3A_55 = arith.constant 80 : index
    %swap3A_56 = tpu.vector_load %arg16[%swap3A_54, %swap3A_55] {strides = array<i32>} : memref<32x128xf32, #tpu.memory_space<vmem>>, vector<16xf32>,
    tpu.vector_store %arg16[%swap3A_54, %swap3A_55], %broadcast_in_dim3A_1 {strides = array<i32>} : memref<32x128xf32, #tpu.memory_space<vmem>>, vector<16xf32>,
    %swap3A_57 = arith.constant 1 : i32
    %swap3A_58 = arith.index_cast %swap3A_57 : i32 to index
    %swap3A_59 = arith.constant 96 : index
    %swap3A_60 = tpu.vector_load %arg16[%swap3A_58, %swap3A_59] {strides = array<i32>} : memref<32x128xf32, #tpu.memory_space<vmem>>, vector<16xf32>,
    tpu.vector_store %arg16[%swap3A_58, %swap3A_59], %broadcast_in_dim3A_1 {strides = array<i32>} : memref<32x128xf32, #tpu.memory_space<vmem>>, vector<16xf32>,
    %swap3A_61 = arith.constant 1 : i32
    %swap3A_62 = arith.index_cast %swap3A_61 : i32 to index
    %swap3A_63 = arith.constant 112 : index
    %swap3A_64 = tpu.vector_load %arg16[%swap3A_62, %swap3A_63] {strides = array<i32>} : memref<32x128xf32, #tpu.memory_space<vmem>>, vector<16xf32>,
    tpu.vector_store %arg16[%swap3A_62, %swap3A_63], %broadcast_in_dim3A_1 {strides = array<i32>} : memref<32x128xf32, #tpu.memory_space<vmem>>, vector<16xf32>,
    %swap3A_65 = arith.constant 2 : i32
    %swap3A_66 = arith.index_cast %swap3A_65 : i32 to index
    %swap3A_67 = arith.constant 0 : index
    %swap3A_68 = tpu.vector_load %arg16[%swap3A_66, %swap3A_67] {strides = array<i32>} : memref<32x128xf32, #tpu.memory_space<vmem>>, vector<16xf32>,
    tpu.vector_store %arg16[%swap3A_66, %swap3A_67], %broadcast_in_dim3A_1 {strides = array<i32>} : memref<32x128xf32, #tpu.memory_space<vmem>>, vector<16xf32>,
    %swap3A_69 = arith.constant 2 : i32
    %swap3A_70 = arith.index_cast %swap3A_69 : i32 to index
    %swap3A_71 = arith.constant 16 : index
    %swap3A_72 = tpu.vector_load %arg16[%swap3A_70, %swap3A_71] {strides = array<i32>} : memref<32x128xf32, #tpu.memory_space<vmem>>, vector<16xf32>,
    tpu.vector_store %arg16[%swap3A_70, %swap3A_71], %broadcast_in_dim3A_1 {strides = array<i32>} : memref<32x128xf32, #tpu.memory_space<vmem>>, vector<16xf32>,
    %swap3A_73 = arith.constant 2 : i32
    %swap3A_74 = arith.index_cast %swap3A_73 : i32 to index
    %swap3A_75 = arith.constant 32 : index
    %swap3A_76 = tpu.vector_load %arg16[%swap3A_74, %swap3A_75] {strides = array<i32>} : memref<32x128xf32, #tpu.memory_space<vmem>>, vector<16xf32>,
    tpu.vector_store %arg16[%swap3A_74, %swap3A_75], %broadcast_in_dim3A_1 {strides = array<i32>} : memref<32x128xf32, #tpu.memory_space<vmem>>, vector<16xf32>,
    %swap3A_77 = arith.constant 2 : i32
    %swap3A_78 = arith.index_cast %swap3A_77 : i32 to index
    %swap3A_79 = arith.constant 48 : index
    %swap3A_80 = tpu.vector_load %arg16[%swap3A_78, %swap3A_79] {strides = array<i32>} : memref<32x128xf32, #tpu.memory_space<vmem>>, vector<16xf32>,
    tpu.vector_store %arg16[%swap3A_78, %swap3A_79], %broadcast_in_dim3A_1 {strides = array<i32>} : memref<32x128xf32, #tpu.memory_space<vmem>>, vector<16xf32>,
    %swap3A_81 = arith.constant 2 : i32
    %swap3A_82 = arith.index_cast %swap3A_81 : i32 to index
    %swap3A_83 = arith.constant 64 : index
    %swap3A_84 = tpu.vector_load %arg16[%swap3A_82, %swap3A_83] {strides = array<i32>} : memref<32x128xf32, #tpu.memory_space<vmem>>, vector<16xf32>,
    tpu.vector_store %arg16[%swap3A_82, %swap3A_83], %broadcast_in_dim3A_1 {strides = array<i32>} : memref<32x128xf32, #tpu.memory_space<vmem>>, vector<16xf32>,
    %swap3A_85 = arith.constant 2 : i32
    %swap3A_86 = arith.index_cast %swap3A_85 : i32 to index
    %swap3A_87 = arith.constant 80 : index
    %swap3A_88 = tpu.vector_load %arg16[%swap3A_86, %swap3A_87] {strides = array<i32>} : memref<32x128xf32, #tpu.memory_space<vmem>>, vector<16xf32>,
    tpu.vector_store %arg16[%swap3A_86, %swap3A_87], %broadcast_in_dim3A_1 {strides = array<i32>} : memref<32x128xf32, #tpu.memory_space<vmem>>, vector<16xf32>,
    %swap3A_89 = arith.constant 2 : i32
    %swap3A_90 = arith.index_cast %swap3A_89 : i32 to index
    %swap3A_91 = arith.constant 96 : index
    %swap3A_92 = tpu.vector_load %arg16[%swap3A_90, %swap3A_91] {strides = array<i32>} : memref<32x128xf32, #tpu.memory_space<vmem>>, vector<16xf32>,
    tpu.vector_store %arg16[%swap3A_90, %swap3A_91], %broadcast_in_dim3A_1 {strides = array<i32>} : memref<32x128xf32, #tpu.memory_space<vmem>>, vector<16xf32>,
    %swap3A_93 = arith.constant 2 : i32
    %swap3A_94 = arith.index_cast %swap3A_93 : i32 to index
    %swap3A_95 = arith.constant 112 : index
    %swap3A_96 = tpu.vector_load %arg16[%swap3A_94, %swap3A_95] {strides = array<i32>} : memref<32x128xf32, #tpu.memory_space<vmem>>, vector<16xf32>,
    tpu.vector_store %arg16[%swap3A_94, %swap3A_95], %broadcast_in_dim3A_1 {strides = array<i32>} : memref<32x128xf32, #tpu.memory_space<vmem>>, vector<16xf32>,
    %swap3A_97 = arith.constant 3 : i32
    %swap3A_98 = arith.index_cast %swap3A_97 : i32 to index
    %swap3A_99 = arith.constant 0 : index
    %swap3A_100 = tpu.vector_load %arg16[%swap3A_98, %swap3A_99] {strides = array<i32>} : memref<32x128xf32, #tpu.memory_space<vmem>>, vector<16xf32>,
    tpu.vector_store %arg16[%swap3A_98, %swap3A_99], %broadcast_in_dim3A_1 {strides = array<i32>} : memref<32x128xf32, #tpu.memory_space<vmem>>, vector<16xf32>,
    %swap3A_101 = arith.constant 3 : i32
    %swap3A_102 = arith.index_cast %swap3A_101 : i32 to index
    %swap3A_103 = arith.constant 16 : index
    %swap3A_104 = tpu.vector_load %arg16[%swap3A_102, %swap3A_103] {strides = array<i32>} : memref<32x128xf32, #tpu.memory_space<vmem>>, vector<16xf32>,
    tpu.vector_store %arg16[%swap3A_102, %swap3A_103], %broadcast_in_dim3A_1 {strides = array<i32>} : memref<32x128xf32, #tpu.memory_space<vmem>>, vector<16xf32>,
    %swap3A_105 = arith.constant 3 : i32
    %swap3A_106 = arith.index_cast %swap3A_105 : i32 to index
    %swap3A_107 = arith.constant 32 : index
    %swap3A_108 = tpu.vector_load %arg16[%swap3A_106, %swap3A_107] {strides = array<i32>} : memref<32x128xf32, #tpu.memory_space<vmem>>, vector<16xf32>,
    tpu.vector_store %arg16[%swap3A_106, %swap3A_107], %broadcast_in_dim3A_1 {strides = array<i32>} : memref<32x128xf32, #tpu.memory_space<vmem>>, vector<16xf32>,
    %swap3A_109 = arith.constant 3 : i32
    %swap3A_110 = arith.index_cast %swap3A_109 : i32 to index
    %swap3A_111 = arith.constant 48 : index
    %swap3A_112 = tpu.vector_load %arg16[%swap3A_110, %swap3A_111] {strides = array<i32>} : memref<32x128xf32, #tpu.memory_space<vmem>>, vector<16xf32>,
    tpu.vector_store %arg16[%swap3A_110, %swap3A_111], %broadcast_in_dim3A_1 {strides = array<i32>} : memref<32x128xf32, #tpu.memory_space<vmem>>, vector<16xf32>,
    %swap3A_113 = arith.constant 3 : i32
    %swap3A_114 = arith.index_cast %swap3A_113 : i32 to index
    %swap3A_115 = arith.constant 64 : index
    %swap3A_116 = tpu.vector_load %arg16[%swap3A_114, %swap3A_115] {strides = array<i32>} : memref<32x128xf32, #tpu.memory_space<vmem>>, vector<16xf32>,
    tpu.vector_store %arg16[%swap3A_114, %swap3A_115], %broadcast_in_dim3A_1 {strides = array<i32>} : memref<32x128xf32, #tpu.memory_space<vmem>>, vector<16xf32>,
    %swap3A_117 = arith.constant 3 : i32
    %swap3A_118 = arith.index_cast %swap3A_117 : i32 to index
    %swap3A_119 = arith.constant 80 : index
    %swap3A_120 = tpu.vector_load %arg16[%swap3A_118, %swap3A_119] {strides = array<i32>} : memref<32x128xf32, #tpu.memory_space<vmem>>, vector<16xf32>,
    tpu.vector_store %arg16[%swap3A_118, %swap3A_119], %broadcast_in_dim3A_1 {strides = array<i32>} : memref<32x128xf32, #tpu.memory_space<vmem>>, vector<16xf32>,
    %swap3A_121 = arith.constant 3 : i32
    %swap3A_122 = arith.index_cast %swap3A_121 : i32 to index
    %swap3A_123 = arith.constant 96 : index
    %swap3A_124 = tpu.vector_load %arg16[%swap3A_122, %swap3A_123] {strides = array<i32>} : memref<32x128xf32, #tpu.memory_space<vmem>>, vector<16xf32>,
    tpu.vector_store %arg16[%swap3A_122, %swap3A_123], %broadcast_in_dim3A_1 {strides = array<i32>} : memref<32x128xf32, #tpu.memory_space<vmem>>, vector<16xf32>,
    %swap3A_125 = arith.constant 3 : i32
    %swap3A_126 = arith.index_cast %swap3A_125 : i32 to index
    %swap3A_127 = arith.constant 112 : index
    %swap3A_128 = tpu.vector_load %arg16[%swap3A_126, %swap3A_127] {strides = array<i32>} : memref<32x128xf32, #tpu.memory_space<vmem>>, vector<16xf32>,
    tpu.vector_store %arg16[%swap3A_126, %swap3A_127], %broadcast_in_dim3A_1 {strides = array<i32>} : memref<32x128xf32, #tpu.memory_space<vmem>>, vector<16xf32>,
    %swap3A_129 = arith.constant 4 : i32
    %swap3A_130 = arith.index_cast %swap3A_129 : i32 to index
    %swap3A_131 = arith.constant 0 : index
    %swap3A_132 = tpu.vector_load %arg16[%swap3A_130, %swap3A_131] {strides = array<i32>} : memref<32x128xf32, #tpu.memory_space<vmem>>, vector<16xf32>,
    tpu.vector_store %arg16[%swap3A_130, %swap3A_131], %broadcast_in_dim3A_1 {strides = array<i32>} : memref<32x128xf32, #tpu.memory_space<vmem>>, vector<16xf32>,
    %swap3A_133 = arith.constant 4 : i32
    %swap3A_134 = arith.index_cast %swap3A_133 : i32 to index
    %swap3A_135 = arith.constant 16 : index
    %swap3A_136 = tpu.vector_load %arg16[%swap3A_134, %swap3A_135] {strides = array<i32>} : memref<32x128xf32, #tpu.memory_space<vmem>>, vector<16xf32>,
    tpu.vector_store %arg16[%swap3A_134, %swap3A_135], %broadcast_in_dim3A_1 {strides = array<i32>} : memref<32x128xf32, #tpu.memory_space<vmem>>, vector<16xf32>,
    %swap3A_137 = arith.constant 4 : i32
    %swap3A_138 = arith.index_cast %swap3A_137 : i32 to index
    %swap3A_139 = arith.constant 32 : index
    %swap3A_140 = tpu.vector_load %arg16[%swap3A_138, %swap3A_139] {strides = array<i32>} : memref<32x128xf32, #tpu.memory_space<vmem>>, vector<16xf32>,
    tpu.vector_store %arg16[%swap3A_138, %swap3A_139], %broadcast_in_dim3A_1 {strides = array<i32>} : memref<32x128xf32, #tpu.memory_space<vmem>>, vector<16xf32>,
    %swap3A_141 = arith.constant 4 : i32
    %swap3A_142 = arith.index_cast %swap3A_141 : i32 to index
    %swap3A_143 = arith.constant 48 : index
    %swap3A_144 = tpu.vector_load %arg16[%swap3A_142, %swap3A_143] {strides = array<i32>} : memref<32x128xf32, #tpu.memory_space<vmem>>, vector<16xf32>,
    tpu.vector_store %arg16[%swap3A_142, %swap3A_143], %broadcast_in_dim3A_1 {strides = array<i32>} : memref<32x128xf32, #tpu.memory_space<vmem>>, vector<16xf32>,
    %swap3A_145 = arith.constant 4 : i32
    %swap3A_146 = arith.index_cast %swap3A_145 : i32 to index
    %swap3A_147 = arith.constant 64 : index
    %swap3A_148 = tpu.vector_load %arg16[%swap3A_146, %swap3A_147] {strides = array<i32>} : memref<32x128xf32, #tpu.memory_space<vmem>>, vector<16xf32>,
    tpu.vector_store %arg16[%swap3A_146, %swap3A_147], %broadcast_in_dim3A_1 {strides = array<i32>} : memref<32x128xf32, #tpu.memory_space<vmem>>, vector<16xf32>,
    %swap3A_149 = arith.constant 4 : i32
    %swap3A_150 = arith.index_cast %swap3A_149 : i32 to index
    %swap3A_151 = arith.constant 80 : index
    %swap3A_152 = tpu.vector_load %arg16[%swap3A_150, %swap3A_151] {strides = array<i32>} : memref<32x128xf32, #tpu.memory_space<vmem>>, vector<16xf32>,
    tpu.vector_store %arg16[%swap3A_150, %swap3A_151], %broadcast_in_dim3A_1 {strides = array<i32>} : memref<32x128xf32, #tpu.memory_space<vmem>>, vector<16xf32>,
    %swap3A_153 = arith.constant 4 : i32
    %swap3A_154 = arith.index_cast %swap3A_153 : i32 to index
    %swap3A_155 = arith.constant 96 : index
    %swap3A_156 = tpu.vector_load %arg16[%swap3A_154, %swap3A_155] {strides = array<i32>} : memref<32x128xf32, #tpu.memory_space<vmem>>, vector<16xf32>,
    tpu.vector_store %arg16[%swap3A_154, %swap3A_155], %broadcast_in_dim3A_1 {strides = array<i32>} : memref<32x128xf32, #tpu.memory_space<vmem>>, vector<16xf32>,
    %swap3A_157 = arith.constant 4 : i32
    %swap3A_158 = arith.index_cast %swap3A_157 : i32 to index
    %swap3A_159 = arith.constant 112 : index
    %swap3A_160 = tpu.vector_load %arg16[%swap3A_158, %swap3A_159] {strides = array<i32>} : memref<32x128xf32, #tpu.memory_space<vmem>>, vector<16xf32>,
    tpu.vector_store %arg16[%swap3A_158, %swap3A_159], %broadcast_in_dim3A_1 {strides = array<i32>} : memref<32x128xf32, #tpu.memory_space<vmem>>, vector<16xf32>,
    %swap3A_161 = arith.constant 5 : i32
    %swap3A_162 = arith.index_cast %swap3A_161 : i32 to index
    %swap3A_163 = arith.constant 0 : index
    %swap3A_164 = tpu.vector_load %arg16[%swap3A_162, %swap3A_163] {strides = array<i32>} : memref<32x128xf32, #tpu.memory_space<vmem>>, vector<16xf32>,
    tpu.vector_store %arg16[%swap3A_162, %swap3A_163], %broadcast_in_dim3A_1 {strides = array<i32>} : memref<32x128xf32, #tpu.memory_space<vmem>>, vector<16xf32>,
    %swap3A_165 = arith.constant 5 : i32
    %swap3A_166 = arith.index_cast %swap3A_165 : i32 to index
    %swap3A_167 = arith.constant 16 : index
    %swap3A_168 = tpu.vector_load %arg16[%swap3A_166, %swap3A_167] {strides = array<i32>} : memref<32x128xf32, #tpu.memory_space<vmem>>, vector<16xf32>,
    tpu.vector_store %arg16[%swap3A_166, %swap3A_167], %broadcast_in_dim3A_1 {strides = array<i32>} : memref<32x128xf32, #tpu.memory_space<vmem>>, vector<16xf32>,
    %swap3A_169 = arith.constant 5 : i32
    %swap3A_170 = arith.index_cast %swap3A_169 : i32 to index
    %swap3A_171 = arith.constant 32 : index
    %swap3A_172 = tpu.vector_load %arg16[%swap3A_170, %swap3A_171] {strides = array<i32>} : memref<32x128xf32, #tpu.memory_space<vmem>>, vector<16xf32>,
    tpu.vector_store %arg16[%swap3A_170, %swap3A_171], %broadcast_in_dim3A_1 {strides = array<i32>} : memref<32x128xf32, #tpu.memory_space<vmem>>, vector<16xf32>,
    %swap3A_173 = arith.constant 5 : i32
    %swap3A_174 = arith.index_cast %swap3A_173 : i32 to index
    %swap3A_175 = arith.constant 48 : index
    %swap3A_176 = tpu.vector_load %arg16[%swap3A_174, %swap3A_175] {strides = array<i32>} : memref<32x128xf32, #tpu.memory_space<vmem>>, vector<16xf32>,
    tpu.vector_store %arg16[%swap3A_174, %swap3A_175], %broadcast_in_dim3A_1 {strides = array<i32>} : memref<32x128xf32, #tpu.memory_space<vmem>>, vector<16xf32>,
    %swap3A_177 = arith.constant 5 : i32
    %swap3A_178 = arith.index_cast %swap3A_177 : i32 to index
    %swap3A_179 = arith.constant 64 : index
    %swap3A_180 = tpu.vector_load %arg16[%swap3A_178, %swap3A_179] {strides = array<i32>} : memref<32x128xf32, #tpu.memory_space<vmem>>, vector<16xf32>,
    tpu.vector_store %arg16[%swap3A_178, %swap3A_179], %broadcast_in_dim3A_1 {strides = array<i32>} : memref<32x128xf32, #tpu.memory_space<vmem>>, vector<16xf32>,
    %swap3A_181 = arith.constant 5 : i32
    %swap3A_182 = arith.index_cast %swap3A_181 : i32 to index
    %swap3A_183 = arith.constant 80 : index
    %swap3A_184 = tpu.vector_load %arg16[%swap3A_182, %swap3A_183] {strides = array<i32>} : memref<32x128xf32, #tpu.memory_space<vmem>>, vector<16xf32>,
    tpu.vector_store %arg16[%swap3A_182, %swap3A_183], %broadcast_in_dim3A_1 {strides = array<i32>} : memref<32x128xf32, #tpu.memory_space<vmem>>, vector<16xf32>,
    %swap3A_185 = arith.constant 5 : i32
    %swap3A_186 = arith.index_cast %swap3A_185 : i32 to index
    %swap3A_187 = arith.constant 96 : index
    %swap3A_188 = tpu.vector_load %arg16[%swap3A_186, %swap3A_187] {strides = array<i32>} : memref<32x128xf32, #tpu.memory_space<vmem>>, vector<16xf32>,
    tpu.vector_store %arg16[%swap3A_186, %swap3A_187], %broadcast_in_dim3A_1 {strides = array<i32>} : memref<32x128xf32, #tpu.memory_space<vmem>>, vector<16xf32>,
    %swap3A_189 = arith.constant 5 : i32
    %swap3A_190 = arith.index_cast %swap3A_189 : i32 to index
    %swap3A_191 = arith.constant 112 : index
    %swap3A_192 = tpu.vector_load %arg16[%swap3A_190, %swap3A_191] {strides = array<i32>} : memref<32x128xf32, #tpu.memory_space<vmem>>, vector<16xf32>,
    tpu.vector_store %arg16[%swap3A_190, %swap3A_191], %broadcast_in_dim3A_1 {strides = array<i32>} : memref<32x128xf32, #tpu.memory_space<vmem>>, vector<16xf32>,
    %swap3A_193 = arith.constant 6 : i32
    %swap3A_194 = arith.index_cast %swap3A_193 : i32 to index
    %swap3A_195 = arith.constant 0 : index
    %swap3A_196 = tpu.vector_load %arg16[%swap3A_194, %swap3A_195] {strides = array<i32>} : memref<32x128xf32, #tpu.memory_space<vmem>>, vector<16xf32>,
    tpu.vector_store %arg16[%swap3A_194, %swap3A_195], %broadcast_in_dim3A_1 {strides = array<i32>} : memref<32x128xf32, #tpu.memory_space<vmem>>, vector<16xf32>,
    %swap3A_197 = arith.constant 6 : i32
    %swap3A_198 = arith.index_cast %swap3A_197 : i32 to index
    %swap3A_199 = arith.constant 16 : index
    %swap3A_200 = tpu.vector_load %arg16[%swap3A_198, %swap3A_199] {strides = array<i32>} : memref<32x128xf32, #tpu.memory_space<vmem>>, vector<16xf32>,
    tpu.vector_store %arg16[%swap3A_198, %swap3A_199], %broadcast_in_dim3A_1 {strides = array<i32>} : memref<32x128xf32, #tpu.memory_space<vmem>>, vector<16xf32>,
    %swap3A_201 = arith.constant 6 : i32
    %swap3A_202 = arith.index_cast %swap3A_201 : i32 to index
    %swap3A_203 = arith.constant 32 : index
    %swap3A_204 = tpu.vector_load %arg16[%swap3A_202, %swap3A_203] {strides = array<i32>} : memref<32x128xf32, #tpu.memory_space<vmem>>, vector<16xf32>,
    tpu.vector_store %arg16[%swap3A_202, %swap3A_203], %broadcast_in_dim3A_1 {strides = array<i32>} : memref<32x128xf32, #tpu.memory_space<vmem>>, vector<16xf32>,
    %swap3A_205 = arith.constant 6 : i32
    %swap3A_206 = arith.index_cast %swap3A_205 : i32 to index
    %swap3A_207 = arith.constant 48 : index
    %swap3A_208 = tpu.vector_load %arg16[%swap3A_206, %swap3A_207] {strides = array<i32>} : memref<32x128xf32, #tpu.memory_space<vmem>>, vector<16xf32>,
    tpu.vector_store %arg16[%swap3A_206, %swap3A_207], %broadcast_in_dim3A_1 {strides = array<i32>} : memref<32x128xf32, #tpu.memory_space<vmem>>, vector<16xf32>,
    %swap3A_209 = arith.constant 6 : i32
    %swap3A_210 = arith.index_cast %swap3A_209 : i32 to index
    %swap3A_211 = arith.constant 64 : index
    %swap3A_212 = tpu.vector_load %arg16[%swap3A_210, %swap3A_211] {strides = array<i32>} : memref<32x128xf32, #tpu.memory_space<vmem>>, vector<16xf32>,
    tpu.vector_store %arg16[%swap3A_210, %swap3A_211], %broadcast_in_dim3A_1 {strides = array<i32>} : memref<32x128xf32, #tpu.memory_space<vmem>>, vector<16xf32>,
    %swap3A_213 = arith.constant 6 : i32
    %swap3A_214 = arith.index_cast %swap3A_213 : i32 to index
    %swap3A_215 = arith.constant 80 : index
    %swap3A_216 = tpu.vector_load %arg16[%swap3A_214, %swap3A_215] {strides = array<i32>} : memref<32x128xf32, #tpu.memory_space<vmem>>, vector<16xf32>,
    tpu.vector_store %arg16[%swap3A_214, %swap3A_215], %broadcast_in_dim3A_1 {strides = array<i32>} : memref<32x128xf32, #tpu.memory_space<vmem>>, vector<16xf32>,
    %swap3A_217 = arith.constant 6 : i32
    %swap3A_218 = arith.index_cast %swap3A_217 : i32 to index
    %swap3A_219 = arith.constant 96 : index
    %swap3A_220 = tpu.vector_load %arg16[%swap3A_218, %swap3A_219] {strides = array<i32>} : memref<32x128xf32, #tpu.memory_space<vmem>>, vector<16xf32>,
    tpu.vector_store %arg16[%swap3A_218, %swap3A_219], %broadcast_in_dim3A_1 {strides = array<i32>} : memref<32x128xf32, #tpu.memory_space<vmem>>, vector<16xf32>,
    %swap3A_221 = arith.constant 6 : i32
    %swap3A_222 = arith.index_cast %swap3A_221 : i32 to index
    %swap3A_223 = arith.constant 112 : index
    %swap3A_224 = tpu.vector_load %arg16[%swap3A_222, %swap3A_223] {strides = array<i32>} : memref<32x128xf32, #tpu.memory_space<vmem>>, vector<16xf32>,
    tpu.vector_store %arg16[%swap3A_222, %swap3A_223], %broadcast_in_dim3A_1 {strides = array<i32>} : memref<32x128xf32, #tpu.memory_space<vmem>>, vector<16xf32>,
    %swap3A_225 = arith.constant 7 : i32
    %swap3A_226 = arith.index_cast %swap3A_225 : i32 to index
    %swap3A_227 = arith.constant 0 : index
    %swap3A_228 = tpu.vector_load %arg16[%swap3A_226, %swap3A_227] {strides = array<i32>} : memref<32x128xf32, #tpu.memory_space<vmem>>, vector<16xf32>,
    tpu.vector_store %arg16[%swap3A_226, %swap3A_227], %broadcast_in_dim3A_1 {strides = array<i32>} : memref<32x128xf32, #tpu.memory_space<vmem>>, vector<16xf32>,
    %swap3A_229 = arith.constant 7 : i32
    %swap3A_230 = arith.index_cast %swap3A_229 : i32 to index
    %swap3A_231 = arith.constant 16 : index
    %swap3A_232 = tpu.vector_load %arg16[%swap3A_230, %swap3A_231] {strides = array<i32>} : memref<32x128xf32, #tpu.memory_space<vmem>>, vector<16xf32>,
    tpu.vector_store %arg16[%swap3A_230, %swap3A_231], %broadcast_in_dim3A_1 {strides = array<i32>} : memref<32x128xf32, #tpu.memory_space<vmem>>, vector<16xf32>,
    %swap3A_233 = arith.constant 7 : i32
    %swap3A_234 = arith.index_cast %swap3A_233 : i32 to index
    %swap3A_235 = arith.constant 32 : index
    %swap3A_236 = tpu.vector_load %arg16[%swap3A_234, %swap3A_235] {strides = array<i32>} : memref<32x128xf32, #tpu.memory_space<vmem>>, vector<16xf32>,
    tpu.vector_store %arg16[%swap3A_234, %swap3A_235], %broadcast_in_dim3A_1 {strides = array<i32>} : memref<32x128xf32, #tpu.memory_space<vmem>>, vector<16xf32>,
    %swap3A_237 = arith.constant 7 : i32
    %swap3A_238 = arith.index_cast %swap3A_237 : i32 to index
    %swap3A_239 = arith.constant 48 : index
    %swap3A_240 = tpu.vector_load %arg16[%swap3A_238, %swap3A_239] {strides = array<i32>} : memref<32x128xf32, #tpu.memory_space<vmem>>, vector<16xf32>,
    tpu.vector_store %arg16[%swap3A_238, %swap3A_239], %broadcast_in_dim3A_1 {strides = array<i32>} : memref<32x128xf32, #tpu.memory_space<vmem>>, vector<16xf32>,
    %swap3A_241 = arith.constant 7 : i32
    %swap3A_242 = arith.index_cast %swap3A_241 : i32 to index
    %swap3A_243 = arith.constant 64 : index
    %swap3A_244 = tpu.vector_load %arg16[%swap3A_242, %swap3A_243] {strides = array<i32>} : memref<32x128xf32, #tpu.memory_space<vmem>>, vector<16xf32>,
    tpu.vector_store %arg16[%swap3A_242, %swap3A_243], %broadcast_in_dim3A_1 {strides = array<i32>} : memref<32x128xf32, #tpu.memory_space<vmem>>, vector<16xf32>,
    %swap3A_245 = arith.constant 7 : i32
    %swap3A_246 = arith.index_cast %swap3A_245 : i32 to index
    %swap3A_247 = arith.constant 80 : index
    %swap3A_248 = tpu.vector_load %arg16[%swap3A_246, %swap3A_247] {strides = array<i32>} : memref<32x128xf32, #tpu.memory_space<vmem>>, vector<16xf32>,
    tpu.vector_store %arg16[%swap3A_246, %swap3A_247], %broadcast_in_dim3A_1 {strides = array<i32>} : memref<32x128xf32, #tpu.memory_space<vmem>>, vector<16xf32>,
    %swap3A_249 = arith.constant 7 : i32
    %swap3A_250 = arith.index_cast %swap3A_249 : i32 to index
    %swap3A_251 = arith.constant 96 : index
    %swap3A_252 = tpu.vector_load %arg16[%swap3A_250, %swap3A_251] {strides = array<i32>} : memref<32x128xf32, #tpu.memory_space<vmem>>, vector<16xf32>,
    tpu.vector_store %arg16[%swap3A_250, %swap3A_251], %broadcast_in_dim3A_1 {strides = array<i32>} : memref<32x128xf32, #tpu.memory_space<vmem>>, vector<16xf32>,
    %swap3A_253 = arith.constant 7 : i32
    %swap3A_254 = arith.index_cast %swap3A_253 : i32 to index
    %swap3A_255 = arith.constant 112 : index
    %swap3A_256 = tpu.vector_load %arg16[%swap3A_254, %swap3A_255] {strides = array<i32>} : memref<32x128xf32, #tpu.memory_space<vmem>>, vector<16xf32>,
    tpu.vector_store %arg16[%swap3A_254, %swap3A_255], %broadcast_in_dim3A_1 {strides = array<i32>} : memref<32x128xf32, #tpu.memory_space<vmem>>, vector<16xf32>,
    %swap3A_257 = arith.constant 8 : i32
    %swap3A_258 = arith.index_cast %swap3A_257 : i32 to index
    %swap3A_259 = arith.constant 0 : index
    %swap3A_260 = tpu.vector_load %arg16[%swap3A_258, %swap3A_259] {strides = array<i32>} : memref<32x128xf32, #tpu.memory_space<vmem>>, vector<16xf32>,
    tpu.vector_store %arg16[%swap3A_258, %swap3A_259], %broadcast_in_dim3A_1 {strides = array<i32>} : memref<32x128xf32, #tpu.memory_space<vmem>>, vector<16xf32>,
    %swap3A_261 = arith.constant 8 : i32
    %swap3A_262 = arith.index_cast %swap3A_261 : i32 to index
    %swap3A_263 = arith.constant 16 : index
    %swap3A_264 = tpu.vector_load %arg16[%swap3A_262, %swap3A_263] {strides = array<i32>} : memref<32x128xf32, #tpu.memory_space<vmem>>, vector<16xf32>,
    tpu.vector_store %arg16[%swap3A_262, %swap3A_263], %broadcast_in_dim3A_1 {strides = array<i32>} : memref<32x128xf32, #tpu.memory_space<vmem>>, vector<16xf32>,
    %swap3A_265 = arith.constant 8 : i32
    %swap3A_266 = arith.index_cast %swap3A_265 : i32 to index
    %swap3A_267 = arith.constant 32 : index
    %swap3A_268 = tpu.vector_load %arg16[%swap3A_266, %swap3A_267] {strides = array<i32>} : memref<32x128xf32, #tpu.memory_space<vmem>>, vector<16xf32>,
    tpu.vector_store %arg16[%swap3A_266, %swap3A_267], %broadcast_in_dim3A_1 {strides = array<i32>} : memref<32x128xf32, #tpu.memory_space<vmem>>, vector<16xf32>,
    %swap3A_269 = arith.constant 8 : i32
    %swap3A_270 = arith.index_cast %swap3A_269 : i32 to index
    %swap3A_271 = arith.constant 48 : index
    %swap3A_272 = tpu.vector_load %arg16[%swap3A_270, %swap3A_271] {strides = array<i32>} : memref<32x128xf32, #tpu.memory_space<vmem>>, vector<16xf32>,
    tpu.vector_store %arg16[%swap3A_270, %swap3A_271], %broadcast_in_dim3A_1 {strides = array<i32>} : memref<32x128xf32, #tpu.memory_space<vmem>>, vector<16xf32>,
    %swap3A_273 = arith.constant 8 : i32
    %swap3A_274 = arith.index_cast %swap3A_273 : i32 to index
    %swap3A_275 = arith.constant 64 : index
    %swap3A_276 = tpu.vector_load %arg16[%swap3A_274, %swap3A_275] {strides = array<i32>} : memref<32x128xf32, #tpu.memory_space<vmem>>, vector<16xf32>,
    tpu.vector_store %arg16[%swap3A_274, %swap3A_275], %broadcast_in_dim3A_1 {strides = array<i32>} : memref<32x128xf32, #tpu.memory_space<vmem>>, vector<16xf32>,
    %swap3A_277 = arith.constant 8 : i32
    %swap3A_278 = arith.index_cast %swap3A_277 : i32 to index
    %swap3A_279 = arith.constant 80 : index
    %swap3A_280 = tpu.vector_load %arg16[%swap3A_278, %swap3A_279] {strides = array<i32>} : memref<32x128xf32, #tpu.memory_space<vmem>>, vector<16xf32>,
    tpu.vector_store %arg16[%swap3A_278, %swap3A_279], %broadcast_in_dim3A_1 {strides = array<i32>} : memref<32x128xf32, #tpu.memory_space<vmem>>, vector<16xf32>,
    %swap3A_281 = arith.constant 8 : i32
    %swap3A_282 = arith.index_cast %swap3A_281 : i32 to index
    %swap3A_283 = arith.constant 96 : index
    %swap3A_284 = tpu.vector_load %arg16[%swap3A_282, %swap3A_283] {strides = array<i32>} : memref<32x128xf32, #tpu.memory_space<vmem>>, vector<16xf32>,
    tpu.vector_store %arg16[%swap3A_282, %swap3A_283], %broadcast_in_dim3A_1 {strides = array<i32>} : memref<32x128xf32, #tpu.memory_space<vmem>>, vector<16xf32>,
    %swap3A_285 = arith.constant 8 : i32
    %swap3A_286 = arith.index_cast %swap3A_285 : i32 to index
    %swap3A_287 = arith.constant 112 : index
    %swap3A_288 = tpu.vector_load %arg16[%swap3A_286, %swap3A_287] {strides = array<i32>} : memref<32x128xf32, #tpu.memory_space<vmem>>, vector<16xf32>,
    tpu.vector_store %arg16[%swap3A_286, %swap3A_287], %broadcast_in_dim3A_1 {strides = array<i32>} : memref<32x128xf32, #tpu.memory_space<vmem>>, vector<16xf32>,
    %swap3A_289 = arith.constant 9 : i32
    %swap3A_290 = arith.index_cast %swap3A_289 : i32 to index
    %swap3A_291 = arith.constant 0 : index
    %swap3A_292 = tpu.vector_load %arg16[%swap3A_290, %swap3A_291] {strides = array<i32>} : memref<32x128xf32, #tpu.memory_space<vmem>>, vector<16xf32>,
    tpu.vector_store %arg16[%swap3A_290, %swap3A_291], %broadcast_in_dim3A_1 {strides = array<i32>} : memref<32x128xf32, #tpu.memory_space<vmem>>, vector<16xf32>,
    %swap3A_293 = arith.constant 9 : i32
    %swap3A_294 = arith.index_cast %swap3A_293 : i32 to index
    %swap3A_295 = arith.constant 16 : index
    %swap3A_296 = tpu.vector_load %arg16[%swap3A_294, %swap3A_295] {strides = array<i32>} : memref<32x128xf32, #tpu.memory_space<vmem>>, vector<16xf32>,
    tpu.vector_store %arg16[%swap3A_294, %swap3A_295], %broadcast_in_dim3A_1 {strides = array<i32>} : memref<32x128xf32, #tpu.memory_space<vmem>>, vector<16xf32>,
    %swap3A_297 = arith.constant 9 : i32
    %swap3A_298 = arith.index_cast %swap3A_297 : i32 to index
    %swap3A_299 = arith.constant 32 : index
    %swap3A_300 = tpu.vector_load %arg16[%swap3A_298, %swap3A_299] {strides = array<i32>} : memref<32x128xf32, #tpu.memory_space<vmem>>, vector<16xf32>,
    tpu.vector_store %arg16[%swap3A_298, %swap3A_299], %broadcast_in_dim3A_1 {strides = array<i32>} : memref<32x128xf32, #tpu.memory_space<vmem>>, vector<16xf32>,
    %swap3A_301 = arith.constant 9 : i32
    %swap3A_302 = arith.index_cast %swap3A_301 : i32 to index
    %swap3A_303 = arith.constant 48 : index
    %swap3A_304 = tpu.vector_load %arg16[%swap3A_302, %swap3A_303] {strides = array<i32>} : memref<32x128xf32, #tpu.memory_space<vmem>>, vector<16xf32>,
    tpu.vector_store %arg16[%swap3A_302, %swap3A_303], %broadcast_in_dim3A_1 {strides = array<i32>} : memref<32x128xf32, #tpu.memory_space<vmem>>, vector<16xf32>,
    %swap3A_305 = arith.constant 9 : i32
    %swap3A_306 = arith.index_cast %swap3A_305 : i32 to index
    %swap3A_307 = arith.constant 64 : index
    %swap3A_308 = tpu.vector_load %arg16[%swap3A_306, %swap3A_307] {strides = array<i32>} : memref<32x128xf32, #tpu.memory_space<vmem>>, vector<16xf32>,
    tpu.vector_store %arg16[%swap3A_306, %swap3A_307], %broadcast_in_dim3A_1 {strides = array<i32>} : memref<32x128xf32, #tpu.memory_space<vmem>>, vector<16xf32>,
    %swap3A_309 = arith.constant 9 : i32
    %swap3A_310 = arith.index_cast %swap3A_309 : i32 to index
    %swap3A_311 = arith.constant 80 : index
    %swap3A_312 = tpu.vector_load %arg16[%swap3A_310, %swap3A_311] {strides = array<i32>} : memref<32x128xf32, #tpu.memory_space<vmem>>, vector<16xf32>,
    tpu.vector_store %arg16[%swap3A_310, %swap3A_311], %broadcast_in_dim3A_1 {strides = array<i32>} : memref<32x128xf32, #tpu.memory_space<vmem>>, vector<16xf32>,
    %swap3A_313 = arith.constant 9 : i32
    %swap3A_314 = arith.index_cast %swap3A_313 : i32 to index
    %swap3A_315 = arith.constant 96 : index
    %swap3A_316 = tpu.vector_load %arg16[%swap3A_314, %swap3A_315] {strides = array<i32>} : memref<32x128xf32, #tpu.memory_space<vmem>>, vector<16xf32>,
    tpu.vector_store %arg16[%swap3A_314, %swap3A_315], %broadcast_in_dim3A_1 {strides = array<i32>} : memref<32x128xf32, #tpu.memory_space<vmem>>, vector<16xf32>,
    %swap3A_317 = arith.constant 9 : i32
    %swap3A_318 = arith.index_cast %swap3A_317 : i32 to index
    %swap3A_319 = arith.constant 112 : index
    %swap3A_320 = tpu.vector_load %arg16[%swap3A_318, %swap3A_319] {strides = array<i32>} : memref<32x128xf32, #tpu.memory_space<vmem>>, vector<16xf32>,
    tpu.vector_store %arg16[%swap3A_318, %swap3A_319], %broadcast_in_dim3A_1 {strides = array<i32>} : memref<32x128xf32, #tpu.memory_space<vmem>>, vector<16xf32>,
    %swap3A_321 = arith.constant 10 : i32
    %swap3A_322 = arith.index_cast %swap3A_321 : i32 to index
    %swap3A_323 = arith.constant 0 : index
    %swap3A_324 = tpu.vector_load %arg16[%swap3A_322, %swap3A_323] {strides = array<i32>} : memref<32x128xf32, #tpu.memory_space<vmem>>, vector<16xf32>,
    tpu.vector_store %arg16[%swap3A_322, %swap3A_323], %broadcast_in_dim3A_1 {strides = array<i32>} : memref<32x128xf32, #tpu.memory_space<vmem>>, vector<16xf32>,
    %swap3A_325 = arith.constant 10 : i32
    %swap3A_326 = arith.index_cast %swap3A_325 : i32 to index
    %swap3A_327 = arith.constant 16 : index
    %swap3A_328 = tpu.vector_load %arg16[%swap3A_326, %swap3A_327] {strides = array<i32>} : memref<32x128xf32, #tpu.memory_space<vmem>>, vector<16xf32>,
    tpu.vector_store %arg16[%swap3A_326, %swap3A_327], %broadcast_in_dim3A_1 {strides = array<i32>} : memref<32x128xf32, #tpu.memory_space<vmem>>, vector<16xf32>,
    %swap3A_329 = arith.constant 10 : i32
    %swap3A_330 = arith.index_cast %swap3A_329 : i32 to index
    %swap3A_331 = arith.constant 32 : index
    %swap3A_332 = tpu.vector_load %arg16[%swap3A_330, %swap3A_331] {strides = array<i32>} : memref<32x128xf32, #tpu.memory_space<vmem>>, vector<16xf32>,
    tpu.vector_store %arg16[%swap3A_330, %swap3A_331], %broadcast_in_dim3A_1 {strides = array<i32>} : memref<32x128xf32, #tpu.memory_space<vmem>>, vector<16xf32>,
    %swap3A_333 = arith.constant 10 : i32
    %swap3A_334 = arith.index_cast %swap3A_333 : i32 to index
    %swap3A_335 = arith.constant 48 : index
    %swap3A_336 = tpu.vector_load %arg16[%swap3A_334, %swap3A_335] {strides = array<i32>} : memref<32x128xf32, #tpu.memory_space<vmem>>, vector<16xf32>,
    tpu.vector_store %arg16[%swap3A_334, %swap3A_335], %broadcast_in_dim3A_1 {strides = array<i32>} : memref<32x128xf32, #tpu.memory_space<vmem>>, vector<16xf32>,
    %swap3A_337 = arith.constant 10 : i32
    %swap3A_338 = arith.index_cast %swap3A_337 : i32 to index
    %swap3A_339 = arith.constant 64 : index
    %swap3A_340 = tpu.vector_load %arg16[%swap3A_338, %swap3A_339] {strides = array<i32>} : memref<32x128xf32, #tpu.memory_space<vmem>>, vector<16xf32>,
    tpu.vector_store %arg16[%swap3A_338, %swap3A_339], %broadcast_in_dim3A_1 {strides = array<i32>} : memref<32x128xf32, #tpu.memory_space<vmem>>, vector<16xf32>,
    %swap3A_341 = arith.constant 10 : i32
    %swap3A_342 = arith.index_cast %swap3A_341 : i32 to index
    %swap3A_343 = arith.constant 80 : index
    %swap3A_344 = tpu.vector_load %arg16[%swap3A_342, %swap3A_343] {strides = array<i32>} : memref<32x128xf32, #tpu.memory_space<vmem>>, vector<16xf32>,
    tpu.vector_store %arg16[%swap3A_342, %swap3A_343], %broadcast_in_dim3A_1 {strides = array<i32>} : memref<32x128xf32, #tpu.memory_space<vmem>>, vector<16xf32>,
    %swap3A_345 = arith.constant 10 : i32
    %swap3A_346 = arith.index_cast %swap3A_345 : i32 to index
    %swap3A_347 = arith.constant 96 : index
    %swap3A_348 = tpu.vector_load %arg16[%swap3A_346, %swap3A_347] {strides = array<i32>} : memref<32x128xf32, #tpu.memory_space<vmem>>, vector<16xf32>,
    tpu.vector_store %arg16[%swap3A_346, %swap3A_347], %broadcast_in_dim3A_1 {strides = array<i32>} : memref<32x128xf32, #tpu.memory_space<vmem>>, vector<16xf32>,
    %swap3A_349 = arith.constant 10 : i32
    %swap3A_350 = arith.index_cast %swap3A_349 : i32 to index
    %swap3A_351 = arith.constant 112 : index
    %swap3A_352 = tpu.vector_load %arg16[%swap3A_350, %swap3A_351] {strides = array<i32>} : memref<32x128xf32, #tpu.memory_space<vmem>>, vector<16xf32>,
    tpu.vector_store %arg16[%swap3A_350, %swap3A_351], %broadcast_in_dim3A_1 {strides = array<i32>} : memref<32x128xf32, #tpu.memory_space<vmem>>, vector<16xf32>,
    %swap3A_353 = arith.constant 11 : i32
    %swap3A_354 = arith.index_cast %swap3A_353 : i32 to index
    %swap3A_355 = arith.constant 0 : index
    %swap3A_356 = tpu.vector_load %arg16[%swap3A_354, %swap3A_355] {strides = array<i32>} : memref<32x128xf32, #tpu.memory_space<vmem>>, vector<16xf32>,
    tpu.vector_store %arg16[%swap3A_354, %swap3A_355], %broadcast_in_dim3A_1 {strides = array<i32>} : memref<32x128xf32, #tpu.memory_space<vmem>>, vector<16xf32>,
    %swap3A_357 = arith.constant 11 : i32
    %swap3A_358 = arith.index_cast %swap3A_357 : i32 to index
    %swap3A_359 = arith.constant 16 : index
    %swap3A_360 = tpu.vector_load %arg16[%swap3A_358, %swap3A_359] {strides = array<i32>} : memref<32x128xf32, #tpu.memory_space<vmem>>, vector<16xf32>,
    tpu.vector_store %arg16[%swap3A_358, %swap3A_359], %broadcast_in_dim3A_1 {strides = array<i32>} : memref<32x128xf32, #tpu.memory_space<vmem>>, vector<16xf32>,
    %swap3A_361 = arith.constant 11 : i32
    %swap3A_362 = arith.index_cast %swap3A_361 : i32 to index
    %swap3A_363 = arith.constant 32 : index
    %swap3A_364 = tpu.vector_load %arg16[%swap3A_362, %swap3A_363] {strides = array<i32>} : memref<32x128xf32, #tpu.memory_space<vmem>>, vector<16xf32>,
    tpu.vector_store %arg16[%swap3A_362, %swap3A_363], %broadcast_in_dim3A_1 {strides = array<i32>} : memref<32x128xf32, #tpu.memory_space<vmem>>, vector<16xf32>,
    %swap3A_365 = arith.constant 11 : i32
    %swap3A_366 = arith.index_cast %swap3A_365 : i32 to index
    %swap3A_367 = arith.constant 48 : index
    %swap3A_368 = tpu.vector_load %arg16[%swap3A_366, %swap3A_367] {strides = array<i32>} : memref<32x128xf32, #tpu.memory_space<vmem>>, vector<16xf32>,
    tpu.vector_store %arg16[%swap3A_366, %swap3A_367], %broadcast_in_dim3A_1 {strides = array<i32>} : memref<32x128xf32, #tpu.memory_space<vmem>>, vector<16xf32>,
    %swap3A_369 = arith.constant 11 : i32
    %swap3A_370 = arith.index_cast %swap3A_369 : i32 to index
    %swap3A_371 = arith.constant 64 : index
    %swap3A_372 = tpu.vector_load %arg16[%swap3A_370, %swap3A_371] {strides = array<i32>} : memref<32x128xf32, #tpu.memory_space<vmem>>, vector<16xf32>,
    tpu.vector_store %arg16[%swap3A_370, %swap3A_371], %broadcast_in_dim3A_1 {strides = array<i32>} : memref<32x128xf32, #tpu.memory_space<vmem>>, vector<16xf32>,
    %swap3A_373 = arith.constant 11 : i32
    %swap3A_374 = arith.index_cast %swap3A_373 : i32 to index
    %swap3A_375 = arith.constant 80 : index
    %swap3A_376 = tpu.vector_load %arg16[%swap3A_374, %swap3A_375] {strides = array<i32>} : memref<32x128xf32, #tpu.memory_space<vmem>>, vector<16xf32>,
    tpu.vector_store %arg16[%swap3A_374, %swap3A_375], %broadcast_in_dim3A_1 {strides = array<i32>} : memref<32x128xf32, #tpu.memory_space<vmem>>, vector<16xf32>,
    %swap3A_377 = arith.constant 11 : i32
    %swap3A_378 = arith.index_cast %swap3A_377 : i32 to index
    %swap3A_379 = arith.constant 96 : index
    %swap3A_380 = tpu.vector_load %arg16[%swap3A_378, %swap3A_379] {strides = array<i32>} : memref<32x128xf32, #tpu.memory_space<vmem>>, vector<16xf32>,
    tpu.vector_store %arg16[%swap3A_378, %swap3A_379], %broadcast_in_dim3A_1 {strides = array<i32>} : memref<32x128xf32, #tpu.memory_space<vmem>>, vector<16xf32>,
    %swap3A_381 = arith.constant 11 : i32
    %swap3A_382 = arith.index_cast %swap3A_381 : i32 to index
    %swap3A_383 = arith.constant 112 : index
    %swap3A_384 = tpu.vector_load %arg16[%swap3A_382, %swap3A_383] {strides = array<i32>} : memref<32x128xf32, #tpu.memory_space<vmem>>, vector<16xf32>,
    tpu.vector_store %arg16[%swap3A_382, %swap3A_383], %broadcast_in_dim3A_1 {strides = array<i32>} : memref<32x128xf32, #tpu.memory_space<vmem>>, vector<16xf32>,
    %swap3A_385 = arith.constant 12 : i32
    %swap3A_386 = arith.index_cast %swap3A_385 : i32 to index
    %swap3A_387 = arith.constant 0 : index
    %swap3A_388 = tpu.vector_load %arg16[%swap3A_386, %swap3A_387] {strides = array<i32>} : memref<32x128xf32, #tpu.memory_space<vmem>>, vector<16xf32>,
    tpu.vector_store %arg16[%swap3A_386, %swap3A_387], %broadcast_in_dim3A_1 {strides = array<i32>} : memref<32x128xf32, #tpu.memory_space<vmem>>, vector<16xf32>,
    %swap3A_389 = arith.constant 12 : i32
    %swap3A_390 = arith.index_cast %swap3A_389 : i32 to index
    %swap3A_391 = arith.constant 16 : index
    %swap3A_392 = tpu.vector_load %arg16[%swap3A_390, %swap3A_391] {strides = array<i32>} : memref<32x128xf32, #tpu.memory_space<vmem>>, vector<16xf32>,
    tpu.vector_store %arg16[%swap3A_390, %swap3A_391], %broadcast_in_dim3A_1 {strides = array<i32>} : memref<32x128xf32, #tpu.memory_space<vmem>>, vector<16xf32>,
    %swap3A_393 = arith.constant 12 : i32
    %swap3A_394 = arith.index_cast %swap3A_393 : i32 to index
    %swap3A_395 = arith.constant 32 : index
    %swap3A_396 = tpu.vector_load %arg16[%swap3A_394, %swap3A_395] {strides = array<i32>} : memref<32x128xf32, #tpu.memory_space<vmem>>, vector<16xf32>,
    tpu.vector_store %arg16[%swap3A_394, %swap3A_395], %broadcast_in_dim3A_1 {strides = array<i32>} : memref<32x128xf32, #tpu.memory_space<vmem>>, vector<16xf32>,
    %swap3A_397 = arith.constant 12 : i32
    %swap3A_398 = arith.index_cast %swap3A_397 : i32 to index
    %swap3A_399 = arith.constant 48 : index
    %swap3A_400 = tpu.vector_load %arg16[%swap3A_398, %swap3A_399] {strides = array<i32>} : memref<32x128xf32, #tpu.memory_space<vmem>>, vector<16xf32>,
    tpu.vector_store %arg16[%swap3A_398, %swap3A_399], %broadcast_in_dim3A_1 {strides = array<i32>} : memref<32x128xf32, #tpu.memory_space<vmem>>, vector<16xf32>,
    %swap3A_401 = arith.constant 12 : i32
    %swap3A_402 = arith.index_cast %swap3A_401 : i32 to index
    %swap3A_403 = arith.constant 64 : index
    %swap3A_404 = tpu.vector_load %arg16[%swap3A_402, %swap3A_403] {strides = array<i32>} : memref<32x128xf32, #tpu.memory_space<vmem>>, vector<16xf32>,
    tpu.vector_store %arg16[%swap3A_402, %swap3A_403], %broadcast_in_dim3A_1 {strides = array<i32>} : memref<32x128xf32, #tpu.memory_space<vmem>>, vector<16xf32>,
    %swap3A_405 = arith.constant 12 : i32
    %swap3A_406 = arith.index_cast %swap3A_405 : i32 to index
    %swap3A_407 = arith.constant 80 : index
    %swap3A_408 = tpu.vector_load %arg16[%swap3A_406, %swap3A_407] {strides = array<i32>} : memref<32x128xf32, #tpu.memory_space<vmem>>, vector<16xf32>,
    tpu.vector_store %arg16[%swap3A_406, %swap3A_407], %broadcast_in_dim3A_1 {strides = array<i32>} : memref<32x128xf32, #tpu.memory_space<vmem>>, vector<16xf32>,
    %swap3A_409 = arith.constant 12 : i32
    %swap3A_410 = arith.index_cast %swap3A_409 : i32 to index
    %swap3A_411 = arith.constant 96 : index
    %swap3A_412 = tpu.vector_load %arg16[%swap3A_410, %swap3A_411] {strides = array<i32>} : memref<32x128xf32, #tpu.memory_space<vmem>>, vector<16xf32>,
    tpu.vector_store %arg16[%swap3A_410, %swap3A_411], %broadcast_in_dim3A_1 {strides = array<i32>} : memref<32x128xf32, #tpu.memory_space<vmem>>, vector<16xf32>,
    %swap3A_413 = arith.constant 12 : i32
    %swap3A_414 = arith.index_cast %swap3A_413 : i32 to index
    %swap3A_415 = arith.constant 112 : index
    %swap3A_416 = tpu.vector_load %arg16[%swap3A_414, %swap3A_415] {strides = array<i32>} : memref<32x128xf32, #tpu.memory_space<vmem>>, vector<16xf32>,
    tpu.vector_store %arg16[%swap3A_414, %swap3A_415], %broadcast_in_dim3A_1 {strides = array<i32>} : memref<32x128xf32, #tpu.memory_space<vmem>>, vector<16xf32>,
    %swap3A_417 = arith.constant 13 : i32
    %swap3A_418 = arith.index_cast %swap3A_417 : i32 to index
    %swap3A_419 = arith.constant 0 : index
    %swap3A_420 = tpu.vector_load %arg16[%swap3A_418, %swap3A_419] {strides = array<i32>} : memref<32x128xf32, #tpu.memory_space<vmem>>, vector<16xf32>,
    tpu.vector_store %arg16[%swap3A_418, %swap3A_419], %broadcast_in_dim3A_1 {strides = array<i32>} : memref<32x128xf32, #tpu.memory_space<vmem>>, vector<16xf32>,
    %swap3A_421 = arith.constant 13 : i32
    %swap3A_422 = arith.index_cast %swap3A_421 : i32 to index
    %swap3A_423 = arith.constant 16 : index
    %swap3A_424 = tpu.vector_load %arg16[%swap3A_422, %swap3A_423] {strides = array<i32>} : memref<32x128xf32, #tpu.memory_space<vmem>>, vector<16xf32>,
    tpu.vector_store %arg16[%swap3A_422, %swap3A_423], %broadcast_in_dim3A_1 {strides = array<i32>} : memref<32x128xf32, #tpu.memory_space<vmem>>, vector<16xf32>,
    %swap3A_425 = arith.constant 13 : i32
    %swap3A_426 = arith.index_cast %swap3A_425 : i32 to index
    %swap3A_427 = arith.constant 32 : index
    %swap3A_428 = tpu.vector_load %arg16[%swap3A_426, %swap3A_427] {strides = array<i32>} : memref<32x128xf32, #tpu.memory_space<vmem>>, vector<16xf32>,
    tpu.vector_store %arg16[%swap3A_426, %swap3A_427], %broadcast_in_dim3A_1 {strides = array<i32>} : memref<32x128xf32, #tpu.memory_space<vmem>>, vector<16xf32>,
    %swap3A_429 = arith.constant 13 : i32
    %swap3A_430 = arith.index_cast %swap3A_429 : i32 to index
    %swap3A_431 = arith.constant 48 : index
    %swap3A_432 = tpu.vector_load %arg16[%swap3A_430, %swap3A_431] {strides = array<i32>} : memref<32x128xf32, #tpu.memory_space<vmem>>, vector<16xf32>,
    tpu.vector_store %arg16[%swap3A_430, %swap3A_431], %broadcast_in_dim3A_1 {strides = array<i32>} : memref<32x128xf32, #tpu.memory_space<vmem>>, vector<16xf32>,
    %swap3A_433 = arith.constant 13 : i32
    %swap3A_434 = arith.index_cast %swap3A_433 : i32 to index
    %swap3A_435 = arith.constant 64 : index
    %swap3A_436 = tpu.vector_load %arg16[%swap3A_434, %swap3A_435] {strides = array<i32>} : memref<32x128xf32, #tpu.memory_space<vmem>>, vector<16xf32>,
    tpu.vector_store %arg16[%swap3A_434, %swap3A_435], %broadcast_in_dim3A_1 {strides = array<i32>} : memref<32x128xf32, #tpu.memory_space<vmem>>, vector<16xf32>,
    %swap3A_437 = arith.constant 13 : i32
    %swap3A_438 = arith.index_cast %swap3A_437 : i32 to index
    %swap3A_439 = arith.constant 80 : index
    %swap3A_440 = tpu.vector_load %arg16[%swap3A_438, %swap3A_439] {strides = array<i32>} : memref<32x128xf32, #tpu.memory_space<vmem>>, vector<16xf32>,
    tpu.vector_store %arg16[%swap3A_438, %swap3A_439], %broadcast_in_dim3A_1 {strides = array<i32>} : memref<32x128xf32, #tpu.memory_space<vmem>>, vector<16xf32>,
    %swap3A_441 = arith.constant 13 : i32
    %swap3A_442 = arith.index_cast %swap3A_441 : i32 to index
    %swap3A_443 = arith.constant 96 : index
    %swap3A_444 = tpu.vector_load %arg16[%swap3A_442, %swap3A_443] {strides = array<i32>} : memref<32x128xf32, #tpu.memory_space<vmem>>, vector<16xf32>,
    tpu.vector_store %arg16[%swap3A_442, %swap3A_443], %broadcast_in_dim3A_1 {strides = array<i32>} : memref<32x128xf32, #tpu.memory_space<vmem>>, vector<16xf32>,
    %swap3A_445 = arith.constant 13 : i32
    %swap3A_446 = arith.index_cast %swap3A_445 : i32 to index
    %swap3A_447 = arith.constant 112 : index
    %swap3A_448 = tpu.vector_load %arg16[%swap3A_446, %swap3A_447] {strides = array<i32>} : memref<32x128xf32, #tpu.memory_space<vmem>>, vector<16xf32>,
    tpu.vector_store %arg16[%swap3A_446, %swap3A_447], %broadcast_in_dim3A_1 {strides = array<i32>} : memref<32x128xf32, #tpu.memory_space<vmem>>, vector<16xf32>,
    %swap3A_449 = arith.constant 14 : i32
    %swap3A_450 = arith.index_cast %swap3A_449 : i32 to index
    %swap3A_451 = arith.constant 0 : index
    %swap3A_452 = tpu.vector_load %arg16[%swap3A_450, %swap3A_451] {strides = array<i32>} : memref<32x128xf32, #tpu.memory_space<vmem>>, vector<16xf32>,
    tpu.vector_store %arg16[%swap3A_450, %swap3A_451], %broadcast_in_dim3A_1 {strides = array<i32>} : memref<32x128xf32, #tpu.memory_space<vmem>>, vector<16xf32>,
    %swap3A_453 = arith.constant 14 : i32
    %swap3A_454 = arith.index_cast %swap3A_453 : i32 to index
    %swap3A_455 = arith.constant 16 : index
    %swap3A_456 = tpu.vector_load %arg16[%swap3A_454, %swap3A_455] {strides = array<i32>} : memref<32x128xf32, #tpu.memory_space<vmem>>, vector<16xf32>,
    tpu.vector_store %arg16[%swap3A_454, %swap3A_455], %broadcast_in_dim3A_1 {strides = array<i32>} : memref<32x128xf32, #tpu.memory_space<vmem>>, vector<16xf32>,
    %swap3A_457 = arith.constant 14 : i32
    %swap3A_458 = arith.index_cast %swap3A_457 : i32 to index
    %swap3A_459 = arith.constant 32 : index
    %swap3A_460 = tpu.vector_load %arg16[%swap3A_458, %swap3A_459] {strides = array<i32>} : memref<32x128xf32, #tpu.memory_space<vmem>>, vector<16xf32>,
    tpu.vector_store %arg16[%swap3A_458, %swap3A_459], %broadcast_in_dim3A_1 {strides = array<i32>} : memref<32x128xf32, #tpu.memory_space<vmem>>, vector<16xf32>,
    %swap3A_461 = arith.constant 14 : i32
    %swap3A_462 = arith.index_cast %swap3A_461 : i32 to index
    %swap3A_463 = arith.constant 48 : index
    %swap3A_464 = tpu.vector_load %arg16[%swap3A_462, %swap3A_463] {strides = array<i32>} : memref<32x128xf32, #tpu.memory_space<vmem>>, vector<16xf32>,
    tpu.vector_store %arg16[%swap3A_462, %swap3A_463], %broadcast_in_dim3A_1 {strides = array<i32>} : memref<32x128xf32, #tpu.memory_space<vmem>>, vector<16xf32>,
    %swap3A_465 = arith.constant 14 : i32
    %swap3A_466 = arith.index_cast %swap3A_465 : i32 to index
    %swap3A_467 = arith.constant 64 : index
    %swap3A_468 = tpu.vector_load %arg16[%swap3A_466, %swap3A_467] {strides = array<i32>} : memref<32x128xf32, #tpu.memory_space<vmem>>, vector<16xf32>,
    tpu.vector_store %arg16[%swap3A_466, %swap3A_467], %broadcast_in_dim3A_1 {strides = array<i32>} : memref<32x128xf32, #tpu.memory_space<vmem>>, vector<16xf32>,
    %swap3A_469 = arith.constant 14 : i32
    %swap3A_470 = arith.index_cast %swap3A_469 : i32 to index
    %swap3A_471 = arith.constant 80 : index
    %swap3A_472 = tpu.vector_load %arg16[%swap3A_470, %swap3A_471] {strides = array<i32>} : memref<32x128xf32, #tpu.memory_space<vmem>>, vector<16xf32>,
    tpu.vector_store %arg16[%swap3A_470, %swap3A_471], %broadcast_in_dim3A_1 {strides = array<i32>} : memref<32x128xf32, #tpu.memory_space<vmem>>, vector<16xf32>,
    %swap3A_473 = arith.constant 14 : i32
    %swap3A_474 = arith.index_cast %swap3A_473 : i32 to index
    %swap3A_475 = arith.constant 96 : index
    %swap3A_476 = tpu.vector_load %arg16[%swap3A_474, %swap3A_475] {strides = array<i32>} : memref<32x128xf32, #tpu.memory_space<vmem>>, vector<16xf32>,
    tpu.vector_store %arg16[%swap3A_474, %swap3A_475], %broadcast_in_dim3A_1 {strides = array<i32>} : memref<32x128xf32, #tpu.memory_space<vmem>>, vector<16xf32>,
    %swap3A_477 = arith.constant 14 : i32
    %swap3A_478 = arith.index_cast %swap3A_477 : i32 to index
    %swap3A_479 = arith.constant 112 : index
    %swap3A_480 = tpu.vector_load %arg16[%swap3A_478, %swap3A_479] {strides = array<i32>} : memref<32x128xf32, #tpu.memory_space<vmem>>, vector<16xf32>,
    tpu.vector_store %arg16[%swap3A_478, %swap3A_479], %broadcast_in_dim3A_1 {strides = array<i32>} : memref<32x128xf32, #tpu.memory_space<vmem>>, vector<16xf32>,
    %swap3A_481 = arith.constant 15 : i32
    %swap3A_482 = arith.index_cast %swap3A_481 : i32 to index
    %swap3A_483 = arith.constant 0 : index
    %swap3A_484 = tpu.vector_load %arg16[%swap3A_482, %swap3A_483] {strides = array<i32>} : memref<32x128xf32, #tpu.memory_space<vmem>>, vector<16xf32>,
    tpu.vector_store %arg16[%swap3A_482, %swap3A_483], %broadcast_in_dim3A_1 {strides = array<i32>} : memref<32x128xf32, #tpu.memory_space<vmem>>, vector<16xf32>,
    %swap3A_485 = arith.constant 15 : i32
    %swap3A_486 = arith.index_cast %swap3A_485 : i32 to index
    %swap3A_487 = arith.constant 16 : index
    %swap3A_488 = tpu.vector_load %arg16[%swap3A_486, %swap3A_487] {strides = array<i32>} : memref<32x128xf32, #tpu.memory_space<vmem>>, vector<16xf32>,
    tpu.vector_store %arg16[%swap3A_486, %swap3A_487], %broadcast_in_dim3A_1 {strides = array<i32>} : memref<32x128xf32, #tpu.memory_space<vmem>>, vector<16xf32>,
    %swap3A_489 = arith.constant 15 : i32
    %swap3A_490 = arith.index_cast %swap3A_489 : i32 to index
    %swap3A_491 = arith.constant 32 : index
    %swap3A_492 = tpu.vector_load %arg16[%swap3A_490, %swap3A_491] {strides = array<i32>} : memref<32x128xf32, #tpu.memory_space<vmem>>, vector<16xf32>,
    tpu.vector_store %arg16[%swap3A_490, %swap3A_491], %broadcast_in_dim3A_1 {strides = array<i32>} : memref<32x128xf32, #tpu.memory_space<vmem>>, vector<16xf32>,
    %swap3A_493 = arith.constant 15 : i32
    %swap3A_494 = arith.index_cast %swap3A_493 : i32 to index
    %swap3A_495 = arith.constant 48 : index
    %swap3A_496 = tpu.vector_load %arg16[%swap3A_494, %swap3A_495] {strides = array<i32>} : memref<32x128xf32, #tpu.memory_space<vmem>>, vector<16xf32>,
    tpu.vector_store %arg16[%swap3A_494, %swap3A_495], %broadcast_in_dim3A_1 {strides = array<i32>} : memref<32x128xf32, #tpu.memory_space<vmem>>, vector<16xf32>,
    %swap3A_497 = arith.constant 15 : i32
    %swap3A_498 = arith.index_cast %swap3A_497 : i32 to index
    %swap3A_499 = arith.constant 64 : index
    %swap3A_500 = tpu.vector_load %arg16[%swap3A_498, %swap3A_499] {strides = array<i32>} : memref<32x128xf32, #tpu.memory_space<vmem>>, vector<16xf32>,
    tpu.vector_store %arg16[%swap3A_498, %swap3A_499], %broadcast_in_dim3A_1 {strides = array<i32>} : memref<32x128xf32, #tpu.memory_space<vmem>>, vector<16xf32>,
    %swap3A_501 = arith.constant 15 : i32
    %swap3A_502 = arith.index_cast %swap3A_501 : i32 to index
    %swap3A_503 = arith.constant 80 : index
    %swap3A_504 = tpu.vector_load %arg16[%swap3A_502, %swap3A_503] {strides = array<i32>} : memref<32x128xf32, #tpu.memory_space<vmem>>, vector<16xf32>,
    tpu.vector_store %arg16[%swap3A_502, %swap3A_503], %broadcast_in_dim3A_1 {strides = array<i32>} : memref<32x128xf32, #tpu.memory_space<vmem>>, vector<16xf32>,
    %swap3A_505 = arith.constant 15 : i32
    %swap3A_506 = arith.index_cast %swap3A_505 : i32 to index
    %swap3A_507 = arith.constant 96 : index
    %swap3A_508 = tpu.vector_load %arg16[%swap3A_506, %swap3A_507] {strides = array<i32>} : memref<32x128xf32, #tpu.memory_space<vmem>>, vector<16xf32>,
    tpu.vector_store %arg16[%swap3A_506, %swap3A_507], %broadcast_in_dim3A_1 {strides = array<i32>} : memref<32x128xf32, #tpu.memory_space<vmem>>, vector<16xf32>,
    %swap3A_509 = arith.constant 15 : i32
    %swap3A_510 = arith.index_cast %swap3A_509 : i32 to index
    %swap3A_511 = arith.constant 112 : index
    %swap3A_512 = tpu.vector_load %arg16[%swap3A_510, %swap3A_511] {strides = array<i32>} : memref<32x128xf32, #tpu.memory_space<vmem>>, vector<16xf32>,
    tpu.vector_store %arg16[%swap3A_510, %swap3A_511], %broadcast_in_dim3A_1 {strides = array<i32>} : memref<32x128xf32, #tpu.memory_space<vmem>>, vector<16xf32>,
    %swap3A_513 = arith.constant 16 : i32
    %swap3A_514 = arith.index_cast %swap3A_513 : i32 to index
    %swap3A_515 = arith.constant 0 : index
    %swap3A_516 = tpu.vector_load %arg16[%swap3A_514, %swap3A_515] {strides = array<i32>} : memref<32x128xf32, #tpu.memory_space<vmem>>, vector<16xf32>,
    tpu.vector_store %arg16[%swap3A_514, %swap3A_515], %broadcast_in_dim3A_1 {strides = array<i32>} : memref<32x128xf32, #tpu.memory_space<vmem>>, vector<16xf32>,
    %swap3A_517 = arith.constant 16 : i32
    %swap3A_518 = arith.index_cast %swap3A_517 : i32 to index
    %swap3A_519 = arith.constant 16 : index
    %swap3A_520 = tpu.vector_load %arg16[%swap3A_518, %swap3A_519] {strides = array<i32>} : memref<32x128xf32, #tpu.memory_space<vmem>>, vector<16xf32>,
    tpu.vector_store %arg16[%swap3A_518, %swap3A_519], %broadcast_in_dim3A_1 {strides = array<i32>} : memref<32x128xf32, #tpu.memory_space<vmem>>, vector<16xf32>,
    %swap3A_521 = arith.constant 16 : i32
    %swap3A_522 = arith.index_cast %swap3A_521 : i32 to index
    %swap3A_523 = arith.constant 32 : index
    %swap3A_524 = tpu.vector_load %arg16[%swap3A_522, %swap3A_523] {strides = array<i32>} : memref<32x128xf32, #tpu.memory_space<vmem>>, vector<16xf32>,
    tpu.vector_store %arg16[%swap3A_522, %swap3A_523], %broadcast_in_dim3A_1 {strides = array<i32>} : memref<32x128xf32, #tpu.memory_space<vmem>>, vector<16xf32>,
    %swap3A_525 = arith.constant 16 : i32
    %swap3A_526 = arith.index_cast %swap3A_525 : i32 to index
    %swap3A_527 = arith.constant 48 : index
    %swap3A_528 = tpu.vector_load %arg16[%swap3A_526, %swap3A_527] {strides = array<i32>} : memref<32x128xf32, #tpu.memory_space<vmem>>, vector<16xf32>,
    tpu.vector_store %arg16[%swap3A_526, %swap3A_527], %broadcast_in_dim3A_1 {strides = array<i32>} : memref<32x128xf32, #tpu.memory_space<vmem>>, vector<16xf32>,
    %swap3A_529 = arith.constant 16 : i32
    %swap3A_530 = arith.index_cast %swap3A_529 : i32 to index
    %swap3A_531 = arith.constant 64 : index
    %swap3A_532 = tpu.vector_load %arg16[%swap3A_530, %swap3A_531] {strides = array<i32>} : memref<32x128xf32, #tpu.memory_space<vmem>>, vector<16xf32>,
    tpu.vector_store %arg16[%swap3A_530, %swap3A_531], %broadcast_in_dim3A_1 {strides = array<i32>} : memref<32x128xf32, #tpu.memory_space<vmem>>, vector<16xf32>,
    %swap3A_533 = arith.constant 16 : i32
    %swap3A_534 = arith.index_cast %swap3A_533 : i32 to index
    %swap3A_535 = arith.constant 80 : index
    %swap3A_536 = tpu.vector_load %arg16[%swap3A_534, %swap3A_535] {strides = array<i32>} : memref<32x128xf32, #tpu.memory_space<vmem>>, vector<16xf32>,
    tpu.vector_store %arg16[%swap3A_534, %swap3A_535], %broadcast_in_dim3A_1 {strides = array<i32>} : memref<32x128xf32, #tpu.memory_space<vmem>>, vector<16xf32>,
    %swap3A_537 = arith.constant 16 : i32
    %swap3A_538 = arith.index_cast %swap3A_537 : i32 to index
    %swap3A_539 = arith.constant 96 : index
    %swap3A_540 = tpu.vector_load %arg16[%swap3A_538, %swap3A_539] {strides = array<i32>} : memref<32x128xf32, #tpu.memory_space<vmem>>, vector<16xf32>,
    tpu.vector_store %arg16[%swap3A_538, %swap3A_539], %broadcast_in_dim3A_1 {strides = array<i32>} : memref<32x128xf32, #tpu.memory_space<vmem>>, vector<16xf32>,
    %swap3A_541 = arith.constant 16 : i32
    %swap3A_542 = arith.index_cast %swap3A_541 : i32 to index
    %swap3A_543 = arith.constant 112 : index
    %swap3A_544 = tpu.vector_load %arg16[%swap3A_542, %swap3A_543] {strides = array<i32>} : memref<32x128xf32, #tpu.memory_space<vmem>>, vector<16xf32>,
    tpu.vector_store %arg16[%swap3A_542, %swap3A_543], %broadcast_in_dim3A_1 {strides = array<i32>} : memref<32x128xf32, #tpu.memory_space<vmem>>, vector<16xf32>,
    %swap3A_545 = arith.constant 17 : i32
    %swap3A_546 = arith.index_cast %swap3A_545 : i32 to index
    %swap3A_547 = arith.constant 0 : index
    %swap3A_548 = tpu.vector_load %arg16[%swap3A_546, %swap3A_547] {strides = array<i32>} : memref<32x128xf32, #tpu.memory_space<vmem>>, vector<16xf32>,
    tpu.vector_store %arg16[%swap3A_546, %swap3A_547], %broadcast_in_dim3A_1 {strides = array<i32>} : memref<32x128xf32, #tpu.memory_space<vmem>>, vector<16xf32>,
    %swap3A_549 = arith.constant 17 : i32
    %swap3A_550 = arith.index_cast %swap3A_549 : i32 to index
    %swap3A_551 = arith.constant 16 : index
    %swap3A_552 = tpu.vector_load %arg16[%swap3A_550, %swap3A_551] {strides = array<i32>} : memref<32x128xf32, #tpu.memory_space<vmem>>, vector<16xf32>,
    tpu.vector_store %arg16[%swap3A_550, %swap3A_551], %broadcast_in_dim3A_1 {strides = array<i32>} : memref<32x128xf32, #tpu.memory_space<vmem>>, vector<16xf32>,
    %swap3A_553 = arith.constant 17 : i32
    %swap3A_554 = arith.index_cast %swap3A_553 : i32 to index
    %swap3A_555 = arith.constant 32 : index
    %swap3A_556 = tpu.vector_load %arg16[%swap3A_554, %swap3A_555] {strides = array<i32>} : memref<32x128xf32, #tpu.memory_space<vmem>>, vector<16xf32>,
    tpu.vector_store %arg16[%swap3A_554, %swap3A_555], %broadcast_in_dim3A_1 {strides = array<i32>} : memref<32x128xf32, #tpu.memory_space<vmem>>, vector<16xf32>,
    %swap3A_557 = arith.constant 17 : i32
    %swap3A_558 = arith.index_cast %swap3A_557 : i32 to index
    %swap3A_559 = arith.constant 48 : index
    %swap3A_560 = tpu.vector_load %arg16[%swap3A_558, %swap3A_559] {strides = array<i32>} : memref<32x128xf32, #tpu.memory_space<vmem>>, vector<16xf32>,
    tpu.vector_store %arg16[%swap3A_558, %swap3A_559], %broadcast_in_dim3A_1 {strides = array<i32>} : memref<32x128xf32, #tpu.memory_space<vmem>>, vector<16xf32>,
    %swap3A_561 = arith.constant 17 : i32
    %swap3A_562 = arith.index_cast %swap3A_561 : i32 to index
    %swap3A_563 = arith.constant 64 : index
    %swap3A_564 = tpu.vector_load %arg16[%swap3A_562, %swap3A_563] {strides = array<i32>} : memref<32x128xf32, #tpu.memory_space<vmem>>, vector<16xf32>,
    tpu.vector_store %arg16[%swap3A_562, %swap3A_563], %broadcast_in_dim3A_1 {strides = array<i32>} : memref<32x128xf32, #tpu.memory_space<vmem>>, vector<16xf32>,
    %swap3A_565 = arith.constant 17 : i32
    %swap3A_566 = arith.index_cast %swap3A_565 : i32 to index
    %swap3A_567 = arith.constant 80 : index
    %swap3A_568 = tpu.vector_load %arg16[%swap3A_566, %swap3A_567] {strides = array<i32>} : memref<32x128xf32, #tpu.memory_space<vmem>>, vector<16xf32>,
    tpu.vector_store %arg16[%swap3A_566, %swap3A_567], %broadcast_in_dim3A_1 {strides = array<i32>} : memref<32x128xf32, #tpu.memory_space<vmem>>, vector<16xf32>,
    %swap3A_569 = arith.constant 17 : i32
    %swap3A_570 = arith.index_cast %swap3A_569 : i32 to index
    %swap3A_571 = arith.constant 96 : index
    %swap3A_572 = tpu.vector_load %arg16[%swap3A_570, %swap3A_571] {strides = array<i32>} : memref<32x128xf32, #tpu.memory_space<vmem>>, vector<16xf32>,
    tpu.vector_store %arg16[%swap3A_570, %swap3A_571], %broadcast_in_dim3A_1 {strides = array<i32>} : memref<32x128xf32, #tpu.memory_space<vmem>>, vector<16xf32>,
    %swap3A_573 = arith.constant 17 : i32
    %swap3A_574 = arith.index_cast %swap3A_573 : i32 to index
    %swap3A_575 = arith.constant 112 : index
    %swap3A_576 = tpu.vector_load %arg16[%swap3A_574, %swap3A_575] {strides = array<i32>} : memref<32x128xf32, #tpu.memory_space<vmem>>, vector<16xf32>,
    tpu.vector_store %arg16[%swap3A_574, %swap3A_575], %broadcast_in_dim3A_1 {strides = array<i32>} : memref<32x128xf32, #tpu.memory_space<vmem>>, vector<16xf32>,
    %swap3A_577 = arith.constant 18 : i32
    %swap3A_578 = arith.index_cast %swap3A_577 : i32 to index
    %swap3A_579 = arith.constant 0 : index
    %swap3A_580 = tpu.vector_load %arg16[%swap3A_578, %swap3A_579] {strides = array<i32>} : memref<32x128xf32, #tpu.memory_space<vmem>>, vector<16xf32>,
    tpu.vector_store %arg16[%swap3A_578, %swap3A_579], %broadcast_in_dim3A_1 {strides = array<i32>} : memref<32x128xf32, #tpu.memory_space<vmem>>, vector<16xf32>,
    %swap3A_581 = arith.constant 18 : i32
    %swap3A_582 = arith.index_cast %swap3A_581 : i32 to index
    %swap3A_583 = arith.constant 16 : index
    %swap3A_584 = tpu.vector_load %arg16[%swap3A_582, %swap3A_583] {strides = array<i32>} : memref<32x128xf32, #tpu.memory_space<vmem>>, vector<16xf32>,
    tpu.vector_store %arg16[%swap3A_582, %swap3A_583], %broadcast_in_dim3A_1 {strides = array<i32>} : memref<32x128xf32, #tpu.memory_space<vmem>>, vector<16xf32>,
    %swap3A_585 = arith.constant 18 : i32
    %swap3A_586 = arith.index_cast %swap3A_585 : i32 to index
    %swap3A_587 = arith.constant 32 : index
    %swap3A_588 = tpu.vector_load %arg16[%swap3A_586, %swap3A_587] {strides = array<i32>} : memref<32x128xf32, #tpu.memory_space<vmem>>, vector<16xf32>,
    tpu.vector_store %arg16[%swap3A_586, %swap3A_587], %broadcast_in_dim3A_1 {strides = array<i32>} : memref<32x128xf32, #tpu.memory_space<vmem>>, vector<16xf32>,
    %swap3A_589 = arith.constant 18 : i32
    %swap3A_590 = arith.index_cast %swap3A_589 : i32 to index
    %swap3A_591 = arith.constant 48 : index
    %swap3A_592 = tpu.vector_load %arg16[%swap3A_590, %swap3A_591] {strides = array<i32>} : memref<32x128xf32, #tpu.memory_space<vmem>>, vector<16xf32>,
    tpu.vector_store %arg16[%swap3A_590, %swap3A_591], %broadcast_in_dim3A_1 {strides = array<i32>} : memref<32x128xf32, #tpu.memory_space<vmem>>, vector<16xf32>,
    %swap3A_593 = arith.constant 18 : i32
    %swap3A_594 = arith.index_cast %swap3A_593 : i32 to index
    %swap3A_595 = arith.constant 64 : index
    %swap3A_596 = tpu.vector_load %arg16[%swap3A_594, %swap3A_595] {strides = array<i32>} : memref<32x128xf32, #tpu.memory_space<vmem>>, vector<16xf32>,
    tpu.vector_store %arg16[%swap3A_594, %swap3A_595], %broadcast_in_dim3A_1 {strides = array<i32>} : memref<32x128xf32, #tpu.memory_space<vmem>>, vector<16xf32>,
    %swap3A_597 = arith.constant 18 : i32
    %swap3A_598 = arith.index_cast %swap3A_597 : i32 to index
    %swap3A_599 = arith.constant 80 : index
    %swap3A_600 = tpu.vector_load %arg16[%swap3A_598, %swap3A_599] {strides = array<i32>} : memref<32x128xf32, #tpu.memory_space<vmem>>, vector<16xf32>,
    tpu.vector_store %arg16[%swap3A_598, %swap3A_599], %broadcast_in_dim3A_1 {strides = array<i32>} : memref<32x128xf32, #tpu.memory_space<vmem>>, vector<16xf32>,
    %swap3A_601 = arith.constant 18 : i32
    %swap3A_602 = arith.index_cast %swap3A_601 : i32 to index
    %swap3A_603 = arith.constant 96 : index
    %swap3A_604 = tpu.vector_load %arg16[%swap3A_602, %swap3A_603] {strides = array<i32>} : memref<32x128xf32, #tpu.memory_space<vmem>>, vector<16xf32>,
    tpu.vector_store %arg16[%swap3A_602, %swap3A_603], %broadcast_in_dim3A_1 {strides = array<i32>} : memref<32x128xf32, #tpu.memory_space<vmem>>, vector<16xf32>,
    %swap3A_605 = arith.constant 18 : i32
    %swap3A_606 = arith.index_cast %swap3A_605 : i32 to index
    %swap3A_607 = arith.constant 112 : index
    %swap3A_608 = tpu.vector_load %arg16[%swap3A_606, %swap3A_607] {strides = array<i32>} : memref<32x128xf32, #tpu.memory_space<vmem>>, vector<16xf32>,
    tpu.vector_store %arg16[%swap3A_606, %swap3A_607], %broadcast_in_dim3A_1 {strides = array<i32>} : memref<32x128xf32, #tpu.memory_space<vmem>>, vector<16xf32>,
    %swap3A_609 = arith.constant 19 : i32
    %swap3A_610 = arith.index_cast %swap3A_609 : i32 to index
    %swap3A_611 = arith.constant 0 : index
    %swap3A_612 = tpu.vector_load %arg16[%swap3A_610, %swap3A_611] {strides = array<i32>} : memref<32x128xf32, #tpu.memory_space<vmem>>, vector<16xf32>,
    tpu.vector_store %arg16[%swap3A_610, %swap3A_611], %broadcast_in_dim3A_1 {strides = array<i32>} : memref<32x128xf32, #tpu.memory_space<vmem>>, vector<16xf32>,
    %swap3A_613 = arith.constant 19 : i32
    %swap3A_614 = arith.index_cast %swap3A_613 : i32 to index
    %swap3A_615 = arith.constant 16 : index
    %swap3A_616 = tpu.vector_load %arg16[%swap3A_614, %swap3A_615] {strides = array<i32>} : memref<32x128xf32, #tpu.memory_space<vmem>>, vector<16xf32>,
    tpu.vector_store %arg16[%swap3A_614, %swap3A_615], %broadcast_in_dim3A_1 {strides = array<i32>} : memref<32x128xf32, #tpu.memory_space<vmem>>, vector<16xf32>,
    %swap3A_617 = arith.constant 19 : i32
    %swap3A_618 = arith.index_cast %swap3A_617 : i32 to index
    %swap3A_619 = arith.constant 32 : index
    %swap3A_620 = tpu.vector_load %arg16[%swap3A_618, %swap3A_619] {strides = array<i32>} : memref<32x128xf32, #tpu.memory_space<vmem>>, vector<16xf32>,
    tpu.vector_store %arg16[%swap3A_618, %swap3A_619], %broadcast_in_dim3A_1 {strides = array<i32>} : memref<32x128xf32, #tpu.memory_space<vmem>>, vector<16xf32>,
    %swap3A_621 = arith.constant 19 : i32
    %swap3A_622 = arith.index_cast %swap3A_621 : i32 to index
    %swap3A_623 = arith.constant 48 : index
    %swap3A_624 = tpu.vector_load %arg16[%swap3A_622, %swap3A_623] {strides = array<i32>} : memref<32x128xf32, #tpu.memory_space<vmem>>, vector<16xf32>,
    tpu.vector_store %arg16[%swap3A_622, %swap3A_623], %broadcast_in_dim3A_1 {strides = array<i32>} : memref<32x128xf32, #tpu.memory_space<vmem>>, vector<16xf32>,
    %swap3A_625 = arith.constant 19 : i32
    %swap3A_626 = arith.index_cast %swap3A_625 : i32 to index
    %swap3A_627 = arith.constant 64 : index
    %swap3A_628 = tpu.vector_load %arg16[%swap3A_626, %swap3A_627] {strides = array<i32>} : memref<32x128xf32, #tpu.memory_space<vmem>>, vector<16xf32>,
    tpu.vector_store %arg16[%swap3A_626, %swap3A_627], %broadcast_in_dim3A_1 {strides = array<i32>} : memref<32x128xf32, #tpu.memory_space<vmem>>, vector<16xf32>,
    %swap3A_629 = arith.constant 19 : i32
    %swap3A_630 = arith.index_cast %swap3A_629 : i32 to index
    %swap3A_631 = arith.constant 80 : index
    %swap3A_632 = tpu.vector_load %arg16[%swap3A_630, %swap3A_631] {strides = array<i32>} : memref<32x128xf32, #tpu.memory_space<vmem>>, vector<16xf32>,
    tpu.vector_store %arg16[%swap3A_630, %swap3A_631], %broadcast_in_dim3A_1 {strides = array<i32>} : memref<32x128xf32, #tpu.memory_space<vmem>>, vector<16xf32>,
    %swap3A_633 = arith.constant 19 : i32
    %swap3A_634 = arith.index_cast %swap3A_633 : i32 to index
    %swap3A_635 = arith.constant 96 : index
    %swap3A_636 = tpu.vector_load %arg16[%swap3A_634, %swap3A_635] {strides = array<i32>} : memref<32x128xf32, #tpu.memory_space<vmem>>, vector<16xf32>,
    tpu.vector_store %arg16[%swap3A_634, %swap3A_635], %broadcast_in_dim3A_1 {strides = array<i32>} : memref<32x128xf32, #tpu.memory_space<vmem>>, vector<16xf32>,
    %swap3A_637 = arith.constant 19 : i32
    %swap3A_638 = arith.index_cast %swap3A_637 : i32 to index
    %swap3A_639 = arith.constant 112 : index
    %swap3A_640 = tpu.vector_load %arg16[%swap3A_638, %swap3A_639] {strides = array<i32>} : memref<32x128xf32, #tpu.memory_space<vmem>>, vector<16xf32>,
    tpu.vector_store %arg16[%swap3A_638, %swap3A_639], %broadcast_in_dim3A_1 {strides = array<i32>} : memref<32x128xf32, #tpu.memory_space<vmem>>, vector<16xf32>,
    %swap3A_641 = arith.constant 20 : i32
    %swap3A_642 = arith.index_cast %swap3A_641 : i32 to index
    %swap3A_643 = arith.constant 0 : index
    %swap3A_644 = tpu.vector_load %arg16[%swap3A_642, %swap3A_643] {strides = array<i32>} : memref<32x128xf32, #tpu.memory_space<vmem>>, vector<16xf32>,
    tpu.vector_store %arg16[%swap3A_642, %swap3A_643], %broadcast_in_dim3A_1 {strides = array<i32>} : memref<32x128xf32, #tpu.memory_space<vmem>>, vector<16xf32>,
    %swap3A_645 = arith.constant 20 : i32
    %swap3A_646 = arith.index_cast %swap3A_645 : i32 to index
    %swap3A_647 = arith.constant 16 : index
    %swap3A_648 = tpu.vector_load %arg16[%swap3A_646, %swap3A_647] {strides = array<i32>} : memref<32x128xf32, #tpu.memory_space<vmem>>, vector<16xf32>,
    tpu.vector_store %arg16[%swap3A_646, %swap3A_647], %broadcast_in_dim3A_1 {strides = array<i32>} : memref<32x128xf32, #tpu.memory_space<vmem>>, vector<16xf32>,
    %swap3A_649 = arith.constant 20 : i32
    %swap3A_650 = arith.index_cast %swap3A_649 : i32 to index
    %swap3A_651 = arith.constant 32 : index
    %swap3A_652 = tpu.vector_load %arg16[%swap3A_650, %swap3A_651] {strides = array<i32>} : memref<32x128xf32, #tpu.memory_space<vmem>>, vector<16xf32>,
    tpu.vector_store %arg16[%swap3A_650, %swap3A_651], %broadcast_in_dim3A_1 {strides = array<i32>} : memref<32x128xf32, #tpu.memory_space<vmem>>, vector<16xf32>,
    %swap3A_653 = arith.constant 20 : i32
    %swap3A_654 = arith.index_cast %swap3A_653 : i32 to index
    %swap3A_655 = arith.constant 48 : index
    %swap3A_656 = tpu.vector_load %arg16[%swap3A_654, %swap3A_655] {strides = array<i32>} : memref<32x128xf32, #tpu.memory_space<vmem>>, vector<16xf32>,
    tpu.vector_store %arg16[%swap3A_654, %swap3A_655], %broadcast_in_dim3A_1 {strides = array<i32>} : memref<32x128xf32, #tpu.memory_space<vmem>>, vector<16xf32>,
    %swap3A_657 = arith.constant 20 : i32
    %swap3A_658 = arith.index_cast %swap3A_657 : i32 to index
    %swap3A_659 = arith.constant 64 : index
    %swap3A_660 = tpu.vector_load %arg16[%swap3A_658, %swap3A_659] {strides = array<i32>} : memref<32x128xf32, #tpu.memory_space<vmem>>, vector<16xf32>,
    tpu.vector_store %arg16[%swap3A_658, %swap3A_659], %broadcast_in_dim3A_1 {strides = array<i32>} : memref<32x128xf32, #tpu.memory_space<vmem>>, vector<16xf32>,
    %swap3A_661 = arith.constant 20 : i32
    %swap3A_662 = arith.index_cast %swap3A_661 : i32 to index
    %swap3A_663 = arith.constant 80 : index
    %swap3A_664 = tpu.vector_load %arg16[%swap3A_662, %swap3A_663] {strides = array<i32>} : memref<32x128xf32, #tpu.memory_space<vmem>>, vector<16xf32>,
    tpu.vector_store %arg16[%swap3A_662, %swap3A_663], %broadcast_in_dim3A_1 {strides = array<i32>} : memref<32x128xf32, #tpu.memory_space<vmem>>, vector<16xf32>,
    %swap3A_665 = arith.constant 20 : i32
    %swap3A_666 = arith.index_cast %swap3A_665 : i32 to index
    %swap3A_667 = arith.constant 96 : index
    %swap3A_668 = tpu.vector_load %arg16[%swap3A_666, %swap3A_667] {strides = array<i32>} : memref<32x128xf32, #tpu.memory_space<vmem>>, vector<16xf32>,
    tpu.vector_store %arg16[%swap3A_666, %swap3A_667], %broadcast_in_dim3A_1 {strides = array<i32>} : memref<32x128xf32, #tpu.memory_space<vmem>>, vector<16xf32>,
    %swap3A_669 = arith.constant 20 : i32
    %swap3A_670 = arith.index_cast %swap3A_669 : i32 to index
    %swap3A_671 = arith.constant 112 : index
    %swap3A_672 = tpu.vector_load %arg16[%swap3A_670, %swap3A_671] {strides = array<i32>} : memref<32x128xf32, #tpu.memory_space<vmem>>, vector<16xf32>,
    tpu.vector_store %arg16[%swap3A_670, %swap3A_671], %broadcast_in_dim3A_1 {strides = array<i32>} : memref<32x128xf32, #tpu.memory_space<vmem>>, vector<16xf32>,
    %swap3A_673 = arith.constant 21 : i32
    %swap3A_674 = arith.index_cast %swap3A_673 : i32 to index
    %swap3A_675 = arith.constant 0 : index
    %swap3A_676 = tpu.vector_load %arg16[%swap3A_674, %swap3A_675] {strides = array<i32>} : memref<32x128xf32, #tpu.memory_space<vmem>>, vector<16xf32>,
    tpu.vector_store %arg16[%swap3A_674, %swap3A_675], %broadcast_in_dim3A_1 {strides = array<i32>} : memref<32x128xf32, #tpu.memory_space<vmem>>, vector<16xf32>,
    %swap3A_677 = arith.constant 21 : i32
    %swap3A_678 = arith.index_cast %swap3A_677 : i32 to index
    %swap3A_679 = arith.constant 16 : index
    %swap3A_680 = tpu.vector_load %arg16[%swap3A_678, %swap3A_679] {strides = array<i32>} : memref<32x128xf32, #tpu.memory_space<vmem>>, vector<16xf32>,
    tpu.vector_store %arg16[%swap3A_678, %swap3A_679], %broadcast_in_dim3A_1 {strides = array<i32>} : memref<32x128xf32, #tpu.memory_space<vmem>>, vector<16xf32>,
    %swap3A_681 = arith.constant 21 : i32
    %swap3A_682 = arith.index_cast %swap3A_681 : i32 to index
    %swap3A_683 = arith.constant 32 : index
    %swap3A_684 = tpu.vector_load %arg16[%swap3A_682, %swap3A_683] {strides = array<i32>} : memref<32x128xf32, #tpu.memory_space<vmem>>, vector<16xf32>,
    tpu.vector_store %arg16[%swap3A_682, %swap3A_683], %broadcast_in_dim3A_1 {strides = array<i32>} : memref<32x128xf32, #tpu.memory_space<vmem>>, vector<16xf32>,
    %swap3A_685 = arith.constant 21 : i32
    %swap3A_686 = arith.index_cast %swap3A_685 : i32 to index
    %swap3A_687 = arith.constant 48 : index
    %swap3A_688 = tpu.vector_load %arg16[%swap3A_686, %swap3A_687] {strides = array<i32>} : memref<32x128xf32, #tpu.memory_space<vmem>>, vector<16xf32>,
    tpu.vector_store %arg16[%swap3A_686, %swap3A_687], %broadcast_in_dim3A_1 {strides = array<i32>} : memref<32x128xf32, #tpu.memory_space<vmem>>, vector<16xf32>,
    %swap3A_689 = arith.constant 21 : i32
    %swap3A_690 = arith.index_cast %swap3A_689 : i32 to index
    %swap3A_691 = arith.constant 64 : index
    %swap3A_692 = tpu.vector_load %arg16[%swap3A_690, %swap3A_691] {strides = array<i32>} : memref<32x128xf32, #tpu.memory_space<vmem>>, vector<16xf32>,
    tpu.vector_store %arg16[%swap3A_690, %swap3A_691], %broadcast_in_dim3A_1 {strides = array<i32>} : memref<32x128xf32, #tpu.memory_space<vmem>>, vector<16xf32>,
    %swap3A_693 = arith.constant 21 : i32
    %swap3A_694 = arith.index_cast %swap3A_693 : i32 to index
    %swap3A_695 = arith.constant 80 : index
    %swap3A_696 = tpu.vector_load %arg16[%swap3A_694, %swap3A_695] {strides = array<i32>} : memref<32x128xf32, #tpu.memory_space<vmem>>, vector<16xf32>,
    tpu.vector_store %arg16[%swap3A_694, %swap3A_695], %broadcast_in_dim3A_1 {strides = array<i32>} : memref<32x128xf32, #tpu.memory_space<vmem>>, vector<16xf32>,
    %swap3A_697 = arith.constant 21 : i32
    %swap3A_698 = arith.index_cast %swap3A_697 : i32 to index
    %swap3A_699 = arith.constant 96 : index
    %swap3A_700 = tpu.vector_load %arg16[%swap3A_698, %swap3A_699] {strides = array<i32>} : memref<32x128xf32, #tpu.memory_space<vmem>>, vector<16xf32>,
    tpu.vector_store %arg16[%swap3A_698, %swap3A_699], %broadcast_in_dim3A_1 {strides = array<i32>} : memref<32x128xf32, #tpu.memory_space<vmem>>, vector<16xf32>,
    %swap3A_701 = arith.constant 21 : i32
    %swap3A_702 = arith.index_cast %swap3A_701 : i32 to index
    %swap3A_703 = arith.constant 112 : index
    %swap3A_704 = tpu.vector_load %arg16[%swap3A_702, %swap3A_703] {strides = array<i32>} : memref<32x128xf32, #tpu.memory_space<vmem>>, vector<16xf32>,
    tpu.vector_store %arg16[%swap3A_702, %swap3A_703], %broadcast_in_dim3A_1 {strides = array<i32>} : memref<32x128xf32, #tpu.memory_space<vmem>>, vector<16xf32>,
    %swap3A_705 = arith.constant 22 : i32
    %swap3A_706 = arith.index_cast %swap3A_705 : i32 to index
    %swap3A_707 = arith.constant 0 : index
    %swap3A_708 = tpu.vector_load %arg16[%swap3A_706, %swap3A_707] {strides = array<i32>} : memref<32x128xf32, #tpu.memory_space<vmem>>, vector<16xf32>,
    tpu.vector_store %arg16[%swap3A_706, %swap3A_707], %broadcast_in_dim3A_1 {strides = array<i32>} : memref<32x128xf32, #tpu.memory_space<vmem>>, vector<16xf32>,
    %swap3A_709 = arith.constant 22 : i32
    %swap3A_710 = arith.index_cast %swap3A_709 : i32 to index
    %swap3A_711 = arith.constant 16 : index
    %swap3A_712 = tpu.vector_load %arg16[%swap3A_710, %swap3A_711] {strides = array<i32>} : memref<32x128xf32, #tpu.memory_space<vmem>>, vector<16xf32>,
    tpu.vector_store %arg16[%swap3A_710, %swap3A_711], %broadcast_in_dim3A_1 {strides = array<i32>} : memref<32x128xf32, #tpu.memory_space<vmem>>, vector<16xf32>,
    %swap3A_713 = arith.constant 22 : i32
    %swap3A_714 = arith.index_cast %swap3A_713 : i32 to index
    %swap3A_715 = arith.constant 32 : index
    %swap3A_716 = tpu.vector_load %arg16[%swap3A_714, %swap3A_715] {strides = array<i32>} : memref<32x128xf32, #tpu.memory_space<vmem>>, vector<16xf32>,
    tpu.vector_store %arg16[%swap3A_714, %swap3A_715], %broadcast_in_dim3A_1 {strides = array<i32>} : memref<32x128xf32, #tpu.memory_space<vmem>>, vector<16xf32>,
    %swap3A_717 = arith.constant 22 : i32
    %swap3A_718 = arith.index_cast %swap3A_717 : i32 to index
    %swap3A_719 = arith.constant 48 : index
    %swap3A_720 = tpu.vector_load %arg16[%swap3A_718, %swap3A_719] {strides = array<i32>} : memref<32x128xf32, #tpu.memory_space<vmem>>, vector<16xf32>,
    tpu.vector_store %arg16[%swap3A_718, %swap3A_719], %broadcast_in_dim3A_1 {strides = array<i32>} : memref<32x128xf32, #tpu.memory_space<vmem>>, vector<16xf32>,
    %swap3A_721 = arith.constant 22 : i32
    %swap3A_722 = arith.index_cast %swap3A_721 : i32 to index
    %swap3A_723 = arith.constant 64 : index
    %swap3A_724 = tpu.vector_load %arg16[%swap3A_722, %swap3A_723] {strides = array<i32>} : memref<32x128xf32, #tpu.memory_space<vmem>>, vector<16xf32>,
    tpu.vector_store %arg16[%swap3A_722, %swap3A_723], %broadcast_in_dim3A_1 {strides = array<i32>} : memref<32x128xf32, #tpu.memory_space<vmem>>, vector<16xf32>,
    %swap3A_725 = arith.constant 22 : i32
    %swap3A_726 = arith.index_cast %swap3A_725 : i32 to index
    %swap3A_727 = arith.constant 80 : index
    %swap3A_728 = tpu.vector_load %arg16[%swap3A_726, %swap3A_727] {strides = array<i32>} : memref<32x128xf32, #tpu.memory_space<vmem>>, vector<16xf32>,
    tpu.vector_store %arg16[%swap3A_726, %swap3A_727], %broadcast_in_dim3A_1 {strides = array<i32>} : memref<32x128xf32, #tpu.memory_space<vmem>>, vector<16xf32>,
    %swap3A_729 = arith.constant 22 : i32
    %swap3A_730 = arith.index_cast %swap3A_729 : i32 to index
    %swap3A_731 = arith.constant 96 : index
    %swap3A_732 = tpu.vector_load %arg16[%swap3A_730, %swap3A_731] {strides = array<i32>} : memref<32x128xf32, #tpu.memory_space<vmem>>, vector<16xf32>,
    tpu.vector_store %arg16[%swap3A_730, %swap3A_731], %broadcast_in_dim3A_1 {strides = array<i32>} : memref<32x128xf32, #tpu.memory_space<vmem>>, vector<16xf32>,
    %swap3A_733 = arith.constant 22 : i32
    %swap3A_734 = arith.index_cast %swap3A_733 : i32 to index
    %swap3A_735 = arith.constant 112 : index
    %swap3A_736 = tpu.vector_load %arg16[%swap3A_734, %swap3A_735] {strides = array<i32>} : memref<32x128xf32, #tpu.memory_space<vmem>>, vector<16xf32>,
    tpu.vector_store %arg16[%swap3A_734, %swap3A_735], %broadcast_in_dim3A_1 {strides = array<i32>} : memref<32x128xf32, #tpu.memory_space<vmem>>, vector<16xf32>,
    %swap3A_737 = arith.constant 23 : i32
    %swap3A_738 = arith.index_cast %swap3A_737 : i32 to index
    %swap3A_739 = arith.constant 0 : index
    %swap3A_740 = tpu.vector_load %arg16[%swap3A_738, %swap3A_739] {strides = array<i32>} : memref<32x128xf32, #tpu.memory_space<vmem>>, vector<16xf32>,
    tpu.vector_store %arg16[%swap3A_738, %swap3A_739], %broadcast_in_dim3A_1 {strides = array<i32>} : memref<32x128xf32, #tpu.memory_space<vmem>>, vector<16xf32>,
    %swap3A_741 = arith.constant 23 : i32
    %swap3A_742 = arith.index_cast %swap3A_741 : i32 to index
    %swap3A_743 = arith.constant 16 : index
    %swap3A_744 = tpu.vector_load %arg16[%swap3A_742, %swap3A_743] {strides = array<i32>} : memref<32x128xf32, #tpu.memory_space<vmem>>, vector<16xf32>,
    tpu.vector_store %arg16[%swap3A_742, %swap3A_743], %broadcast_in_dim3A_1 {strides = array<i32>} : memref<32x128xf32, #tpu.memory_space<vmem>>, vector<16xf32>,
    %swap3A_745 = arith.constant 23 : i32
    %swap3A_746 = arith.index_cast %swap3A_745 : i32 to index
    %swap3A_747 = arith.constant 32 : index
    %swap3A_748 = tpu.vector_load %arg16[%swap3A_746, %swap3A_747] {strides = array<i32>} : memref<32x128xf32, #tpu.memory_space<vmem>>, vector<16xf32>,
    tpu.vector_store %arg16[%swap3A_746, %swap3A_747], %broadcast_in_dim3A_1 {strides = array<i32>} : memref<32x128xf32, #tpu.memory_space<vmem>>, vector<16xf32>,
    %swap3A_749 = arith.constant 23 : i32
    %swap3A_750 = arith.index_cast %swap3A_749 : i32 to index
    %swap3A_751 = arith.constant 48 : index
    %swap3A_752 = tpu.vector_load %arg16[%swap3A_750, %swap3A_751] {strides = array<i32>} : memref<32x128xf32, #tpu.memory_space<vmem>>, vector<16xf32>,
    tpu.vector_store %arg16[%swap3A_750, %swap3A_751], %broadcast_in_dim3A_1 {strides = array<i32>} : memref<32x128xf32, #tpu.memory_space<vmem>>, vector<16xf32>,
    %swap3A_753 = arith.constant 23 : i32
    %swap3A_754 = arith.index_cast %swap3A_753 : i32 to index
    %swap3A_755 = arith.constant 64 : index
    %swap3A_756 = tpu.vector_load %arg16[%swap3A_754, %swap3A_755] {strides = array<i32>} : memref<32x128xf32, #tpu.memory_space<vmem>>, vector<16xf32>,
    tpu.vector_store %arg16[%swap3A_754, %swap3A_755], %broadcast_in_dim3A_1 {strides = array<i32>} : memref<32x128xf32, #tpu.memory_space<vmem>>, vector<16xf32>,
    %swap3A_757 = arith.constant 23 : i32
    %swap3A_758 = arith.index_cast %swap3A_757 : i32 to index
    %swap3A_759 = arith.constant 80 : index
    %swap3A_760 = tpu.vector_load %arg16[%swap3A_758, %swap3A_759] {strides = array<i32>} : memref<32x128xf32, #tpu.memory_space<vmem>>, vector<16xf32>,
    tpu.vector_store %arg16[%swap3A_758, %swap3A_759], %broadcast_in_dim3A_1 {strides = array<i32>} : memref<32x128xf32, #tpu.memory_space<vmem>>, vector<16xf32>,
    %swap3A_761 = arith.constant 23 : i32
    %swap3A_762 = arith.index_cast %swap3A_761 : i32 to index
    %swap3A_763 = arith.constant 96 : index
    %swap3A_764 = tpu.vector_load %arg16[%swap3A_762, %swap3A_763] {strides = array<i32>} : memref<32x128xf32, #tpu.memory_space<vmem>>, vector<16xf32>,
    tpu.vector_store %arg16[%swap3A_762, %swap3A_763], %broadcast_in_dim3A_1 {strides = array<i32>} : memref<32x128xf32, #tpu.memory_space<vmem>>, vector<16xf32>,
    %swap3A_765 = arith.constant 23 : i32
    %swap3A_766 = arith.index_cast %swap3A_765 : i32 to index
    %swap3A_767 = arith.constant 112 : index
    %swap3A_768 = tpu.vector_load %arg16[%swap3A_766, %swap3A_767] {strides = array<i32>} : memref<32x128xf32, #tpu.memory_space<vmem>>, vector<16xf32>,
    tpu.vector_store %arg16[%swap3A_766, %swap3A_767], %broadcast_in_dim3A_1 {strides = array<i32>} : memref<32x128xf32, #tpu.memory_space<vmem>>, vector<16xf32>,
    %swap3A_769 = arith.constant 24 : i32
    %swap3A_770 = arith.index_cast %swap3A_769 : i32 to index
    %swap3A_771 = arith.constant 0 : index
    %swap3A_772 = tpu.vector_load %arg16[%swap3A_770, %swap3A_771] {strides = array<i32>} : memref<32x128xf32, #tpu.memory_space<vmem>>, vector<16xf32>,
    tpu.vector_store %arg16[%swap3A_770, %swap3A_771], %broadcast_in_dim3A_1 {strides = array<i32>} : memref<32x128xf32, #tpu.memory_space<vmem>>, vector<16xf32>,
    %swap3A_773 = arith.constant 24 : i32
    %swap3A_774 = arith.index_cast %swap3A_773 : i32 to index
    %swap3A_775 = arith.constant 16 : index
    %swap3A_776 = tpu.vector_load %arg16[%swap3A_774, %swap3A_775] {strides = array<i32>} : memref<32x128xf32, #tpu.memory_space<vmem>>, vector<16xf32>,
    tpu.vector_store %arg16[%swap3A_774, %swap3A_775], %broadcast_in_dim3A_1 {strides = array<i32>} : memref<32x128xf32, #tpu.memory_space<vmem>>, vector<16xf32>,
    %swap3A_777 = arith.constant 24 : i32
    %swap3A_778 = arith.index_cast %swap3A_777 : i32 to index
    %swap3A_779 = arith.constant 32 : index
    %swap3A_780 = tpu.vector_load %arg16[%swap3A_778, %swap3A_779] {strides = array<i32>} : memref<32x128xf32, #tpu.memory_space<vmem>>, vector<16xf32>,
    tpu.vector_store %arg16[%swap3A_778, %swap3A_779], %broadcast_in_dim3A_1 {strides = array<i32>} : memref<32x128xf32, #tpu.memory_space<vmem>>, vector<16xf32>,
    %swap3A_781 = arith.constant 24 : i32
    %swap3A_782 = arith.index_cast %swap3A_781 : i32 to index
    %swap3A_783 = arith.constant 48 : index
    %swap3A_784 = tpu.vector_load %arg16[%swap3A_782, %swap3A_783] {strides = array<i32>} : memref<32x128xf32, #tpu.memory_space<vmem>>, vector<16xf32>,
    tpu.vector_store %arg16[%swap3A_782, %swap3A_783], %broadcast_in_dim3A_1 {strides = array<i32>} : memref<32x128xf32, #tpu.memory_space<vmem>>, vector<16xf32>,
    %swap3A_785 = arith.constant 24 : i32
    %swap3A_786 = arith.index_cast %swap3A_785 : i32 to index
    %swap3A_787 = arith.constant 64 : index
    %swap3A_788 = tpu.vector_load %arg16[%swap3A_786, %swap3A_787] {strides = array<i32>} : memref<32x128xf32, #tpu.memory_space<vmem>>, vector<16xf32>,
    tpu.vector_store %arg16[%swap3A_786, %swap3A_787], %broadcast_in_dim3A_1 {strides = array<i32>} : memref<32x128xf32, #tpu.memory_space<vmem>>, vector<16xf32>,
    %swap3A_789 = arith.constant 24 : i32
    %swap3A_790 = arith.index_cast %swap3A_789 : i32 to index
    %swap3A_791 = arith.constant 80 : index
    %swap3A_792 = tpu.vector_load %arg16[%swap3A_790, %swap3A_791] {strides = array<i32>} : memref<32x128xf32, #tpu.memory_space<vmem>>, vector<16xf32>,
    tpu.vector_store %arg16[%swap3A_790, %swap3A_791], %broadcast_in_dim3A_1 {strides = array<i32>} : memref<32x128xf32, #tpu.memory_space<vmem>>, vector<16xf32>,
    %swap3A_793 = arith.constant 24 : i32
    %swap3A_794 = arith.index_cast %swap3A_793 : i32 to index
    %swap3A_795 = arith.constant 96 : index
    %swap3A_796 = tpu.vector_load %arg16[%swap3A_794, %swap3A_795] {strides = array<i32>} : memref<32x128xf32, #tpu.memory_space<vmem>>, vector<16xf32>,
    tpu.vector_store %arg16[%swap3A_794, %swap3A_795], %broadcast_in_dim3A_1 {strides = array<i32>} : memref<32x128xf32, #tpu.memory_space<vmem>>, vector<16xf32>,
    %swap3A_797 = arith.constant 24 : i32
    %swap3A_798 = arith.index_cast %swap3A_797 : i32 to index
    %swap3A_799 = arith.constant 112 : index
    %swap3A_800 = tpu.vector_load %arg16[%swap3A_798, %swap3A_799] {strides = array<i32>} : memref<32x128xf32, #tpu.memory_space<vmem>>, vector<16xf32>,
    tpu.vector_store %arg16[%swap3A_798, %swap3A_799], %broadcast_in_dim3A_1 {strides = array<i32>} : memref<32x128xf32, #tpu.memory_space<vmem>>, vector<16xf32>,
    %swap3A_801 = arith.constant 25 : i32
    %swap3A_802 = arith.index_cast %swap3A_801 : i32 to index
    %swap3A_803 = arith.constant 0 : index
    %swap3A_804 = tpu.vector_load %arg16[%swap3A_802, %swap3A_803] {strides = array<i32>} : memref<32x128xf32, #tpu.memory_space<vmem>>, vector<16xf32>,
    tpu.vector_store %arg16[%swap3A_802, %swap3A_803], %broadcast_in_dim3A_1 {strides = array<i32>} : memref<32x128xf32, #tpu.memory_space<vmem>>, vector<16xf32>,
    %swap3A_805 = arith.constant 25 : i32
    %swap3A_806 = arith.index_cast %swap3A_805 : i32 to index
    %swap3A_807 = arith.constant 16 : index
    %swap3A_808 = tpu.vector_load %arg16[%swap3A_806, %swap3A_807] {strides = array<i32>} : memref<32x128xf32, #tpu.memory_space<vmem>>, vector<16xf32>,
    tpu.vector_store %arg16[%swap3A_806, %swap3A_807], %broadcast_in_dim3A_1 {strides = array<i32>} : memref<32x128xf32, #tpu.memory_space<vmem>>, vector<16xf32>,
    %swap3A_809 = arith.constant 25 : i32
    %swap3A_810 = arith.index_cast %swap3A_809 : i32 to index
    %swap3A_811 = arith.constant 32 : index
    %swap3A_812 = tpu.vector_load %arg16[%swap3A_810, %swap3A_811] {strides = array<i32>} : memref<32x128xf32, #tpu.memory_space<vmem>>, vector<16xf32>,
    tpu.vector_store %arg16[%swap3A_810, %swap3A_811], %broadcast_in_dim3A_1 {strides = array<i32>} : memref<32x128xf32, #tpu.memory_space<vmem>>, vector<16xf32>,
    %swap3A_813 = arith.constant 25 : i32
    %swap3A_814 = arith.index_cast %swap3A_813 : i32 to index
    %swap3A_815 = arith.constant 48 : index
    %swap3A_816 = tpu.vector_load %arg16[%swap3A_814, %swap3A_815] {strides = array<i32>} : memref<32x128xf32, #tpu.memory_space<vmem>>, vector<16xf32>,
    tpu.vector_store %arg16[%swap3A_814, %swap3A_815], %broadcast_in_dim3A_1 {strides = array<i32>} : memref<32x128xf32, #tpu.memory_space<vmem>>, vector<16xf32>,
    %swap3A_817 = arith.constant 25 : i32
    %swap3A_818 = arith.index_cast %swap3A_817 : i32 to index
    %swap3A_819 = arith.constant 64 : index
    %swap3A_820 = tpu.vector_load %arg16[%swap3A_818, %swap3A_819] {strides = array<i32>} : memref<32x128xf32, #tpu.memory_space<vmem>>, vector<16xf32>,
    tpu.vector_store %arg16[%swap3A_818, %swap3A_819], %broadcast_in_dim3A_1 {strides = array<i32>} : memref<32x128xf32, #tpu.memory_space<vmem>>, vector<16xf32>,
    %swap3A_821 = arith.constant 25 : i32
    %swap3A_822 = arith.index_cast %swap3A_821 : i32 to index
    %swap3A_823 = arith.constant 80 : index
    %swap3A_824 = tpu.vector_load %arg16[%swap3A_822, %swap3A_823] {strides = array<i32>} : memref<32x128xf32, #tpu.memory_space<vmem>>, vector<16xf32>,
    tpu.vector_store %arg16[%swap3A_822, %swap3A_823], %broadcast_in_dim3A_1 {strides = array<i32>} : memref<32x128xf32, #tpu.memory_space<vmem>>, vector<16xf32>,
    %swap3A_825 = arith.constant 25 : i32
    %swap3A_826 = arith.index_cast %swap3A_825 : i32 to index
    %swap3A_827 = arith.constant 96 : index
    %swap3A_828 = tpu.vector_load %arg16[%swap3A_826, %swap3A_827] {strides = array<i32>} : memref<32x128xf32, #tpu.memory_space<vmem>>, vector<16xf32>,
    tpu.vector_store %arg16[%swap3A_826, %swap3A_827], %broadcast_in_dim3A_1 {strides = array<i32>} : memref<32x128xf32, #tpu.memory_space<vmem>>, vector<16xf32>,
    %swap3A_829 = arith.constant 25 : i32
    %swap3A_830 = arith.index_cast %swap3A_829 : i32 to index
    %swap3A_831 = arith.constant 112 : index
    %swap3A_832 = tpu.vector_load %arg16[%swap3A_830, %swap3A_831] {strides = array<i32>} : memref<32x128xf32, #tpu.memory_space<vmem>>, vector<16xf32>,
    tpu.vector_store %arg16[%swap3A_830, %swap3A_831], %broadcast_in_dim3A_1 {strides = array<i32>} : memref<32x128xf32, #tpu.memory_space<vmem>>, vector<16xf32>,
    %swap3A_833 = arith.constant 26 : i32
    %swap3A_834 = arith.index_cast %swap3A_833 : i32 to index
    %swap3A_835 = arith.constant 0 : index
    %swap3A_836 = tpu.vector_load %arg16[%swap3A_834, %swap3A_835] {strides = array<i32>} : memref<32x128xf32, #tpu.memory_space<vmem>>, vector<16xf32>,
    tpu.vector_store %arg16[%swap3A_834, %swap3A_835], %broadcast_in_dim3A_1 {strides = array<i32>} : memref<32x128xf32, #tpu.memory_space<vmem>>, vector<16xf32>,
    %swap3A_837 = arith.constant 26 : i32
    %swap3A_838 = arith.index_cast %swap3A_837 : i32 to index
    %swap3A_839 = arith.constant 16 : index
    %swap3A_840 = tpu.vector_load %arg16[%swap3A_838, %swap3A_839] {strides = array<i32>} : memref<32x128xf32, #tpu.memory_space<vmem>>, vector<16xf32>,
    tpu.vector_store %arg16[%swap3A_838, %swap3A_839], %broadcast_in_dim3A_1 {strides = array<i32>} : memref<32x128xf32, #tpu.memory_space<vmem>>, vector<16xf32>,
    %swap3A_841 = arith.constant 26 : i32
    %swap3A_842 = arith.index_cast %swap3A_841 : i32 to index
    %swap3A_843 = arith.constant 32 : index
    %swap3A_844 = tpu.vector_load %arg16[%swap3A_842, %swap3A_843] {strides = array<i32>} : memref<32x128xf32, #tpu.memory_space<vmem>>, vector<16xf32>,
    tpu.vector_store %arg16[%swap3A_842, %swap3A_843], %broadcast_in_dim3A_1 {strides = array<i32>} : memref<32x128xf32, #tpu.memory_space<vmem>>, vector<16xf32>,
    %swap3A_845 = arith.constant 26 : i32
    %swap3A_846 = arith.index_cast %swap3A_845 : i32 to index
    %swap3A_847 = arith.constant 48 : index
    %swap3A_848 = tpu.vector_load %arg16[%swap3A_846, %swap3A_847] {strides = array<i32>} : memref<32x128xf32, #tpu.memory_space<vmem>>, vector<16xf32>,
    tpu.vector_store %arg16[%swap3A_846, %swap3A_847], %broadcast_in_dim3A_1 {strides = array<i32>} : memref<32x128xf32, #tpu.memory_space<vmem>>, vector<16xf32>,
    %swap3A_849 = arith.constant 26 : i32
    %swap3A_850 = arith.index_cast %swap3A_849 : i32 to index
    %swap3A_851 = arith.constant 64 : index
    %swap3A_852 = tpu.vector_load %arg16[%swap3A_850, %swap3A_851] {strides = array<i32>} : memref<32x128xf32, #tpu.memory_space<vmem>>, vector<16xf32>,
    tpu.vector_store %arg16[%swap3A_850, %swap3A_851], %broadcast_in_dim3A_1 {strides = array<i32>} : memref<32x128xf32, #tpu.memory_space<vmem>>, vector<16xf32>,
    %swap3A_853 = arith.constant 26 : i32
    %swap3A_854 = arith.index_cast %swap3A_853 : i32 to index
    %swap3A_855 = arith.constant 80 : index
    %swap3A_856 = tpu.vector_load %arg16[%swap3A_854, %swap3A_855] {strides = array<i32>} : memref<32x128xf32, #tpu.memory_space<vmem>>, vector<16xf32>,
    tpu.vector_store %arg16[%swap3A_854, %swap3A_855], %broadcast_in_dim3A_1 {strides = array<i32>} : memref<32x128xf32, #tpu.memory_space<vmem>>, vector<16xf32>,
    %swap3A_857 = arith.constant 26 : i32
    %swap3A_858 = arith.index_cast %swap3A_857 : i32 to index
    %swap3A_859 = arith.constant 96 : index
    %swap3A_860 = tpu.vector_load %arg16[%swap3A_858, %swap3A_859] {strides = array<i32>} : memref<32x128xf32, #tpu.memory_space<vmem>>, vector<16xf32>,
    tpu.vector_store %arg16[%swap3A_858, %swap3A_859], %broadcast_in_dim3A_1 {strides = array<i32>} : memref<32x128xf32, #tpu.memory_space<vmem>>, vector<16xf32>,
    %swap3A_861 = arith.constant 26 : i32
    %swap3A_862 = arith.index_cast %swap3A_861 : i32 to index
    %swap3A_863 = arith.constant 112 : index
    %swap3A_864 = tpu.vector_load %arg16[%swap3A_862, %swap3A_863] {strides = array<i32>} : memref<32x128xf32, #tpu.memory_space<vmem>>, vector<16xf32>,
    tpu.vector_store %arg16[%swap3A_862, %swap3A_863], %broadcast_in_dim3A_1 {strides = array<i32>} : memref<32x128xf32, #tpu.memory_space<vmem>>, vector<16xf32>,
    %swap3A_865 = arith.constant 27 : i32
    %swap3A_866 = arith.index_cast %swap3A_865 : i32 to index
    %swap3A_867 = arith.constant 0 : index
    %swap3A_868 = tpu.vector_load %arg16[%swap3A_866, %swap3A_867] {strides = array<i32>} : memref<32x128xf32, #tpu.memory_space<vmem>>, vector<16xf32>,
    tpu.vector_store %arg16[%swap3A_866, %swap3A_867], %broadcast_in_dim3A_1 {strides = array<i32>} : memref<32x128xf32, #tpu.memory_space<vmem>>, vector<16xf32>,
    %swap3A_869 = arith.constant 27 : i32
    %swap3A_870 = arith.index_cast %swap3A_869 : i32 to index
    %swap3A_871 = arith.constant 16 : index
    %swap3A_872 = tpu.vector_load %arg16[%swap3A_870, %swap3A_871] {strides = array<i32>} : memref<32x128xf32, #tpu.memory_space<vmem>>, vector<16xf32>,
    tpu.vector_store %arg16[%swap3A_870, %swap3A_871], %broadcast_in_dim3A_1 {strides = array<i32>} : memref<32x128xf32, #tpu.memory_space<vmem>>, vector<16xf32>,
    %swap3A_873 = arith.constant 27 : i32
    %swap3A_874 = arith.index_cast %swap3A_873 : i32 to index
    %swap3A_875 = arith.constant 32 : index
    %swap3A_876 = tpu.vector_load %arg16[%swap3A_874, %swap3A_875] {strides = array<i32>} : memref<32x128xf32, #tpu.memory_space<vmem>>, vector<16xf32>,
    tpu.vector_store %arg16[%swap3A_874, %swap3A_875], %broadcast_in_dim3A_1 {strides = array<i32>} : memref<32x128xf32, #tpu.memory_space<vmem>>, vector<16xf32>,
    %swap3A_877 = arith.constant 27 : i32
    %swap3A_878 = arith.index_cast %swap3A_877 : i32 to index
    %swap3A_879 = arith.constant 48 : index
    %swap3A_880 = tpu.vector_load %arg16[%swap3A_878, %swap3A_879] {strides = array<i32>} : memref<32x128xf32, #tpu.memory_space<vmem>>, vector<16xf32>,
    tpu.vector_store %arg16[%swap3A_878, %swap3A_879], %broadcast_in_dim3A_1 {strides = array<i32>} : memref<32x128xf32, #tpu.memory_space<vmem>>, vector<16xf32>,
    %swap3A_881 = arith.constant 27 : i32
    %swap3A_882 = arith.index_cast %swap3A_881 : i32 to index
    %swap3A_883 = arith.constant 64 : index
    %swap3A_884 = tpu.vector_load %arg16[%swap3A_882, %swap3A_883] {strides = array<i32>} : memref<32x128xf32, #tpu.memory_space<vmem>>, vector<16xf32>,
    tpu.vector_store %arg16[%swap3A_882, %swap3A_883], %broadcast_in_dim3A_1 {strides = array<i32>} : memref<32x128xf32, #tpu.memory_space<vmem>>, vector<16xf32>,
    %swap3A_885 = arith.constant 27 : i32
    %swap3A_886 = arith.index_cast %swap3A_885 : i32 to index
    %swap3A_887 = arith.constant 80 : index
    %swap3A_888 = tpu.vector_load %arg16[%swap3A_886, %swap3A_887] {strides = array<i32>} : memref<32x128xf32, #tpu.memory_space<vmem>>, vector<16xf32>,
    tpu.vector_store %arg16[%swap3A_886, %swap3A_887], %broadcast_in_dim3A_1 {strides = array<i32>} : memref<32x128xf32, #tpu.memory_space<vmem>>, vector<16xf32>,
    %swap3A_889 = arith.constant 27 : i32
    %swap3A_890 = arith.index_cast %swap3A_889 : i32 to index
    %swap3A_891 = arith.constant 96 : index
    %swap3A_892 = tpu.vector_load %arg16[%swap3A_890, %swap3A_891] {strides = array<i32>} : memref<32x128xf32, #tpu.memory_space<vmem>>, vector<16xf32>,
    tpu.vector_store %arg16[%swap3A_890, %swap3A_891], %broadcast_in_dim3A_1 {strides = array<i32>} : memref<32x128xf32, #tpu.memory_space<vmem>>, vector<16xf32>,
    %swap3A_893 = arith.constant 27 : i32
    %swap3A_894 = arith.index_cast %swap3A_893 : i32 to index
    %swap3A_895 = arith.constant 112 : index
    %swap3A_896 = tpu.vector_load %arg16[%swap3A_894, %swap3A_895] {strides = array<i32>} : memref<32x128xf32, #tpu.memory_space<vmem>>, vector<16xf32>,
    tpu.vector_store %arg16[%swap3A_894, %swap3A_895], %broadcast_in_dim3A_1 {strides = array<i32>} : memref<32x128xf32, #tpu.memory_space<vmem>>, vector<16xf32>,
    %swap3A_897 = arith.constant 28 : i32
    %swap3A_898 = arith.index_cast %swap3A_897 : i32 to index
    %swap3A_899 = arith.constant 0 : index
    %swap3A_900 = tpu.vector_load %arg16[%swap3A_898, %swap3A_899] {strides = array<i32>} : memref<32x128xf32, #tpu.memory_space<vmem>>, vector<16xf32>,
    tpu.vector_store %arg16[%swap3A_898, %swap3A_899], %broadcast_in_dim3A_1 {strides = array<i32>} : memref<32x128xf32, #tpu.memory_space<vmem>>, vector<16xf32>,
    %swap3A_901 = arith.constant 28 : i32
    %swap3A_902 = arith.index_cast %swap3A_901 : i32 to index
    %swap3A_903 = arith.constant 16 : index
    %swap3A_904 = tpu.vector_load %arg16[%swap3A_902, %swap3A_903] {strides = array<i32>} : memref<32x128xf32, #tpu.memory_space<vmem>>, vector<16xf32>,
    tpu.vector_store %arg16[%swap3A_902, %swap3A_903], %broadcast_in_dim3A_1 {strides = array<i32>} : memref<32x128xf32, #tpu.memory_space<vmem>>, vector<16xf32>,
    %swap3A_905 = arith.constant 28 : i32
    %swap3A_906 = arith.index_cast %swap3A_905 : i32 to index
    %swap3A_907 = arith.constant 32 : index
    %swap3A_908 = tpu.vector_load %arg16[%swap3A_906, %swap3A_907] {strides = array<i32>} : memref<32x128xf32, #tpu.memory_space<vmem>>, vector<16xf32>,
    tpu.vector_store %arg16[%swap3A_906, %swap3A_907], %broadcast_in_dim3A_1 {strides = array<i32>} : memref<32x128xf32, #tpu.memory_space<vmem>>, vector<16xf32>,
    %swap3A_909 = arith.constant 28 : i32
    %swap3A_910 = arith.index_cast %swap3A_909 : i32 to index
    %swap3A_911 = arith.constant 48 : index
    %swap3A_912 = tpu.vector_load %arg16[%swap3A_910, %swap3A_911] {strides = array<i32>} : memref<32x128xf32, #tpu.memory_space<vmem>>, vector<16xf32>,
    tpu.vector_store %arg16[%swap3A_910, %swap3A_911], %broadcast_in_dim3A_1 {strides = array<i32>} : memref<32x128xf32, #tpu.memory_space<vmem>>, vector<16xf32>,
    %swap3A_913 = arith.constant 28 : i32
    %swap3A_914 = arith.index_cast %swap3A_913 : i32 to index
    %swap3A_915 = arith.constant 64 : index
    %swap3A_916 = tpu.vector_load %arg16[%swap3A_914, %swap3A_915] {strides = array<i32>} : memref<32x128xf32, #tpu.memory_space<vmem>>, vector<16xf32>,
    tpu.vector_store %arg16[%swap3A_914, %swap3A_915], %broadcast_in_dim3A_1 {strides = array<i32>} : memref<32x128xf32, #tpu.memory_space<vmem>>, vector<16xf32>,
    %swap3A_917 = arith.constant 28 : i32
    %swap3A_918 = arith.index_cast %swap3A_917 : i32 to index
    %swap3A_919 = arith.constant 80 : index
    %swap3A_920 = tpu.vector_load %arg16[%swap3A_918, %swap3A_919] {strides = array<i32>} : memref<32x128xf32, #tpu.memory_space<vmem>>, vector<16xf32>,
    tpu.vector_store %arg16[%swap3A_918, %swap3A_919], %broadcast_in_dim3A_1 {strides = array<i32>} : memref<32x128xf32, #tpu.memory_space<vmem>>, vector<16xf32>,
    %swap3A_921 = arith.constant 28 : i32
    %swap3A_922 = arith.index_cast %swap3A_921 : i32 to index
    %swap3A_923 = arith.constant 96 : index
    %swap3A_924 = tpu.vector_load %arg16[%swap3A_922, %swap3A_923] {strides = array<i32>} : memref<32x128xf32, #tpu.memory_space<vmem>>, vector<16xf32>,
    tpu.vector_store %arg16[%swap3A_922, %swap3A_923], %broadcast_in_dim3A_1 {strides = array<i32>} : memref<32x128xf32, #tpu.memory_space<vmem>>, vector<16xf32>,
    %swap3A_925 = arith.constant 28 : i32
    %swap3A_926 = arith.index_cast %swap3A_925 : i32 to index
    %swap3A_927 = arith.constant 112 : index
    %swap3A_928 = tpu.vector_load %arg16[%swap3A_926, %swap3A_927] {strides = array<i32>} : memref<32x128xf32, #tpu.memory_space<vmem>>, vector<16xf32>,
    tpu.vector_store %arg16[%swap3A_926, %swap3A_927], %broadcast_in_dim3A_1 {strides = array<i32>} : memref<32x128xf32, #tpu.memory_space<vmem>>, vector<16xf32>,
    %swap3A_929 = arith.constant 29 : i32
    %swap3A_930 = arith.index_cast %swap3A_929 : i32 to index
    %swap3A_931 = arith.constant 0 : index
    %swap3A_932 = tpu.vector_load %arg16[%swap3A_930, %swap3A_931] {strides = array<i32>} : memref<32x128xf32, #tpu.memory_space<vmem>>, vector<16xf32>,
    tpu.vector_store %arg16[%swap3A_930, %swap3A_931], %broadcast_in_dim3A_1 {strides = array<i32>} : memref<32x128xf32, #tpu.memory_space<vmem>>, vector<16xf32>,
    %swap3A_933 = arith.constant 29 : i32
    %swap3A_934 = arith.index_cast %swap3A_933 : i32 to index
    %swap3A_935 = arith.constant 16 : index
    %swap3A_936 = tpu.vector_load %arg16[%swap3A_934, %swap3A_935] {strides = array<i32>} : memref<32x128xf32, #tpu.memory_space<vmem>>, vector<16xf32>,
    tpu.vector_store %arg16[%swap3A_934, %swap3A_935], %broadcast_in_dim3A_1 {strides = array<i32>} : memref<32x128xf32, #tpu.memory_space<vmem>>, vector<16xf32>,
    %swap3A_937 = arith.constant 29 : i32
    %swap3A_938 = arith.index_cast %swap3A_937 : i32 to index
    %swap3A_939 = arith.constant 32 : index
    %swap3A_940 = tpu.vector_load %arg16[%swap3A_938, %swap3A_939] {strides = array<i32>} : memref<32x128xf32, #tpu.memory_space<vmem>>, vector<16xf32>,
    tpu.vector_store %arg16[%swap3A_938, %swap3A_939], %broadcast_in_dim3A_1 {strides = array<i32>} : memref<32x128xf32, #tpu.memory_space<vmem>>, vector<16xf32>,
    %swap3A_941 = arith.constant 29 : i32
    %swap3A_942 = arith.index_cast %swap3A_941 : i32 to index
    %swap3A_943 = arith.constant 48 : index
    %swap3A_944 = tpu.vector_load %arg16[%swap3A_942, %swap3A_943] {strides = array<i32>} : memref<32x128xf32, #tpu.memory_space<vmem>>, vector<16xf32>,
    tpu.vector_store %arg16[%swap3A_942, %swap3A_943], %broadcast_in_dim3A_1 {strides = array<i32>} : memref<32x128xf32, #tpu.memory_space<vmem>>, vector<16xf32>,
    %swap3A_945 = arith.constant 29 : i32
    %swap3A_946 = arith.index_cast %swap3A_945 : i32 to index
    %swap3A_947 = arith.constant 64 : index
    %swap3A_948 = tpu.vector_load %arg16[%swap3A_946, %swap3A_947] {strides = array<i32>} : memref<32x128xf32, #tpu.memory_space<vmem>>, vector<16xf32>,
    tpu.vector_store %arg16[%swap3A_946, %swap3A_947], %broadcast_in_dim3A_1 {strides = array<i32>} : memref<32x128xf32, #tpu.memory_space<vmem>>, vector<16xf32>,
    %swap3A_949 = arith.constant 29 : i32
    %swap3A_950 = arith.index_cast %swap3A_949 : i32 to index
    %swap3A_951 = arith.constant 80 : index
    %swap3A_952 = tpu.vector_load %arg16[%swap3A_950, %swap3A_951] {strides = array<i32>} : memref<32x128xf32, #tpu.memory_space<vmem>>, vector<16xf32>,
    tpu.vector_store %arg16[%swap3A_950, %swap3A_951], %broadcast_in_dim3A_1 {strides = array<i32>} : memref<32x128xf32, #tpu.memory_space<vmem>>, vector<16xf32>,
    %swap3A_953 = arith.constant 29 : i32
    %swap3A_954 = arith.index_cast %swap3A_953 : i32 to index
    %swap3A_955 = arith.constant 96 : index
    %swap3A_956 = tpu.vector_load %arg16[%swap3A_954, %swap3A_955] {strides = array<i32>} : memref<32x128xf32, #tpu.memory_space<vmem>>, vector<16xf32>,
    tpu.vector_store %arg16[%swap3A_954, %swap3A_955], %broadcast_in_dim3A_1 {strides = array<i32>} : memref<32x128xf32, #tpu.memory_space<vmem>>, vector<16xf32>,
    %swap3A_957 = arith.constant 29 : i32
    %swap3A_958 = arith.index_cast %swap3A_957 : i32 to index
    %swap3A_959 = arith.constant 112 : index
    %swap3A_960 = tpu.vector_load %arg16[%swap3A_958, %swap3A_959] {strides = array<i32>} : memref<32x128xf32, #tpu.memory_space<vmem>>, vector<16xf32>,
    tpu.vector_store %arg16[%swap3A_958, %swap3A_959], %broadcast_in_dim3A_1 {strides = array<i32>} : memref<32x128xf32, #tpu.memory_space<vmem>>, vector<16xf32>,
    %swap3A_961 = arith.constant 30 : i32
    %swap3A_962 = arith.index_cast %swap3A_961 : i32 to index
    %swap3A_963 = arith.constant 0 : index
    %swap3A_964 = tpu.vector_load %arg16[%swap3A_962, %swap3A_963] {strides = array<i32>} : memref<32x128xf32, #tpu.memory_space<vmem>>, vector<16xf32>,
    tpu.vector_store %arg16[%swap3A_962, %swap3A_963], %broadcast_in_dim3A_1 {strides = array<i32>} : memref<32x128xf32, #tpu.memory_space<vmem>>, vector<16xf32>,
    %swap3A_965 = arith.constant 30 : i32
    %swap3A_966 = arith.index_cast %swap3A_965 : i32 to index
    %swap3A_967 = arith.constant 16 : index
    %swap3A_968 = tpu.vector_load %arg16[%swap3A_966, %swap3A_967] {strides = array<i32>} : memref<32x128xf32, #tpu.memory_space<vmem>>, vector<16xf32>,
    tpu.vector_store %arg16[%swap3A_966, %swap3A_967], %broadcast_in_dim3A_1 {strides = array<i32>} : memref<32x128xf32, #tpu.memory_space<vmem>>, vector<16xf32>,
    %swap3A_969 = arith.constant 30 : i32
    %swap3A_970 = arith.index_cast %swap3A_969 : i32 to index
    %swap3A_971 = arith.constant 32 : index
    %swap3A_972 = tpu.vector_load %arg16[%swap3A_970, %swap3A_971] {strides = array<i32>} : memref<32x128xf32, #tpu.memory_space<vmem>>, vector<16xf32>,
    tpu.vector_store %arg16[%swap3A_970, %swap3A_971], %broadcast_in_dim3A_1 {strides = array<i32>} : memref<32x128xf32, #tpu.memory_space<vmem>>, vector<16xf32>,
    %swap3A_973 = arith.constant 30 : i32
    %swap3A_974 = arith.index_cast %swap3A_973 : i32 to index
    %swap3A_975 = arith.constant 48 : index
    %swap3A_976 = tpu.vector_load %arg16[%swap3A_974, %swap3A_975] {strides = array<i32>} : memref<32x128xf32, #tpu.memory_space<vmem>>, vector<16xf32>,
    tpu.vector_store %arg16[%swap3A_974, %swap3A_975], %broadcast_in_dim3A_1 {strides = array<i32>} : memref<32x128xf32, #tpu.memory_space<vmem>>, vector<16xf32>,
    %swap3A_977 = arith.constant 30 : i32
    %swap3A_978 = arith.index_cast %swap3A_977 : i32 to index
    %swap3A_979 = arith.constant 64 : index
    %swap3A_980 = tpu.vector_load %arg16[%swap3A_978, %swap3A_979] {strides = array<i32>} : memref<32x128xf32, #tpu.memory_space<vmem>>, vector<16xf32>,
    tpu.vector_store %arg16[%swap3A_978, %swap3A_979], %broadcast_in_dim3A_1 {strides = array<i32>} : memref<32x128xf32, #tpu.memory_space<vmem>>, vector<16xf32>,
    %swap3A_981 = arith.constant 30 : i32
    %swap3A_982 = arith.index_cast %swap3A_981 : i32 to index
    %swap3A_983 = arith.constant 80 : index
    %swap3A_984 = tpu.vector_load %arg16[%swap3A_982, %swap3A_983] {strides = array<i32>} : memref<32x128xf32, #tpu.memory_space<vmem>>, vector<16xf32>,
    tpu.vector_store %arg16[%swap3A_982, %swap3A_983], %broadcast_in_dim3A_1 {strides = array<i32>} : memref<32x128xf32, #tpu.memory_space<vmem>>, vector<16xf32>,
    %swap3A_985 = arith.constant 30 : i32
    %swap3A_986 = arith.index_cast %swap3A_985 : i32 to index
    %swap3A_987 = arith.constant 96 : index
    %swap3A_988 = tpu.vector_load %arg16[%swap3A_986, %swap3A_987] {strides = array<i32>} : memref<32x128xf32, #tpu.memory_space<vmem>>, vector<16xf32>,
    tpu.vector_store %arg16[%swap3A_986, %swap3A_987], %broadcast_in_dim3A_1 {strides = array<i32>} : memref<32x128xf32, #tpu.memory_space<vmem>>, vector<16xf32>,
    %swap3A_989 = arith.constant 30 : i32
    %swap3A_990 = arith.index_cast %swap3A_989 : i32 to index
    %swap3A_991 = arith.constant 112 : index
    %swap3A_992 = tpu.vector_load %arg16[%swap3A_990, %swap3A_991] {strides = array<i32>} : memref<32x128xf32, #tpu.memory_space<vmem>>, vector<16xf32>,
    tpu.vector_store %arg16[%swap3A_990, %swap3A_991], %broadcast_in_dim3A_1 {strides = array<i32>} : memref<32x128xf32, #tpu.memory_space<vmem>>, vector<16xf32>,
    %swap3A_993 = arith.constant 31 : i32
    %swap3A_994 = arith.index_cast %swap3A_993 : i32 to index
    %swap3A_995 = arith.constant 0 : index
    %swap3A_996 = tpu.vector_load %arg16[%swap3A_994, %swap3A_995] {strides = array<i32>} : memref<32x128xf32, #tpu.memory_space<vmem>>, vector<16xf32>,
    tpu.vector_store %arg16[%swap3A_994, %swap3A_995], %broadcast_in_dim3A_1 {strides = array<i32>} : memref<32x128xf32, #tpu.memory_space<vmem>>, vector<16xf32>,
    %swap3A_997 = arith.constant 31 : i32
    %swap3A_998 = arith.index_cast %swap3A_997 : i32 to index
    %swap3A_999 = arith.constant 16 : index
    %swap3A_1000 = tpu.vector_load %arg16[%swap3A_998, %swap3A_999] {strides = array<i32>} : memref<32x128xf32, #tpu.memory_space<vmem>>, vector<16xf32>,
    tpu.vector_store %arg16[%swap3A_998, %swap3A_999], %broadcast_in_dim3A_1 {strides = array<i32>} : memref<32x128xf32, #tpu.memory_space<vmem>>, vector<16xf32>,
    %swap3A_1001 = arith.constant 31 : i32
    %swap3A_1002 = arith.index_cast %swap3A_1001 : i32 to index
    %swap3A_1003 = arith.constant 32 : index
    %swap3A_1004 = tpu.vector_load %arg16[%swap3A_1002, %swap3A_1003] {strides = array<i32>} : memref<32x128xf32, #tpu.memory_space<vmem>>, vector<16xf32>,
    tpu.vector_store %arg16[%swap3A_1002, %swap3A_1003], %broadcast_in_dim3A_1 {strides = array<i32>} : memref<32x128xf32, #tpu.memory_space<vmem>>, vector<16xf32>,
    %swap3A_1005 = arith.constant 31 : i32
    %swap3A_1006 = arith.index_cast %swap3A_1005 : i32 to index
    %swap3A_1007 = arith.constant 48 : index
    %swap3A_1008 = tpu.vector_load %arg16[%swap3A_1006, %swap3A_1007] {strides = array<i32>} : memref<32x128xf32, #tpu.memory_space<vmem>>, vector<16xf32>,
    tpu.vector_store %arg16[%swap3A_1006, %swap3A_1007], %broadcast_in_dim3A_1 {strides = array<i32>} : memref<32x128xf32, #tpu.memory_space<vmem>>, vector<16xf32>,
    %swap3A_1009 = arith.constant 31 : i32
    %swap3A_1010 = arith.index_cast %swap3A_1009 : i32 to index
    %swap3A_1011 = arith.constant 64 : index
    %swap3A_1012 = tpu.vector_load %arg16[%swap3A_1010, %swap3A_1011] {strides = array<i32>} : memref<32x128xf32, #tpu.memory_space<vmem>>, vector<16xf32>,
    tpu.vector_store %arg16[%swap3A_1010, %swap3A_1011], %broadcast_in_dim3A_1 {strides = array<i32>} : memref<32x128xf32, #tpu.memory_space<vmem>>, vector<16xf32>,
    %swap3A_1013 = arith.constant 31 : i32
    %swap3A_1014 = arith.index_cast %swap3A_1013 : i32 to index
    %swap3A_1015 = arith.constant 80 : index
    %swap3A_1016 = tpu.vector_load %arg16[%swap3A_1014, %swap3A_1015] {strides = array<i32>} : memref<32x128xf32, #tpu.memory_space<vmem>>, vector<16xf32>,
    tpu.vector_store %arg16[%swap3A_1014, %swap3A_1015], %broadcast_in_dim3A_1 {strides = array<i32>} : memref<32x128xf32, #tpu.memory_space<vmem>>, vector<16xf32>,
    %swap3A_1017 = arith.constant 31 : i32
    %swap3A_1018 = arith.index_cast %swap3A_1017 : i32 to index
    %swap3A_1019 = arith.constant 96 : index
    %swap3A_1020 = tpu.vector_load %arg16[%swap3A_1018, %swap3A_1019] {strides = array<i32>} : memref<32x128xf32, #tpu.memory_space<vmem>>, vector<16xf32>,
    tpu.vector_store %arg16[%swap3A_1018, %swap3A_1019], %broadcast_in_dim3A_1 {strides = array<i32>} : memref<32x128xf32, #tpu.memory_space<vmem>>, vector<16xf32>,
    %swap3A_1021 = arith.constant 31 : i32
    %swap3A_1022 = arith.index_cast %swap3A_1021 : i32 to index
    %swap3A_1023 = arith.constant 112 : index
    %swap3A_1024 = tpu.vector_load %arg16[%swap3A_1022, %swap3A_1023] {strides = array<i32>} : memref<32x128xf32, #tpu.memory_space<vmem>>, vector<16xf32>,
    tpu.vector_store %arg16[%swap3A_1022, %swap3A_1023], %broadcast_in_dim3A_1 {strides = array<i32>} : memref<32x128xf32, #tpu.memory_space<vmem>>, vector<16xf32>,
    %mul3A_1025 = arith.constant 131072 : i32
    %mul3A_1026 = arith.muli %arg0, %mul3A_1025 : i32
    %scan3A = arith.constant 0 : i32
    %scan3A_1027 = arith.constant 0 : i32
    %scan3A_1028 = arith.constant 64 : i32
    %scan3A_1029 = arith.addi %scan3A_1027, %scan3A_1028 : i32
    %scan3A_1030 = arith.constant 1 : i32
    %scan3A_1031 = scf.for %scan3A_1424 = %scan3A_1027 to %scan3A_1029 step %scan3A_1030 iter_args(%scan3A_1425 = %scan3A) -> (i32)  : i32 {
      %mul3A_1426 = arith.constant 8 : i32
      %mul3A_1427 = arith.muli %scan3A_1424, %mul3A_1426 : i32
      %add3A_1428 = arith.constant 0 : i32
      %add3A_1429 = arith.addi %mul3A_1427, %add3A_1428 : i32
      %mul3A_1430 = arith.constant 16 : i32
      %mul3A_1431 = arith.muli %add3A_1429, %mul3A_1430 : i32
      %get3A_1432 = arith.index_cast %mul3A_1431 : i32 to index
      %get3A_1433 = tpu.vector_load %arg5[%get3A_1432] {strides = array<i32>} : memref<8192xi32, #tpu.memory_space<vmem>>, vector<16xi32>,
      %ge3A = vector.broadcast %mul3A_1026 : i32 to vector<16xi32>
      %ge3A_1434 = arith.cmpi sge, %get3A_1433, %ge3A : vector<16xi32>
      %add3A_1435 = arith.constant 131072 : i32
      %add3A_1436 = arith.addi %mul3A_1026, %add3A_1435 : i32
      %lt3A_1437 = vector.broadcast %add3A_1436 : i32 to vector<16xi32>
      %lt3A_1438 = arith.cmpi slt, %get3A_1433, %lt3A_1437 : vector<16xi32>
      %and3A_1439 = arith.andi %ge3A_1434, %lt3A_1438 : vector<16xi1>
      %convert_element_type3A = arith.extui %and3A_1439 : vector<16xi1> to vector<16xi32>
      %broadcast_in_dim3A_1440 = arith.constant true
      %broadcast_in_dim3A_1441 = vector.broadcast %broadcast_in_dim3A_1440 : i1 to vector<16xi1>
      %masked_cumsum3A = tpu.scan <sum>, %convert_element_type3A masked %broadcast_in_dim3A_1441 : vector<16xi32>, vector<16xi1> -> vector<16xi32>
      %mul3A_1442 = arith.constant 8 : i32
      %mul3A_1443 = arith.muli %scan3A_1424, %mul3A_1442 : i32
      %add3A_1444 = arith.constant 1 : i32
      %add3A_1445 = arith.addi %mul3A_1443, %add3A_1444 : i32
      %mul3A_1446 = arith.constant 16 : i32
      %mul3A_1447 = arith.muli %add3A_1445, %mul3A_1446 : i32
      %get3A_1448 = arith.index_cast %mul3A_1447 : i32 to index
      %get3A_1449 = tpu.vector_load %arg5[%get3A_1448] {strides = array<i32>} : memref<8192xi32, #tpu.memory_space<vmem>>, vector<16xi32>,
      %ge3A_1450 = vector.broadcast %mul3A_1026 : i32 to vector<16xi32>
      %ge3A_1451 = arith.cmpi sge, %get3A_1449, %ge3A_1450 : vector<16xi32>
      %add3A_1452 = arith.constant 131072 : i32
      %add3A_1453 = arith.addi %mul3A_1026, %add3A_1452 : i32
      %lt3A_1454 = vector.broadcast %add3A_1453 : i32 to vector<16xi32>
      %lt3A_1455 = arith.cmpi slt, %get3A_1449, %lt3A_1454 : vector<16xi32>
      %and3A_1456 = arith.andi %ge3A_1451, %lt3A_1455 : vector<16xi1>
      %convert_element_type3A_1457 = arith.extui %and3A_1456 : vector<16xi1> to vector<16xi32>
      %broadcast_in_dim3A_1458 = arith.constant true
      %broadcast_in_dim3A_1459 = vector.broadcast %broadcast_in_dim3A_1458 : i1 to vector<16xi1>
      %masked_cumsum3A_1460 = tpu.scan <sum>, %convert_element_type3A_1457 masked %broadcast_in_dim3A_1459 : vector<16xi32>, vector<16xi1> -> vector<16xi32>
      %mul3A_1461 = arith.constant 8 : i32
      %mul3A_1462 = arith.muli %scan3A_1424, %mul3A_1461 : i32
      %add3A_1463 = arith.constant 2 : i32
      %add3A_1464 = arith.addi %mul3A_1462, %add3A_1463 : i32
      %mul3A_1465 = arith.constant 16 : i32
      %mul3A_1466 = arith.muli %add3A_1464, %mul3A_1465 : i32
      %get3A_1467 = arith.index_cast %mul3A_1466 : i32 to index
      %get3A_1468 = tpu.vector_load %arg5[%get3A_1467] {strides = array<i32>} : memref<8192xi32, #tpu.memory_space<vmem>>, vector<16xi32>,
      %ge3A_1469 = vector.broadcast %mul3A_1026 : i32 to vector<16xi32>
      %ge3A_1470 = arith.cmpi sge, %get3A_1468, %ge3A_1469 : vector<16xi32>
      %add3A_1471 = arith.constant 131072 : i32
      %add3A_1472 = arith.addi %mul3A_1026, %add3A_1471 : i32
      %lt3A_1473 = vector.broadcast %add3A_1472 : i32 to vector<16xi32>
      %lt3A_1474 = arith.cmpi slt, %get3A_1468, %lt3A_1473 : vector<16xi32>
      %and3A_1475 = arith.andi %ge3A_1470, %lt3A_1474 : vector<16xi1>
      %convert_element_type3A_1476 = arith.extui %and3A_1475 : vector<16xi1> to vector<16xi32>
      %broadcast_in_dim3A_1477 = arith.constant true
      %broadcast_in_dim3A_1478 = vector.broadcast %broadcast_in_dim3A_1477 : i1 to vector<16xi1>
      %masked_cumsum3A_1479 = tpu.scan <sum>, %convert_element_type3A_1476 masked %broadcast_in_dim3A_1478 : vector<16xi32>, vector<16xi1> -> vector<16xi32>
      %mul3A_1480 = arith.constant 8 : i32
      %mul3A_1481 = arith.muli %scan3A_1424, %mul3A_1480 : i32
      %add3A_1482 = arith.constant 3 : i32
      %add3A_1483 = arith.addi %mul3A_1481, %add3A_1482 : i32
      %mul3A_1484 = arith.constant 16 : i32
      %mul3A_1485 = arith.muli %add3A_1483, %mul3A_1484 : i32
      %get3A_1486 = arith.index_cast %mul3A_1485 : i32 to index
      %get3A_1487 = tpu.vector_load %arg5[%get3A_1486] {strides = array<i32>} : memref<8192xi32, #tpu.memory_space<vmem>>, vector<16xi32>,
      %ge3A_1488 = vector.broadcast %mul3A_1026 : i32 to vector<16xi32>
      %ge3A_1489 = arith.cmpi sge, %get3A_1487, %ge3A_1488 : vector<16xi32>
      %add3A_1490 = arith.constant 131072 : i32
      %add3A_1491 = arith.addi %mul3A_1026, %add3A_1490 : i32
      %lt3A_1492 = vector.broadcast %add3A_1491 : i32 to vector<16xi32>
      %lt3A_1493 = arith.cmpi slt, %get3A_1487, %lt3A_1492 : vector<16xi32>
      %and3A_1494 = arith.andi %ge3A_1489, %lt3A_1493 : vector<16xi1>
      %convert_element_type3A_1495 = arith.extui %and3A_1494 : vector<16xi1> to vector<16xi32>
      %broadcast_in_dim3A_1496 = arith.constant true
      %broadcast_in_dim3A_1497 = vector.broadcast %broadcast_in_dim3A_1496 : i1 to vector<16xi1>
      %masked_cumsum3A_1498 = tpu.scan <sum>, %convert_element_type3A_1495 masked %broadcast_in_dim3A_1497 : vector<16xi32>, vector<16xi1> -> vector<16xi32>
      %mul3A_1499 = arith.constant 8 : i32
      %mul3A_1500 = arith.muli %scan3A_1424, %mul3A_1499 : i32
      %add3A_1501 = arith.constant 4 : i32
      %add3A_1502 = arith.addi %mul3A_1500, %add3A_1501 : i32
      %mul3A_1503 = arith.constant 16 : i32
      %mul3A_1504 = arith.muli %add3A_1502, %mul3A_1503 : i32
      %get3A_1505 = arith.index_cast %mul3A_1504 : i32 to index
      %get3A_1506 = tpu.vector_load %arg5[%get3A_1505] {strides = array<i32>} : memref<8192xi32, #tpu.memory_space<vmem>>, vector<16xi32>,
      %ge3A_1507 = vector.broadcast %mul3A_1026 : i32 to vector<16xi32>
      %ge3A_1508 = arith.cmpi sge, %get3A_1506, %ge3A_1507 : vector<16xi32>
      %add3A_1509 = arith.constant 131072 : i32
      %add3A_1510 = arith.addi %mul3A_1026, %add3A_1509 : i32
      %lt3A_1511 = vector.broadcast %add3A_1510 : i32 to vector<16xi32>
      %lt3A_1512 = arith.cmpi slt, %get3A_1506, %lt3A_1511 : vector<16xi32>
      %and3A_1513 = arith.andi %ge3A_1508, %lt3A_1512 : vector<16xi1>
      %convert_element_type3A_1514 = arith.extui %and3A_1513 : vector<16xi1> to vector<16xi32>
      %broadcast_in_dim3A_1515 = arith.constant true
      %broadcast_in_dim3A_1516 = vector.broadcast %broadcast_in_dim3A_1515 : i1 to vector<16xi1>
      %masked_cumsum3A_1517 = tpu.scan <sum>, %convert_element_type3A_1514 masked %broadcast_in_dim3A_1516 : vector<16xi32>, vector<16xi1> -> vector<16xi32>
      %mul3A_1518 = arith.constant 8 : i32
      %mul3A_1519 = arith.muli %scan3A_1424, %mul3A_1518 : i32
      %add3A_1520 = arith.constant 5 : i32
      %add3A_1521 = arith.addi %mul3A_1519, %add3A_1520 : i32
      %mul3A_1522 = arith.constant 16 : i32
      %mul3A_1523 = arith.muli %add3A_1521, %mul3A_1522 : i32
      %get3A_1524 = arith.index_cast %mul3A_1523 : i32 to index
      %get3A_1525 = tpu.vector_load %arg5[%get3A_1524] {strides = array<i32>} : memref<8192xi32, #tpu.memory_space<vmem>>, vector<16xi32>,
      %ge3A_1526 = vector.broadcast %mul3A_1026 : i32 to vector<16xi32>
      %ge3A_1527 = arith.cmpi sge, %get3A_1525, %ge3A_1526 : vector<16xi32>
      %add3A_1528 = arith.constant 131072 : i32
      %add3A_1529 = arith.addi %mul3A_1026, %add3A_1528 : i32
      %lt3A_1530 = vector.broadcast %add3A_1529 : i32 to vector<16xi32>
      %lt3A_1531 = arith.cmpi slt, %get3A_1525, %lt3A_1530 : vector<16xi32>
      %and3A_1532 = arith.andi %ge3A_1527, %lt3A_1531 : vector<16xi1>
      %convert_element_type3A_1533 = arith.extui %and3A_1532 : vector<16xi1> to vector<16xi32>
      %broadcast_in_dim3A_1534 = arith.constant true
      %broadcast_in_dim3A_1535 = vector.broadcast %broadcast_in_dim3A_1534 : i1 to vector<16xi1>
      %masked_cumsum3A_1536 = tpu.scan <sum>, %convert_element_type3A_1533 masked %broadcast_in_dim3A_1535 : vector<16xi32>, vector<16xi1> -> vector<16xi32>
      %mul3A_1537 = arith.constant 8 : i32
      %mul3A_1538 = arith.muli %scan3A_1424, %mul3A_1537 : i32
      %add3A_1539 = arith.constant 6 : i32
      %add3A_1540 = arith.addi %mul3A_1538, %add3A_1539 : i32
      %mul3A_1541 = arith.constant 16 : i32
      %mul3A_1542 = arith.muli %add3A_1540, %mul3A_1541 : i32
      %get3A_1543 = arith.index_cast %mul3A_1542 : i32 to index
      %get3A_1544 = tpu.vector_load %arg5[%get3A_1543] {strides = array<i32>} : memref<8192xi32, #tpu.memory_space<vmem>>, vector<16xi32>,
      %ge3A_1545 = vector.broadcast %mul3A_1026 : i32 to vector<16xi32>
      %ge3A_1546 = arith.cmpi sge, %get3A_1544, %ge3A_1545 : vector<16xi32>
      %add3A_1547 = arith.constant 131072 : i32
      %add3A_1548 = arith.addi %mul3A_1026, %add3A_1547 : i32
      %lt3A_1549 = vector.broadcast %add3A_1548 : i32 to vector<16xi32>
      %lt3A_1550 = arith.cmpi slt, %get3A_1544, %lt3A_1549 : vector<16xi32>
      %and3A_1551 = arith.andi %ge3A_1546, %lt3A_1550 : vector<16xi1>
      %convert_element_type3A_1552 = arith.extui %and3A_1551 : vector<16xi1> to vector<16xi32>
      %broadcast_in_dim3A_1553 = arith.constant true
      %broadcast_in_dim3A_1554 = vector.broadcast %broadcast_in_dim3A_1553 : i1 to vector<16xi1>
      %masked_cumsum3A_1555 = tpu.scan <sum>, %convert_element_type3A_1552 masked %broadcast_in_dim3A_1554 : vector<16xi32>, vector<16xi1> -> vector<16xi32>
      %mul3A_1556 = arith.constant 8 : i32
      %mul3A_1557 = arith.muli %scan3A_1424, %mul3A_1556 : i32
      %add3A_1558 = arith.constant 7 : i32
      %add3A_1559 = arith.addi %mul3A_1557, %add3A_1558 : i32
      %mul3A_1560 = arith.constant 16 : i32
      %mul3A_1561 = arith.muli %add3A_1559, %mul3A_1560 : i32
      %get3A_1562 = arith.index_cast %mul3A_1561 : i32 to index
      %get3A_1563 = tpu.vector_load %arg5[%get3A_1562] {strides = array<i32>} : memref<8192xi32, #tpu.memory_space<vmem>>, vector<16xi32>,
      %ge3A_1564 = vector.broadcast %mul3A_1026 : i32 to vector<16xi32>
      %ge3A_1565 = arith.cmpi sge, %get3A_1563, %ge3A_1564 : vector<16xi32>
      %add3A_1566 = arith.constant 131072 : i32
      %add3A_1567 = arith.addi %mul3A_1026, %add3A_1566 : i32
      %lt3A_1568 = vector.broadcast %add3A_1567 : i32 to vector<16xi32>
      %lt3A_1569 = arith.cmpi slt, %get3A_1563, %lt3A_1568 : vector<16xi32>
      %and3A_1570 = arith.andi %ge3A_1565, %lt3A_1569 : vector<16xi1>
      %convert_element_type3A_1571 = arith.extui %and3A_1570 : vector<16xi1> to vector<16xi32>
      %broadcast_in_dim3A_1572 = arith.constant true
      %broadcast_in_dim3A_1573 = vector.broadcast %broadcast_in_dim3A_1572 : i1 to vector<16xi1>
      %masked_cumsum3A_1574 = tpu.scan <sum>, %convert_element_type3A_1571 masked %broadcast_in_dim3A_1573 : vector<16xi32>, vector<16xi1> -> vector<16xi32>
      %add3A_1575 = vector.broadcast %scan3A_1425 : i32 to vector<16xi32>
      %add3A_1576 = arith.addi %add3A_1575, %masked_cumsum3A : vector<16xi32>
      %sub3A_1577 = arith.constant 1 : i32
      %sub3A_1578 = vector.broadcast %sub3A_1577 : i32 to vector<16xi32>
      %sub3A_1579 = arith.subi %add3A_1576, %sub3A_1578 : vector<16xi32>
      %mul3A_1580 = arith.constant 8192 : i32
      %mul3A_1581 = arith.muli %arg1, %mul3A_1580 : i32
      %mul3A_1582 = arith.constant 8 : i32
      %mul3A_1583 = arith.muli %scan3A_1424, %mul3A_1582 : i32
      %add3A_1584 = arith.constant 0 : i32
      %add3A_1585 = arith.addi %mul3A_1583, %add3A_1584 : i32
      %mul3A_1586 = arith.constant 16 : i32
      %mul3A_1587 = arith.muli %add3A_1585, %mul3A_1586 : i32
      %add3A_1588 = arith.addi %mul3A_1581, %mul3A_1587 : i32
      %add3A_1589 = vector.broadcast %add3A_1588 : i32 to vector<16xi32>
      %add3A_1590 = arith.addi %add3A_1589, %iota3A : vector<16xi32>
      tpu.vector_store_idx %arg7[%sub3A_1579], %add3A_1590 masked %and3A_1439 : memref<8320xi32, #tpu.memory_space<vmem>>[vector<16xi32>], vector<16xi32>, vector<16xi1>
      tpu.vector_store_idx %arg6[%sub3A_1579], %get3A_1433 masked %and3A_1439 : memref<8320xi32, #tpu.memory_space<vmem>>[vector<16xi32>], vector<16xi32>, vector<16xi1>
      %slice3A = vector.extract_strided_slice %masked_cumsum3A {offsets = [15], sizes = [1], strides = [1]} : vector<16xi32> to vector<1xi32>
      %squeeze3A = vector.extract %slice3A[0] : i32 from vector<1xi32>
      %add3A_1591 = arith.addi %scan3A_1425, %squeeze3A : i32
      %add3A_1592 = vector.broadcast %add3A_1591 : i32 to vector<16xi32>
      %add3A_1593 = arith.addi %add3A_1592, %masked_cumsum3A_1460 : vector<16xi32>
      %sub3A_1594 = arith.constant 1 : i32
      %sub3A_1595 = vector.broadcast %sub3A_1594 : i32 to vector<16xi32>
      %sub3A_1596 = arith.subi %add3A_1593, %sub3A_1595 : vector<16xi32>
      %mul3A_1597 = arith.constant 8192 : i32
      %mul3A_1598 = arith.muli %arg1, %mul3A_1597 : i32
      %mul3A_1599 = arith.constant 8 : i32
      %mul3A_1600 = arith.muli %scan3A_1424, %mul3A_1599 : i32
      %add3A_1601 = arith.constant 1 : i32
      %add3A_1602 = arith.addi %mul3A_1600, %add3A_1601 : i32
      %mul3A_1603 = arith.constant 16 : i32
      %mul3A_1604 = arith.muli %add3A_1602, %mul3A_1603 : i32
      %add3A_1605 = arith.addi %mul3A_1598, %mul3A_1604 : i32
      %add3A_1606 = vector.broadcast %add3A_1605 : i32 to vector<16xi32>
      %add3A_1607 = arith.addi %add3A_1606, %iota3A : vector<16xi32>
      tpu.vector_store_idx %arg7[%sub3A_1596], %add3A_1607 masked %and3A_1456 : memref<8320xi32, #tpu.memory_space<vmem>>[vector<16xi32>], vector<16xi32>, vector<16xi1>
      tpu.vector_store_idx %arg6[%sub3A_1596], %get3A_1449 masked %and3A_1456 : memref<8320xi32, #tpu.memory_space<vmem>>[vector<16xi32>], vector<16xi32>, vector<16xi1>
      %slice3A_1608 = vector.extract_strided_slice %masked_cumsum3A_1460 {offsets = [15], sizes = [1], strides = [1]} : vector<16xi32> to vector<1xi32>
      %squeeze3A_1609 = vector.extract %slice3A_1608[0] : i32 from vector<1xi32>
      %add3A_1610 = arith.addi %add3A_1591, %squeeze3A_1609 : i32
      %add3A_1611 = vector.broadcast %add3A_1610 : i32 to vector<16xi32>
      %add3A_1612 = arith.addi %add3A_1611, %masked_cumsum3A_1479 : vector<16xi32>
      %sub3A_1613 = arith.constant 1 : i32
      %sub3A_1614 = vector.broadcast %sub3A_1613 : i32 to vector<16xi32>
      %sub3A_1615 = arith.subi %add3A_1612, %sub3A_1614 : vector<16xi32>
      %mul3A_1616 = arith.constant 8192 : i32
      %mul3A_1617 = arith.muli %arg1, %mul3A_1616 : i32
      %mul3A_1618 = arith.constant 8 : i32
      %mul3A_1619 = arith.muli %scan3A_1424, %mul3A_1618 : i32
      %add3A_1620 = arith.constant 2 : i32
      %add3A_1621 = arith.addi %mul3A_1619, %add3A_1620 : i32
      %mul3A_1622 = arith.constant 16 : i32
      %mul3A_1623 = arith.muli %add3A_1621, %mul3A_1622 : i32
      %add3A_1624 = arith.addi %mul3A_1617, %mul3A_1623 : i32
      %add3A_1625 = vector.broadcast %add3A_1624 : i32 to vector<16xi32>
      %add3A_1626 = arith.addi %add3A_1625, %iota3A : vector<16xi32>
      tpu.vector_store_idx %arg7[%sub3A_1615], %add3A_1626 masked %and3A_1475 : memref<8320xi32, #tpu.memory_space<vmem>>[vector<16xi32>], vector<16xi32>, vector<16xi1>
      tpu.vector_store_idx %arg6[%sub3A_1615], %get3A_1468 masked %and3A_1475 : memref<8320xi32, #tpu.memory_space<vmem>>[vector<16xi32>], vector<16xi32>, vector<16xi1>
      %slice3A_1627 = vector.extract_strided_slice %masked_cumsum3A_1479 {offsets = [15], sizes = [1], strides = [1]} : vector<16xi32> to vector<1xi32>
      %squeeze3A_1628 = vector.extract %slice3A_1627[0] : i32 from vector<1xi32>
      %add3A_1629 = arith.addi %add3A_1610, %squeeze3A_1628 : i32
      %add3A_1630 = vector.broadcast %add3A_1629 : i32 to vector<16xi32>
      %add3A_1631 = arith.addi %add3A_1630, %masked_cumsum3A_1498 : vector<16xi32>
      %sub3A_1632 = arith.constant 1 : i32
      %sub3A_1633 = vector.broadcast %sub3A_1632 : i32 to vector<16xi32>
      %sub3A_1634 = arith.subi %add3A_1631, %sub3A_1633 : vector<16xi32>
      %mul3A_1635 = arith.constant 8192 : i32
      %mul3A_1636 = arith.muli %arg1, %mul3A_1635 : i32
      %mul3A_1637 = arith.constant 8 : i32
      %mul3A_1638 = arith.muli %scan3A_1424, %mul3A_1637 : i32
      %add3A_1639 = arith.constant 3 : i32
      %add3A_1640 = arith.addi %mul3A_1638, %add3A_1639 : i32
      %mul3A_1641 = arith.constant 16 : i32
      %mul3A_1642 = arith.muli %add3A_1640, %mul3A_1641 : i32
      %add3A_1643 = arith.addi %mul3A_1636, %mul3A_1642 : i32
      %add3A_1644 = vector.broadcast %add3A_1643 : i32 to vector<16xi32>
      %add3A_1645 = arith.addi %add3A_1644, %iota3A : vector<16xi32>
      tpu.vector_store_idx %arg7[%sub3A_1634], %add3A_1645 masked %and3A_1494 : memref<8320xi32, #tpu.memory_space<vmem>>[vector<16xi32>], vector<16xi32>, vector<16xi1>
      tpu.vector_store_idx %arg6[%sub3A_1634], %get3A_1487 masked %and3A_1494 : memref<8320xi32, #tpu.memory_space<vmem>>[vector<16xi32>], vector<16xi32>, vector<16xi1>
      %slice3A_1646 = vector.extract_strided_slice %masked_cumsum3A_1498 {offsets = [15], sizes = [1], strides = [1]} : vector<16xi32> to vector<1xi32>
      %squeeze3A_1647 = vector.extract %slice3A_1646[0] : i32 from vector<1xi32>
      %add3A_1648 = arith.addi %add3A_1629, %squeeze3A_1647 : i32
      %add3A_1649 = vector.broadcast %add3A_1648 : i32 to vector<16xi32>
      %add3A_1650 = arith.addi %add3A_1649, %masked_cumsum3A_1517 : vector<16xi32>
      %sub3A_1651 = arith.constant 1 : i32
      %sub3A_1652 = vector.broadcast %sub3A_1651 : i32 to vector<16xi32>
      %sub3A_1653 = arith.subi %add3A_1650, %sub3A_1652 : vector<16xi32>
      %mul3A_1654 = arith.constant 8192 : i32
      %mul3A_1655 = arith.muli %arg1, %mul3A_1654 : i32
      %mul3A_1656 = arith.constant 8 : i32
      %mul3A_1657 = arith.muli %scan3A_1424, %mul3A_1656 : i32
      %add3A_1658 = arith.constant 4 : i32
      %add3A_1659 = arith.addi %mul3A_1657, %add3A_1658 : i32
      %mul3A_1660 = arith.constant 16 : i32
      %mul3A_1661 = arith.muli %add3A_1659, %mul3A_1660 : i32
      %add3A_1662 = arith.addi %mul3A_1655, %mul3A_1661 : i32
      %add3A_1663 = vector.broadcast %add3A_1662 : i32 to vector<16xi32>
      %add3A_1664 = arith.addi %add3A_1663, %iota3A : vector<16xi32>
      tpu.vector_store_idx %arg7[%sub3A_1653], %add3A_1664 masked %and3A_1513 : memref<8320xi32, #tpu.memory_space<vmem>>[vector<16xi32>], vector<16xi32>, vector<16xi1>
      tpu.vector_store_idx %arg6[%sub3A_1653], %get3A_1506 masked %and3A_1513 : memref<8320xi32, #tpu.memory_space<vmem>>[vector<16xi32>], vector<16xi32>, vector<16xi1>
      %slice3A_1665 = vector.extract_strided_slice %masked_cumsum3A_1517 {offsets = [15], sizes = [1], strides = [1]} : vector<16xi32> to vector<1xi32>
      %squeeze3A_1666 = vector.extract %slice3A_1665[0] : i32 from vector<1xi32>
      %add3A_1667 = arith.addi %add3A_1648, %squeeze3A_1666 : i32
      %add3A_1668 = vector.broadcast %add3A_1667 : i32 to vector<16xi32>
      %add3A_1669 = arith.addi %add3A_1668, %masked_cumsum3A_1536 : vector<16xi32>
      %sub3A_1670 = arith.constant 1 : i32
      %sub3A_1671 = vector.broadcast %sub3A_1670 : i32 to vector<16xi32>
      %sub3A_1672 = arith.subi %add3A_1669, %sub3A_1671 : vector<16xi32>
      %mul3A_1673 = arith.constant 8192 : i32
      %mul3A_1674 = arith.muli %arg1, %mul3A_1673 : i32
      %mul3A_1675 = arith.constant 8 : i32
      %mul3A_1676 = arith.muli %scan3A_1424, %mul3A_1675 : i32
      %add3A_1677 = arith.constant 5 : i32
      %add3A_1678 = arith.addi %mul3A_1676, %add3A_1677 : i32
      %mul3A_1679 = arith.constant 16 : i32
      %mul3A_1680 = arith.muli %add3A_1678, %mul3A_1679 : i32
      %add3A_1681 = arith.addi %mul3A_1674, %mul3A_1680 : i32
      %add3A_1682 = vector.broadcast %add3A_1681 : i32 to vector<16xi32>
      %add3A_1683 = arith.addi %add3A_1682, %iota3A : vector<16xi32>
      tpu.vector_store_idx %arg7[%sub3A_1672], %add3A_1683 masked %and3A_1532 : memref<8320xi32, #tpu.memory_space<vmem>>[vector<16xi32>], vector<16xi32>, vector<16xi1>
      tpu.vector_store_idx %arg6[%sub3A_1672], %get3A_1525 masked %and3A_1532 : memref<8320xi32, #tpu.memory_space<vmem>>[vector<16xi32>], vector<16xi32>, vector<16xi1>
      %slice3A_1684 = vector.extract_strided_slice %masked_cumsum3A_1536 {offsets = [15], sizes = [1], strides = [1]} : vector<16xi32> to vector<1xi32>
      %squeeze3A_1685 = vector.extract %slice3A_1684[0] : i32 from vector<1xi32>
      %add3A_1686 = arith.addi %add3A_1667, %squeeze3A_1685 : i32
      %add3A_1687 = vector.broadcast %add3A_1686 : i32 to vector<16xi32>
      %add3A_1688 = arith.addi %add3A_1687, %masked_cumsum3A_1555 : vector<16xi32>
      %sub3A_1689 = arith.constant 1 : i32
      %sub3A_1690 = vector.broadcast %sub3A_1689 : i32 to vector<16xi32>
      %sub3A_1691 = arith.subi %add3A_1688, %sub3A_1690 : vector<16xi32>
      %mul3A_1692 = arith.constant 8192 : i32
      %mul3A_1693 = arith.muli %arg1, %mul3A_1692 : i32
      %mul3A_1694 = arith.constant 8 : i32
      %mul3A_1695 = arith.muli %scan3A_1424, %mul3A_1694 : i32
      %add3A_1696 = arith.constant 6 : i32
      %add3A_1697 = arith.addi %mul3A_1695, %add3A_1696 : i32
      %mul3A_1698 = arith.constant 16 : i32
      %mul3A_1699 = arith.muli %add3A_1697, %mul3A_1698 : i32
      %add3A_1700 = arith.addi %mul3A_1693, %mul3A_1699 : i32
      %add3A_1701 = vector.broadcast %add3A_1700 : i32 to vector<16xi32>
      %add3A_1702 = arith.addi %add3A_1701, %iota3A : vector<16xi32>
      tpu.vector_store_idx %arg7[%sub3A_1691], %add3A_1702 masked %and3A_1551 : memref<8320xi32, #tpu.memory_space<vmem>>[vector<16xi32>], vector<16xi32>, vector<16xi1>
      tpu.vector_store_idx %arg6[%sub3A_1691], %get3A_1544 masked %and3A_1551 : memref<8320xi32, #tpu.memory_space<vmem>>[vector<16xi32>], vector<16xi32>, vector<16xi1>
      %slice3A_1703 = vector.extract_strided_slice %masked_cumsum3A_1555 {offsets = [15], sizes = [1], strides = [1]} : vector<16xi32> to vector<1xi32>
      %squeeze3A_1704 = vector.extract %slice3A_1703[0] : i32 from vector<1xi32>
      %add3A_1705 = arith.addi %add3A_1686, %squeeze3A_1704 : i32
      %add3A_1706 = vector.broadcast %add3A_1705 : i32 to vector<16xi32>
      %add3A_1707 = arith.addi %add3A_1706, %masked_cumsum3A_1574 : vector<16xi32>
      %sub3A_1708 = arith.constant 1 : i32
      %sub3A_1709 = vector.broadcast %sub3A_1708 : i32 to vector<16xi32>
      %sub3A_1710 = arith.subi %add3A_1707, %sub3A_1709 : vector<16xi32>
      %mul3A_1711 = arith.constant 8192 : i32
      %mul3A_1712 = arith.muli %arg1, %mul3A_1711 : i32
      %mul3A_1713 = arith.constant 8 : i32
      %mul3A_1714 = arith.muli %scan3A_1424, %mul3A_1713 : i32
      %add3A_1715 = arith.constant 7 : i32
      %add3A_1716 = arith.addi %mul3A_1714, %add3A_1715 : i32
      %mul3A_1717 = arith.constant 16 : i32
      %mul3A_1718 = arith.muli %add3A_1716, %mul3A_1717 : i32
      %add3A_1719 = arith.addi %mul3A_1712, %mul3A_1718 : i32
      %add3A_1720 = vector.broadcast %add3A_1719 : i32 to vector<16xi32>
      %add3A_1721 = arith.addi %add3A_1720, %iota3A : vector<16xi32>
      tpu.vector_store_idx %arg7[%sub3A_1710], %add3A_1721 masked %and3A_1570 : memref<8320xi32, #tpu.memory_space<vmem>>[vector<16xi32>], vector<16xi32>, vector<16xi1>
      tpu.vector_store_idx %arg6[%sub3A_1710], %get3A_1563 masked %and3A_1570 : memref<8320xi32, #tpu.memory_space<vmem>>[vector<16xi32>], vector<16xi32>, vector<16xi1>
      %slice3A_1722 = vector.extract_strided_slice %masked_cumsum3A_1574 {offsets = [15], sizes = [1], strides = [1]} : vector<16xi32> to vector<1xi32>
      %squeeze3A_1723 = vector.extract %slice3A_1722[0] : i32 from vector<1xi32>
      %add3A_1724 = arith.addi %add3A_1705, %squeeze3A_1723 : i32
      scf.yield %add3A_1724 : i32
    }
    %scan3A_1032 = arith.constant 64 : i32
    %jit3A = arith.constant 16 : i32
    %div3A = arith.divsi %scan3A_1031, %jit3A : i32
    %sign3A = arith.constant 0 : i32
    %sign3A_1033 = arith.cmpi sgt, %scan3A_1031, %sign3A : i32
    %sign3A_1034 = arith.extui %sign3A_1033 : i1 to i32
    %sign3A_1035 = arith.constant 0 : i32
    %sign3A_1036 = arith.cmpi slt, %scan3A_1031, %sign3A_1035 : i32
    %sign3A_1037 = arith.extui %sign3A_1036 : i1 to i32
    %sign3A_1038 = arith.subi %sign3A_1034, %sign3A_1037 : i32
    %sign3A_1039 = arith.constant 0 : i32
    %sign3A_1040 = arith.cmpi sgt, %jit3A, %sign3A_1039 : i32
    %sign3A_1041 = arith.extui %sign3A_1040 : i1 to i32
    %sign3A_1042 = arith.constant 0 : i32
    %sign3A_1043 = arith.cmpi slt, %jit3A, %sign3A_1042 : i32
    %sign3A_1044 = arith.extui %sign3A_1043 : i1 to i32
    %sign3A_1045 = arith.subi %sign3A_1041, %sign3A_1044 : i32
    %ne3A = arith.cmpi ne, %sign3A_1038, %sign3A_1045 : i32
    %rem3A = arith.remsi %scan3A_1031, %jit3A : i32
    %ne3A_1046 = arith.constant 0 : i32
    %ne3A_1047 = arith.cmpi ne, %rem3A, %ne3A_1046 : i32
    %and3A = arith.andi %ne3A, %ne3A_1047 : i1
    %sub3A = arith.constant 1 : i32
    %sub3A_1048 = arith.subi %div3A, %sub3A : i32
    %select_n3A = arith.select %and3A, %sub3A_1048, %div3A : i32
    %mul3A_1049 = arith.constant 16 : i32
    %mul3A_1050 = arith.muli %select_n3A, %mul3A_1049 : i32
    %add3A = arith.constant 0 : i32
    %add3A_1051 = arith.addi %mul3A_1050, %add3A : i32
    %add3A_1052 = vector.broadcast %add3A_1051 : i32 to vector<16xi32>
    %add3A_1053 = arith.addi %add3A_1052, %iota3A : vector<16xi32>
    %lt3A = vector.broadcast %scan3A_1031 : i32 to vector<16xi32>
    %lt3A_1054 = arith.cmpi slt, %add3A_1053, %lt3A : vector<16xi32>
    %get3A = arith.index_cast %add3A_1051 : i32 to index
    %get3A_1055 = tpu.vector_load %arg6[%get3A] {strides = array<i32>} : memref<8320xi32, #tpu.memory_space<vmem>>, vector<16xi32>,
    %jit3A_1056 = arith.constant -1 : i32
    %broadcast_in_dim3A_1057 = vector.broadcast %jit3A_1056 : i32 to vector<16xi32>
    %select_n3A_1058 = arith.select %lt3A_1054, %get3A_1055, %broadcast_in_dim3A_1057 : vector<16xi1>, vector<16xi32>
    %swap3A_1059 = arith.index_cast %add3A_1051 : i32 to index
    %swap3A_1060 = tpu.vector_load %arg6[%swap3A_1059] {strides = array<i32>} : memref<8320xi32, #tpu.memory_space<vmem>>, vector<16xi32>,
    tpu.vector_store %arg6[%swap3A_1059], %select_n3A_1058 {strides = array<i32>} : memref<8320xi32, #tpu.memory_space<vmem>>, vector<16xi32>,
    %add3A_1061 = arith.constant 16 : i32
    %add3A_1062 = arith.addi %mul3A_1050, %add3A_1061 : i32
    %add3A_1063 = vector.broadcast %add3A_1062 : i32 to vector<16xi32>
    %add3A_1064 = arith.addi %add3A_1063, %iota3A : vector<16xi32>
    %lt3A_1065 = vector.broadcast %scan3A_1031 : i32 to vector<16xi32>
    %lt3A_1066 = arith.cmpi slt, %add3A_1064, %lt3A_1065 : vector<16xi32>
    %get3A_1067 = arith.index_cast %add3A_1062 : i32 to index
    %get3A_1068 = tpu.vector_load %arg6[%get3A_1067] {strides = array<i32>} : memref<8320xi32, #tpu.memory_space<vmem>>, vector<16xi32>,
    %jit3A_1069 = arith.constant -1 : i32
    %broadcast_in_dim3A_1070 = vector.broadcast %jit3A_1069 : i32 to vector<16xi32>
    %select_n3A_1071 = arith.select %lt3A_1066, %get3A_1068, %broadcast_in_dim3A_1070 : vector<16xi1>, vector<16xi32>
    %swap3A_1072 = arith.index_cast %add3A_1062 : i32 to index
    %swap3A_1073 = tpu.vector_load %arg6[%swap3A_1072] {strides = array<i32>} : memref<8320xi32, #tpu.memory_space<vmem>>, vector<16xi32>,
    tpu.vector_store %arg6[%swap3A_1072], %select_n3A_1071 {strides = array<i32>} : memref<8320xi32, #tpu.memory_space<vmem>>, vector<16xi32>,
    %add3A_1074 = arith.constant 32 : i32
    %add3A_1075 = arith.addi %mul3A_1050, %add3A_1074 : i32
    %add3A_1076 = vector.broadcast %add3A_1075 : i32 to vector<16xi32>
    %add3A_1077 = arith.addi %add3A_1076, %iota3A : vector<16xi32>
    %lt3A_1078 = vector.broadcast %scan3A_1031 : i32 to vector<16xi32>
    %lt3A_1079 = arith.cmpi slt, %add3A_1077, %lt3A_1078 : vector<16xi32>
    %get3A_1080 = arith.index_cast %add3A_1075 : i32 to index
    %get3A_1081 = tpu.vector_load %arg6[%get3A_1080] {strides = array<i32>} : memref<8320xi32, #tpu.memory_space<vmem>>, vector<16xi32>,
    %jit3A_1082 = arith.constant -1 : i32
    %broadcast_in_dim3A_1083 = vector.broadcast %jit3A_1082 : i32 to vector<16xi32>
    %select_n3A_1084 = arith.select %lt3A_1079, %get3A_1081, %broadcast_in_dim3A_1083 : vector<16xi1>, vector<16xi32>
    %swap3A_1085 = arith.index_cast %add3A_1075 : i32 to index
    %swap3A_1086 = tpu.vector_load %arg6[%swap3A_1085] {strides = array<i32>} : memref<8320xi32, #tpu.memory_space<vmem>>, vector<16xi32>,
    tpu.vector_store %arg6[%swap3A_1085], %select_n3A_1084 {strides = array<i32>} : memref<8320xi32, #tpu.memory_space<vmem>>, vector<16xi32>,
    %add3A_1087 = arith.constant 48 : i32
    %add3A_1088 = arith.addi %mul3A_1050, %add3A_1087 : i32
    %add3A_1089 = vector.broadcast %add3A_1088 : i32 to vector<16xi32>
    %add3A_1090 = arith.addi %add3A_1089, %iota3A : vector<16xi32>
    %lt3A_1091 = vector.broadcast %scan3A_1031 : i32 to vector<16xi32>
    %lt3A_1092 = arith.cmpi slt, %add3A_1090, %lt3A_1091 : vector<16xi32>
    %get3A_1093 = arith.index_cast %add3A_1088 : i32 to index
    %get3A_1094 = tpu.vector_load %arg6[%get3A_1093] {strides = array<i32>} : memref<8320xi32, #tpu.memory_space<vmem>>, vector<16xi32>,
    %jit3A_1095 = arith.constant -1 : i32
    %broadcast_in_dim3A_1096 = vector.broadcast %jit3A_1095 : i32 to vector<16xi32>
    %select_n3A_1097 = arith.select %lt3A_1092, %get3A_1094, %broadcast_in_dim3A_1096 : vector<16xi1>, vector<16xi32>
    %swap3A_1098 = arith.index_cast %add3A_1088 : i32 to index
    %swap3A_1099 = tpu.vector_load %arg6[%swap3A_1098] {strides = array<i32>} : memref<8320xi32, #tpu.memory_space<vmem>>, vector<16xi32>,
    tpu.vector_store %arg6[%swap3A_1098], %select_n3A_1097 {strides = array<i32>} : memref<8320xi32, #tpu.memory_space<vmem>>, vector<16xi32>,
    %add3A_1100 = arith.constant 64 : i32
    %add3A_1101 = arith.addi %mul3A_1050, %add3A_1100 : i32
    %add3A_1102 = vector.broadcast %add3A_1101 : i32 to vector<16xi32>
    %add3A_1103 = arith.addi %add3A_1102, %iota3A : vector<16xi32>
    %lt3A_1104 = vector.broadcast %scan3A_1031 : i32 to vector<16xi32>
    %lt3A_1105 = arith.cmpi slt, %add3A_1103, %lt3A_1104 : vector<16xi32>
    %get3A_1106 = arith.index_cast %add3A_1101 : i32 to index
    %get3A_1107 = tpu.vector_load %arg6[%get3A_1106] {strides = array<i32>} : memref<8320xi32, #tpu.memory_space<vmem>>, vector<16xi32>,
    %jit3A_1108 = arith.constant -1 : i32
    %broadcast_in_dim3A_1109 = vector.broadcast %jit3A_1108 : i32 to vector<16xi32>
    %select_n3A_1110 = arith.select %lt3A_1105, %get3A_1107, %broadcast_in_dim3A_1109 : vector<16xi1>, vector<16xi32>
    %swap3A_1111 = arith.index_cast %add3A_1101 : i32 to index
    %swap3A_1112 = tpu.vector_load %arg6[%swap3A_1111] {strides = array<i32>} : memref<8320xi32, #tpu.memory_space<vmem>>, vector<16xi32>,
    tpu.vector_store %arg6[%swap3A_1111], %select_n3A_1110 {strides = array<i32>} : memref<8320xi32, #tpu.memory_space<vmem>>, vector<16xi32>,
    %add3A_1113 = arith.constant 80 : i32
    %add3A_1114 = arith.addi %mul3A_1050, %add3A_1113 : i32
    %add3A_1115 = vector.broadcast %add3A_1114 : i32 to vector<16xi32>
    %add3A_1116 = arith.addi %add3A_1115, %iota3A : vector<16xi32>
    %lt3A_1117 = vector.broadcast %scan3A_1031 : i32 to vector<16xi32>
    %lt3A_1118 = arith.cmpi slt, %add3A_1116, %lt3A_1117 : vector<16xi32>
    %get3A_1119 = arith.index_cast %add3A_1114 : i32 to index
    %get3A_1120 = tpu.vector_load %arg6[%get3A_1119] {strides = array<i32>} : memref<8320xi32, #tpu.memory_space<vmem>>, vector<16xi32>,
    %jit3A_1121 = arith.constant -1 : i32
    %broadcast_in_dim3A_1122 = vector.broadcast %jit3A_1121 : i32 to vector<16xi32>
    %select_n3A_1123 = arith.select %lt3A_1118, %get3A_1120, %broadcast_in_dim3A_1122 : vector<16xi1>, vector<16xi32>
    %swap3A_1124 = arith.index_cast %add3A_1114 : i32 to index
    %swap3A_1125 = tpu.vector_load %arg6[%swap3A_1124] {strides = array<i32>} : memref<8320xi32, #tpu.memory_space<vmem>>, vector<16xi32>,
    tpu.vector_store %arg6[%swap3A_1124], %select_n3A_1123 {strides = array<i32>} : memref<8320xi32, #tpu.memory_space<vmem>>, vector<16xi32>,
    %add3A_1126 = arith.constant 96 : i32
    %add3A_1127 = arith.addi %mul3A_1050, %add3A_1126 : i32
    %add3A_1128 = vector.broadcast %add3A_1127 : i32 to vector<16xi32>
    %add3A_1129 = arith.addi %add3A_1128, %iota3A : vector<16xi32>
    %lt3A_1130 = vector.broadcast %scan3A_1031 : i32 to vector<16xi32>
    %lt3A_1131 = arith.cmpi slt, %add3A_1129, %lt3A_1130 : vector<16xi32>
    %get3A_1132 = arith.index_cast %add3A_1127 : i32 to index
    %get3A_1133 = tpu.vector_load %arg6[%get3A_1132] {strides = array<i32>} : memref<8320xi32, #tpu.memory_space<vmem>>, vector<16xi32>,
    %jit3A_1134 = arith.constant -1 : i32
    %broadcast_in_dim3A_1135 = vector.broadcast %jit3A_1134 : i32 to vector<16xi32>
    %select_n3A_1136 = arith.select %lt3A_1131, %get3A_1133, %broadcast_in_dim3A_1135 : vector<16xi1>, vector<16xi32>
    %swap3A_1137 = arith.index_cast %add3A_1127 : i32 to index
    %swap3A_1138 = tpu.vector_load %arg6[%swap3A_1137] {strides = array<i32>} : memref<8320xi32, #tpu.memory_space<vmem>>, vector<16xi32>,
    tpu.vector_store %arg6[%swap3A_1137], %select_n3A_1136 {strides = array<i32>} : memref<8320xi32, #tpu.memory_space<vmem>>, vector<16xi32>,
    %add3A_1139 = arith.constant 112 : i32
    %add3A_1140 = arith.addi %mul3A_1050, %add3A_1139 : i32
    %add3A_1141 = vector.broadcast %add3A_1140 : i32 to vector<16xi32>
    %add3A_1142 = arith.addi %add3A_1141, %iota3A : vector<16xi32>
    %lt3A_1143 = vector.broadcast %scan3A_1031 : i32 to vector<16xi32>
    %lt3A_1144 = arith.cmpi slt, %add3A_1142, %lt3A_1143 : vector<16xi32>
    %get3A_1145 = arith.index_cast %add3A_1140 : i32 to index
    %get3A_1146 = tpu.vector_load %arg6[%get3A_1145] {strides = array<i32>} : memref<8320xi32, #tpu.memory_space<vmem>>, vector<16xi32>,
    %jit3A_1147 = arith.constant -1 : i32
    %broadcast_in_dim3A_1148 = vector.broadcast %jit3A_1147 : i32 to vector<16xi32>
    %select_n3A_1149 = arith.select %lt3A_1144, %get3A_1146, %broadcast_in_dim3A_1148 : vector<16xi1>, vector<16xi32>
    %swap3A_1150 = arith.index_cast %add3A_1140 : i32 to index
    %swap3A_1151 = tpu.vector_load %arg6[%swap3A_1150] {strides = array<i32>} : memref<8320xi32, #tpu.memory_space<vmem>>, vector<16xi32>,
    tpu.vector_store %arg6[%swap3A_1150], %select_n3A_1149 {strides = array<i32>} : memref<8320xi32, #tpu.memory_space<vmem>>, vector<16xi32>,
    %add3A_1152 = arith.constant 128 : i32
    %add3A_1153 = arith.addi %mul3A_1050, %add3A_1152 : i32
    %add3A_1154 = vector.broadcast %add3A_1153 : i32 to vector<16xi32>
    %add3A_1155 = arith.addi %add3A_1154, %iota3A : vector<16xi32>
    %lt3A_1156 = vector.broadcast %scan3A_1031 : i32 to vector<16xi32>
    %lt3A_1157 = arith.cmpi slt, %add3A_1155, %lt3A_1156 : vector<16xi32>
    %get3A_1158 = arith.index_cast %add3A_1153 : i32 to index
    %get3A_1159 = tpu.vector_load %arg6[%get3A_1158] {strides = array<i32>} : memref<8320xi32, #tpu.memory_space<vmem>>, vector<16xi32>,
    %jit3A_1160 = arith.constant -1 : i32
    %broadcast_in_dim3A_1161 = vector.broadcast %jit3A_1160 : i32 to vector<16xi32>
    %select_n3A_1162 = arith.select %lt3A_1157, %get3A_1159, %broadcast_in_dim3A_1161 : vector<16xi1>, vector<16xi32>
    %swap3A_1163 = arith.index_cast %add3A_1153 : i32 to index
    %swap3A_1164 = tpu.vector_load %arg6[%swap3A_1163] {strides = array<i32>} : memref<8320xi32, #tpu.memory_space<vmem>>, vector<16xi32>,
    tpu.vector_store %arg6[%swap3A_1163], %select_n3A_1162 {strides = array<i32>} : memref<8320xi32, #tpu.memory_space<vmem>>, vector<16xi32>,
    %add3A_1165 = arith.constant 128 : i32
    %add3A_1166 = arith.addi %scan3A_1031, %add3A_1165 : i32
    %sub3A_1167 = arith.constant 1 : i32
    %sub3A_1168 = arith.subi %add3A_1166, %sub3A_1167 : i32
    %jit3A_1169 = arith.constant 128 : i32
    %div3A_1170 = arith.divsi %sub3A_1168, %jit3A_1169 : i32
    %sign3A_1171 = arith.constant 0 : i32
    %sign3A_1172 = arith.cmpi sgt, %sub3A_1168, %sign3A_1171 : i32
    %sign3A_1173 = arith.extui %sign3A_1172 : i1 to i32
    %sign3A_1174 = arith.constant 0 : i32
    %sign3A_1175 = arith.cmpi slt, %sub3A_1168, %sign3A_1174 : i32
    %sign3A_1176 = arith.extui %sign3A_1175 : i1 to i32
    %sign3A_1177 = arith.subi %sign3A_1173, %sign3A_1176 : i32
    %sign3A_1178 = arith.constant 0 : i32
    %sign3A_1179 = arith.cmpi sgt, %jit3A_1169, %sign3A_1178 : i32
    %sign3A_1180 = arith.extui %sign3A_1179 : i1 to i32
    %sign3A_1181 = arith.constant 0 : i32
    %sign3A_1182 = arith.cmpi slt, %jit3A_1169, %sign3A_1181 : i32
    %sign3A_1183 = arith.extui %sign3A_1182 : i1 to i32
    %sign3A_1184 = arith.subi %sign3A_1180, %sign3A_1183 : i32
    %ne3A_1185 = arith.cmpi ne, %sign3A_1177, %sign3A_1184 : i32
    %rem3A_1186 = arith.remsi %sub3A_1168, %jit3A_1169 : i32
    %ne3A_1187 = arith.constant 0 : i32
    %ne3A_1188 = arith.cmpi ne, %rem3A_1186, %ne3A_1187 : i32
    %and3A_1189 = arith.andi %ne3A_1185, %ne3A_1188 : i1
    %sub3A_1190 = arith.constant 1 : i32
    %sub3A_1191 = arith.subi %div3A_1170, %sub3A_1190 : i32
    %select_n3A_1192 = arith.select %and3A_1189, %sub3A_1191, %div3A_1170 : i32
    %mul3A_1193 = arith.constant 512 : i32
    %mul3A_1194 = arith.muli %arg1, %mul3A_1193 : i32
    %add3A_1195 = arith.constant 0 : i32
    %add3A_1196 = arith.addi %mul3A_1194, %add3A_1195 : i32
    %dma_start3A = arith.constant 0 : i32
    %dma_start3A_1197 = tpu.memref_slice %arg17[%add3A_1196, %dma_start3A] : memref<8208x128xf32, #tpu.memory_space<vmem_shared>> -> memref<32x128xf32, #tpu.memory_space<vmem_shared>>
    %dma_start3A_1198 = arith.constant 0 : i32
    %dma_start3A_1199 = tpu.memref_slice %arg17[%add3A_1196, %dma_start3A_1198] : memref<8208x128xf32, #tpu.memory_space<vmem_shared>> -> memref<32x128xf32, #tpu.memory_space<vmem_shared>>
    tpu.enqueue_dma source(%arg16 : memref<32x128xf32, #tpu.memory_space<vmem>>) target(%dma_start3A_1199 : memref<32x128xf32, #tpu.memory_space<vmem_shared>>) target_semaphore(%arg20 : memref<!tpu.dma_semaphore, #tpu.memory_space<semaphore_mem>>)
    %add3A_1200 = arith.constant 32 : i32
    %add3A_1201 = arith.addi %mul3A_1194, %add3A_1200 : i32
    %dma_start3A_1202 = arith.constant 0 : i32
    %dma_start3A_1203 = tpu.memref_slice %arg17[%add3A_1201, %dma_start3A_1202] : memref<8208x128xf32, #tpu.memory_space<vmem_shared>> -> memref<32x128xf32, #tpu.memory_space<vmem_shared>>
    %dma_start3A_1204 = arith.constant 0 : i32
    %dma_start3A_1205 = tpu.memref_slice %arg17[%add3A_1201, %dma_start3A_1204] : memref<8208x128xf32, #tpu.memory_space<vmem_shared>> -> memref<32x128xf32, #tpu.memory_space<vmem_shared>>
    tpu.enqueue_dma source(%arg16 : memref<32x128xf32, #tpu.memory_space<vmem>>) target(%dma_start3A_1205 : memref<32x128xf32, #tpu.memory_space<vmem_shared>>) target_semaphore(%arg20 : memref<!tpu.dma_semaphore, #tpu.memory_space<semaphore_mem>>)
    %add3A_1206 = arith.constant 64 : i32
    %add3A_1207 = arith.addi %mul3A_1194, %add3A_1206 : i32
    %dma_start3A_1208 = arith.constant 0 : i32
    %dma_start3A_1209 = tpu.memref_slice %arg17[%add3A_1207, %dma_start3A_1208] : memref<8208x128xf32, #tpu.memory_space<vmem_shared>> -> memref<32x128xf32, #tpu.memory_space<vmem_shared>>
    %dma_start3A_1210 = arith.constant 0 : i32
    %dma_start3A_1211 = tpu.memref_slice %arg17[%add3A_1207, %dma_start3A_1210] : memref<8208x128xf32, #tpu.memory_space<vmem_shared>> -> memref<32x128xf32, #tpu.memory_space<vmem_shared>>
    tpu.enqueue_dma source(%arg16 : memref<32x128xf32, #tpu.memory_space<vmem>>) target(%dma_start3A_1211 : memref<32x128xf32, #tpu.memory_space<vmem_shared>>) target_semaphore(%arg20 : memref<!tpu.dma_semaphore, #tpu.memory_space<semaphore_mem>>)
    %add3A_1212 = arith.constant 96 : i32
    %add3A_1213 = arith.addi %mul3A_1194, %add3A_1212 : i32
    %dma_start3A_1214 = arith.constant 0 : i32
    %dma_start3A_1215 = tpu.memref_slice %arg17[%add3A_1213, %dma_start3A_1214] : memref<8208x128xf32, #tpu.memory_space<vmem_shared>> -> memref<32x128xf32, #tpu.memory_space<vmem_shared>>
    %dma_start3A_1216 = arith.constant 0 : i32
    %dma_start3A_1217 = tpu.memref_slice %arg17[%add3A_1213, %dma_start3A_1216] : memref<8208x128xf32, #tpu.memory_space<vmem_shared>> -> memref<32x128xf32, #tpu.memory_space<vmem_shared>>
    tpu.enqueue_dma source(%arg16 : memref<32x128xf32, #tpu.memory_space<vmem>>) target(%dma_start3A_1217 : memref<32x128xf32, #tpu.memory_space<vmem_shared>>) target_semaphore(%arg20 : memref<!tpu.dma_semaphore, #tpu.memory_space<semaphore_mem>>)
    %add3A_1218 = arith.constant 128 : i32
    %add3A_1219 = arith.addi %mul3A_1194, %add3A_1218 : i32
    %dma_start3A_1220 = arith.constant 0 : i32
    %dma_start3A_1221 = tpu.memref_slice %arg17[%add3A_1219, %dma_start3A_1220] : memref<8208x128xf32, #tpu.memory_space<vmem_shared>> -> memref<32x128xf32, #tpu.memory_space<vmem_shared>>
    %dma_start3A_1222 = arith.constant 0 : i32
    %dma_start3A_1223 = tpu.memref_slice %arg17[%add3A_1219, %dma_start3A_1222] : memref<8208x128xf32, #tpu.memory_space<vmem_shared>> -> memref<32x128xf32, #tpu.memory_space<vmem_shared>>
    tpu.enqueue_dma source(%arg16 : memref<32x128xf32, #tpu.memory_space<vmem>>) target(%dma_start3A_1223 : memref<32x128xf32, #tpu.memory_space<vmem_shared>>) target_semaphore(%arg20 : memref<!tpu.dma_semaphore, #tpu.memory_space<semaphore_mem>>)
    %add3A_1224 = arith.constant 160 : i32
    %add3A_1225 = arith.addi %mul3A_1194, %add3A_1224 : i32
    %dma_start3A_1226 = arith.constant 0 : i32
    %dma_start3A_1227 = tpu.memref_slice %arg17[%add3A_1225, %dma_start3A_1226] : memref<8208x128xf32, #tpu.memory_space<vmem_shared>> -> memref<32x128xf32, #tpu.memory_space<vmem_shared>>
    %dma_start3A_1228 = arith.constant 0 : i32
    %dma_start3A_1229 = tpu.memref_slice %arg17[%add3A_1225, %dma_start3A_1228] : memref<8208x128xf32, #tpu.memory_space<vmem_shared>> -> memref<32x128xf32, #tpu.memory_space<vmem_shared>>
    tpu.enqueue_dma source(%arg16 : memref<32x128xf32, #tpu.memory_space<vmem>>) target(%dma_start3A_1229 : memref<32x128xf32, #tpu.memory_space<vmem_shared>>) target_semaphore(%arg20 : memref<!tpu.dma_semaphore, #tpu.memory_space<semaphore_mem>>)
    %add3A_1230 = arith.constant 192 : i32
    %add3A_1231 = arith.addi %mul3A_1194, %add3A_1230 : i32
    %dma_start3A_1232 = arith.constant 0 : i32
    %dma_start3A_1233 = tpu.memref_slice %arg17[%add3A_1231, %dma_start3A_1232] : memref<8208x128xf32, #tpu.memory_space<vmem_shared>> -> memref<32x128xf32, #tpu.memory_space<vmem_shared>>
    %dma_start3A_1234 = arith.constant 0 : i32
    %dma_start3A_1235 = tpu.memref_slice %arg17[%add3A_1231, %dma_start3A_1234] : memref<8208x128xf32, #tpu.memory_space<vmem_shared>> -> memref<32x128xf32, #tpu.memory_space<vmem_shared>>
    tpu.enqueue_dma source(%arg16 : memref<32x128xf32, #tpu.memory_space<vmem>>) target(%dma_start3A_1235 : memref<32x128xf32, #tpu.memory_space<vmem_shared>>) target_semaphore(%arg20 : memref<!tpu.dma_semaphore, #tpu.memory_space<semaphore_mem>>)
    %add3A_1236 = arith.constant 224 : i32
    %add3A_1237 = arith.addi %mul3A_1194, %add3A_1236 : i32
    %dma_start3A_1238 = arith.constant 0 : i32
    %dma_start3A_1239 = tpu.memref_slice %arg17[%add3A_1237, %dma_start3A_1238] : memref<8208x128xf32, #tpu.memory_space<vmem_shared>> -> memref<32x128xf32, #tpu.memory_space<vmem_shared>>
    %dma_start3A_1240 = arith.constant 0 : i32
    %dma_start3A_1241 = tpu.memref_slice %arg17[%add3A_1237, %dma_start3A_1240] : memref<8208x128xf32, #tpu.memory_space<vmem_shared>> -> memref<32x128xf32, #tpu.memory_space<vmem_shared>>
    tpu.enqueue_dma source(%arg16 : memref<32x128xf32, #tpu.memory_space<vmem>>) target(%dma_start3A_1241 : memref<32x128xf32, #tpu.memory_space<vmem_shared>>) target_semaphore(%arg20 : memref<!tpu.dma_semaphore, #tpu.memory_space<semaphore_mem>>)
    %add3A_1242 = arith.constant 256 : i32
    %add3A_1243 = arith.addi %mul3A_1194, %add3A_1242 : i32
    %dma_start3A_1244 = arith.constant 0 : i32
    %dma_start3A_1245 = tpu.memref_slice %arg17[%add3A_1243, %dma_start3A_1244] : memref<8208x128xf32, #tpu.memory_space<vmem_shared>> -> memref<32x128xf32, #tpu.memory_space<vmem_shared>>
    %dma_start3A_1246 = arith.constant 0 : i32
    %dma_start3A_1247 = tpu.memref_slice %arg17[%add3A_1243, %dma_start3A_1246] : memref<8208x128xf32, #tpu.memory_space<vmem_shared>> -> memref<32x128xf32, #tpu.memory_space<vmem_shared>>
    tpu.enqueue_dma source(%arg16 : memref<32x128xf32, #tpu.memory_space<vmem>>) target(%dma_start3A_1247 : memref<32x128xf32, #tpu.memory_space<vmem_shared>>) target_semaphore(%arg20 : memref<!tpu.dma_semaphore, #tpu.memory_space<semaphore_mem>>)
    %add3A_1248 = arith.constant 288 : i32
    %add3A_1249 = arith.addi %mul3A_1194, %add3A_1248 : i32
    %dma_start3A_1250 = arith.constant 0 : i32
    %dma_start3A_1251 = tpu.memref_slice %arg17[%add3A_1249, %dma_start3A_1250] : memref<8208x128xf32, #tpu.memory_space<vmem_shared>> -> memref<32x128xf32, #tpu.memory_space<vmem_shared>>
    %dma_start3A_1252 = arith.constant 0 : i32
    %dma_start3A_1253 = tpu.memref_slice %arg17[%add3A_1249, %dma_start3A_1252] : memref<8208x128xf32, #tpu.memory_space<vmem_shared>> -> memref<32x128xf32, #tpu.memory_space<vmem_shared>>
    tpu.enqueue_dma source(%arg16 : memref<32x128xf32, #tpu.memory_space<vmem>>) target(%dma_start3A_1253 : memref<32x128xf32, #tpu.memory_space<vmem_shared>>) target_semaphore(%arg20 : memref<!tpu.dma_semaphore, #tpu.memory_space<semaphore_mem>>)
    %add3A_1254 = arith.constant 320 : i32
    %add3A_1255 = arith.addi %mul3A_1194, %add3A_1254 : i32
    %dma_start3A_1256 = arith.constant 0 : i32
    %dma_start3A_1257 = tpu.memref_slice %arg17[%add3A_1255, %dma_start3A_1256] : memref<8208x128xf32, #tpu.memory_space<vmem_shared>> -> memref<32x128xf32, #tpu.memory_space<vmem_shared>>
    %dma_start3A_1258 = arith.constant 0 : i32
    %dma_start3A_1259 = tpu.memref_slice %arg17[%add3A_1255, %dma_start3A_1258] : memref<8208x128xf32, #tpu.memory_space<vmem_shared>> -> memref<32x128xf32, #tpu.memory_space<vmem_shared>>
    tpu.enqueue_dma source(%arg16 : memref<32x128xf32, #tpu.memory_space<vmem>>) target(%dma_start3A_1259 : memref<32x128xf32, #tpu.memory_space<vmem_shared>>) target_semaphore(%arg20 : memref<!tpu.dma_semaphore, #tpu.memory_space<semaphore_mem>>)
    %add3A_1260 = arith.constant 352 : i32
    %add3A_1261 = arith.addi %mul3A_1194, %add3A_1260 : i32
    %dma_start3A_1262 = arith.constant 0 : i32
    %dma_start3A_1263 = tpu.memref_slice %arg17[%add3A_1261, %dma_start3A_1262] : memref<8208x128xf32, #tpu.memory_space<vmem_shared>> -> memref<32x128xf32, #tpu.memory_space<vmem_shared>>
    %dma_start3A_1264 = arith.constant 0 : i32
    %dma_start3A_1265 = tpu.memref_slice %arg17[%add3A_1261, %dma_start3A_1264] : memref<8208x128xf32, #tpu.memory_space<vmem_shared>> -> memref<32x128xf32, #tpu.memory_space<vmem_shared>>
    tpu.enqueue_dma source(%arg16 : memref<32x128xf32, #tpu.memory_space<vmem>>) target(%dma_start3A_1265 : memref<32x128xf32, #tpu.memory_space<vmem_shared>>) target_semaphore(%arg20 : memref<!tpu.dma_semaphore, #tpu.memory_space<semaphore_mem>>)
    %add3A_1266 = arith.constant 384 : i32
    %add3A_1267 = arith.addi %mul3A_1194, %add3A_1266 : i32
    %dma_start3A_1268 = arith.constant 0 : i32
    %dma_start3A_1269 = tpu.memref_slice %arg17[%add3A_1267, %dma_start3A_1268] : memref<8208x128xf32, #tpu.memory_space<vmem_shared>> -> memref<32x128xf32, #tpu.memory_space<vmem_shared>>
    %dma_start3A_1270 = arith.constant 0 : i32
    %dma_start3A_1271 = tpu.memref_slice %arg17[%add3A_1267, %dma_start3A_1270] : memref<8208x128xf32, #tpu.memory_space<vmem_shared>> -> memref<32x128xf32, #tpu.memory_space<vmem_shared>>
    tpu.enqueue_dma source(%arg16 : memref<32x128xf32, #tpu.memory_space<vmem>>) target(%dma_start3A_1271 : memref<32x128xf32, #tpu.memory_space<vmem_shared>>) target_semaphore(%arg20 : memref<!tpu.dma_semaphore, #tpu.memory_space<semaphore_mem>>)
    %add3A_1272 = arith.constant 416 : i32
    %add3A_1273 = arith.addi %mul3A_1194, %add3A_1272 : i32
    %dma_start3A_1274 = arith.constant 0 : i32
    %dma_start3A_1275 = tpu.memref_slice %arg17[%add3A_1273, %dma_start3A_1274] : memref<8208x128xf32, #tpu.memory_space<vmem_shared>> -> memref<32x128xf32, #tpu.memory_space<vmem_shared>>
    %dma_start3A_1276 = arith.constant 0 : i32
    %dma_start3A_1277 = tpu.memref_slice %arg17[%add3A_1273, %dma_start3A_1276] : memref<8208x128xf32, #tpu.memory_space<vmem_shared>> -> memref<32x128xf32, #tpu.memory_space<vmem_shared>>
    tpu.enqueue_dma source(%arg16 : memref<32x128xf32, #tpu.memory_space<vmem>>) target(%dma_start3A_1277 : memref<32x128xf32, #tpu.memory_space<vmem_shared>>) target_semaphore(%arg20 : memref<!tpu.dma_semaphore, #tpu.memory_space<semaphore_mem>>)
    %add3A_1278 = arith.constant 448 : i32
    %add3A_1279 = arith.addi %mul3A_1194, %add3A_1278 : i32
    %dma_start3A_1280 = arith.constant 0 : i32
    %dma_start3A_1281 = tpu.memref_slice %arg17[%add3A_1279, %dma_start3A_1280] : memref<8208x128xf32, #tpu.memory_space<vmem_shared>> -> memref<32x128xf32, #tpu.memory_space<vmem_shared>>
    %dma_start3A_1282 = arith.constant 0 : i32
    %dma_start3A_1283 = tpu.memref_slice %arg17[%add3A_1279, %dma_start3A_1282] : memref<8208x128xf32, #tpu.memory_space<vmem_shared>> -> memref<32x128xf32, #tpu.memory_space<vmem_shared>>
    tpu.enqueue_dma source(%arg16 : memref<32x128xf32, #tpu.memory_space<vmem>>) target(%dma_start3A_1283 : memref<32x128xf32, #tpu.memory_space<vmem_shared>>) target_semaphore(%arg20 : memref<!tpu.dma_semaphore, #tpu.memory_space<semaphore_mem>>)
    %add3A_1284 = arith.constant 480 : i32
    %add3A_1285 = arith.addi %mul3A_1194, %add3A_1284 : i32
    %dma_start3A_1286 = arith.constant 0 : i32
    %dma_start3A_1287 = tpu.memref_slice %arg17[%add3A_1285, %dma_start3A_1286] : memref<8208x128xf32, #tpu.memory_space<vmem_shared>> -> memref<32x128xf32, #tpu.memory_space<vmem_shared>>
    %dma_start3A_1288 = arith.constant 0 : i32
    %dma_start3A_1289 = tpu.memref_slice %arg17[%add3A_1285, %dma_start3A_1288] : memref<8208x128xf32, #tpu.memory_space<vmem_shared>> -> memref<32x128xf32, #tpu.memory_space<vmem_shared>>
    tpu.enqueue_dma source(%arg16 : memref<32x128xf32, #tpu.memory_space<vmem>>) target(%dma_start3A_1289 : memref<32x128xf32, #tpu.memory_space<vmem_shared>>) target_semaphore(%arg20 : memref<!tpu.dma_semaphore, #tpu.memory_space<semaphore_mem>>)
    %scan3A_1290 = arith.constant 0 : i32
    %scan3A_1291 = arith.constant 0 : i32
    %scan3A_1292 = arith.constant 16 : i32
    %scan3A_1293 = arith.addi %scan3A_1291, %scan3A_1292 : i32
    %scan3A_1294 = arith.constant 1 : i32
    %scan3A_1295 = scf.for %scan3A_1424 = %scan3A_1291 to %scan3A_1293 step %scan3A_1294 iter_args(%scan3A_1425 = %scan3A_1290) -> (i32)  : i32 {
      %mul3A_1426 = arith.constant 8192 : i32
      %mul3A_1427 = arith.muli %scan3A_1424, %mul3A_1426 : i32
      %add3A_1428 = arith.addi %mul3A_1026, %mul3A_1427 : i32
      %while3A = arith.constant 0 : i32
      %while3A_1429 = arith.constant 0 : i32
      %while3A_1430 = arith.subi %select_n3A_1192, %while3A : i32
      %while3A_1431 = arith.addi %while3A, %while3A_1430 : i32
      %while3A_1432 = arith.constant 1 : i32
      %while3A_1433 = arith.divsi %while3A_1430, %while3A_1432 : i32
      %while3A_1434 = arith.muli %while3A_1433, %while3A_1432 : i32
      %while3A_1435 = arith.addi %while3A, %while3A_1434 : i32
      %while3A_1436 = arith.constant 1 : i32
      %while3A_1437 = scf.for %while3A_1925 = %while3A to %while3A_1435 step %while3A_1436 iter_args(%while3A_1926 = %while3A_1429) -> (i32)  : i32 {
        %mul3A_1927 = arith.constant 8 : i32
        %mul3A_1928 = arith.muli %while3A_1925, %mul3A_1927 : i32
        %add3A_1929 = arith.constant 0 : i32
        %add3A_1930 = arith.addi %mul3A_1928, %add3A_1929 : i32
        %mul3A_1931 = arith.constant 16 : i32
        %mul3A_1932 = arith.muli %add3A_1930, %mul3A_1931 : i32
        %get3A_1933 = arith.index_cast %mul3A_1932 : i32 to index
        %get3A_1934 = tpu.vector_load %arg6[%get3A_1933] {strides = array<i32>} : memref<8320xi32, #tpu.memory_space<vmem>>, vector<16xi32>,
        %mul3A_1935 = arith.constant 8 : i32
        %mul3A_1936 = arith.muli %while3A_1925, %mul3A_1935 : i32
        %add3A_1937 = arith.constant 0 : i32
        %add3A_1938 = arith.addi %mul3A_1936, %add3A_1937 : i32
        %mul3A_1939 = arith.constant 16 : i32
        %mul3A_1940 = arith.muli %add3A_1938, %mul3A_1939 : i32
        %get3A_1941 = arith.index_cast %mul3A_1940 : i32 to index
        %get3A_1942 = tpu.vector_load %arg7[%get3A_1941] {strides = array<i32>} : memref<8320xi32, #tpu.memory_space<vmem>>, vector<16xi32>,
        %sub3A_1943 = vector.broadcast %add3A_1428 : i32 to vector<16xi32>
        %sub3A_1944 = arith.subi %get3A_1934, %sub3A_1943 : vector<16xi32>
        %ge3A = arith.constant 0 : i32
        %ge3A_1945 = vector.broadcast %ge3A : i32 to vector<16xi32>
        %ge3A_1946 = arith.cmpi sge, %sub3A_1944, %ge3A_1945 : vector<16xi32>
        %lt3A_1947 = arith.constant 8192 : i32
        %lt3A_1948 = vector.broadcast %lt3A_1947 : i32 to vector<16xi32>
        %lt3A_1949 = arith.cmpi slt, %sub3A_1944, %lt3A_1948 : vector<16xi32>
        %and3A_1950 = arith.andi %ge3A_1946, %lt3A_1949 : vector<16xi1>
        %convert_element_type3A = arith.extui %and3A_1950 : vector<16xi1> to vector<16xi32>
        %broadcast_in_dim3A_1951 = arith.constant true
        %broadcast_in_dim3A_1952 = vector.broadcast %broadcast_in_dim3A_1951 : i1 to vector<16xi1>
        %masked_cumsum3A = tpu.scan <sum>, %convert_element_type3A masked %broadcast_in_dim3A_1952 : vector<16xi32>, vector<16xi1> -> vector<16xi32>
        %mul3A_1953 = arith.constant 8 : i32
        %mul3A_1954 = arith.muli %while3A_1925, %mul3A_1953 : i32
        %add3A_1955 = arith.constant 1 : i32
        %add3A_1956 = arith.addi %mul3A_1954, %add3A_1955 : i32
        %mul3A_1957 = arith.constant 16 : i32
        %mul3A_1958 = arith.muli %add3A_1956, %mul3A_1957 : i32
        %get3A_1959 = arith.index_cast %mul3A_1958 : i32 to index
        %get3A_1960 = tpu.vector_load %arg6[%get3A_1959] {strides = array<i32>} : memref<8320xi32, #tpu.memory_space<vmem>>, vector<16xi32>,
        %mul3A_1961 = arith.constant 8 : i32
        %mul3A_1962 = arith.muli %while3A_1925, %mul3A_1961 : i32
        %add3A_1963 = arith.constant 1 : i32
        %add3A_1964 = arith.addi %mul3A_1962, %add3A_1963 : i32
        %mul3A_1965 = arith.constant 16 : i32
        %mul3A_1966 = arith.muli %add3A_1964, %mul3A_1965 : i32
        %get3A_1967 = arith.index_cast %mul3A_1966 : i32 to index
        %get3A_1968 = tpu.vector_load %arg7[%get3A_1967] {strides = array<i32>} : memref<8320xi32, #tpu.memory_space<vmem>>, vector<16xi32>,
        %sub3A_1969 = vector.broadcast %add3A_1428 : i32 to vector<16xi32>
        %sub3A_1970 = arith.subi %get3A_1960, %sub3A_1969 : vector<16xi32>
        %ge3A_1971 = arith.constant 0 : i32
        %ge3A_1972 = vector.broadcast %ge3A_1971 : i32 to vector<16xi32>
        %ge3A_1973 = arith.cmpi sge, %sub3A_1970, %ge3A_1972 : vector<16xi32>
        %lt3A_1974 = arith.constant 8192 : i32
        %lt3A_1975 = vector.broadcast %lt3A_1974 : i32 to vector<16xi32>
        %lt3A_1976 = arith.cmpi slt, %sub3A_1970, %lt3A_1975 : vector<16xi32>
        %and3A_1977 = arith.andi %ge3A_1973, %lt3A_1976 : vector<16xi1>
        %convert_element_type3A_1978 = arith.extui %and3A_1977 : vector<16xi1> to vector<16xi32>
        %broadcast_in_dim3A_1979 = arith.constant true
        %broadcast_in_dim3A_1980 = vector.broadcast %broadcast_in_dim3A_1979 : i1 to vector<16xi1>
        %masked_cumsum3A_1981 = tpu.scan <sum>, %convert_element_type3A_1978 masked %broadcast_in_dim3A_1980 : vector<16xi32>, vector<16xi1> -> vector<16xi32>
        %mul3A_1982 = arith.constant 8 : i32
        %mul3A_1983 = arith.muli %while3A_1925, %mul3A_1982 : i32
        %add3A_1984 = arith.constant 2 : i32
        %add3A_1985 = arith.addi %mul3A_1983, %add3A_1984 : i32
        %mul3A_1986 = arith.constant 16 : i32
        %mul3A_1987 = arith.muli %add3A_1985, %mul3A_1986 : i32
        %get3A_1988 = arith.index_cast %mul3A_1987 : i32 to index
        %get3A_1989 = tpu.vector_load %arg6[%get3A_1988] {strides = array<i32>} : memref<8320xi32, #tpu.memory_space<vmem>>, vector<16xi32>,
        %mul3A_1990 = arith.constant 8 : i32
        %mul3A_1991 = arith.muli %while3A_1925, %mul3A_1990 : i32
        %add3A_1992 = arith.constant 2 : i32
        %add3A_1993 = arith.addi %mul3A_1991, %add3A_1992 : i32
        %mul3A_1994 = arith.constant 16 : i32
        %mul3A_1995 = arith.muli %add3A_1993, %mul3A_1994 : i32
        %get3A_1996 = arith.index_cast %mul3A_1995 : i32 to index
        %get3A_1997 = tpu.vector_load %arg7[%get3A_1996] {strides = array<i32>} : memref<8320xi32, #tpu.memory_space<vmem>>, vector<16xi32>,
        %sub3A_1998 = vector.broadcast %add3A_1428 : i32 to vector<16xi32>
        %sub3A_1999 = arith.subi %get3A_1989, %sub3A_1998 : vector<16xi32>
        %ge3A_2000 = arith.constant 0 : i32
        %ge3A_2001 = vector.broadcast %ge3A_2000 : i32 to vector<16xi32>
        %ge3A_2002 = arith.cmpi sge, %sub3A_1999, %ge3A_2001 : vector<16xi32>
        %lt3A_2003 = arith.constant 8192 : i32
        %lt3A_2004 = vector.broadcast %lt3A_2003 : i32 to vector<16xi32>
        %lt3A_2005 = arith.cmpi slt, %sub3A_1999, %lt3A_2004 : vector<16xi32>
        %and3A_2006 = arith.andi %ge3A_2002, %lt3A_2005 : vector<16xi1>
        %convert_element_type3A_2007 = arith.extui %and3A_2006 : vector<16xi1> to vector<16xi32>
        %broadcast_in_dim3A_2008 = arith.constant true
        %broadcast_in_dim3A_2009 = vector.broadcast %broadcast_in_dim3A_2008 : i1 to vector<16xi1>
        %masked_cumsum3A_2010 = tpu.scan <sum>, %convert_element_type3A_2007 masked %broadcast_in_dim3A_2009 : vector<16xi32>, vector<16xi1> -> vector<16xi32>
        %mul3A_2011 = arith.constant 8 : i32
        %mul3A_2012 = arith.muli %while3A_1925, %mul3A_2011 : i32
        %add3A_2013 = arith.constant 3 : i32
        %add3A_2014 = arith.addi %mul3A_2012, %add3A_2013 : i32
        %mul3A_2015 = arith.constant 16 : i32
        %mul3A_2016 = arith.muli %add3A_2014, %mul3A_2015 : i32
        %get3A_2017 = arith.index_cast %mul3A_2016 : i32 to index
        %get3A_2018 = tpu.vector_load %arg6[%get3A_2017] {strides = array<i32>} : memref<8320xi32, #tpu.memory_space<vmem>>, vector<16xi32>,
        %mul3A_2019 = arith.constant 8 : i32
        %mul3A_2020 = arith.muli %while3A_1925, %mul3A_2019 : i32
        %add3A_2021 = arith.constant 3 : i32
        %add3A_2022 = arith.addi %mul3A_2020, %add3A_2021 : i32
        %mul3A_2023 = arith.constant 16 : i32
        %mul3A_2024 = arith.muli %add3A_2022, %mul3A_2023 : i32
        %get3A_2025 = arith.index_cast %mul3A_2024 : i32 to index
        %get3A_2026 = tpu.vector_load %arg7[%get3A_2025] {strides = array<i32>} : memref<8320xi32, #tpu.memory_space<vmem>>, vector<16xi32>,
        %sub3A_2027 = vector.broadcast %add3A_1428 : i32 to vector<16xi32>
        %sub3A_2028 = arith.subi %get3A_2018, %sub3A_2027 : vector<16xi32>
        %ge3A_2029 = arith.constant 0 : i32
        %ge3A_2030 = vector.broadcast %ge3A_2029 : i32 to vector<16xi32>
        %ge3A_2031 = arith.cmpi sge, %sub3A_2028, %ge3A_2030 : vector<16xi32>
        %lt3A_2032 = arith.constant 8192 : i32
        %lt3A_2033 = vector.broadcast %lt3A_2032 : i32 to vector<16xi32>
        %lt3A_2034 = arith.cmpi slt, %sub3A_2028, %lt3A_2033 : vector<16xi32>
        %and3A_2035 = arith.andi %ge3A_2031, %lt3A_2034 : vector<16xi1>
        %convert_element_type3A_2036 = arith.extui %and3A_2035 : vector<16xi1> to vector<16xi32>
        %broadcast_in_dim3A_2037 = arith.constant true
        %broadcast_in_dim3A_2038 = vector.broadcast %broadcast_in_dim3A_2037 : i1 to vector<16xi1>
        %masked_cumsum3A_2039 = tpu.scan <sum>, %convert_element_type3A_2036 masked %broadcast_in_dim3A_2038 : vector<16xi32>, vector<16xi1> -> vector<16xi32>
        %mul3A_2040 = arith.constant 8 : i32
        %mul3A_2041 = arith.muli %while3A_1925, %mul3A_2040 : i32
        %add3A_2042 = arith.constant 4 : i32
        %add3A_2043 = arith.addi %mul3A_2041, %add3A_2042 : i32
        %mul3A_2044 = arith.constant 16 : i32
        %mul3A_2045 = arith.muli %add3A_2043, %mul3A_2044 : i32
        %get3A_2046 = arith.index_cast %mul3A_2045 : i32 to index
        %get3A_2047 = tpu.vector_load %arg6[%get3A_2046] {strides = array<i32>} : memref<8320xi32, #tpu.memory_space<vmem>>, vector<16xi32>,
        %mul3A_2048 = arith.constant 8 : i32
        %mul3A_2049 = arith.muli %while3A_1925, %mul3A_2048 : i32
        %add3A_2050 = arith.constant 4 : i32
        %add3A_2051 = arith.addi %mul3A_2049, %add3A_2050 : i32
        %mul3A_2052 = arith.constant 16 : i32
        %mul3A_2053 = arith.muli %add3A_2051, %mul3A_2052 : i32
        %get3A_2054 = arith.index_cast %mul3A_2053 : i32 to index
        %get3A_2055 = tpu.vector_load %arg7[%get3A_2054] {strides = array<i32>} : memref<8320xi32, #tpu.memory_space<vmem>>, vector<16xi32>,
        %sub3A_2056 = vector.broadcast %add3A_1428 : i32 to vector<16xi32>
        %sub3A_2057 = arith.subi %get3A_2047, %sub3A_2056 : vector<16xi32>
        %ge3A_2058 = arith.constant 0 : i32
        %ge3A_2059 = vector.broadcast %ge3A_2058 : i32 to vector<16xi32>
        %ge3A_2060 = arith.cmpi sge, %sub3A_2057, %ge3A_2059 : vector<16xi32>
        %lt3A_2061 = arith.constant 8192 : i32
        %lt3A_2062 = vector.broadcast %lt3A_2061 : i32 to vector<16xi32>
        %lt3A_2063 = arith.cmpi slt, %sub3A_2057, %lt3A_2062 : vector<16xi32>
        %and3A_2064 = arith.andi %ge3A_2060, %lt3A_2063 : vector<16xi1>
        %convert_element_type3A_2065 = arith.extui %and3A_2064 : vector<16xi1> to vector<16xi32>
        %broadcast_in_dim3A_2066 = arith.constant true
        %broadcast_in_dim3A_2067 = vector.broadcast %broadcast_in_dim3A_2066 : i1 to vector<16xi1>
        %masked_cumsum3A_2068 = tpu.scan <sum>, %convert_element_type3A_2065 masked %broadcast_in_dim3A_2067 : vector<16xi32>, vector<16xi1> -> vector<16xi32>
        %mul3A_2069 = arith.constant 8 : i32
        %mul3A_2070 = arith.muli %while3A_1925, %mul3A_2069 : i32
        %add3A_2071 = arith.constant 5 : i32
        %add3A_2072 = arith.addi %mul3A_2070, %add3A_2071 : i32
        %mul3A_2073 = arith.constant 16 : i32
        %mul3A_2074 = arith.muli %add3A_2072, %mul3A_2073 : i32
        %get3A_2075 = arith.index_cast %mul3A_2074 : i32 to index
        %get3A_2076 = tpu.vector_load %arg6[%get3A_2075] {strides = array<i32>} : memref<8320xi32, #tpu.memory_space<vmem>>, vector<16xi32>,
        %mul3A_2077 = arith.constant 8 : i32
        %mul3A_2078 = arith.muli %while3A_1925, %mul3A_2077 : i32
        %add3A_2079 = arith.constant 5 : i32
        %add3A_2080 = arith.addi %mul3A_2078, %add3A_2079 : i32
        %mul3A_2081 = arith.constant 16 : i32
        %mul3A_2082 = arith.muli %add3A_2080, %mul3A_2081 : i32
        %get3A_2083 = arith.index_cast %mul3A_2082 : i32 to index
        %get3A_2084 = tpu.vector_load %arg7[%get3A_2083] {strides = array<i32>} : memref<8320xi32, #tpu.memory_space<vmem>>, vector<16xi32>,
        %sub3A_2085 = vector.broadcast %add3A_1428 : i32 to vector<16xi32>
        %sub3A_2086 = arith.subi %get3A_2076, %sub3A_2085 : vector<16xi32>
        %ge3A_2087 = arith.constant 0 : i32
        %ge3A_2088 = vector.broadcast %ge3A_2087 : i32 to vector<16xi32>
        %ge3A_2089 = arith.cmpi sge, %sub3A_2086, %ge3A_2088 : vector<16xi32>
        %lt3A_2090 = arith.constant 8192 : i32
        %lt3A_2091 = vector.broadcast %lt3A_2090 : i32 to vector<16xi32>
        %lt3A_2092 = arith.cmpi slt, %sub3A_2086, %lt3A_2091 : vector<16xi32>
        %and3A_2093 = arith.andi %ge3A_2089, %lt3A_2092 : vector<16xi1>
        %convert_element_type3A_2094 = arith.extui %and3A_2093 : vector<16xi1> to vector<16xi32>
        %broadcast_in_dim3A_2095 = arith.constant true
        %broadcast_in_dim3A_2096 = vector.broadcast %broadcast_in_dim3A_2095 : i1 to vector<16xi1>
        %masked_cumsum3A_2097 = tpu.scan <sum>, %convert_element_type3A_2094 masked %broadcast_in_dim3A_2096 : vector<16xi32>, vector<16xi1> -> vector<16xi32>
        %mul3A_2098 = arith.constant 8 : i32
        %mul3A_2099 = arith.muli %while3A_1925, %mul3A_2098 : i32
        %add3A_2100 = arith.constant 6 : i32
        %add3A_2101 = arith.addi %mul3A_2099, %add3A_2100 : i32
        %mul3A_2102 = arith.constant 16 : i32
        %mul3A_2103 = arith.muli %add3A_2101, %mul3A_2102 : i32
        %get3A_2104 = arith.index_cast %mul3A_2103 : i32 to index
        %get3A_2105 = tpu.vector_load %arg6[%get3A_2104] {strides = array<i32>} : memref<8320xi32, #tpu.memory_space<vmem>>, vector<16xi32>,
        %mul3A_2106 = arith.constant 8 : i32
        %mul3A_2107 = arith.muli %while3A_1925, %mul3A_2106 : i32
        %add3A_2108 = arith.constant 6 : i32
        %add3A_2109 = arith.addi %mul3A_2107, %add3A_2108 : i32
        %mul3A_2110 = arith.constant 16 : i32
        %mul3A_2111 = arith.muli %add3A_2109, %mul3A_2110 : i32
        %get3A_2112 = arith.index_cast %mul3A_2111 : i32 to index
        %get3A_2113 = tpu.vector_load %arg7[%get3A_2112] {strides = array<i32>} : memref<8320xi32, #tpu.memory_space<vmem>>, vector<16xi32>,
        %sub3A_2114 = vector.broadcast %add3A_1428 : i32 to vector<16xi32>
        %sub3A_2115 = arith.subi %get3A_2105, %sub3A_2114 : vector<16xi32>
        %ge3A_2116 = arith.constant 0 : i32
        %ge3A_2117 = vector.broadcast %ge3A_2116 : i32 to vector<16xi32>
        %ge3A_2118 = arith.cmpi sge, %sub3A_2115, %ge3A_2117 : vector<16xi32>
        %lt3A_2119 = arith.constant 8192 : i32
        %lt3A_2120 = vector.broadcast %lt3A_2119 : i32 to vector<16xi32>
        %lt3A_2121 = arith.cmpi slt, %sub3A_2115, %lt3A_2120 : vector<16xi32>
        %and3A_2122 = arith.andi %ge3A_2118, %lt3A_2121 : vector<16xi1>
        %convert_element_type3A_2123 = arith.extui %and3A_2122 : vector<16xi1> to vector<16xi32>
        %broadcast_in_dim3A_2124 = arith.constant true
        %broadcast_in_dim3A_2125 = vector.broadcast %broadcast_in_dim3A_2124 : i1 to vector<16xi1>
        %masked_cumsum3A_2126 = tpu.scan <sum>, %convert_element_type3A_2123 masked %broadcast_in_dim3A_2125 : vector<16xi32>, vector<16xi1> -> vector<16xi32>
        %mul3A_2127 = arith.constant 8 : i32
        %mul3A_2128 = arith.muli %while3A_1925, %mul3A_2127 : i32
        %add3A_2129 = arith.constant 7 : i32
        %add3A_2130 = arith.addi %mul3A_2128, %add3A_2129 : i32
        %mul3A_2131 = arith.constant 16 : i32
        %mul3A_2132 = arith.muli %add3A_2130, %mul3A_2131 : i32
        %get3A_2133 = arith.index_cast %mul3A_2132 : i32 to index
        %get3A_2134 = tpu.vector_load %arg6[%get3A_2133] {strides = array<i32>} : memref<8320xi32, #tpu.memory_space<vmem>>, vector<16xi32>,
        %mul3A_2135 = arith.constant 8 : i32
        %mul3A_2136 = arith.muli %while3A_1925, %mul3A_2135 : i32
        %add3A_2137 = arith.constant 7 : i32
        %add3A_2138 = arith.addi %mul3A_2136, %add3A_2137 : i32
        %mul3A_2139 = arith.constant 16 : i32
        %mul3A_2140 = arith.muli %add3A_2138, %mul3A_2139 : i32
        %get3A_2141 = arith.index_cast %mul3A_2140 : i32 to index
        %get3A_2142 = tpu.vector_load %arg7[%get3A_2141] {strides = array<i32>} : memref<8320xi32, #tpu.memory_space<vmem>>, vector<16xi32>,
        %sub3A_2143 = vector.broadcast %add3A_1428 : i32 to vector<16xi32>
        %sub3A_2144 = arith.subi %get3A_2134, %sub3A_2143 : vector<16xi32>
        %ge3A_2145 = arith.constant 0 : i32
        %ge3A_2146 = vector.broadcast %ge3A_2145 : i32 to vector<16xi32>
        %ge3A_2147 = arith.cmpi sge, %sub3A_2144, %ge3A_2146 : vector<16xi32>
        %lt3A_2148 = arith.constant 8192 : i32
        %lt3A_2149 = vector.broadcast %lt3A_2148 : i32 to vector<16xi32>
        %lt3A_2150 = arith.cmpi slt, %sub3A_2144, %lt3A_2149 : vector<16xi32>
        %and3A_2151 = arith.andi %ge3A_2147, %lt3A_2150 : vector<16xi1>
        %convert_element_type3A_2152 = arith.extui %and3A_2151 : vector<16xi1> to vector<16xi32>
        %broadcast_in_dim3A_2153 = arith.constant true
        %broadcast_in_dim3A_2154 = vector.broadcast %broadcast_in_dim3A_2153 : i1 to vector<16xi1>
        %masked_cumsum3A_2155 = tpu.scan <sum>, %convert_element_type3A_2152 masked %broadcast_in_dim3A_2154 : vector<16xi32>, vector<16xi1> -> vector<16xi32>
        %add3A_2156 = vector.broadcast %while3A_1926 : i32 to vector<16xi32>
        %add3A_2157 = arith.addi %add3A_2156, %masked_cumsum3A : vector<16xi32>
        %sub3A_2158 = arith.constant 1 : i32
        %sub3A_2159 = vector.broadcast %sub3A_2158 : i32 to vector<16xi32>
        %sub3A_2160 = arith.subi %add3A_2157, %sub3A_2159 : vector<16xi32>
        tpu.vector_store_idx %arg8[%sub3A_2160], %get3A_1942 masked %and3A_1950 : memref<8320xi32, #tpu.memory_space<vmem>>[vector<16xi32>], vector<16xi32>, vector<16xi1>
        tpu.vector_store_idx %arg9[%sub3A_2160], %sub3A_1944 masked %and3A_1950 : memref<8320xi32, #tpu.memory_space<vmem>>[vector<16xi32>], vector<16xi32>, vector<16xi1>
        %slice3A = vector.extract_strided_slice %masked_cumsum3A {offsets = [15], sizes = [1], strides = [1]} : vector<16xi32> to vector<1xi32>
        %squeeze3A = vector.extract %slice3A[0] : i32 from vector<1xi32>
        %add3A_2161 = arith.addi %while3A_1926, %squeeze3A : i32
        %add3A_2162 = vector.broadcast %add3A_2161 : i32 to vector<16xi32>
        %add3A_2163 = arith.addi %add3A_2162, %masked_cumsum3A_1981 : vector<16xi32>
        %sub3A_2164 = arith.constant 1 : i32
        %sub3A_2165 = vector.broadcast %sub3A_2164 : i32 to vector<16xi32>
        %sub3A_2166 = arith.subi %add3A_2163, %sub3A_2165 : vector<16xi32>
        tpu.vector_store_idx %arg8[%sub3A_2166], %get3A_1968 masked %and3A_1977 : memref<8320xi32, #tpu.memory_space<vmem>>[vector<16xi32>], vector<16xi32>, vector<16xi1>
        tpu.vector_store_idx %arg9[%sub3A_2166], %sub3A_1970 masked %and3A_1977 : memref<8320xi32, #tpu.memory_space<vmem>>[vector<16xi32>], vector<16xi32>, vector<16xi1>
        %slice3A_2167 = vector.extract_strided_slice %masked_cumsum3A_1981 {offsets = [15], sizes = [1], strides = [1]} : vector<16xi32> to vector<1xi32>
        %squeeze3A_2168 = vector.extract %slice3A_2167[0] : i32 from vector<1xi32>
        %add3A_2169 = arith.addi %add3A_2161, %squeeze3A_2168 : i32
        %add3A_2170 = vector.broadcast %add3A_2169 : i32 to vector<16xi32>
        %add3A_2171 = arith.addi %add3A_2170, %masked_cumsum3A_2010 : vector<16xi32>
        %sub3A_2172 = arith.constant 1 : i32
        %sub3A_2173 = vector.broadcast %sub3A_2172 : i32 to vector<16xi32>
        %sub3A_2174 = arith.subi %add3A_2171, %sub3A_2173 : vector<16xi32>
        tpu.vector_store_idx %arg8[%sub3A_2174], %get3A_1997 masked %and3A_2006 : memref<8320xi32, #tpu.memory_space<vmem>>[vector<16xi32>], vector<16xi32>, vector<16xi1>
        tpu.vector_store_idx %arg9[%sub3A_2174], %sub3A_1999 masked %and3A_2006 : memref<8320xi32, #tpu.memory_space<vmem>>[vector<16xi32>], vector<16xi32>, vector<16xi1>
        %slice3A_2175 = vector.extract_strided_slice %masked_cumsum3A_2010 {offsets = [15], sizes = [1], strides = [1]} : vector<16xi32> to vector<1xi32>
        %squeeze3A_2176 = vector.extract %slice3A_2175[0] : i32 from vector<1xi32>
        %add3A_2177 = arith.addi %add3A_2169, %squeeze3A_2176 : i32
        %add3A_2178 = vector.broadcast %add3A_2177 : i32 to vector<16xi32>
        %add3A_2179 = arith.addi %add3A_2178, %masked_cumsum3A_2039 : vector<16xi32>
        %sub3A_2180 = arith.constant 1 : i32
        %sub3A_2181 = vector.broadcast %sub3A_2180 : i32 to vector<16xi32>
        %sub3A_2182 = arith.subi %add3A_2179, %sub3A_2181 : vector<16xi32>
        tpu.vector_store_idx %arg8[%sub3A_2182], %get3A_2026 masked %and3A_2035 : memref<8320xi32, #tpu.memory_space<vmem>>[vector<16xi32>], vector<16xi32>, vector<16xi1>
        tpu.vector_store_idx %arg9[%sub3A_2182], %sub3A_2028 masked %and3A_2035 : memref<8320xi32, #tpu.memory_space<vmem>>[vector<16xi32>], vector<16xi32>, vector<16xi1>
        %slice3A_2183 = vector.extract_strided_slice %masked_cumsum3A_2039 {offsets = [15], sizes = [1], strides = [1]} : vector<16xi32> to vector<1xi32>
        %squeeze3A_2184 = vector.extract %slice3A_2183[0] : i32 from vector<1xi32>
        %add3A_2185 = arith.addi %add3A_2177, %squeeze3A_2184 : i32
        %add3A_2186 = vector.broadcast %add3A_2185 : i32 to vector<16xi32>
        %add3A_2187 = arith.addi %add3A_2186, %masked_cumsum3A_2068 : vector<16xi32>
        %sub3A_2188 = arith.constant 1 : i32
        %sub3A_2189 = vector.broadcast %sub3A_2188 : i32 to vector<16xi32>
        %sub3A_2190 = arith.subi %add3A_2187, %sub3A_2189 : vector<16xi32>
        tpu.vector_store_idx %arg8[%sub3A_2190], %get3A_2055 masked %and3A_2064 : memref<8320xi32, #tpu.memory_space<vmem>>[vector<16xi32>], vector<16xi32>, vector<16xi1>
        tpu.vector_store_idx %arg9[%sub3A_2190], %sub3A_2057 masked %and3A_2064 : memref<8320xi32, #tpu.memory_space<vmem>>[vector<16xi32>], vector<16xi32>, vector<16xi1>
        %slice3A_2191 = vector.extract_strided_slice %masked_cumsum3A_2068 {offsets = [15], sizes = [1], strides = [1]} : vector<16xi32> to vector<1xi32>
        %squeeze3A_2192 = vector.extract %slice3A_2191[0] : i32 from vector<1xi32>
        %add3A_2193 = arith.addi %add3A_2185, %squeeze3A_2192 : i32
        %add3A_2194 = vector.broadcast %add3A_2193 : i32 to vector<16xi32>
        %add3A_2195 = arith.addi %add3A_2194, %masked_cumsum3A_2097 : vector<16xi32>
        %sub3A_2196 = arith.constant 1 : i32
        %sub3A_2197 = vector.broadcast %sub3A_2196 : i32 to vector<16xi32>
        %sub3A_2198 = arith.subi %add3A_2195, %sub3A_2197 : vector<16xi32>
        tpu.vector_store_idx %arg8[%sub3A_2198], %get3A_2084 masked %and3A_2093 : memref<8320xi32, #tpu.memory_space<vmem>>[vector<16xi32>], vector<16xi32>, vector<16xi1>
        tpu.vector_store_idx %arg9[%sub3A_2198], %sub3A_2086 masked %and3A_2093 : memref<8320xi32, #tpu.memory_space<vmem>>[vector<16xi32>], vector<16xi32>, vector<16xi1>
        %slice3A_2199 = vector.extract_strided_slice %masked_cumsum3A_2097 {offsets = [15], sizes = [1], strides = [1]} : vector<16xi32> to vector<1xi32>
        %squeeze3A_2200 = vector.extract %slice3A_2199[0] : i32 from vector<1xi32>
        %add3A_2201 = arith.addi %add3A_2193, %squeeze3A_2200 : i32
        %add3A_2202 = vector.broadcast %add3A_2201 : i32 to vector<16xi32>
        %add3A_2203 = arith.addi %add3A_2202, %masked_cumsum3A_2126 : vector<16xi32>
        %sub3A_2204 = arith.constant 1 : i32
        %sub3A_2205 = vector.broadcast %sub3A_2204 : i32 to vector<16xi32>
        %sub3A_2206 = arith.subi %add3A_2203, %sub3A_2205 : vector<16xi32>
        tpu.vector_store_idx %arg8[%sub3A_2206], %get3A_2113 masked %and3A_2122 : memref<8320xi32, #tpu.memory_space<vmem>>[vector<16xi32>], vector<16xi32>, vector<16xi1>
        tpu.vector_store_idx %arg9[%sub3A_2206], %sub3A_2115 masked %and3A_2122 : memref<8320xi32, #tpu.memory_space<vmem>>[vector<16xi32>], vector<16xi32>, vector<16xi1>
        %slice3A_2207 = vector.extract_strided_slice %masked_cumsum3A_2126 {offsets = [15], sizes = [1], strides = [1]} : vector<16xi32> to vector<1xi32>
        %squeeze3A_2208 = vector.extract %slice3A_2207[0] : i32 from vector<1xi32>
        %add3A_2209 = arith.addi %add3A_2201, %squeeze3A_2208 : i32
        %add3A_2210 = vector.broadcast %add3A_2209 : i32 to vector<16xi32>
        %add3A_2211 = arith.addi %add3A_2210, %masked_cumsum3A_2155 : vector<16xi32>
        %sub3A_2212 = arith.constant 1 : i32
        %sub3A_2213 = vector.broadcast %sub3A_2212 : i32 to vector<16xi32>
        %sub3A_2214 = arith.subi %add3A_2211, %sub3A_2213 : vector<16xi32>
        tpu.vector_store_idx %arg8[%sub3A_2214], %get3A_2142 masked %and3A_2151 : memref<8320xi32, #tpu.memory_space<vmem>>[vector<16xi32>], vector<16xi32>, vector<16xi1>
        tpu.vector_store_idx %arg9[%sub3A_2214], %sub3A_2144 masked %and3A_2151 : memref<8320xi32, #tpu.memory_space<vmem>>[vector<16xi32>], vector<16xi32>, vector<16xi1>
        %slice3A_2215 = vector.extract_strided_slice %masked_cumsum3A_2155 {offsets = [15], sizes = [1], strides = [1]} : vector<16xi32> to vector<1xi32>
        %squeeze3A_2216 = vector.extract %slice3A_2215[0] : i32 from vector<1xi32>
        %add3A_2217 = arith.addi %add3A_2209, %squeeze3A_2216 : i32
        scf.yield %add3A_2217 : i32
      }
      %while3A_1438 = arith.constant 1 : i32
      %while3A_1439 = scf.for %while3A_1925 = %while3A_1435 to %while3A_1431 step %while3A_1438 iter_args(%while3A_1926 = %while3A_1437) -> (i32)  : i32 {
        %mul3A_1927 = arith.constant 8 : i32
        %mul3A_1928 = arith.muli %while3A_1925, %mul3A_1927 : i32
        %add3A_1929 = arith.constant 0 : i32
        %add3A_1930 = arith.addi %mul3A_1928, %add3A_1929 : i32
        %mul3A_1931 = arith.constant 16 : i32
        %mul3A_1932 = arith.muli %add3A_1930, %mul3A_1931 : i32
        %get3A_1933 = arith.index_cast %mul3A_1932 : i32 to index
        %get3A_1934 = tpu.vector_load %arg6[%get3A_1933] {strides = array<i32>} : memref<8320xi32, #tpu.memory_space<vmem>>, vector<16xi32>,
        %mul3A_1935 = arith.constant 8 : i32
        %mul3A_1936 = arith.muli %while3A_1925, %mul3A_1935 : i32
        %add3A_1937 = arith.constant 0 : i32
        %add3A_1938 = arith.addi %mul3A_1936, %add3A_1937 : i32
        %mul3A_1939 = arith.constant 16 : i32
        %mul3A_1940 = arith.muli %add3A_1938, %mul3A_1939 : i32
        %get3A_1941 = arith.index_cast %mul3A_1940 : i32 to index
        %get3A_1942 = tpu.vector_load %arg7[%get3A_1941] {strides = array<i32>} : memref<8320xi32, #tpu.memory_space<vmem>>, vector<16xi32>,
        %sub3A_1943 = vector.broadcast %add3A_1428 : i32 to vector<16xi32>
        %sub3A_1944 = arith.subi %get3A_1934, %sub3A_1943 : vector<16xi32>
        %ge3A = arith.constant 0 : i32
        %ge3A_1945 = vector.broadcast %ge3A : i32 to vector<16xi32>
        %ge3A_1946 = arith.cmpi sge, %sub3A_1944, %ge3A_1945 : vector<16xi32>
        %lt3A_1947 = arith.constant 8192 : i32
        %lt3A_1948 = vector.broadcast %lt3A_1947 : i32 to vector<16xi32>
        %lt3A_1949 = arith.cmpi slt, %sub3A_1944, %lt3A_1948 : vector<16xi32>
        %and3A_1950 = arith.andi %ge3A_1946, %lt3A_1949 : vector<16xi1>
        %convert_element_type3A = arith.extui %and3A_1950 : vector<16xi1> to vector<16xi32>
        %broadcast_in_dim3A_1951 = arith.constant true
        %broadcast_in_dim3A_1952 = vector.broadcast %broadcast_in_dim3A_1951 : i1 to vector<16xi1>
        %masked_cumsum3A = tpu.scan <sum>, %convert_element_type3A masked %broadcast_in_dim3A_1952 : vector<16xi32>, vector<16xi1> -> vector<16xi32>
        %mul3A_1953 = arith.constant 8 : i32
        %mul3A_1954 = arith.muli %while3A_1925, %mul3A_1953 : i32
        %add3A_1955 = arith.constant 1 : i32
        %add3A_1956 = arith.addi %mul3A_1954, %add3A_1955 : i32
        %mul3A_1957 = arith.constant 16 : i32
        %mul3A_1958 = arith.muli %add3A_1956, %mul3A_1957 : i32
        %get3A_1959 = arith.index_cast %mul3A_1958 : i32 to index
        %get3A_1960 = tpu.vector_load %arg6[%get3A_1959] {strides = array<i32>} : memref<8320xi32, #tpu.memory_space<vmem>>, vector<16xi32>,
        %mul3A_1961 = arith.constant 8 : i32
        %mul3A_1962 = arith.muli %while3A_1925, %mul3A_1961 : i32
        %add3A_1963 = arith.constant 1 : i32
        %add3A_1964 = arith.addi %mul3A_1962, %add3A_1963 : i32
        %mul3A_1965 = arith.constant 16 : i32
        %mul3A_1966 = arith.muli %add3A_1964, %mul3A_1965 : i32
        %get3A_1967 = arith.index_cast %mul3A_1966 : i32 to index
        %get3A_1968 = tpu.vector_load %arg7[%get3A_1967] {strides = array<i32>} : memref<8320xi32, #tpu.memory_space<vmem>>, vector<16xi32>,
        %sub3A_1969 = vector.broadcast %add3A_1428 : i32 to vector<16xi32>
        %sub3A_1970 = arith.subi %get3A_1960, %sub3A_1969 : vector<16xi32>
        %ge3A_1971 = arith.constant 0 : i32
        %ge3A_1972 = vector.broadcast %ge3A_1971 : i32 to vector<16xi32>
        %ge3A_1973 = arith.cmpi sge, %sub3A_1970, %ge3A_1972 : vector<16xi32>
        %lt3A_1974 = arith.constant 8192 : i32
        %lt3A_1975 = vector.broadcast %lt3A_1974 : i32 to vector<16xi32>
        %lt3A_1976 = arith.cmpi slt, %sub3A_1970, %lt3A_1975 : vector<16xi32>
        %and3A_1977 = arith.andi %ge3A_1973, %lt3A_1976 : vector<16xi1>
        %convert_element_type3A_1978 = arith.extui %and3A_1977 : vector<16xi1> to vector<16xi32>
        %broadcast_in_dim3A_1979 = arith.constant true
        %broadcast_in_dim3A_1980 = vector.broadcast %broadcast_in_dim3A_1979 : i1 to vector<16xi1>
        %masked_cumsum3A_1981 = tpu.scan <sum>, %convert_element_type3A_1978 masked %broadcast_in_dim3A_1980 : vector<16xi32>, vector<16xi1> -> vector<16xi32>
        %mul3A_1982 = arith.constant 8 : i32
        %mul3A_1983 = arith.muli %while3A_1925, %mul3A_1982 : i32
        %add3A_1984 = arith.constant 2 : i32
        %add3A_1985 = arith.addi %mul3A_1983, %add3A_1984 : i32
        %mul3A_1986 = arith.constant 16 : i32
        %mul3A_1987 = arith.muli %add3A_1985, %mul3A_1986 : i32
        %get3A_1988 = arith.index_cast %mul3A_1987 : i32 to index
        %get3A_1989 = tpu.vector_load %arg6[%get3A_1988] {strides = array<i32>} : memref<8320xi32, #tpu.memory_space<vmem>>, vector<16xi32>,
        %mul3A_1990 = arith.constant 8 : i32
        %mul3A_1991 = arith.muli %while3A_1925, %mul3A_1990 : i32
        %add3A_1992 = arith.constant 2 : i32
        %add3A_1993 = arith.addi %mul3A_1991, %add3A_1992 : i32
        %mul3A_1994 = arith.constant 16 : i32
        %mul3A_1995 = arith.muli %add3A_1993, %mul3A_1994 : i32
        %get3A_1996 = arith.index_cast %mul3A_1995 : i32 to index
        %get3A_1997 = tpu.vector_load %arg7[%get3A_1996] {strides = array<i32>} : memref<8320xi32, #tpu.memory_space<vmem>>, vector<16xi32>,
        %sub3A_1998 = vector.broadcast %add3A_1428 : i32 to vector<16xi32>
        %sub3A_1999 = arith.subi %get3A_1989, %sub3A_1998 : vector<16xi32>
        %ge3A_2000 = arith.constant 0 : i32
        %ge3A_2001 = vector.broadcast %ge3A_2000 : i32 to vector<16xi32>
        %ge3A_2002 = arith.cmpi sge, %sub3A_1999, %ge3A_2001 : vector<16xi32>
        %lt3A_2003 = arith.constant 8192 : i32
        %lt3A_2004 = vector.broadcast %lt3A_2003 : i32 to vector<16xi32>
        %lt3A_2005 = arith.cmpi slt, %sub3A_1999, %lt3A_2004 : vector<16xi32>
        %and3A_2006 = arith.andi %ge3A_2002, %lt3A_2005 : vector<16xi1>
        %convert_element_type3A_2007 = arith.extui %and3A_2006 : vector<16xi1> to vector<16xi32>
        %broadcast_in_dim3A_2008 = arith.constant true
        %broadcast_in_dim3A_2009 = vector.broadcast %broadcast_in_dim3A_2008 : i1 to vector<16xi1>
        %masked_cumsum3A_2010 = tpu.scan <sum>, %convert_element_type3A_2007 masked %broadcast_in_dim3A_2009 : vector<16xi32>, vector<16xi1> -> vector<16xi32>
        %mul3A_2011 = arith.constant 8 : i32
        %mul3A_2012 = arith.muli %while3A_1925, %mul3A_2011 : i32
        %add3A_2013 = arith.constant 3 : i32
        %add3A_2014 = arith.addi %mul3A_2012, %add3A_2013 : i32
        %mul3A_2015 = arith.constant 16 : i32
        %mul3A_2016 = arith.muli %add3A_2014, %mul3A_2015 : i32
        %get3A_2017 = arith.index_cast %mul3A_2016 : i32 to index
        %get3A_2018 = tpu.vector_load %arg6[%get3A_2017] {strides = array<i32>} : memref<8320xi32, #tpu.memory_space<vmem>>, vector<16xi32>,
        %mul3A_2019 = arith.constant 8 : i32
        %mul3A_2020 = arith.muli %while3A_1925, %mul3A_2019 : i32
        %add3A_2021 = arith.constant 3 : i32
        %add3A_2022 = arith.addi %mul3A_2020, %add3A_2021 : i32
        %mul3A_2023 = arith.constant 16 : i32
        %mul3A_2024 = arith.muli %add3A_2022, %mul3A_2023 : i32
        %get3A_2025 = arith.index_cast %mul3A_2024 : i32 to index
        %get3A_2026 = tpu.vector_load %arg7[%get3A_2025] {strides = array<i32>} : memref<8320xi32, #tpu.memory_space<vmem>>, vector<16xi32>,
        %sub3A_2027 = vector.broadcast %add3A_1428 : i32 to vector<16xi32>
        %sub3A_2028 = arith.subi %get3A_2018, %sub3A_2027 : vector<16xi32>
        %ge3A_2029 = arith.constant 0 : i32
        %ge3A_2030 = vector.broadcast %ge3A_2029 : i32 to vector<16xi32>
        %ge3A_2031 = arith.cmpi sge, %sub3A_2028, %ge3A_2030 : vector<16xi32>
        %lt3A_2032 = arith.constant 8192 : i32
        %lt3A_2033 = vector.broadcast %lt3A_2032 : i32 to vector<16xi32>
        %lt3A_2034 = arith.cmpi slt, %sub3A_2028, %lt3A_2033 : vector<16xi32>
        %and3A_2035 = arith.andi %ge3A_2031, %lt3A_2034 : vector<16xi1>
        %convert_element_type3A_2036 = arith.extui %and3A_2035 : vector<16xi1> to vector<16xi32>
        %broadcast_in_dim3A_2037 = arith.constant true
        %broadcast_in_dim3A_2038 = vector.broadcast %broadcast_in_dim3A_2037 : i1 to vector<16xi1>
        %masked_cumsum3A_2039 = tpu.scan <sum>, %convert_element_type3A_2036 masked %broadcast_in_dim3A_2038 : vector<16xi32>, vector<16xi1> -> vector<16xi32>
        %mul3A_2040 = arith.constant 8 : i32
        %mul3A_2041 = arith.muli %while3A_1925, %mul3A_2040 : i32
        %add3A_2042 = arith.constant 4 : i32
        %add3A_2043 = arith.addi %mul3A_2041, %add3A_2042 : i32
        %mul3A_2044 = arith.constant 16 : i32
        %mul3A_2045 = arith.muli %add3A_2043, %mul3A_2044 : i32
        %get3A_2046 = arith.index_cast %mul3A_2045 : i32 to index
        %get3A_2047 = tpu.vector_load %arg6[%get3A_2046] {strides = array<i32>} : memref<8320xi32, #tpu.memory_space<vmem>>, vector<16xi32>,
        %mul3A_2048 = arith.constant 8 : i32
        %mul3A_2049 = arith.muli %while3A_1925, %mul3A_2048 : i32
        %add3A_2050 = arith.constant 4 : i32
        %add3A_2051 = arith.addi %mul3A_2049, %add3A_2050 : i32
        %mul3A_2052 = arith.constant 16 : i32
        %mul3A_2053 = arith.muli %add3A_2051, %mul3A_2052 : i32
        %get3A_2054 = arith.index_cast %mul3A_2053 : i32 to index
        %get3A_2055 = tpu.vector_load %arg7[%get3A_2054] {strides = array<i32>} : memref<8320xi32, #tpu.memory_space<vmem>>, vector<16xi32>,
        %sub3A_2056 = vector.broadcast %add3A_1428 : i32 to vector<16xi32>
        %sub3A_2057 = arith.subi %get3A_2047, %sub3A_2056 : vector<16xi32>
        %ge3A_2058 = arith.constant 0 : i32
        %ge3A_2059 = vector.broadcast %ge3A_2058 : i32 to vector<16xi32>
        %ge3A_2060 = arith.cmpi sge, %sub3A_2057, %ge3A_2059 : vector<16xi32>
        %lt3A_2061 = arith.constant 8192 : i32
        %lt3A_2062 = vector.broadcast %lt3A_2061 : i32 to vector<16xi32>
        %lt3A_2063 = arith.cmpi slt, %sub3A_2057, %lt3A_2062 : vector<16xi32>
        %and3A_2064 = arith.andi %ge3A_2060, %lt3A_2063 : vector<16xi1>
        %convert_element_type3A_2065 = arith.extui %and3A_2064 : vector<16xi1> to vector<16xi32>
        %broadcast_in_dim3A_2066 = arith.constant true
        %broadcast_in_dim3A_2067 = vector.broadcast %broadcast_in_dim3A_2066 : i1 to vector<16xi1>
        %masked_cumsum3A_2068 = tpu.scan <sum>, %convert_element_type3A_2065 masked %broadcast_in_dim3A_2067 : vector<16xi32>, vector<16xi1> -> vector<16xi32>
        %mul3A_2069 = arith.constant 8 : i32
        %mul3A_2070 = arith.muli %while3A_1925, %mul3A_2069 : i32
        %add3A_2071 = arith.constant 5 : i32
        %add3A_2072 = arith.addi %mul3A_2070, %add3A_2071 : i32
        %mul3A_2073 = arith.constant 16 : i32
        %mul3A_2074 = arith.muli %add3A_2072, %mul3A_2073 : i32
        %get3A_2075 = arith.index_cast %mul3A_2074 : i32 to index
        %get3A_2076 = tpu.vector_load %arg6[%get3A_2075] {strides = array<i32>} : memref<8320xi32, #tpu.memory_space<vmem>>, vector<16xi32>,
        %mul3A_2077 = arith.constant 8 : i32
        %mul3A_2078 = arith.muli %while3A_1925, %mul3A_2077 : i32
        %add3A_2079 = arith.constant 5 : i32
        %add3A_2080 = arith.addi %mul3A_2078, %add3A_2079 : i32
        %mul3A_2081 = arith.constant 16 : i32
        %mul3A_2082 = arith.muli %add3A_2080, %mul3A_2081 : i32
        %get3A_2083 = arith.index_cast %mul3A_2082 : i32 to index
        %get3A_2084 = tpu.vector_load %arg7[%get3A_2083] {strides = array<i32>} : memref<8320xi32, #tpu.memory_space<vmem>>, vector<16xi32>,
        %sub3A_2085 = vector.broadcast %add3A_1428 : i32 to vector<16xi32>
        %sub3A_2086 = arith.subi %get3A_2076, %sub3A_2085 : vector<16xi32>
        %ge3A_2087 = arith.constant 0 : i32
        %ge3A_2088 = vector.broadcast %ge3A_2087 : i32 to vector<16xi32>
        %ge3A_2089 = arith.cmpi sge, %sub3A_2086, %ge3A_2088 : vector<16xi32>
        %lt3A_2090 = arith.constant 8192 : i32
        %lt3A_2091 = vector.broadcast %lt3A_2090 : i32 to vector<16xi32>
        %lt3A_2092 = arith.cmpi slt, %sub3A_2086, %lt3A_2091 : vector<16xi32>
        %and3A_2093 = arith.andi %ge3A_2089, %lt3A_2092 : vector<16xi1>
        %convert_element_type3A_2094 = arith.extui %and3A_2093 : vector<16xi1> to vector<16xi32>
        %broadcast_in_dim3A_2095 = arith.constant true
        %broadcast_in_dim3A_2096 = vector.broadcast %broadcast_in_dim3A_2095 : i1 to vector<16xi1>
        %masked_cumsum3A_2097 = tpu.scan <sum>, %convert_element_type3A_2094 masked %broadcast_in_dim3A_2096 : vector<16xi32>, vector<16xi1> -> vector<16xi32>
        %mul3A_2098 = arith.constant 8 : i32
        %mul3A_2099 = arith.muli %while3A_1925, %mul3A_2098 : i32
        %add3A_2100 = arith.constant 6 : i32
        %add3A_2101 = arith.addi %mul3A_2099, %add3A_2100 : i32
        %mul3A_2102 = arith.constant 16 : i32
        %mul3A_2103 = arith.muli %add3A_2101, %mul3A_2102 : i32
        %get3A_2104 = arith.index_cast %mul3A_2103 : i32 to index
        %get3A_2105 = tpu.vector_load %arg6[%get3A_2104] {strides = array<i32>} : memref<8320xi32, #tpu.memory_space<vmem>>, vector<16xi32>,
        %mul3A_2106 = arith.constant 8 : i32
        %mul3A_2107 = arith.muli %while3A_1925, %mul3A_2106 : i32
        %add3A_2108 = arith.constant 6 : i32
        %add3A_2109 = arith.addi %mul3A_2107, %add3A_2108 : i32
        %mul3A_2110 = arith.constant 16 : i32
        %mul3A_2111 = arith.muli %add3A_2109, %mul3A_2110 : i32
        %get3A_2112 = arith.index_cast %mul3A_2111 : i32 to index
        %get3A_2113 = tpu.vector_load %arg7[%get3A_2112] {strides = array<i32>} : memref<8320xi32, #tpu.memory_space<vmem>>, vector<16xi32>,
        %sub3A_2114 = vector.broadcast %add3A_1428 : i32 to vector<16xi32>
        %sub3A_2115 = arith.subi %get3A_2105, %sub3A_2114 : vector<16xi32>
        %ge3A_2116 = arith.constant 0 : i32
        %ge3A_2117 = vector.broadcast %ge3A_2116 : i32 to vector<16xi32>
        %ge3A_2118 = arith.cmpi sge, %sub3A_2115, %ge3A_2117 : vector<16xi32>
        %lt3A_2119 = arith.constant 8192 : i32
        %lt3A_2120 = vector.broadcast %lt3A_2119 : i32 to vector<16xi32>
        %lt3A_2121 = arith.cmpi slt, %sub3A_2115, %lt3A_2120 : vector<16xi32>
        %and3A_2122 = arith.andi %ge3A_2118, %lt3A_2121 : vector<16xi1>
        %convert_element_type3A_2123 = arith.extui %and3A_2122 : vector<16xi1> to vector<16xi32>
        %broadcast_in_dim3A_2124 = arith.constant true
        %broadcast_in_dim3A_2125 = vector.broadcast %broadcast_in_dim3A_2124 : i1 to vector<16xi1>
        %masked_cumsum3A_2126 = tpu.scan <sum>, %convert_element_type3A_2123 masked %broadcast_in_dim3A_2125 : vector<16xi32>, vector<16xi1> -> vector<16xi32>
        %mul3A_2127 = arith.constant 8 : i32
        %mul3A_2128 = arith.muli %while3A_1925, %mul3A_2127 : i32
        %add3A_2129 = arith.constant 7 : i32
        %add3A_2130 = arith.addi %mul3A_2128, %add3A_2129 : i32
        %mul3A_2131 = arith.constant 16 : i32
        %mul3A_2132 = arith.muli %add3A_2130, %mul3A_2131 : i32
        %get3A_2133 = arith.index_cast %mul3A_2132 : i32 to index
        %get3A_2134 = tpu.vector_load %arg6[%get3A_2133] {strides = array<i32>} : memref<8320xi32, #tpu.memory_space<vmem>>, vector<16xi32>,
        %mul3A_2135 = arith.constant 8 : i32
        %mul3A_2136 = arith.muli %while3A_1925, %mul3A_2135 : i32
        %add3A_2137 = arith.constant 7 : i32
        %add3A_2138 = arith.addi %mul3A_2136, %add3A_2137 : i32
        %mul3A_2139 = arith.constant 16 : i32
        %mul3A_2140 = arith.muli %add3A_2138, %mul3A_2139 : i32
        %get3A_2141 = arith.index_cast %mul3A_2140 : i32 to index
        %get3A_2142 = tpu.vector_load %arg7[%get3A_2141] {strides = array<i32>} : memref<8320xi32, #tpu.memory_space<vmem>>, vector<16xi32>,
        %sub3A_2143 = vector.broadcast %add3A_1428 : i32 to vector<16xi32>
        %sub3A_2144 = arith.subi %get3A_2134, %sub3A_2143 : vector<16xi32>
        %ge3A_2145 = arith.constant 0 : i32
        %ge3A_2146 = vector.broadcast %ge3A_2145 : i32 to vector<16xi32>
        %ge3A_2147 = arith.cmpi sge, %sub3A_2144, %ge3A_2146 : vector<16xi32>
        %lt3A_2148 = arith.constant 8192 : i32
        %lt3A_2149 = vector.broadcast %lt3A_2148 : i32 to vector<16xi32>
        %lt3A_2150 = arith.cmpi slt, %sub3A_2144, %lt3A_2149 : vector<16xi32>
        %and3A_2151 = arith.andi %ge3A_2147, %lt3A_2150 : vector<16xi1>
        %convert_element_type3A_2152 = arith.extui %and3A_2151 : vector<16xi1> to vector<16xi32>
        %broadcast_in_dim3A_2153 = arith.constant true
        %broadcast_in_dim3A_2154 = vector.broadcast %broadcast_in_dim3A_2153 : i1 to vector<16xi1>
        %masked_cumsum3A_2155 = tpu.scan <sum>, %convert_element_type3A_2152 masked %broadcast_in_dim3A_2154 : vector<16xi32>, vector<16xi1> -> vector<16xi32>
        %add3A_2156 = vector.broadcast %while3A_1926 : i32 to vector<16xi32>
        %add3A_2157 = arith.addi %add3A_2156, %masked_cumsum3A : vector<16xi32>
        %sub3A_2158 = arith.constant 1 : i32
        %sub3A_2159 = vector.broadcast %sub3A_2158 : i32 to vector<16xi32>
        %sub3A_2160 = arith.subi %add3A_2157, %sub3A_2159 : vector<16xi32>
        tpu.vector_store_idx %arg8[%sub3A_2160], %get3A_1942 masked %and3A_1950 : memref<8320xi32, #tpu.memory_space<vmem>>[vector<16xi32>], vector<16xi32>, vector<16xi1>
        tpu.vector_store_idx %arg9[%sub3A_2160], %sub3A_1944 masked %and3A_1950 : memref<8320xi32, #tpu.memory_space<vmem>>[vector<16xi32>], vector<16xi32>, vector<16xi1>
        %slice3A = vector.extract_strided_slice %masked_cumsum3A {offsets = [15], sizes = [1], strides = [1]} : vector<16xi32> to vector<1xi32>
        %squeeze3A = vector.extract %slice3A[0] : i32 from vector<1xi32>
        %add3A_2161 = arith.addi %while3A_1926, %squeeze3A : i32
        %add3A_2162 = vector.broadcast %add3A_2161 : i32 to vector<16xi32>
        %add3A_2163 = arith.addi %add3A_2162, %masked_cumsum3A_1981 : vector<16xi32>
        %sub3A_2164 = arith.constant 1 : i32
        %sub3A_2165 = vector.broadcast %sub3A_2164 : i32 to vector<16xi32>
        %sub3A_2166 = arith.subi %add3A_2163, %sub3A_2165 : vector<16xi32>
        tpu.vector_store_idx %arg8[%sub3A_2166], %get3A_1968 masked %and3A_1977 : memref<8320xi32, #tpu.memory_space<vmem>>[vector<16xi32>], vector<16xi32>, vector<16xi1>
        tpu.vector_store_idx %arg9[%sub3A_2166], %sub3A_1970 masked %and3A_1977 : memref<8320xi32, #tpu.memory_space<vmem>>[vector<16xi32>], vector<16xi32>, vector<16xi1>
        %slice3A_2167 = vector.extract_strided_slice %masked_cumsum3A_1981 {offsets = [15], sizes = [1], strides = [1]} : vector<16xi32> to vector<1xi32>
        %squeeze3A_2168 = vector.extract %slice3A_2167[0] : i32 from vector<1xi32>
        %add3A_2169 = arith.addi %add3A_2161, %squeeze3A_2168 : i32
        %add3A_2170 = vector.broadcast %add3A_2169 : i32 to vector<16xi32>
        %add3A_2171 = arith.addi %add3A_2170, %masked_cumsum3A_2010 : vector<16xi32>
        %sub3A_2172 = arith.constant 1 : i32
        %sub3A_2173 = vector.broadcast %sub3A_2172 : i32 to vector<16xi32>
        %sub3A_2174 = arith.subi %add3A_2171, %sub3A_2173 : vector<16xi32>
        tpu.vector_store_idx %arg8[%sub3A_2174], %get3A_1997 masked %and3A_2006 : memref<8320xi32, #tpu.memory_space<vmem>>[vector<16xi32>], vector<16xi32>, vector<16xi1>
        tpu.vector_store_idx %arg9[%sub3A_2174], %sub3A_1999 masked %and3A_2006 : memref<8320xi32, #tpu.memory_space<vmem>>[vector<16xi32>], vector<16xi32>, vector<16xi1>
        %slice3A_2175 = vector.extract_strided_slice %masked_cumsum3A_2010 {offsets = [15], sizes = [1], strides = [1]} : vector<16xi32> to vector<1xi32>
        %squeeze3A_2176 = vector.extract %slice3A_2175[0] : i32 from vector<1xi32>
        %add3A_2177 = arith.addi %add3A_2169, %squeeze3A_2176 : i32
        %add3A_2178 = vector.broadcast %add3A_2177 : i32 to vector<16xi32>
        %add3A_2179 = arith.addi %add3A_2178, %masked_cumsum3A_2039 : vector<16xi32>
        %sub3A_2180 = arith.constant 1 : i32
        %sub3A_2181 = vector.broadcast %sub3A_2180 : i32 to vector<16xi32>
        %sub3A_2182 = arith.subi %add3A_2179, %sub3A_2181 : vector<16xi32>
        tpu.vector_store_idx %arg8[%sub3A_2182], %get3A_2026 masked %and3A_2035 : memref<8320xi32, #tpu.memory_space<vmem>>[vector<16xi32>], vector<16xi32>, vector<16xi1>
        tpu.vector_store_idx %arg9[%sub3A_2182], %sub3A_2028 masked %and3A_2035 : memref<8320xi32, #tpu.memory_space<vmem>>[vector<16xi32>], vector<16xi32>, vector<16xi1>
        %slice3A_2183 = vector.extract_strided_slice %masked_cumsum3A_2039 {offsets = [15], sizes = [1], strides = [1]} : vector<16xi32> to vector<1xi32>
        %squeeze3A_2184 = vector.extract %slice3A_2183[0] : i32 from vector<1xi32>
        %add3A_2185 = arith.addi %add3A_2177, %squeeze3A_2184 : i32
        %add3A_2186 = vector.broadcast %add3A_2185 : i32 to vector<16xi32>
        %add3A_2187 = arith.addi %add3A_2186, %masked_cumsum3A_2068 : vector<16xi32>
        %sub3A_2188 = arith.constant 1 : i32
        %sub3A_2189 = vector.broadcast %sub3A_2188 : i32 to vector<16xi32>
        %sub3A_2190 = arith.subi %add3A_2187, %sub3A_2189 : vector<16xi32>
        tpu.vector_store_idx %arg8[%sub3A_2190], %get3A_2055 masked %and3A_2064 : memref<8320xi32, #tpu.memory_space<vmem>>[vector<16xi32>], vector<16xi32>, vector<16xi1>
        tpu.vector_store_idx %arg9[%sub3A_2190], %sub3A_2057 masked %and3A_2064 : memref<8320xi32, #tpu.memory_space<vmem>>[vector<16xi32>], vector<16xi32>, vector<16xi1>
        %slice3A_2191 = vector.extract_strided_slice %masked_cumsum3A_2068 {offsets = [15], sizes = [1], strides = [1]} : vector<16xi32> to vector<1xi32>
        %squeeze3A_2192 = vector.extract %slice3A_2191[0] : i32 from vector<1xi32>
        %add3A_2193 = arith.addi %add3A_2185, %squeeze3A_2192 : i32
        %add3A_2194 = vector.broadcast %add3A_2193 : i32 to vector<16xi32>
        %add3A_2195 = arith.addi %add3A_2194, %masked_cumsum3A_2097 : vector<16xi32>
        %sub3A_2196 = arith.constant 1 : i32
        %sub3A_2197 = vector.broadcast %sub3A_2196 : i32 to vector<16xi32>
        %sub3A_2198 = arith.subi %add3A_2195, %sub3A_2197 : vector<16xi32>
        tpu.vector_store_idx %arg8[%sub3A_2198], %get3A_2084 masked %and3A_2093 : memref<8320xi32, #tpu.memory_space<vmem>>[vector<16xi32>], vector<16xi32>, vector<16xi1>
        tpu.vector_store_idx %arg9[%sub3A_2198], %sub3A_2086 masked %and3A_2093 : memref<8320xi32, #tpu.memory_space<vmem>>[vector<16xi32>], vector<16xi32>, vector<16xi1>
        %slice3A_2199 = vector.extract_strided_slice %masked_cumsum3A_2097 {offsets = [15], sizes = [1], strides = [1]} : vector<16xi32> to vector<1xi32>
        %squeeze3A_2200 = vector.extract %slice3A_2199[0] : i32 from vector<1xi32>
        %add3A_2201 = arith.addi %add3A_2193, %squeeze3A_2200 : i32
        %add3A_2202 = vector.broadcast %add3A_2201 : i32 to vector<16xi32>
        %add3A_2203 = arith.addi %add3A_2202, %masked_cumsum3A_2126 : vector<16xi32>
        %sub3A_2204 = arith.constant 1 : i32
        %sub3A_2205 = vector.broadcast %sub3A_2204 : i32 to vector<16xi32>
        %sub3A_2206 = arith.subi %add3A_2203, %sub3A_2205 : vector<16xi32>
        tpu.vector_store_idx %arg8[%sub3A_2206], %get3A_2113 masked %and3A_2122 : memref<8320xi32, #tpu.memory_space<vmem>>[vector<16xi32>], vector<16xi32>, vector<16xi1>
        tpu.vector_store_idx %arg9[%sub3A_2206], %sub3A_2115 masked %and3A_2122 : memref<8320xi32, #tpu.memory_space<vmem>>[vector<16xi32>], vector<16xi32>, vector<16xi1>
        %slice3A_2207 = vector.extract_strided_slice %masked_cumsum3A_2126 {offsets = [15], sizes = [1], strides = [1]} : vector<16xi32> to vector<1xi32>
        %squeeze3A_2208 = vector.extract %slice3A_2207[0] : i32 from vector<1xi32>
        %add3A_2209 = arith.addi %add3A_2201, %squeeze3A_2208 : i32
        %add3A_2210 = vector.broadcast %add3A_2209 : i32 to vector<16xi32>
        %add3A_2211 = arith.addi %add3A_2210, %masked_cumsum3A_2155 : vector<16xi32>
        %sub3A_2212 = arith.constant 1 : i32
        %sub3A_2213 = vector.broadcast %sub3A_2212 : i32 to vector<16xi32>
        %sub3A_2214 = arith.subi %add3A_2211, %sub3A_2213 : vector<16xi32>
        tpu.vector_store_idx %arg8[%sub3A_2214], %get3A_2142 masked %and3A_2151 : memref<8320xi32, #tpu.memory_space<vmem>>[vector<16xi32>], vector<16xi32>, vector<16xi1>
        tpu.vector_store_idx %arg9[%sub3A_2214], %sub3A_2144 masked %and3A_2151 : memref<8320xi32, #tpu.memory_space<vmem>>[vector<16xi32>], vector<16xi32>, vector<16xi1>
        %slice3A_2215 = vector.extract_strided_slice %masked_cumsum3A_2155 {offsets = [15], sizes = [1], strides = [1]} : vector<16xi32> to vector<1xi32>
        %squeeze3A_2216 = vector.extract %slice3A_2215[0] : i32 from vector<1xi32>
        %add3A_2217 = arith.addi %add3A_2209, %squeeze3A_2216 : i32
        scf.yield %add3A_2217 : i32
      }
      %jit3A_1440 = arith.constant 16 : i32
      %div3A_1441 = arith.divsi %while3A_1439, %jit3A_1440 : i32
      %sign3A_1442 = arith.constant 0 : i32
      %sign3A_1443 = arith.cmpi sgt, %while3A_1439, %sign3A_1442 : i32
      %sign3A_1444 = arith.extui %sign3A_1443 : i1 to i32
      %sign3A_1445 = arith.constant 0 : i32
      %sign3A_1446 = arith.cmpi slt, %while3A_1439, %sign3A_1445 : i32
      %sign3A_1447 = arith.extui %sign3A_1446 : i1 to i32
      %sign3A_1448 = arith.subi %sign3A_1444, %sign3A_1447 : i32
      %sign3A_1449 = arith.constant 0 : i32
      %sign3A_1450 = arith.cmpi sgt, %jit3A_1440, %sign3A_1449 : i32
      %sign3A_1451 = arith.extui %sign3A_1450 : i1 to i32
      %sign3A_1452 = arith.constant 0 : i32
      %sign3A_1453 = arith.cmpi slt, %jit3A_1440, %sign3A_1452 : i32
      %sign3A_1454 = arith.extui %sign3A_1453 : i1 to i32
      %sign3A_1455 = arith.subi %sign3A_1451, %sign3A_1454 : i32
      %ne3A_1456 = arith.cmpi ne, %sign3A_1448, %sign3A_1455 : i32
      %rem3A_1457 = arith.remsi %while3A_1439, %jit3A_1440 : i32
      %ne3A_1458 = arith.constant 0 : i32
      %ne3A_1459 = arith.cmpi ne, %rem3A_1457, %ne3A_1458 : i32
      %and3A_1460 = arith.andi %ne3A_1456, %ne3A_1459 : i1
      %sub3A_1461 = arith.constant 1 : i32
      %sub3A_1462 = arith.subi %div3A_1441, %sub3A_1461 : i32
      %select_n3A_1463 = arith.select %and3A_1460, %sub3A_1462, %div3A_1441 : i32
      %mul3A_1464 = arith.constant 16 : i32
      %mul3A_1465 = arith.muli %select_n3A_1463, %mul3A_1464 : i32
      %add3A_1466 = arith.constant 0 : i32
      %add3A_1467 = arith.addi %mul3A_1465, %add3A_1466 : i32
      %add3A_1468 = vector.broadcast %add3A_1467 : i32 to vector<16xi32>
      %add3A_1469 = arith.addi %add3A_1468, %iota3A : vector<16xi32>
      %lt3A_1470 = vector.broadcast %while3A_1439 : i32 to vector<16xi32>
      %lt3A_1471 = arith.cmpi slt, %add3A_1469, %lt3A_1470 : vector<16xi32>
      %get3A_1472 = arith.index_cast %add3A_1467 : i32 to index
      %get3A_1473 = tpu.vector_load %arg8[%get3A_1472] {strides = array<i32>} : memref<8320xi32, #tpu.memory_space<vmem>>, vector<16xi32>,
      %get3A_1474 = arith.index_cast %add3A_1467 : i32 to index
      %get3A_1475 = tpu.vector_load %arg9[%get3A_1474] {strides = array<i32>} : memref<8320xi32, #tpu.memory_space<vmem>>, vector<16xi32>,
      %select_n3A_1476 = arith.select %lt3A_1471, %get3A_1473, %iota3A : vector<16xi1>, vector<16xi32>
      %swap3A_1477 = arith.index_cast %add3A_1467 : i32 to index
      %swap3A_1478 = tpu.vector_load %arg8[%swap3A_1477] {strides = array<i32>} : memref<8320xi32, #tpu.memory_space<vmem>>, vector<16xi32>,
      tpu.vector_store %arg8[%swap3A_1477], %select_n3A_1476 {strides = array<i32>} : memref<8320xi32, #tpu.memory_space<vmem>>, vector<16xi32>,
      %add3A_1479 = arith.constant 8192 : i32
      %add3A_1480 = vector.broadcast %add3A_1479 : i32 to vector<16xi32>
      %add3A_1481 = arith.addi %add3A_1480, %iota3A : vector<16xi32>
      %select_n3A_1482 = arith.select %lt3A_1471, %get3A_1475, %add3A_1481 : vector<16xi1>, vector<16xi32>
      %swap3A_1483 = arith.index_cast %add3A_1467 : i32 to index
      %swap3A_1484 = tpu.vector_load %arg9[%swap3A_1483] {strides = array<i32>} : memref<8320xi32, #tpu.memory_space<vmem>>, vector<16xi32>,
      tpu.vector_store %arg9[%swap3A_1483], %select_n3A_1482 {strides = array<i32>} : memref<8320xi32, #tpu.memory_space<vmem>>, vector<16xi32>,
      %add3A_1485 = arith.constant 16 : i32
      %add3A_1486 = arith.addi %mul3A_1465, %add3A_1485 : i32
      %add3A_1487 = vector.broadcast %add3A_1486 : i32 to vector<16xi32>
      %add3A_1488 = arith.addi %add3A_1487, %iota3A : vector<16xi32>
      %lt3A_1489 = vector.broadcast %while3A_1439 : i32 to vector<16xi32>
      %lt3A_1490 = arith.cmpi slt, %add3A_1488, %lt3A_1489 : vector<16xi32>
      %get3A_1491 = arith.index_cast %add3A_1486 : i32 to index
      %get3A_1492 = tpu.vector_load %arg8[%get3A_1491] {strides = array<i32>} : memref<8320xi32, #tpu.memory_space<vmem>>, vector<16xi32>,
      %get3A_1493 = arith.index_cast %add3A_1486 : i32 to index
      %get3A_1494 = tpu.vector_load %arg9[%get3A_1493] {strides = array<i32>} : memref<8320xi32, #tpu.memory_space<vmem>>, vector<16xi32>,
      %select_n3A_1495 = arith.select %lt3A_1490, %get3A_1492, %iota3A : vector<16xi1>, vector<16xi32>
      %swap3A_1496 = arith.index_cast %add3A_1486 : i32 to index
      %swap3A_1497 = tpu.vector_load %arg8[%swap3A_1496] {strides = array<i32>} : memref<8320xi32, #tpu.memory_space<vmem>>, vector<16xi32>,
      tpu.vector_store %arg8[%swap3A_1496], %select_n3A_1495 {strides = array<i32>} : memref<8320xi32, #tpu.memory_space<vmem>>, vector<16xi32>,
      %add3A_1498 = arith.constant 8192 : i32
      %add3A_1499 = vector.broadcast %add3A_1498 : i32 to vector<16xi32>
      %add3A_1500 = arith.addi %add3A_1499, %iota3A : vector<16xi32>
      %select_n3A_1501 = arith.select %lt3A_1490, %get3A_1494, %add3A_1500 : vector<16xi1>, vector<16xi32>
      %swap3A_1502 = arith.index_cast %add3A_1486 : i32 to index
      %swap3A_1503 = tpu.vector_load %arg9[%swap3A_1502] {strides = array<i32>} : memref<8320xi32, #tpu.memory_space<vmem>>, vector<16xi32>,
      tpu.vector_store %arg9[%swap3A_1502], %select_n3A_1501 {strides = array<i32>} : memref<8320xi32, #tpu.memory_space<vmem>>, vector<16xi32>,
      %add3A_1504 = arith.constant 32 : i32
      %add3A_1505 = arith.addi %mul3A_1465, %add3A_1504 : i32
      %add3A_1506 = vector.broadcast %add3A_1505 : i32 to vector<16xi32>
      %add3A_1507 = arith.addi %add3A_1506, %iota3A : vector<16xi32>
      %lt3A_1508 = vector.broadcast %while3A_1439 : i32 to vector<16xi32>
      %lt3A_1509 = arith.cmpi slt, %add3A_1507, %lt3A_1508 : vector<16xi32>
      %get3A_1510 = arith.index_cast %add3A_1505 : i32 to index
      %get3A_1511 = tpu.vector_load %arg8[%get3A_1510] {strides = array<i32>} : memref<8320xi32, #tpu.memory_space<vmem>>, vector<16xi32>,
      %get3A_1512 = arith.index_cast %add3A_1505 : i32 to index
      %get3A_1513 = tpu.vector_load %arg9[%get3A_1512] {strides = array<i32>} : memref<8320xi32, #tpu.memory_space<vmem>>, vector<16xi32>,
      %select_n3A_1514 = arith.select %lt3A_1509, %get3A_1511, %iota3A : vector<16xi1>, vector<16xi32>
      %swap3A_1515 = arith.index_cast %add3A_1505 : i32 to index
      %swap3A_1516 = tpu.vector_load %arg8[%swap3A_1515] {strides = array<i32>} : memref<8320xi32, #tpu.memory_space<vmem>>, vector<16xi32>,
      tpu.vector_store %arg8[%swap3A_1515], %select_n3A_1514 {strides = array<i32>} : memref<8320xi32, #tpu.memory_space<vmem>>, vector<16xi32>,
      %add3A_1517 = arith.constant 8192 : i32
      %add3A_1518 = vector.broadcast %add3A_1517 : i32 to vector<16xi32>
      %add3A_1519 = arith.addi %add3A_1518, %iota3A : vector<16xi32>
      %select_n3A_1520 = arith.select %lt3A_1509, %get3A_1513, %add3A_1519 : vector<16xi1>, vector<16xi32>
      %swap3A_1521 = arith.index_cast %add3A_1505 : i32 to index
      %swap3A_1522 = tpu.vector_load %arg9[%swap3A_1521] {strides = array<i32>} : memref<8320xi32, #tpu.memory_space<vmem>>, vector<16xi32>,
      tpu.vector_store %arg9[%swap3A_1521], %select_n3A_1520 {strides = array<i32>} : memref<8320xi32, #tpu.memory_space<vmem>>, vector<16xi32>,
      %add3A_1523 = arith.constant 48 : i32
      %add3A_1524 = arith.addi %mul3A_1465, %add3A_1523 : i32
      %add3A_1525 = vector.broadcast %add3A_1524 : i32 to vector<16xi32>
      %add3A_1526 = arith.addi %add3A_1525, %iota3A : vector<16xi32>
      %lt3A_1527 = vector.broadcast %while3A_1439 : i32 to vector<16xi32>
      %lt3A_1528 = arith.cmpi slt, %add3A_1526, %lt3A_1527 : vector<16xi32>
      %get3A_1529 = arith.index_cast %add3A_1524 : i32 to index
      %get3A_1530 = tpu.vector_load %arg8[%get3A_1529] {strides = array<i32>} : memref<8320xi32, #tpu.memory_space<vmem>>, vector<16xi32>,
      %get3A_1531 = arith.index_cast %add3A_1524 : i32 to index
      %get3A_1532 = tpu.vector_load %arg9[%get3A_1531] {strides = array<i32>} : memref<8320xi32, #tpu.memory_space<vmem>>, vector<16xi32>,
      %select_n3A_1533 = arith.select %lt3A_1528, %get3A_1530, %iota3A : vector<16xi1>, vector<16xi32>
      %swap3A_1534 = arith.index_cast %add3A_1524 : i32 to index
      %swap3A_1535 = tpu.vector_load %arg8[%swap3A_1534] {strides = array<i32>} : memref<8320xi32, #tpu.memory_space<vmem>>, vector<16xi32>,
      tpu.vector_store %arg8[%swap3A_1534], %select_n3A_1533 {strides = array<i32>} : memref<8320xi32, #tpu.memory_space<vmem>>, vector<16xi32>,
      %add3A_1536 = arith.constant 8192 : i32
      %add3A_1537 = vector.broadcast %add3A_1536 : i32 to vector<16xi32>
      %add3A_1538 = arith.addi %add3A_1537, %iota3A : vector<16xi32>
      %select_n3A_1539 = arith.select %lt3A_1528, %get3A_1532, %add3A_1538 : vector<16xi1>, vector<16xi32>
      %swap3A_1540 = arith.index_cast %add3A_1524 : i32 to index
      %swap3A_1541 = tpu.vector_load %arg9[%swap3A_1540] {strides = array<i32>} : memref<8320xi32, #tpu.memory_space<vmem>>, vector<16xi32>,
      tpu.vector_store %arg9[%swap3A_1540], %select_n3A_1539 {strides = array<i32>} : memref<8320xi32, #tpu.memory_space<vmem>>, vector<16xi32>,
      %add3A_1542 = arith.constant 64 : i32
      %add3A_1543 = arith.addi %mul3A_1465, %add3A_1542 : i32
      %add3A_1544 = vector.broadcast %add3A_1543 : i32 to vector<16xi32>
      %add3A_1545 = arith.addi %add3A_1544, %iota3A : vector<16xi32>
      %lt3A_1546 = vector.broadcast %while3A_1439 : i32 to vector<16xi32>
      %lt3A_1547 = arith.cmpi slt, %add3A_1545, %lt3A_1546 : vector<16xi32>
      %get3A_1548 = arith.index_cast %add3A_1543 : i32 to index
      %get3A_1549 = tpu.vector_load %arg8[%get3A_1548] {strides = array<i32>} : memref<8320xi32, #tpu.memory_space<vmem>>, vector<16xi32>,
      %get3A_1550 = arith.index_cast %add3A_1543 : i32 to index
      %get3A_1551 = tpu.vector_load %arg9[%get3A_1550] {strides = array<i32>} : memref<8320xi32, #tpu.memory_space<vmem>>, vector<16xi32>,
      %select_n3A_1552 = arith.select %lt3A_1547, %get3A_1549, %iota3A : vector<16xi1>, vector<16xi32>
      %swap3A_1553 = arith.index_cast %add3A_1543 : i32 to index
      %swap3A_1554 = tpu.vector_load %arg8[%swap3A_1553] {strides = array<i32>} : memref<8320xi32, #tpu.memory_space<vmem>>, vector<16xi32>,
      tpu.vector_store %arg8[%swap3A_1553], %select_n3A_1552 {strides = array<i32>} : memref<8320xi32, #tpu.memory_space<vmem>>, vector<16xi32>,
      %add3A_1555 = arith.constant 8192 : i32
      %add3A_1556 = vector.broadcast %add3A_1555 : i32 to vector<16xi32>
      %add3A_1557 = arith.addi %add3A_1556, %iota3A : vector<16xi32>
      %select_n3A_1558 = arith.select %lt3A_1547, %get3A_1551, %add3A_1557 : vector<16xi1>, vector<16xi32>
      %swap3A_1559 = arith.index_cast %add3A_1543 : i32 to index
      %swap3A_1560 = tpu.vector_load %arg9[%swap3A_1559] {strides = array<i32>} : memref<8320xi32, #tpu.memory_space<vmem>>, vector<16xi32>,
      tpu.vector_store %arg9[%swap3A_1559], %select_n3A_1558 {strides = array<i32>} : memref<8320xi32, #tpu.memory_space<vmem>>, vector<16xi32>,
      %mul3A_1561 = arith.constant 512 : i32
      %mul3A_1562 = arith.muli %arg1, %mul3A_1561 : i32
      %add3A_1563 = arith.constant 0 : i32
      %add3A_1564 = arith.addi %mul3A_1562, %add3A_1563 : i32
      %dma_wait3A_1565 = arith.constant 0 : i32
      %dma_wait3A_1566 = tpu.memref_slice %arg17[%add3A_1564, %dma_wait3A_1565] : memref<8208x128xf32, #tpu.memory_space<vmem_shared>> -> memref<32x128xf32, #tpu.memory_space<vmem_shared>>
      %dma_wait3A_1567 = arith.constant 0 : i32
      %dma_wait3A_1568 = tpu.memref_slice %arg17[%add3A_1564, %dma_wait3A_1567] : memref<8208x128xf32, #tpu.memory_space<vmem_shared>> -> memref<32x128xf32, #tpu.memory_space<vmem_shared>>
      tpu.wait_dma2 semaphore(%arg20 : memref<!tpu.dma_semaphore, #tpu.memory_space<semaphore_mem>>) src(%arg16 : memref<32x128xf32, #tpu.memory_space<vmem>>) dst(%dma_wait3A_1568 : memref<32x128xf32, #tpu.memory_space<vmem_shared>>)
      %mul3A_1569 = arith.constant 512 : i32
      %mul3A_1570 = arith.muli %arg1, %mul3A_1569 : i32
      %add3A_1571 = arith.constant 32 : i32
      %add3A_1572 = arith.addi %mul3A_1570, %add3A_1571 : i32
      %dma_wait3A_1573 = arith.constant 0 : i32
      %dma_wait3A_1574 = tpu.memref_slice %arg17[%add3A_1572, %dma_wait3A_1573] : memref<8208x128xf32, #tpu.memory_space<vmem_shared>> -> memref<32x128xf32, #tpu.memory_space<vmem_shared>>
      %dma_wait3A_1575 = arith.constant 0 : i32
      %dma_wait3A_1576 = tpu.memref_slice %arg17[%add3A_1572, %dma_wait3A_1575] : memref<8208x128xf32, #tpu.memory_space<vmem_shared>> -> memref<32x128xf32, #tpu.memory_space<vmem_shared>>
      tpu.wait_dma2 semaphore(%arg20 : memref<!tpu.dma_semaphore, #tpu.memory_space<semaphore_mem>>) src(%arg16 : memref<32x128xf32, #tpu.memory_space<vmem>>) dst(%dma_wait3A_1576 : memref<32x128xf32, #tpu.memory_space<vmem_shared>>)
      %mul3A_1577 = arith.constant 512 : i32
      %mul3A_1578 = arith.muli %arg1, %mul3A_1577 : i32
      %add3A_1579 = arith.constant 64 : i32
      %add3A_1580 = arith.addi %mul3A_1578, %add3A_1579 : i32
      %dma_wait3A_1581 = arith.constant 0 : i32
      %dma_wait3A_1582 = tpu.memref_slice %arg17[%add3A_1580, %dma_wait3A_1581] : memref<8208x128xf32, #tpu.memory_space<vmem_shared>> -> memref<32x128xf32, #tpu.memory_space<vmem_shared>>
      %dma_wait3A_1583 = arith.constant 0 : i32
      %dma_wait3A_1584 = tpu.memref_slice %arg17[%add3A_1580, %dma_wait3A_1583] : memref<8208x128xf32, #tpu.memory_space<vmem_shared>> -> memref<32x128xf32, #tpu.memory_space<vmem_shared>>
      tpu.wait_dma2 semaphore(%arg20 : memref<!tpu.dma_semaphore, #tpu.memory_space<semaphore_mem>>) src(%arg16 : memref<32x128xf32, #tpu.memory_space<vmem>>) dst(%dma_wait3A_1584 : memref<32x128xf32, #tpu.memory_space<vmem_shared>>)
      %mul3A_1585 = arith.constant 512 : i32
      %mul3A_1586 = arith.muli %arg1, %mul3A_1585 : i32
      %add3A_1587 = arith.constant 96 : i32
      %add3A_1588 = arith.addi %mul3A_1586, %add3A_1587 : i32
      %dma_wait3A_1589 = arith.constant 0 : i32
      %dma_wait3A_1590 = tpu.memref_slice %arg17[%add3A_1588, %dma_wait3A_1589] : memref<8208x128xf32, #tpu.memory_space<vmem_shared>> -> memref<32x128xf32, #tpu.memory_space<vmem_shared>>
      %dma_wait3A_1591 = arith.constant 0 : i32
      %dma_wait3A_1592 = tpu.memref_slice %arg17[%add3A_1588, %dma_wait3A_1591] : memref<8208x128xf32, #tpu.memory_space<vmem_shared>> -> memref<32x128xf32, #tpu.memory_space<vmem_shared>>
      tpu.wait_dma2 semaphore(%arg20 : memref<!tpu.dma_semaphore, #tpu.memory_space<semaphore_mem>>) src(%arg16 : memref<32x128xf32, #tpu.memory_space<vmem>>) dst(%dma_wait3A_1592 : memref<32x128xf32, #tpu.memory_space<vmem_shared>>)
      %mul3A_1593 = arith.constant 512 : i32
      %mul3A_1594 = arith.muli %arg1, %mul3A_1593 : i32
      %add3A_1595 = arith.constant 128 : i32
      %add3A_1596 = arith.addi %mul3A_1594, %add3A_1595 : i32
      %dma_wait3A_1597 = arith.constant 0 : i32
      %dma_wait3A_1598 = tpu.memref_slice %arg17[%add3A_1596, %dma_wait3A_1597] : memref<8208x128xf32, #tpu.memory_space<vmem_shared>> -> memref<32x128xf32, #tpu.memory_space<vmem_shared>>
      %dma_wait3A_1599 = arith.constant 0 : i32
      %dma_wait3A_1600 = tpu.memref_slice %arg17[%add3A_1596, %dma_wait3A_1599] : memref<8208x128xf32, #tpu.memory_space<vmem_shared>> -> memref<32x128xf32, #tpu.memory_space<vmem_shared>>
      tpu.wait_dma2 semaphore(%arg20 : memref<!tpu.dma_semaphore, #tpu.memory_space<semaphore_mem>>) src(%arg16 : memref<32x128xf32, #tpu.memory_space<vmem>>) dst(%dma_wait3A_1600 : memref<32x128xf32, #tpu.memory_space<vmem_shared>>)
      %mul3A_1601 = arith.constant 512 : i32
      %mul3A_1602 = arith.muli %arg1, %mul3A_1601 : i32
      %add3A_1603 = arith.constant 160 : i32
      %add3A_1604 = arith.addi %mul3A_1602, %add3A_1603 : i32
      %dma_wait3A_1605 = arith.constant 0 : i32
      %dma_wait3A_1606 = tpu.memref_slice %arg17[%add3A_1604, %dma_wait3A_1605] : memref<8208x128xf32, #tpu.memory_space<vmem_shared>> -> memref<32x128xf32, #tpu.memory_space<vmem_shared>>
      %dma_wait3A_1607 = arith.constant 0 : i32
      %dma_wait3A_1608 = tpu.memref_slice %arg17[%add3A_1604, %dma_wait3A_1607] : memref<8208x128xf32, #tpu.memory_space<vmem_shared>> -> memref<32x128xf32, #tpu.memory_space<vmem_shared>>
      tpu.wait_dma2 semaphore(%arg20 : memref<!tpu.dma_semaphore, #tpu.memory_space<semaphore_mem>>) src(%arg16 : memref<32x128xf32, #tpu.memory_space<vmem>>) dst(%dma_wait3A_1608 : memref<32x128xf32, #tpu.memory_space<vmem_shared>>)
      %mul3A_1609 = arith.constant 512 : i32
      %mul3A_1610 = arith.muli %arg1, %mul3A_1609 : i32
      %add3A_1611 = arith.constant 192 : i32
      %add3A_1612 = arith.addi %mul3A_1610, %add3A_1611 : i32
      %dma_wait3A_1613 = arith.constant 0 : i32
      %dma_wait3A_1614 = tpu.memref_slice %arg17[%add3A_1612, %dma_wait3A_1613] : memref<8208x128xf32, #tpu.memory_space<vmem_shared>> -> memref<32x128xf32, #tpu.memory_space<vmem_shared>>
      %dma_wait3A_1615 = arith.constant 0 : i32
      %dma_wait3A_1616 = tpu.memref_slice %arg17[%add3A_1612, %dma_wait3A_1615] : memref<8208x128xf32, #tpu.memory_space<vmem_shared>> -> memref<32x128xf32, #tpu.memory_space<vmem_shared>>
      tpu.wait_dma2 semaphore(%arg20 : memref<!tpu.dma_semaphore, #tpu.memory_space<semaphore_mem>>) src(%arg16 : memref<32x128xf32, #tpu.memory_space<vmem>>) dst(%dma_wait3A_1616 : memref<32x128xf32, #tpu.memory_space<vmem_shared>>)
      %mul3A_1617 = arith.constant 512 : i32
      %mul3A_1618 = arith.muli %arg1, %mul3A_1617 : i32
      %add3A_1619 = arith.constant 224 : i32
      %add3A_1620 = arith.addi %mul3A_1618, %add3A_1619 : i32
      %dma_wait3A_1621 = arith.constant 0 : i32
      %dma_wait3A_1622 = tpu.memref_slice %arg17[%add3A_1620, %dma_wait3A_1621] : memref<8208x128xf32, #tpu.memory_space<vmem_shared>> -> memref<32x128xf32, #tpu.memory_space<vmem_shared>>
      %dma_wait3A_1623 = arith.constant 0 : i32
      %dma_wait3A_1624 = tpu.memref_slice %arg17[%add3A_1620, %dma_wait3A_1623] : memref<8208x128xf32, #tpu.memory_space<vmem_shared>> -> memref<32x128xf32, #tpu.memory_space<vmem_shared>>
      tpu.wait_dma2 semaphore(%arg20 : memref<!tpu.dma_semaphore, #tpu.memory_space<semaphore_mem>>) src(%arg16 : memref<32x128xf32, #tpu.memory_space<vmem>>) dst(%dma_wait3A_1624 : memref<32x128xf32, #tpu.memory_space<vmem_shared>>)
      %mul3A_1625 = arith.constant 512 : i32
      %mul3A_1626 = arith.muli %arg1, %mul3A_1625 : i32
      %add3A_1627 = arith.constant 256 : i32
      %add3A_1628 = arith.addi %mul3A_1626, %add3A_1627 : i32
      %dma_wait3A_1629 = arith.constant 0 : i32
      %dma_wait3A_1630 = tpu.memref_slice %arg17[%add3A_1628, %dma_wait3A_1629] : memref<8208x128xf32, #tpu.memory_space<vmem_shared>> -> memref<32x128xf32, #tpu.memory_space<vmem_shared>>
      %dma_wait3A_1631 = arith.constant 0 : i32
      %dma_wait3A_1632 = tpu.memref_slice %arg17[%add3A_1628, %dma_wait3A_1631] : memref<8208x128xf32, #tpu.memory_space<vmem_shared>> -> memref<32x128xf32, #tpu.memory_space<vmem_shared>>
      tpu.wait_dma2 semaphore(%arg20 : memref<!tpu.dma_semaphore, #tpu.memory_space<semaphore_mem>>) src(%arg16 : memref<32x128xf32, #tpu.memory_space<vmem>>) dst(%dma_wait3A_1632 : memref<32x128xf32, #tpu.memory_space<vmem_shared>>)
      %mul3A_1633 = arith.constant 512 : i32
      %mul3A_1634 = arith.muli %arg1, %mul3A_1633 : i32
      %add3A_1635 = arith.constant 288 : i32
      %add3A_1636 = arith.addi %mul3A_1634, %add3A_1635 : i32
      %dma_wait3A_1637 = arith.constant 0 : i32
      %dma_wait3A_1638 = tpu.memref_slice %arg17[%add3A_1636, %dma_wait3A_1637] : memref<8208x128xf32, #tpu.memory_space<vmem_shared>> -> memref<32x128xf32, #tpu.memory_space<vmem_shared>>
      %dma_wait3A_1639 = arith.constant 0 : i32
      %dma_wait3A_1640 = tpu.memref_slice %arg17[%add3A_1636, %dma_wait3A_1639] : memref<8208x128xf32, #tpu.memory_space<vmem_shared>> -> memref<32x128xf32, #tpu.memory_space<vmem_shared>>
      tpu.wait_dma2 semaphore(%arg20 : memref<!tpu.dma_semaphore, #tpu.memory_space<semaphore_mem>>) src(%arg16 : memref<32x128xf32, #tpu.memory_space<vmem>>) dst(%dma_wait3A_1640 : memref<32x128xf32, #tpu.memory_space<vmem_shared>>)
      %mul3A_1641 = arith.constant 512 : i32
      %mul3A_1642 = arith.muli %arg1, %mul3A_1641 : i32
      %add3A_1643 = arith.constant 320 : i32
      %add3A_1644 = arith.addi %mul3A_1642, %add3A_1643 : i32
      %dma_wait3A_1645 = arith.constant 0 : i32
      %dma_wait3A_1646 = tpu.memref_slice %arg17[%add3A_1644, %dma_wait3A_1645] : memref<8208x128xf32, #tpu.memory_space<vmem_shared>> -> memref<32x128xf32, #tpu.memory_space<vmem_shared>>
      %dma_wait3A_1647 = arith.constant 0 : i32
      %dma_wait3A_1648 = tpu.memref_slice %arg17[%add3A_1644, %dma_wait3A_1647] : memref<8208x128xf32, #tpu.memory_space<vmem_shared>> -> memref<32x128xf32, #tpu.memory_space<vmem_shared>>
      tpu.wait_dma2 semaphore(%arg20 : memref<!tpu.dma_semaphore, #tpu.memory_space<semaphore_mem>>) src(%arg16 : memref<32x128xf32, #tpu.memory_space<vmem>>) dst(%dma_wait3A_1648 : memref<32x128xf32, #tpu.memory_space<vmem_shared>>)
      %mul3A_1649 = arith.constant 512 : i32
      %mul3A_1650 = arith.muli %arg1, %mul3A_1649 : i32
      %add3A_1651 = arith.constant 352 : i32
      %add3A_1652 = arith.addi %mul3A_1650, %add3A_1651 : i32
      %dma_wait3A_1653 = arith.constant 0 : i32
      %dma_wait3A_1654 = tpu.memref_slice %arg17[%add3A_1652, %dma_wait3A_1653] : memref<8208x128xf32, #tpu.memory_space<vmem_shared>> -> memref<32x128xf32, #tpu.memory_space<vmem_shared>>
      %dma_wait3A_1655 = arith.constant 0 : i32
      %dma_wait3A_1656 = tpu.memref_slice %arg17[%add3A_1652, %dma_wait3A_1655] : memref<8208x128xf32, #tpu.memory_space<vmem_shared>> -> memref<32x128xf32, #tpu.memory_space<vmem_shared>>
      tpu.wait_dma2 semaphore(%arg20 : memref<!tpu.dma_semaphore, #tpu.memory_space<semaphore_mem>>) src(%arg16 : memref<32x128xf32, #tpu.memory_space<vmem>>) dst(%dma_wait3A_1656 : memref<32x128xf32, #tpu.memory_space<vmem_shared>>)
      %mul3A_1657 = arith.constant 512 : i32
      %mul3A_1658 = arith.muli %arg1, %mul3A_1657 : i32
      %add3A_1659 = arith.constant 384 : i32
      %add3A_1660 = arith.addi %mul3A_1658, %add3A_1659 : i32
      %dma_wait3A_1661 = arith.constant 0 : i32
      %dma_wait3A_1662 = tpu.memref_slice %arg17[%add3A_1660, %dma_wait3A_1661] : memref<8208x128xf32, #tpu.memory_space<vmem_shared>> -> memref<32x128xf32, #tpu.memory_space<vmem_shared>>
      %dma_wait3A_1663 = arith.constant 0 : i32
      %dma_wait3A_1664 = tpu.memref_slice %arg17[%add3A_1660, %dma_wait3A_1663] : memref<8208x128xf32, #tpu.memory_space<vmem_shared>> -> memref<32x128xf32, #tpu.memory_space<vmem_shared>>
      tpu.wait_dma2 semaphore(%arg20 : memref<!tpu.dma_semaphore, #tpu.memory_space<semaphore_mem>>) src(%arg16 : memref<32x128xf32, #tpu.memory_space<vmem>>) dst(%dma_wait3A_1664 : memref<32x128xf32, #tpu.memory_space<vmem_shared>>)
      %mul3A_1665 = arith.constant 512 : i32
      %mul3A_1666 = arith.muli %arg1, %mul3A_1665 : i32
      %add3A_1667 = arith.constant 416 : i32
      %add3A_1668 = arith.addi %mul3A_1666, %add3A_1667 : i32
      %dma_wait3A_1669 = arith.constant 0 : i32
      %dma_wait3A_1670 = tpu.memref_slice %arg17[%add3A_1668, %dma_wait3A_1669] : memref<8208x128xf32, #tpu.memory_space<vmem_shared>> -> memref<32x128xf32, #tpu.memory_space<vmem_shared>>
      %dma_wait3A_1671 = arith.constant 0 : i32
      %dma_wait3A_1672 = tpu.memref_slice %arg17[%add3A_1668, %dma_wait3A_1671] : memref<8208x128xf32, #tpu.memory_space<vmem_shared>> -> memref<32x128xf32, #tpu.memory_space<vmem_shared>>
      tpu.wait_dma2 semaphore(%arg20 : memref<!tpu.dma_semaphore, #tpu.memory_space<semaphore_mem>>) src(%arg16 : memref<32x128xf32, #tpu.memory_space<vmem>>) dst(%dma_wait3A_1672 : memref<32x128xf32, #tpu.memory_space<vmem_shared>>)
      %mul3A_1673 = arith.constant 512 : i32
      %mul3A_1674 = arith.muli %arg1, %mul3A_1673 : i32
      %add3A_1675 = arith.constant 448 : i32
      %add3A_1676 = arith.addi %mul3A_1674, %add3A_1675 : i32
      %dma_wait3A_1677 = arith.constant 0 : i32
      %dma_wait3A_1678 = tpu.memref_slice %arg17[%add3A_1676, %dma_wait3A_1677] : memref<8208x128xf32, #tpu.memory_space<vmem_shared>> -> memref<32x128xf32, #tpu.memory_space<vmem_shared>>
      %dma_wait3A_1679 = arith.constant 0 : i32
      %dma_wait3A_1680 = tpu.memref_slice %arg17[%add3A_1676, %dma_wait3A_1679] : memref<8208x128xf32, #tpu.memory_space<vmem_shared>> -> memref<32x128xf32, #tpu.memory_space<vmem_shared>>
      tpu.wait_dma2 semaphore(%arg20 : memref<!tpu.dma_semaphore, #tpu.memory_space<semaphore_mem>>) src(%arg16 : memref<32x128xf32, #tpu.memory_space<vmem>>) dst(%dma_wait3A_1680 : memref<32x128xf32, #tpu.memory_space<vmem_shared>>)
      %mul3A_1681 = arith.constant 512 : i32
      %mul3A_1682 = arith.muli %arg1, %mul3A_1681 : i32
      %add3A_1683 = arith.constant 480 : i32
      %add3A_1684 = arith.addi %mul3A_1682, %add3A_1683 : i32
      %dma_wait3A_1685 = arith.constant 0 : i32
      %dma_wait3A_1686 = tpu.memref_slice %arg17[%add3A_1684, %dma_wait3A_1685] : memref<8208x128xf32, #tpu.memory_space<vmem_shared>> -> memref<32x128xf32, #tpu.memory_space<vmem_shared>>
      %dma_wait3A_1687 = arith.constant 0 : i32
      %dma_wait3A_1688 = tpu.memref_slice %arg17[%add3A_1684, %dma_wait3A_1687] : memref<8208x128xf32, #tpu.memory_space<vmem_shared>> -> memref<32x128xf32, #tpu.memory_space<vmem_shared>>
      tpu.wait_dma2 semaphore(%arg20 : memref<!tpu.dma_semaphore, #tpu.memory_space<semaphore_mem>>) src(%arg16 : memref<32x128xf32, #tpu.memory_space<vmem>>) dst(%dma_wait3A_1688 : memref<32x128xf32, #tpu.memory_space<vmem_shared>>)
      %barrier3A = arith.constant 0 : index
      tpu.barrier barrier_id(%barrier3A)
      %add3A_1689 = arith.constant 64 : i32
      %add3A_1690 = arith.addi %while3A_1439, %add3A_1689 : i32
      %sub3A_1691 = arith.constant 1 : i32
      %sub3A_1692 = arith.subi %add3A_1690, %sub3A_1691 : i32
      %jit3A_1693 = arith.constant 64 : i32
      %div3A_1694 = arith.divsi %sub3A_1692, %jit3A_1693 : i32
      %sign3A_1695 = arith.constant 0 : i32
      %sign3A_1696 = arith.cmpi sgt, %sub3A_1692, %sign3A_1695 : i32
      %sign3A_1697 = arith.extui %sign3A_1696 : i1 to i32
      %sign3A_1698 = arith.constant 0 : i32
      %sign3A_1699 = arith.cmpi slt, %sub3A_1692, %sign3A_1698 : i32
      %sign3A_1700 = arith.extui %sign3A_1699 : i1 to i32
      %sign3A_1701 = arith.subi %sign3A_1697, %sign3A_1700 : i32
      %sign3A_1702 = arith.constant 0 : i32
      %sign3A_1703 = arith.cmpi sgt, %jit3A_1693, %sign3A_1702 : i32
      %sign3A_1704 = arith.extui %sign3A_1703 : i1 to i32
      %sign3A_1705 = arith.constant 0 : i32
      %sign3A_1706 = arith.cmpi slt, %jit3A_1693, %sign3A_1705 : i32
      %sign3A_1707 = arith.extui %sign3A_1706 : i1 to i32
      %sign3A_1708 = arith.subi %sign3A_1704, %sign3A_1707 : i32
      %ne3A_1709 = arith.cmpi ne, %sign3A_1701, %sign3A_1708 : i32
      %rem3A_1710 = arith.remsi %sub3A_1692, %jit3A_1693 : i32
      %ne3A_1711 = arith.constant 0 : i32
      %ne3A_1712 = arith.cmpi ne, %rem3A_1710, %ne3A_1711 : i32
      %and3A_1713 = arith.andi %ne3A_1709, %ne3A_1712 : i1
      %sub3A_1714 = arith.constant 1 : i32
      %sub3A_1715 = arith.subi %div3A_1694, %sub3A_1714 : i32
      %select_n3A_1716 = arith.select %and3A_1713, %sub3A_1715, %div3A_1694 : i32
      %max3A = arith.constant 1 : i32
      %max3A_1717 = arith.maxsi %select_n3A_1716, %max3A : i32
      %get3A_1718 = arith.constant 0 : index
      %get3A_1719 = tpu.vector_load %arg8[%get3A_1718] {strides = array<i32>} : memref<8320xi32, #tpu.memory_space<vmem>>, vector<16xi32>,
      %swap3A_1720 = arith.constant 0 : index
      %swap3A_1721 = tpu.vector_load %arg10[%swap3A_1720] {strides = array<i32>} : memref<64xi32, #tpu.memory_space<vmem>>, vector<16xi32>,
      tpu.vector_store %arg10[%swap3A_1720], %get3A_1719 {strides = array<i32>} : memref<64xi32, #tpu.memory_space<vmem>>, vector<16xi32>,
      %get3A_1722 = arith.constant 0 : index
      %get3A_1723 = tpu.vector_load %arg9[%get3A_1722] {strides = array<i32>} : memref<8320xi32, #tpu.memory_space<vmem>>, vector<16xi32>,
      %swap3A_1724 = arith.constant 0 : index
      %swap3A_1725 = tpu.vector_load %arg11[%swap3A_1724] {strides = array<i32>} : memref<64xi32, #tpu.memory_space<vmem>>, vector<16xi32>,
      tpu.vector_store %arg11[%swap3A_1724], %get3A_1723 {strides = array<i32>} : memref<64xi32, #tpu.memory_space<vmem>>, vector<16xi32>,
      %get3A_1726 = arith.constant 16 : index
      %get3A_1727 = tpu.vector_load %arg8[%get3A_1726] {strides = array<i32>} : memref<8320xi32, #tpu.memory_space<vmem>>, vector<16xi32>,
      %swap3A_1728 = arith.constant 16 : index
      %swap3A_1729 = tpu.vector_load %arg10[%swap3A_1728] {strides = array<i32>} : memref<64xi32, #tpu.memory_space<vmem>>, vector<16xi32>,
      tpu.vector_store %arg10[%swap3A_1728], %get3A_1727 {strides = array<i32>} : memref<64xi32, #tpu.memory_space<vmem>>, vector<16xi32>,
      %get3A_1730 = arith.constant 16 : index
      %get3A_1731 = tpu.vector_load %arg9[%get3A_1730] {strides = array<i32>} : memref<8320xi32, #tpu.memory_space<vmem>>, vector<16xi32>,
      %swap3A_1732 = arith.constant 16 : index
      %swap3A_1733 = tpu.vector_load %arg11[%swap3A_1732] {strides = array<i32>} : memref<64xi32, #tpu.memory_space<vmem>>, vector<16xi32>,
      tpu.vector_store %arg11[%swap3A_1732], %get3A_1731 {strides = array<i32>} : memref<64xi32, #tpu.memory_space<vmem>>, vector<16xi32>,
      %get3A_1734 = arith.constant 32 : index
      %get3A_1735 = tpu.vector_load %arg8[%get3A_1734] {strides = array<i32>} : memref<8320xi32, #tpu.memory_space<vmem>>, vector<16xi32>,
      %swap3A_1736 = arith.constant 32 : index
      %swap3A_1737 = tpu.vector_load %arg10[%swap3A_1736] {strides = array<i32>} : memref<64xi32, #tpu.memory_space<vmem>>, vector<16xi32>,
      tpu.vector_store %arg10[%swap3A_1736], %get3A_1735 {strides = array<i32>} : memref<64xi32, #tpu.memory_space<vmem>>, vector<16xi32>,
      %get3A_1738 = arith.constant 32 : index
      %get3A_1739 = tpu.vector_load %arg9[%get3A_1738] {strides = array<i32>} : memref<8320xi32, #tpu.memory_space<vmem>>, vector<16xi32>,
      %swap3A_1740 = arith.constant 32 : index
      %swap3A_1741 = tpu.vector_load %arg11[%swap3A_1740] {strides = array<i32>} : memref<64xi32, #tpu.memory_space<vmem>>, vector<16xi32>,
      tpu.vector_store %arg11[%swap3A_1740], %get3A_1739 {strides = array<i32>} : memref<64xi32, #tpu.memory_space<vmem>>, vector<16xi32>,
      %get3A_1742 = arith.constant 48 : index
      %get3A_1743 = tpu.vector_load %arg8[%get3A_1742] {strides = array<i32>} : memref<8320xi32, #tpu.memory_space<vmem>>, vector<16xi32>,
      %swap3A_1744 = arith.constant 48 : index
      %swap3A_1745 = tpu.vector_load %arg10[%swap3A_1744] {strides = array<i32>} : memref<64xi32, #tpu.memory_space<vmem>>, vector<16xi32>,
      tpu.vector_store %arg10[%swap3A_1744], %get3A_1743 {strides = array<i32>} : memref<64xi32, #tpu.memory_space<vmem>>, vector<16xi32>,
      %get3A_1746 = arith.constant 48 : index
      %get3A_1747 = tpu.vector_load %arg9[%get3A_1746] {strides = array<i32>} : memref<8320xi32, #tpu.memory_space<vmem>>, vector<16xi32>,
      %swap3A_1748 = arith.constant 48 : index
      %swap3A_1749 = tpu.vector_load %arg11[%swap3A_1748] {strides = array<i32>} : memref<64xi32, #tpu.memory_space<vmem>>, vector<16xi32>,
      tpu.vector_store %arg11[%swap3A_1748], %get3A_1747 {strides = array<i32>} : memref<64xi32, #tpu.memory_space<vmem>>, vector<16xi32>,
      %dma_start3A_1750 = arith.constant 0 : i32
      %dma_start3A_1751 = arith.constant 0 : i32
      %dma_start3A_1752 = tpu.memref_slice %arg3[%dma_start3A_1750, %dma_start3A_1751] : memref<131072x128xf32, #tpu.memory_space<hbm>> -> memref<131072x128xf32, #tpu.memory_space<hbm>>
      tpu.enqueue_indirect_dma source(%dma_start3A_1752 : memref<131072x128xf32, #tpu.memory_space<hbm>>) target(%arg14 : memref<64x128xf32, #tpu.memory_space<vmem>>) offsets(%arg10 : memref<64xi32, #tpu.memory_space<vmem>>) semaphore(%arg18 : memref<!tpu.dma_semaphore, #tpu.memory_space<semaphore_mem>>)
      %add3A_1753 = arith.constant 1 : i32
      %add3A_1754 = arith.addi %max3A_1717, %add3A_1753 : i32
      %jit3A_1755 = arith.constant 2 : i32
      %div3A_1756 = arith.divsi %add3A_1754, %jit3A_1755 : i32
      %sign3A_1757 = arith.constant 0 : i32
      %sign3A_1758 = arith.cmpi sgt, %add3A_1754, %sign3A_1757 : i32
      %sign3A_1759 = arith.extui %sign3A_1758 : i1 to i32
      %sign3A_1760 = arith.constant 0 : i32
      %sign3A_1761 = arith.cmpi slt, %add3A_1754, %sign3A_1760 : i32
      %sign3A_1762 = arith.extui %sign3A_1761 : i1 to i32
      %sign3A_1763 = arith.subi %sign3A_1759, %sign3A_1762 : i32
      %sign3A_1764 = arith.constant 0 : i32
      %sign3A_1765 = arith.cmpi sgt, %jit3A_1755, %sign3A_1764 : i32
      %sign3A_1766 = arith.extui %sign3A_1765 : i1 to i32
      %sign3A_1767 = arith.constant 0 : i32
      %sign3A_1768 = arith.cmpi slt, %jit3A_1755, %sign3A_1767 : i32
      %sign3A_1769 = arith.extui %sign3A_1768 : i1 to i32
      %sign3A_1770 = arith.subi %sign3A_1766, %sign3A_1769 : i32
      %ne3A_1771 = arith.cmpi ne, %sign3A_1763, %sign3A_1770 : i32
      %rem3A_1772 = arith.remsi %add3A_1754, %jit3A_1755 : i32
      %ne3A_1773 = arith.constant 0 : i32
      %ne3A_1774 = arith.cmpi ne, %rem3A_1772, %ne3A_1773 : i32
      %and3A_1775 = arith.andi %ne3A_1771, %ne3A_1774 : i1
      %sub3A_1776 = arith.constant 1 : i32
      %sub3A_1777 = arith.subi %div3A_1756, %sub3A_1776 : i32
      %select_n3A_1778 = arith.select %and3A_1775, %sub3A_1777, %div3A_1756 : i32
      %while3A_1779 = arith.constant 0 : i32
      %while3A_1780 = arith.constant 0 : i32
      %while3A_1781 = arith.subi %select_n3A_1778, %while3A_1779 : i32
      %while3A_1782 = arith.addi %while3A_1779, %while3A_1781 : i32
      %while3A_1783 = arith.constant 1 : i32
      %while3A_1784 = arith.divsi %while3A_1781, %while3A_1783 : i32
      %while3A_1785 = arith.muli %while3A_1784, %while3A_1783 : i32
      %while3A_1786 = arith.addi %while3A_1779, %while3A_1785 : i32
      %while3A_1787 = arith.constant 1 : i32
      %while3A_1788 = scf.for %while3A_1925 = %while3A_1779 to %while3A_1786 step %while3A_1787 iter_args(%while3A_1926 = %while3A_1780) -> (i32)  : i32 {
        %mul3A_1927 = arith.constant 2 : i32
        %mul3A_1928 = arith.muli %while3A_1925, %mul3A_1927 : i32
        %add3A_1929 = arith.constant 1 : i32
        %add3A_1930 = arith.addi %mul3A_1928, %add3A_1929 : i32
        %lt3A_1931 = arith.cmpi slt, %add3A_1930, %max3A_1717 : i32
        %convert_element_type3A = arith.extui %lt3A_1931 : i1 to i32
        %cond3A = arith.constant 0 : i32
        %cond3A_1932 = arith.cmpi ne, %convert_element_type3A, %cond3A : i32
        scf.if %cond3A_1932 {
          %add3A_1949 = arith.constant 1 : i32
          %add3A_1950 = arith.addi %mul3A_1928, %add3A_1949 : i32
          %mul3A_1951 = arith.constant 64 : i32
          %mul3A_1952 = arith.muli %add3A_1950, %mul3A_1951 : i32
          %add3A_1953 = arith.constant 0 : i32
          %add3A_1954 = arith.addi %mul3A_1952, %add3A_1953 : i32
          %get3A_1955 = arith.index_cast %add3A_1954 : i32 to index
          %get3A_1956 = tpu.vector_load %arg8[%get3A_1955] {strides = array<i32>} : memref<8320xi32, #tpu.memory_space<vmem>>, vector<16xi32>,
          %swap3A_1957 = arith.constant 0 : index
          %swap3A_1958 = tpu.vector_load %arg12[%swap3A_1957] {strides = array<i32>} : memref<64xi32, #tpu.memory_space<vmem>>, vector<16xi32>,
          tpu.vector_store %arg12[%swap3A_1957], %get3A_1956 {strides = array<i32>} : memref<64xi32, #tpu.memory_space<vmem>>, vector<16xi32>,
          %mul3A_1959 = arith.constant 64 : i32
          %mul3A_1960 = arith.muli %add3A_1950, %mul3A_1959 : i32
          %add3A_1961 = arith.constant 0 : i32
          %add3A_1962 = arith.addi %mul3A_1960, %add3A_1961 : i32
          %get3A_1963 = arith.index_cast %add3A_1962 : i32 to index
          %get3A_1964 = tpu.vector_load %arg9[%get3A_1963] {strides = array<i32>} : memref<8320xi32, #tpu.memory_space<vmem>>, vector<16xi32>,
          %swap3A_1965 = arith.constant 0 : index
          %swap3A_1966 = tpu.vector_load %arg13[%swap3A_1965] {strides = array<i32>} : memref<64xi32, #tpu.memory_space<vmem>>, vector<16xi32>,
          tpu.vector_store %arg13[%swap3A_1965], %get3A_1964 {strides = array<i32>} : memref<64xi32, #tpu.memory_space<vmem>>, vector<16xi32>,
          %mul3A_1967 = arith.constant 64 : i32
          %mul3A_1968 = arith.muli %add3A_1950, %mul3A_1967 : i32
          %add3A_1969 = arith.constant 16 : i32
          %add3A_1970 = arith.addi %mul3A_1968, %add3A_1969 : i32
          %get3A_1971 = arith.index_cast %add3A_1970 : i32 to index
          %get3A_1972 = tpu.vector_load %arg8[%get3A_1971] {strides = array<i32>} : memref<8320xi32, #tpu.memory_space<vmem>>, vector<16xi32>,
          %swap3A_1973 = arith.constant 16 : index
          %swap3A_1974 = tpu.vector_load %arg12[%swap3A_1973] {strides = array<i32>} : memref<64xi32, #tpu.memory_space<vmem>>, vector<16xi32>,
          tpu.vector_store %arg12[%swap3A_1973], %get3A_1972 {strides = array<i32>} : memref<64xi32, #tpu.memory_space<vmem>>, vector<16xi32>,
          %mul3A_1975 = arith.constant 64 : i32
          %mul3A_1976 = arith.muli %add3A_1950, %mul3A_1975 : i32
          %add3A_1977 = arith.constant 16 : i32
          %add3A_1978 = arith.addi %mul3A_1976, %add3A_1977 : i32
          %get3A_1979 = arith.index_cast %add3A_1978 : i32 to index
          %get3A_1980 = tpu.vector_load %arg9[%get3A_1979] {strides = array<i32>} : memref<8320xi32, #tpu.memory_space<vmem>>, vector<16xi32>,
          %swap3A_1981 = arith.constant 16 : index
          %swap3A_1982 = tpu.vector_load %arg13[%swap3A_1981] {strides = array<i32>} : memref<64xi32, #tpu.memory_space<vmem>>, vector<16xi32>,
          tpu.vector_store %arg13[%swap3A_1981], %get3A_1980 {strides = array<i32>} : memref<64xi32, #tpu.memory_space<vmem>>, vector<16xi32>,
          %mul3A_1983 = arith.constant 64 : i32
          %mul3A_1984 = arith.muli %add3A_1950, %mul3A_1983 : i32
          %add3A_1985 = arith.constant 32 : i32
          %add3A_1986 = arith.addi %mul3A_1984, %add3A_1985 : i32
          %get3A_1987 = arith.index_cast %add3A_1986 : i32 to index
          %get3A_1988 = tpu.vector_load %arg8[%get3A_1987] {strides = array<i32>} : memref<8320xi32, #tpu.memory_space<vmem>>, vector<16xi32>,
          %swap3A_1989 = arith.constant 32 : index
          %swap3A_1990 = tpu.vector_load %arg12[%swap3A_1989] {strides = array<i32>} : memref<64xi32, #tpu.memory_space<vmem>>, vector<16xi32>,
          tpu.vector_store %arg12[%swap3A_1989], %get3A_1988 {strides = array<i32>} : memref<64xi32, #tpu.memory_space<vmem>>, vector<16xi32>,
          %mul3A_1991 = arith.constant 64 : i32
          %mul3A_1992 = arith.muli %add3A_1950, %mul3A_1991 : i32
          %add3A_1993 = arith.constant 32 : i32
          %add3A_1994 = arith.addi %mul3A_1992, %add3A_1993 : i32
          %get3A_1995 = arith.index_cast %add3A_1994 : i32 to index
          %get3A_1996 = tpu.vector_load %arg9[%get3A_1995] {strides = array<i32>} : memref<8320xi32, #tpu.memory_space<vmem>>, vector<16xi32>,
          %swap3A_1997 = arith.constant 32 : index
          %swap3A_1998 = tpu.vector_load %arg13[%swap3A_1997] {strides = array<i32>} : memref<64xi32, #tpu.memory_space<vmem>>, vector<16xi32>,
          tpu.vector_store %arg13[%swap3A_1997], %get3A_1996 {strides = array<i32>} : memref<64xi32, #tpu.memory_space<vmem>>, vector<16xi32>,
          %mul3A_1999 = arith.constant 64 : i32
          %mul3A_2000 = arith.muli %add3A_1950, %mul3A_1999 : i32
          %add3A_2001 = arith.constant 48 : i32
          %add3A_2002 = arith.addi %mul3A_2000, %add3A_2001 : i32
          %get3A_2003 = arith.index_cast %add3A_2002 : i32 to index
          %get3A_2004 = tpu.vector_load %arg8[%get3A_2003] {strides = array<i32>} : memref<8320xi32, #tpu.memory_space<vmem>>, vector<16xi32>,
          %swap3A_2005 = arith.constant 48 : index
          %swap3A_2006 = tpu.vector_load %arg12[%swap3A_2005] {strides = array<i32>} : memref<64xi32, #tpu.memory_space<vmem>>, vector<16xi32>,
          tpu.vector_store %arg12[%swap3A_2005], %get3A_2004 {strides = array<i32>} : memref<64xi32, #tpu.memory_space<vmem>>, vector<16xi32>,
          %mul3A_2007 = arith.constant 64 : i32
          %mul3A_2008 = arith.muli %add3A_1950, %mul3A_2007 : i32
          %add3A_2009 = arith.constant 48 : i32
          %add3A_2010 = arith.addi %mul3A_2008, %add3A_2009 : i32
          %get3A_2011 = arith.index_cast %add3A_2010 : i32 to index
          %get3A_2012 = tpu.vector_load %arg9[%get3A_2011] {strides = array<i32>} : memref<8320xi32, #tpu.memory_space<vmem>>, vector<16xi32>,
          %swap3A_2013 = arith.constant 48 : index
          %swap3A_2014 = tpu.vector_load %arg13[%swap3A_2013] {strides = array<i32>} : memref<64xi32, #tpu.memory_space<vmem>>, vector<16xi32>,
          tpu.vector_store %arg13[%swap3A_2013], %get3A_2012 {strides = array<i32>} : memref<64xi32, #tpu.memory_space<vmem>>, vector<16xi32>,
          %dma_start3A_2015 = arith.constant 0 : i32
          %dma_start3A_2016 = arith.constant 0 : i32
          %dma_start3A_2017 = tpu.memref_slice %arg3[%dma_start3A_2015, %dma_start3A_2016] : memref<131072x128xf32, #tpu.memory_space<hbm>> -> memref<131072x128xf32, #tpu.memory_space<hbm>>
          tpu.enqueue_indirect_dma source(%dma_start3A_2017 : memref<131072x128xf32, #tpu.memory_space<hbm>>) target(%arg15 : memref<64x128xf32, #tpu.memory_space<vmem>>) offsets(%arg12 : memref<64xi32, #tpu.memory_space<vmem>>) semaphore(%arg19 : memref<!tpu.dma_semaphore, #tpu.memory_space<semaphore_mem>>)
        } else {
        }
        %dma_wait3A_1933 = arith.constant 0 : i32
        %dma_wait3A_1934 = arith.constant 0 : i32
        %dma_wait3A_1935 = tpu.memref_slice %arg3[%dma_wait3A_1933, %dma_wait3A_1934] : memref<131072x128xf32, #tpu.memory_space<hbm>> -> memref<131072x128xf32, #tpu.memory_space<hbm>>
        tpu.wait_indirect_dma semaphore(%arg18 : memref<!tpu.dma_semaphore, #tpu.memory_space<semaphore_mem>>) src(%dma_wait3A_1935 : memref<131072x128xf32, #tpu.memory_space<hbm>>) dst(%arg14 : memref<64x128xf32, #tpu.memory_space<vmem>>)
        "tpu.region"() ({
          %run_scoped3A = tpu.sem_alloc : memref<!tpu.dma_semaphore, #tpu.memory_space<semaphore_mem>>
          %dma_start3A_1949 = arith.constant 0 : i32
          %dma_start3A_1950 = arith.constant 0 : i32
          %dma_start3A_1951 = tpu.memref_slice %arg17[%dma_start3A_1949, %dma_start3A_1950] : memref<8208x128xf32, #tpu.memory_space<vmem_shared>> -> memref<8208x128xf32, #tpu.memory_space<vmem_shared>>
          tpu.enqueue_indirect_dma source(%arg14 : memref<64x128xf32, #tpu.memory_space<vmem>>) target(%dma_start3A_1951 : memref<8208x128xf32, #tpu.memory_space<vmem_shared>>) offsets(%arg11 : memref<64xi32, #tpu.memory_space<vmem>>) semaphore(%run_scoped3A : memref<!tpu.dma_semaphore, #tpu.memory_space<semaphore_mem>>) {add = true}
          %dma_wait3A_1952 = arith.constant 0 : i32
          %dma_wait3A_1953 = arith.constant 0 : i32
          %dma_wait3A_1954 = tpu.memref_slice %arg17[%dma_wait3A_1952, %dma_wait3A_1953] : memref<8208x128xf32, #tpu.memory_space<vmem_shared>> -> memref<8208x128xf32, #tpu.memory_space<vmem_shared>>
          tpu.wait_indirect_dma semaphore(%run_scoped3A : memref<!tpu.dma_semaphore, #tpu.memory_space<semaphore_mem>>) src(%arg14 : memref<64x128xf32, #tpu.memory_space<vmem>>) dst(%dma_wait3A_1954 : memref<8208x128xf32, #tpu.memory_space<vmem_shared>>)
          tpu.yield
        }) : () -> ()
        %add3A_1936 = arith.constant 2 : i32
        %add3A_1937 = arith.addi %mul3A_1928, %add3A_1936 : i32
        %lt3A_1938 = arith.cmpi slt, %add3A_1937, %max3A_1717 : i32
        %convert_element_type3A_1939 = arith.extui %lt3A_1938 : i1 to i32
        %cond3A_1940 = arith.constant 0 : i32
        %cond3A_1941 = arith.cmpi ne, %convert_element_type3A_1939, %cond3A_1940 : i32
        scf.if %cond3A_1941 {
          %add3A_1949 = arith.constant 2 : i32
          %add3A_1950 = arith.addi %mul3A_1928, %add3A_1949 : i32
          %mul3A_1951 = arith.constant 64 : i32
          %mul3A_1952 = arith.muli %add3A_1950, %mul3A_1951 : i32
          %add3A_1953 = arith.constant 0 : i32
          %add3A_1954 = arith.addi %mul3A_1952, %add3A_1953 : i32
          %get3A_1955 = arith.index_cast %add3A_1954 : i32 to index
          %get3A_1956 = tpu.vector_load %arg8[%get3A_1955] {strides = array<i32>} : memref<8320xi32, #tpu.memory_space<vmem>>, vector<16xi32>,
          %swap3A_1957 = arith.constant 0 : index
          %swap3A_1958 = tpu.vector_load %arg10[%swap3A_1957] {strides = array<i32>} : memref<64xi32, #tpu.memory_space<vmem>>, vector<16xi32>,
          tpu.vector_store %arg10[%swap3A_1957], %get3A_1956 {strides = array<i32>} : memref<64xi32, #tpu.memory_space<vmem>>, vector<16xi32>,
          %mul3A_1959 = arith.constant 64 : i32
          %mul3A_1960 = arith.muli %add3A_1950, %mul3A_1959 : i32
          %add3A_1961 = arith.constant 0 : i32
          %add3A_1962 = arith.addi %mul3A_1960, %add3A_1961 : i32
          %get3A_1963 = arith.index_cast %add3A_1962 : i32 to index
          %get3A_1964 = tpu.vector_load %arg9[%get3A_1963] {strides = array<i32>} : memref<8320xi32, #tpu.memory_space<vmem>>, vector<16xi32>,
          %swap3A_1965 = arith.constant 0 : index
          %swap3A_1966 = tpu.vector_load %arg11[%swap3A_1965] {strides = array<i32>} : memref<64xi32, #tpu.memory_space<vmem>>, vector<16xi32>,
          tpu.vector_store %arg11[%swap3A_1965], %get3A_1964 {strides = array<i32>} : memref<64xi32, #tpu.memory_space<vmem>>, vector<16xi32>,
          %mul3A_1967 = arith.constant 64 : i32
          %mul3A_1968 = arith.muli %add3A_1950, %mul3A_1967 : i32
          %add3A_1969 = arith.constant 16 : i32
          %add3A_1970 = arith.addi %mul3A_1968, %add3A_1969 : i32
          %get3A_1971 = arith.index_cast %add3A_1970 : i32 to index
          %get3A_1972 = tpu.vector_load %arg8[%get3A_1971] {strides = array<i32>} : memref<8320xi32, #tpu.memory_space<vmem>>, vector<16xi32>,
          %swap3A_1973 = arith.constant 16 : index
          %swap3A_1974 = tpu.vector_load %arg10[%swap3A_1973] {strides = array<i32>} : memref<64xi32, #tpu.memory_space<vmem>>, vector<16xi32>,
          tpu.vector_store %arg10[%swap3A_1973], %get3A_1972 {strides = array<i32>} : memref<64xi32, #tpu.memory_space<vmem>>, vector<16xi32>,
          %mul3A_1975 = arith.constant 64 : i32
          %mul3A_1976 = arith.muli %add3A_1950, %mul3A_1975 : i32
          %add3A_1977 = arith.constant 16 : i32
          %add3A_1978 = arith.addi %mul3A_1976, %add3A_1977 : i32
          %get3A_1979 = arith.index_cast %add3A_1978 : i32 to index
          %get3A_1980 = tpu.vector_load %arg9[%get3A_1979] {strides = array<i32>} : memref<8320xi32, #tpu.memory_space<vmem>>, vector<16xi32>,
          %swap3A_1981 = arith.constant 16 : index
          %swap3A_1982 = tpu.vector_load %arg11[%swap3A_1981] {strides = array<i32>} : memref<64xi32, #tpu.memory_space<vmem>>, vector<16xi32>,
          tpu.vector_store %arg11[%swap3A_1981], %get3A_1980 {strides = array<i32>} : memref<64xi32, #tpu.memory_space<vmem>>, vector<16xi32>,
          %mul3A_1983 = arith.constant 64 : i32
          %mul3A_1984 = arith.muli %add3A_1950, %mul3A_1983 : i32
          %add3A_1985 = arith.constant 32 : i32
          %add3A_1986 = arith.addi %mul3A_1984, %add3A_1985 : i32
          %get3A_1987 = arith.index_cast %add3A_1986 : i32 to index
          %get3A_1988 = tpu.vector_load %arg8[%get3A_1987] {strides = array<i32>} : memref<8320xi32, #tpu.memory_space<vmem>>, vector<16xi32>,
          %swap3A_1989 = arith.constant 32 : index
          %swap3A_1990 = tpu.vector_load %arg10[%swap3A_1989] {strides = array<i32>} : memref<64xi32, #tpu.memory_space<vmem>>, vector<16xi32>,
          tpu.vector_store %arg10[%swap3A_1989], %get3A_1988 {strides = array<i32>} : memref<64xi32, #tpu.memory_space<vmem>>, vector<16xi32>,
          %mul3A_1991 = arith.constant 64 : i32
          %mul3A_1992 = arith.muli %add3A_1950, %mul3A_1991 : i32
          %add3A_1993 = arith.constant 32 : i32
          %add3A_1994 = arith.addi %mul3A_1992, %add3A_1993 : i32
          %get3A_1995 = arith.index_cast %add3A_1994 : i32 to index
          %get3A_1996 = tpu.vector_load %arg9[%get3A_1995] {strides = array<i32>} : memref<8320xi32, #tpu.memory_space<vmem>>, vector<16xi32>,
          %swap3A_1997 = arith.constant 32 : index
          %swap3A_1998 = tpu.vector_load %arg11[%swap3A_1997] {strides = array<i32>} : memref<64xi32, #tpu.memory_space<vmem>>, vector<16xi32>,
          tpu.vector_store %arg11[%swap3A_1997], %get3A_1996 {strides = array<i32>} : memref<64xi32, #tpu.memory_space<vmem>>, vector<16xi32>,
          %mul3A_1999 = arith.constant 64 : i32
          %mul3A_2000 = arith.muli %add3A_1950, %mul3A_1999 : i32
          %add3A_2001 = arith.constant 48 : i32
          %add3A_2002 = arith.addi %mul3A_2000, %add3A_2001 : i32
          %get3A_2003 = arith.index_cast %add3A_2002 : i32 to index
          %get3A_2004 = tpu.vector_load %arg8[%get3A_2003] {strides = array<i32>} : memref<8320xi32, #tpu.memory_space<vmem>>, vector<16xi32>,
          %swap3A_2005 = arith.constant 48 : index
          %swap3A_2006 = tpu.vector_load %arg10[%swap3A_2005] {strides = array<i32>} : memref<64xi32, #tpu.memory_space<vmem>>, vector<16xi32>,
          tpu.vector_store %arg10[%swap3A_2005], %get3A_2004 {strides = array<i32>} : memref<64xi32, #tpu.memory_space<vmem>>, vector<16xi32>,
          %mul3A_2007 = arith.constant 64 : i32
          %mul3A_2008 = arith.muli %add3A_1950, %mul3A_2007 : i32
          %add3A_2009 = arith.constant 48 : i32
          %add3A_2010 = arith.addi %mul3A_2008, %add3A_2009 : i32
          %get3A_2011 = arith.index_cast %add3A_2010 : i32 to index
          %get3A_2012 = tpu.vector_load %arg9[%get3A_2011] {strides = array<i32>} : memref<8320xi32, #tpu.memory_space<vmem>>, vector<16xi32>,
          %swap3A_2013 = arith.constant 48 : index
          %swap3A_2014 = tpu.vector_load %arg11[%swap3A_2013] {strides = array<i32>} : memref<64xi32, #tpu.memory_space<vmem>>, vector<16xi32>,
          tpu.vector_store %arg11[%swap3A_2013], %get3A_2012 {strides = array<i32>} : memref<64xi32, #tpu.memory_space<vmem>>, vector<16xi32>,
          %dma_start3A_2015 = arith.constant 0 : i32
          %dma_start3A_2016 = arith.constant 0 : i32
          %dma_start3A_2017 = tpu.memref_slice %arg3[%dma_start3A_2015, %dma_start3A_2016] : memref<131072x128xf32, #tpu.memory_space<hbm>> -> memref<131072x128xf32, #tpu.memory_space<hbm>>
          tpu.enqueue_indirect_dma source(%dma_start3A_2017 : memref<131072x128xf32, #tpu.memory_space<hbm>>) target(%arg14 : memref<64x128xf32, #tpu.memory_space<vmem>>) offsets(%arg10 : memref<64xi32, #tpu.memory_space<vmem>>) semaphore(%arg18 : memref<!tpu.dma_semaphore, #tpu.memory_space<semaphore_mem>>)
        } else {
        }
        %add3A_1942 = arith.constant 1 : i32
        %add3A_1943 = arith.addi %mul3A_1928, %add3A_1942 : i32
        %lt3A_1944 = arith.cmpi slt, %add3A_1943, %max3A_1717 : i32
        %convert_element_type3A_1945 = arith.extui %lt3A_1944 : i1 to i32
        %cond3A_1946 = arith.constant 0 : i32
        %cond3A_1947 = arith.cmpi ne, %convert_element_type3A_1945, %cond3A_1946 : i32
        scf.if %cond3A_1947 {
          %dma_wait3A_1949 = arith.constant 0 : i32
          %dma_wait3A_1950 = arith.constant 0 : i32
          %dma_wait3A_1951 = tpu.memref_slice %arg3[%dma_wait3A_1949, %dma_wait3A_1950] : memref<131072x128xf32, #tpu.memory_space<hbm>> -> memref<131072x128xf32, #tpu.memory_space<hbm>>
          tpu.wait_indirect_dma semaphore(%arg19 : memref<!tpu.dma_semaphore, #tpu.memory_space<semaphore_mem>>) src(%dma_wait3A_1951 : memref<131072x128xf32, #tpu.memory_space<hbm>>) dst(%arg15 : memref<64x128xf32, #tpu.memory_space<vmem>>)
          "tpu.region"() ({
            %run_scoped3A = tpu.sem_alloc : memref<!tpu.dma_semaphore, #tpu.memory_space<semaphore_mem>>
            %dma_start3A_1952 = arith.constant 0 : i32
            %dma_start3A_1953 = arith.constant 0 : i32
            %dma_start3A_1954 = tpu.memref_slice %arg17[%dma_start3A_1952, %dma_start3A_1953] : memref<8208x128xf32, #tpu.memory_space<vmem_shared>> -> memref<8208x128xf32, #tpu.memory_space<vmem_shared>>
            tpu.enqueue_indirect_dma source(%arg15 : memref<64x128xf32, #tpu.memory_space<vmem>>) target(%dma_start3A_1954 : memref<8208x128xf32, #tpu.memory_space<vmem_shared>>) offsets(%arg13 : memref<64xi32, #tpu.memory_space<vmem>>) semaphore(%run_scoped3A : memref<!tpu.dma_semaphore, #tpu.memory_space<semaphore_mem>>) {add = true}
            %dma_wait3A_1955 = arith.constant 0 : i32
            %dma_wait3A_1956 = arith.constant 0 : i32
            %dma_wait3A_1957 = tpu.memref_slice %arg17[%dma_wait3A_1955, %dma_wait3A_1956] : memref<8208x128xf32, #tpu.memory_space<vmem_shared>> -> memref<8208x128xf32, #tpu.memory_space<vmem_shared>>
            tpu.wait_indirect_dma semaphore(%run_scoped3A : memref<!tpu.dma_semaphore, #tpu.memory_space<semaphore_mem>>) src(%arg15 : memref<64x128xf32, #tpu.memory_space<vmem>>) dst(%dma_wait3A_1957 : memref<8208x128xf32, #tpu.memory_space<vmem_shared>>)
            tpu.yield
          }) : () -> ()
        } else {
        }
        %while3A_1948 = arith.constant 0 : i32
        scf.yield %while3A_1948 : i32
      }
      %while3A_1789 = arith.constant 1 : i32
      %while3A_1790 = scf.for %while3A_1925 = %while3A_1786 to %while3A_1782 step %while3A_1789 iter_args(%while3A_1926 = %while3A_1788) -> (i32)  : i32 {
        %mul3A_1927 = arith.constant 2 : i32
        %mul3A_1928 = arith.muli %while3A_1925, %mul3A_1927 : i32
        %add3A_1929 = arith.constant 1 : i32
        %add3A_1930 = arith.addi %mul3A_1928, %add3A_1929 : i32
        %lt3A_1931 = arith.cmpi slt, %add3A_1930, %max3A_1717 : i32
        %convert_element_type3A = arith.extui %lt3A_1931 : i1 to i32
        %cond3A = arith.constant 0 : i32
        %cond3A_1932 = arith.cmpi ne, %convert_element_type3A, %cond3A : i32
        scf.if %cond3A_1932 {
          %add3A_1949 = arith.constant 1 : i32
          %add3A_1950 = arith.addi %mul3A_1928, %add3A_1949 : i32
          %mul3A_1951 = arith.constant 64 : i32
          %mul3A_1952 = arith.muli %add3A_1950, %mul3A_1951 : i32
          %add3A_1953 = arith.constant 0 : i32
          %add3A_1954 = arith.addi %mul3A_1952, %add3A_1953 : i32
          %get3A_1955 = arith.index_cast %add3A_1954 : i32 to index
          %get3A_1956 = tpu.vector_load %arg8[%get3A_1955] {strides = array<i32>} : memref<8320xi32, #tpu.memory_space<vmem>>, vector<16xi32>,
          %swap3A_1957 = arith.constant 0 : index
          %swap3A_1958 = tpu.vector_load %arg12[%swap3A_1957] {strides = array<i32>} : memref<64xi32, #tpu.memory_space<vmem>>, vector<16xi32>,
          tpu.vector_store %arg12[%swap3A_1957], %get3A_1956 {strides = array<i32>} : memref<64xi32, #tpu.memory_space<vmem>>, vector<16xi32>,
          %mul3A_1959 = arith.constant 64 : i32
          %mul3A_1960 = arith.muli %add3A_1950, %mul3A_1959 : i32
          %add3A_1961 = arith.constant 0 : i32
          %add3A_1962 = arith.addi %mul3A_1960, %add3A_1961 : i32
          %get3A_1963 = arith.index_cast %add3A_1962 : i32 to index
          %get3A_1964 = tpu.vector_load %arg9[%get3A_1963] {strides = array<i32>} : memref<8320xi32, #tpu.memory_space<vmem>>, vector<16xi32>,
          %swap3A_1965 = arith.constant 0 : index
          %swap3A_1966 = tpu.vector_load %arg13[%swap3A_1965] {strides = array<i32>} : memref<64xi32, #tpu.memory_space<vmem>>, vector<16xi32>,
          tpu.vector_store %arg13[%swap3A_1965], %get3A_1964 {strides = array<i32>} : memref<64xi32, #tpu.memory_space<vmem>>, vector<16xi32>,
          %mul3A_1967 = arith.constant 64 : i32
          %mul3A_1968 = arith.muli %add3A_1950, %mul3A_1967 : i32
          %add3A_1969 = arith.constant 16 : i32
          %add3A_1970 = arith.addi %mul3A_1968, %add3A_1969 : i32
          %get3A_1971 = arith.index_cast %add3A_1970 : i32 to index
          %get3A_1972 = tpu.vector_load %arg8[%get3A_1971] {strides = array<i32>} : memref<8320xi32, #tpu.memory_space<vmem>>, vector<16xi32>,
          %swap3A_1973 = arith.constant 16 : index
          %swap3A_1974 = tpu.vector_load %arg12[%swap3A_1973] {strides = array<i32>} : memref<64xi32, #tpu.memory_space<vmem>>, vector<16xi32>,
          tpu.vector_store %arg12[%swap3A_1973], %get3A_1972 {strides = array<i32>} : memref<64xi32, #tpu.memory_space<vmem>>, vector<16xi32>,
          %mul3A_1975 = arith.constant 64 : i32
          %mul3A_1976 = arith.muli %add3A_1950, %mul3A_1975 : i32
          %add3A_1977 = arith.constant 16 : i32
          %add3A_1978 = arith.addi %mul3A_1976, %add3A_1977 : i32
          %get3A_1979 = arith.index_cast %add3A_1978 : i32 to index
          %get3A_1980 = tpu.vector_load %arg9[%get3A_1979] {strides = array<i32>} : memref<8320xi32, #tpu.memory_space<vmem>>, vector<16xi32>,
          %swap3A_1981 = arith.constant 16 : index
          %swap3A_1982 = tpu.vector_load %arg13[%swap3A_1981] {strides = array<i32>} : memref<64xi32, #tpu.memory_space<vmem>>, vector<16xi32>,
          tpu.vector_store %arg13[%swap3A_1981], %get3A_1980 {strides = array<i32>} : memref<64xi32, #tpu.memory_space<vmem>>, vector<16xi32>,
          %mul3A_1983 = arith.constant 64 : i32
          %mul3A_1984 = arith.muli %add3A_1950, %mul3A_1983 : i32
          %add3A_1985 = arith.constant 32 : i32
          %add3A_1986 = arith.addi %mul3A_1984, %add3A_1985 : i32
          %get3A_1987 = arith.index_cast %add3A_1986 : i32 to index
          %get3A_1988 = tpu.vector_load %arg8[%get3A_1987] {strides = array<i32>} : memref<8320xi32, #tpu.memory_space<vmem>>, vector<16xi32>,
          %swap3A_1989 = arith.constant 32 : index
          %swap3A_1990 = tpu.vector_load %arg12[%swap3A_1989] {strides = array<i32>} : memref<64xi32, #tpu.memory_space<vmem>>, vector<16xi32>,
          tpu.vector_store %arg12[%swap3A_1989], %get3A_1988 {strides = array<i32>} : memref<64xi32, #tpu.memory_space<vmem>>, vector<16xi32>,
          %mul3A_1991 = arith.constant 64 : i32
          %mul3A_1992 = arith.muli %add3A_1950, %mul3A_1991 : i32
          %add3A_1993 = arith.constant 32 : i32
          %add3A_1994 = arith.addi %mul3A_1992, %add3A_1993 : i32
          %get3A_1995 = arith.index_cast %add3A_1994 : i32 to index
          %get3A_1996 = tpu.vector_load %arg9[%get3A_1995] {strides = array<i32>} : memref<8320xi32, #tpu.memory_space<vmem>>, vector<16xi32>,
          %swap3A_1997 = arith.constant 32 : index
          %swap3A_1998 = tpu.vector_load %arg13[%swap3A_1997] {strides = array<i32>} : memref<64xi32, #tpu.memory_space<vmem>>, vector<16xi32>,
          tpu.vector_store %arg13[%swap3A_1997], %get3A_1996 {strides = array<i32>} : memref<64xi32, #tpu.memory_space<vmem>>, vector<16xi32>,
          %mul3A_1999 = arith.constant 64 : i32
          %mul3A_2000 = arith.muli %add3A_1950, %mul3A_1999 : i32
          %add3A_2001 = arith.constant 48 : i32
          %add3A_2002 = arith.addi %mul3A_2000, %add3A_2001 : i32
          %get3A_2003 = arith.index_cast %add3A_2002 : i32 to index
          %get3A_2004 = tpu.vector_load %arg8[%get3A_2003] {strides = array<i32>} : memref<8320xi32, #tpu.memory_space<vmem>>, vector<16xi32>,
          %swap3A_2005 = arith.constant 48 : index
          %swap3A_2006 = tpu.vector_load %arg12[%swap3A_2005] {strides = array<i32>} : memref<64xi32, #tpu.memory_space<vmem>>, vector<16xi32>,
          tpu.vector_store %arg12[%swap3A_2005], %get3A_2004 {strides = array<i32>} : memref<64xi32, #tpu.memory_space<vmem>>, vector<16xi32>,
          %mul3A_2007 = arith.constant 64 : i32
          %mul3A_2008 = arith.muli %add3A_1950, %mul3A_2007 : i32
          %add3A_2009 = arith.constant 48 : i32
          %add3A_2010 = arith.addi %mul3A_2008, %add3A_2009 : i32
          %get3A_2011 = arith.index_cast %add3A_2010 : i32 to index
          %get3A_2012 = tpu.vector_load %arg9[%get3A_2011] {strides = array<i32>} : memref<8320xi32, #tpu.memory_space<vmem>>, vector<16xi32>,
          %swap3A_2013 = arith.constant 48 : index
          %swap3A_2014 = tpu.vector_load %arg13[%swap3A_2013] {strides = array<i32>} : memref<64xi32, #tpu.memory_space<vmem>>, vector<16xi32>,
          tpu.vector_store %arg13[%swap3A_2013], %get3A_2012 {strides = array<i32>} : memref<64xi32, #tpu.memory_space<vmem>>, vector<16xi32>,
          %dma_start3A_2015 = arith.constant 0 : i32
          %dma_start3A_2016 = arith.constant 0 : i32
          %dma_start3A_2017 = tpu.memref_slice %arg3[%dma_start3A_2015, %dma_start3A_2016] : memref<131072x128xf32, #tpu.memory_space<hbm>> -> memref<131072x128xf32, #tpu.memory_space<hbm>>
          tpu.enqueue_indirect_dma source(%dma_start3A_2017 : memref<131072x128xf32, #tpu.memory_space<hbm>>) target(%arg15 : memref<64x128xf32, #tpu.memory_space<vmem>>) offsets(%arg12 : memref<64xi32, #tpu.memory_space<vmem>>) semaphore(%arg19 : memref<!tpu.dma_semaphore, #tpu.memory_space<semaphore_mem>>)
        } else {
        }
        %dma_wait3A_1933 = arith.constant 0 : i32
        %dma_wait3A_1934 = arith.constant 0 : i32
        %dma_wait3A_1935 = tpu.memref_slice %arg3[%dma_wait3A_1933, %dma_wait3A_1934] : memref<131072x128xf32, #tpu.memory_space<hbm>> -> memref<131072x128xf32, #tpu.memory_space<hbm>>
        tpu.wait_indirect_dma semaphore(%arg18 : memref<!tpu.dma_semaphore, #tpu.memory_space<semaphore_mem>>) src(%dma_wait3A_1935 : memref<131072x128xf32, #tpu.memory_space<hbm>>) dst(%arg14 : memref<64x128xf32, #tpu.memory_space<vmem>>)
        "tpu.region"() ({
          %run_scoped3A = tpu.sem_alloc : memref<!tpu.dma_semaphore, #tpu.memory_space<semaphore_mem>>
          %dma_start3A_1949 = arith.constant 0 : i32
          %dma_start3A_1950 = arith.constant 0 : i32
          %dma_start3A_1951 = tpu.memref_slice %arg17[%dma_start3A_1949, %dma_start3A_1950] : memref<8208x128xf32, #tpu.memory_space<vmem_shared>> -> memref<8208x128xf32, #tpu.memory_space<vmem_shared>>
          tpu.enqueue_indirect_dma source(%arg14 : memref<64x128xf32, #tpu.memory_space<vmem>>) target(%dma_start3A_1951 : memref<8208x128xf32, #tpu.memory_space<vmem_shared>>) offsets(%arg11 : memref<64xi32, #tpu.memory_space<vmem>>) semaphore(%run_scoped3A : memref<!tpu.dma_semaphore, #tpu.memory_space<semaphore_mem>>) {add = true}
          %dma_wait3A_1952 = arith.constant 0 : i32
          %dma_wait3A_1953 = arith.constant 0 : i32
          %dma_wait3A_1954 = tpu.memref_slice %arg17[%dma_wait3A_1952, %dma_wait3A_1953] : memref<8208x128xf32, #tpu.memory_space<vmem_shared>> -> memref<8208x128xf32, #tpu.memory_space<vmem_shared>>
          tpu.wait_indirect_dma semaphore(%run_scoped3A : memref<!tpu.dma_semaphore, #tpu.memory_space<semaphore_mem>>) src(%arg14 : memref<64x128xf32, #tpu.memory_space<vmem>>) dst(%dma_wait3A_1954 : memref<8208x128xf32, #tpu.memory_space<vmem_shared>>)
          tpu.yield
        }) : () -> ()
        %add3A_1936 = arith.constant 2 : i32
        %add3A_1937 = arith.addi %mul3A_1928, %add3A_1936 : i32
        %lt3A_1938 = arith.cmpi slt, %add3A_1937, %max3A_1717 : i32
        %convert_element_type3A_1939 = arith.extui %lt3A_1938 : i1 to i32
        %cond3A_1940 = arith.constant 0 : i32
        %cond3A_1941 = arith.cmpi ne, %convert_element_type3A_1939, %cond3A_1940 : i32
        scf.if %cond3A_1941 {
          %add3A_1949 = arith.constant 2 : i32
          %add3A_1950 = arith.addi %mul3A_1928, %add3A_1949 : i32
          %mul3A_1951 = arith.constant 64 : i32
          %mul3A_1952 = arith.muli %add3A_1950, %mul3A_1951 : i32
          %add3A_1953 = arith.constant 0 : i32
          %add3A_1954 = arith.addi %mul3A_1952, %add3A_1953 : i32
          %get3A_1955 = arith.index_cast %add3A_1954 : i32 to index
          %get3A_1956 = tpu.vector_load %arg8[%get3A_1955] {strides = array<i32>} : memref<8320xi32, #tpu.memory_space<vmem>>, vector<16xi32>,
          %swap3A_1957 = arith.constant 0 : index
          %swap3A_1958 = tpu.vector_load %arg10[%swap3A_1957] {strides = array<i32>} : memref<64xi32, #tpu.memory_space<vmem>>, vector<16xi32>,
          tpu.vector_store %arg10[%swap3A_1957], %get3A_1956 {strides = array<i32>} : memref<64xi32, #tpu.memory_space<vmem>>, vector<16xi32>,
          %mul3A_1959 = arith.constant 64 : i32
          %mul3A_1960 = arith.muli %add3A_1950, %mul3A_1959 : i32
          %add3A_1961 = arith.constant 0 : i32
          %add3A_1962 = arith.addi %mul3A_1960, %add3A_1961 : i32
          %get3A_1963 = arith.index_cast %add3A_1962 : i32 to index
          %get3A_1964 = tpu.vector_load %arg9[%get3A_1963] {strides = array<i32>} : memref<8320xi32, #tpu.memory_space<vmem>>, vector<16xi32>,
          %swap3A_1965 = arith.constant 0 : index
          %swap3A_1966 = tpu.vector_load %arg11[%swap3A_1965] {strides = array<i32>} : memref<64xi32, #tpu.memory_space<vmem>>, vector<16xi32>,
          tpu.vector_store %arg11[%swap3A_1965], %get3A_1964 {strides = array<i32>} : memref<64xi32, #tpu.memory_space<vmem>>, vector<16xi32>,
          %mul3A_1967 = arith.constant 64 : i32
          %mul3A_1968 = arith.muli %add3A_1950, %mul3A_1967 : i32
          %add3A_1969 = arith.constant 16 : i32
          %add3A_1970 = arith.addi %mul3A_1968, %add3A_1969 : i32
          %get3A_1971 = arith.index_cast %add3A_1970 : i32 to index
          %get3A_1972 = tpu.vector_load %arg8[%get3A_1971] {strides = array<i32>} : memref<8320xi32, #tpu.memory_space<vmem>>, vector<16xi32>,
          %swap3A_1973 = arith.constant 16 : index
          %swap3A_1974 = tpu.vector_load %arg10[%swap3A_1973] {strides = array<i32>} : memref<64xi32, #tpu.memory_space<vmem>>, vector<16xi32>,
          tpu.vector_store %arg10[%swap3A_1973], %get3A_1972 {strides = array<i32>} : memref<64xi32, #tpu.memory_space<vmem>>, vector<16xi32>,
          %mul3A_1975 = arith.constant 64 : i32
          %mul3A_1976 = arith.muli %add3A_1950, %mul3A_1975 : i32
          %add3A_1977 = arith.constant 16 : i32
          %add3A_1978 = arith.addi %mul3A_1976, %add3A_1977 : i32
          %get3A_1979 = arith.index_cast %add3A_1978 : i32 to index
          %get3A_1980 = tpu.vector_load %arg9[%get3A_1979] {strides = array<i32>} : memref<8320xi32, #tpu.memory_space<vmem>>, vector<16xi32>,
          %swap3A_1981 = arith.constant 16 : index
          %swap3A_1982 = tpu.vector_load %arg11[%swap3A_1981] {strides = array<i32>} : memref<64xi32, #tpu.memory_space<vmem>>, vector<16xi32>,
          tpu.vector_store %arg11[%swap3A_1981], %get3A_1980 {strides = array<i32>} : memref<64xi32, #tpu.memory_space<vmem>>, vector<16xi32>,
          %mul3A_1983 = arith.constant 64 : i32
          %mul3A_1984 = arith.muli %add3A_1950, %mul3A_1983 : i32
          %add3A_1985 = arith.constant 32 : i32
          %add3A_1986 = arith.addi %mul3A_1984, %add3A_1985 : i32
          %get3A_1987 = arith.index_cast %add3A_1986 : i32 to index
          %get3A_1988 = tpu.vector_load %arg8[%get3A_1987] {strides = array<i32>} : memref<8320xi32, #tpu.memory_space<vmem>>, vector<16xi32>,
          %swap3A_1989 = arith.constant 32 : index
          %swap3A_1990 = tpu.vector_load %arg10[%swap3A_1989] {strides = array<i32>} : memref<64xi32, #tpu.memory_space<vmem>>, vector<16xi32>,
          tpu.vector_store %arg10[%swap3A_1989], %get3A_1988 {strides = array<i32>} : memref<64xi32, #tpu.memory_space<vmem>>, vector<16xi32>,
          %mul3A_1991 = arith.constant 64 : i32
          %mul3A_1992 = arith.muli %add3A_1950, %mul3A_1991 : i32
          %add3A_1993 = arith.constant 32 : i32
          %add3A_1994 = arith.addi %mul3A_1992, %add3A_1993 : i32
          %get3A_1995 = arith.index_cast %add3A_1994 : i32 to index
          %get3A_1996 = tpu.vector_load %arg9[%get3A_1995] {strides = array<i32>} : memref<8320xi32, #tpu.memory_space<vmem>>, vector<16xi32>,
          %swap3A_1997 = arith.constant 32 : index
          %swap3A_1998 = tpu.vector_load %arg11[%swap3A_1997] {strides = array<i32>} : memref<64xi32, #tpu.memory_space<vmem>>, vector<16xi32>,
          tpu.vector_store %arg11[%swap3A_1997], %get3A_1996 {strides = array<i32>} : memref<64xi32, #tpu.memory_space<vmem>>, vector<16xi32>,
          %mul3A_1999 = arith.constant 64 : i32
          %mul3A_2000 = arith.muli %add3A_1950, %mul3A_1999 : i32
          %add3A_2001 = arith.constant 48 : i32
          %add3A_2002 = arith.addi %mul3A_2000, %add3A_2001 : i32
          %get3A_2003 = arith.index_cast %add3A_2002 : i32 to index
          %get3A_2004 = tpu.vector_load %arg8[%get3A_2003] {strides = array<i32>} : memref<8320xi32, #tpu.memory_space<vmem>>, vector<16xi32>,
          %swap3A_2005 = arith.constant 48 : index
          %swap3A_2006 = tpu.vector_load %arg10[%swap3A_2005] {strides = array<i32>} : memref<64xi32, #tpu.memory_space<vmem>>, vector<16xi32>,
          tpu.vector_store %arg10[%swap3A_2005], %get3A_2004 {strides = array<i32>} : memref<64xi32, #tpu.memory_space<vmem>>, vector<16xi32>,
          %mul3A_2007 = arith.constant 64 : i32
          %mul3A_2008 = arith.muli %add3A_1950, %mul3A_2007 : i32
          %add3A_2009 = arith.constant 48 : i32
          %add3A_2010 = arith.addi %mul3A_2008, %add3A_2009 : i32
          %get3A_2011 = arith.index_cast %add3A_2010 : i32 to index
          %get3A_2012 = tpu.vector_load %arg9[%get3A_2011] {strides = array<i32>} : memref<8320xi32, #tpu.memory_space<vmem>>, vector<16xi32>,
          %swap3A_2013 = arith.constant 48 : index
          %swap3A_2014 = tpu.vector_load %arg11[%swap3A_2013] {strides = array<i32>} : memref<64xi32, #tpu.memory_space<vmem>>, vector<16xi32>,
          tpu.vector_store %arg11[%swap3A_2013], %get3A_2012 {strides = array<i32>} : memref<64xi32, #tpu.memory_space<vmem>>, vector<16xi32>,
          %dma_start3A_2015 = arith.constant 0 : i32
          %dma_start3A_2016 = arith.constant 0 : i32
          %dma_start3A_2017 = tpu.memref_slice %arg3[%dma_start3A_2015, %dma_start3A_2016] : memref<131072x128xf32, #tpu.memory_space<hbm>> -> memref<131072x128xf32, #tpu.memory_space<hbm>>
          tpu.enqueue_indirect_dma source(%dma_start3A_2017 : memref<131072x128xf32, #tpu.memory_space<hbm>>) target(%arg14 : memref<64x128xf32, #tpu.memory_space<vmem>>) offsets(%arg10 : memref<64xi32, #tpu.memory_space<vmem>>) semaphore(%arg18 : memref<!tpu.dma_semaphore, #tpu.memory_space<semaphore_mem>>)
        } else {
        }
        %add3A_1942 = arith.constant 1 : i32
        %add3A_1943 = arith.addi %mul3A_1928, %add3A_1942 : i32
        %lt3A_1944 = arith.cmpi slt, %add3A_1943, %max3A_1717 : i32
        %convert_element_type3A_1945 = arith.extui %lt3A_1944 : i1 to i32
        %cond3A_1946 = arith.constant 0 : i32
        %cond3A_1947 = arith.cmpi ne, %convert_element_type3A_1945, %cond3A_1946 : i32
        scf.if %cond3A_1947 {
          %dma_wait3A_1949 = arith.constant 0 : i32
          %dma_wait3A_1950 = arith.constant 0 : i32
          %dma_wait3A_1951 = tpu.memref_slice %arg3[%dma_wait3A_1949, %dma_wait3A_1950] : memref<131072x128xf32, #tpu.memory_space<hbm>> -> memref<131072x128xf32, #tpu.memory_space<hbm>>
          tpu.wait_indirect_dma semaphore(%arg19 : memref<!tpu.dma_semaphore, #tpu.memory_space<semaphore_mem>>) src(%dma_wait3A_1951 : memref<131072x128xf32, #tpu.memory_space<hbm>>) dst(%arg15 : memref<64x128xf32, #tpu.memory_space<vmem>>)
          "tpu.region"() ({
            %run_scoped3A = tpu.sem_alloc : memref<!tpu.dma_semaphore, #tpu.memory_space<semaphore_mem>>
            %dma_start3A_1952 = arith.constant 0 : i32
            %dma_start3A_1953 = arith.constant 0 : i32
            %dma_start3A_1954 = tpu.memref_slice %arg17[%dma_start3A_1952, %dma_start3A_1953] : memref<8208x128xf32, #tpu.memory_space<vmem_shared>> -> memref<8208x128xf32, #tpu.memory_space<vmem_shared>>
            tpu.enqueue_indirect_dma source(%arg15 : memref<64x128xf32, #tpu.memory_space<vmem>>) target(%dma_start3A_1954 : memref<8208x128xf32, #tpu.memory_space<vmem_shared>>) offsets(%arg13 : memref<64xi32, #tpu.memory_space<vmem>>) semaphore(%run_scoped3A : memref<!tpu.dma_semaphore, #tpu.memory_space<semaphore_mem>>) {add = true}
            %dma_wait3A_1955 = arith.constant 0 : i32
            %dma_wait3A_1956 = arith.constant 0 : i32
            %dma_wait3A_1957 = tpu.memref_slice %arg17[%dma_wait3A_1955, %dma_wait3A_1956] : memref<8208x128xf32, #tpu.memory_space<vmem_shared>> -> memref<8208x128xf32, #tpu.memory_space<vmem_shared>>
            tpu.wait_indirect_dma semaphore(%run_scoped3A : memref<!tpu.dma_semaphore, #tpu.memory_space<semaphore_mem>>) src(%arg15 : memref<64x128xf32, #tpu.memory_space<vmem>>) dst(%dma_wait3A_1957 : memref<8208x128xf32, #tpu.memory_space<vmem_shared>>)
            tpu.yield
          }) : () -> ()
        } else {
        }
        %while3A_1948 = arith.constant 0 : i32
        scf.yield %while3A_1948 : i32
      }
      %barrier3A_1791 = arith.constant 0 : index
      tpu.barrier barrier_id(%barrier3A_1791)
      %mul3A_1792 = arith.constant 512 : i32
      %mul3A_1793 = arith.muli %arg1, %mul3A_1792 : i32
      %mul3A_1794 = arith.constant 512 : i32
      %mul3A_1795 = arith.muli %arg1, %mul3A_1794 : i32
      %add3A_1796 = arith.addi %add3A_1428, %mul3A_1795 : i32
      %dma_start3A_1797 = arith.constant 0 : i32
      %dma_start3A_1798 = tpu.memref_slice %arg4[%add3A_1796, %dma_start3A_1797] : memref<262144x128xf32, #tpu.memory_space<hbm>> -> memref<256x128xf32, #tpu.memory_space<hbm>>
      %dma_start3A_1799 = arith.constant 0 : i32
      %dma_start3A_1800 = tpu.memref_slice %arg17[%mul3A_1793, %dma_start3A_1799] : memref<8208x128xf32, #tpu.memory_space<vmem_shared>> -> memref<256x128xf32, #tpu.memory_space<vmem_shared>>
      tpu.enqueue_dma source(%dma_start3A_1800 : memref<256x128xf32, #tpu.memory_space<vmem_shared>>) target(%dma_start3A_1798 : memref<256x128xf32, #tpu.memory_space<hbm>>) target_semaphore(%arg21 : memref<!tpu.dma_semaphore, #tpu.memory_space<semaphore_mem>>)
      %mul3A_1801 = arith.constant 512 : i32
      %mul3A_1802 = arith.muli %arg1, %mul3A_1801 : i32
      %add3A_1803 = arith.constant 256 : i32
      %add3A_1804 = arith.addi %mul3A_1802, %add3A_1803 : i32
      %mul3A_1805 = arith.constant 512 : i32
      %mul3A_1806 = arith.muli %arg1, %mul3A_1805 : i32
      %add3A_1807 = arith.addi %add3A_1428, %mul3A_1806 : i32
      %add3A_1808 = arith.constant 256 : i32
      %add3A_1809 = arith.addi %add3A_1807, %add3A_1808 : i32
      %dma_start3A_1810 = arith.constant 0 : i32
      %dma_start3A_1811 = tpu.memref_slice %arg4[%add3A_1809, %dma_start3A_1810] : memref<262144x128xf32, #tpu.memory_space<hbm>> -> memref<256x128xf32, #tpu.memory_space<hbm>>
      %dma_start3A_1812 = arith.constant 0 : i32
      %dma_start3A_1813 = tpu.memref_slice %arg17[%add3A_1804, %dma_start3A_1812] : memref<8208x128xf32, #tpu.memory_space<vmem_shared>> -> memref<256x128xf32, #tpu.memory_space<vmem_shared>>
      tpu.enqueue_dma source(%dma_start3A_1813 : memref<256x128xf32, #tpu.memory_space<vmem_shared>>) target(%dma_start3A_1811 : memref<256x128xf32, #tpu.memory_space<hbm>>) target_semaphore(%arg22 : memref<!tpu.dma_semaphore, #tpu.memory_space<semaphore_mem>>)
      %dma_wait3A_1814 = arith.constant 0 : i32
      %dma_wait3A_1815 = tpu.memref_slice %arg4[%add3A_1796, %dma_wait3A_1814] : memref<262144x128xf32, #tpu.memory_space<hbm>> -> memref<256x128xf32, #tpu.memory_space<hbm>>
      %dma_wait3A_1816 = arith.constant 0 : i32
      %dma_wait3A_1817 = tpu.memref_slice %arg17[%mul3A_1793, %dma_wait3A_1816] : memref<8208x128xf32, #tpu.memory_space<vmem_shared>> -> memref<256x128xf32, #tpu.memory_space<vmem_shared>>
      tpu.wait_dma2 semaphore(%arg21 : memref<!tpu.dma_semaphore, #tpu.memory_space<semaphore_mem>>) src(%dma_wait3A_1817 : memref<256x128xf32, #tpu.memory_space<vmem_shared>>) dst(%dma_wait3A_1815 : memref<256x128xf32, #tpu.memory_space<hbm>>)
      %mul3A_1818 = arith.constant 512 : i32
      %mul3A_1819 = arith.muli %arg1, %mul3A_1818 : i32
      %add3A_1820 = arith.constant 0 : i32
      %add3A_1821 = arith.addi %mul3A_1819, %add3A_1820 : i32
      %dma_start3A_1822 = arith.constant 0 : i32
      %dma_start3A_1823 = tpu.memref_slice %arg17[%add3A_1821, %dma_start3A_1822] : memref<8208x128xf32, #tpu.memory_space<vmem_shared>> -> memref<32x128xf32, #tpu.memory_space<vmem_shared>>
      %dma_start3A_1824 = arith.constant 0 : i32
      %dma_start3A_1825 = tpu.memref_slice %arg17[%add3A_1821, %dma_start3A_1824] : memref<8208x128xf32, #tpu.memory_space<vmem_shared>> -> memref<32x128xf32, #tpu.memory_space<vmem_shared>>
      tpu.enqueue_dma source(%arg16 : memref<32x128xf32, #tpu.memory_space<vmem>>) target(%dma_start3A_1825 : memref<32x128xf32, #tpu.memory_space<vmem_shared>>) target_semaphore(%arg20 : memref<!tpu.dma_semaphore, #tpu.memory_space<semaphore_mem>>)
      %add3A_1826 = arith.constant 32 : i32
      %add3A_1827 = arith.addi %mul3A_1819, %add3A_1826 : i32
      %dma_start3A_1828 = arith.constant 0 : i32
      %dma_start3A_1829 = tpu.memref_slice %arg17[%add3A_1827, %dma_start3A_1828] : memref<8208x128xf32, #tpu.memory_space<vmem_shared>> -> memref<32x128xf32, #tpu.memory_space<vmem_shared>>
      %dma_start3A_1830 = arith.constant 0 : i32
      %dma_start3A_1831 = tpu.memref_slice %arg17[%add3A_1827, %dma_start3A_1830] : memref<8208x128xf32, #tpu.memory_space<vmem_shared>> -> memref<32x128xf32, #tpu.memory_space<vmem_shared>>
      tpu.enqueue_dma source(%arg16 : memref<32x128xf32, #tpu.memory_space<vmem>>) target(%dma_start3A_1831 : memref<32x128xf32, #tpu.memory_space<vmem_shared>>) target_semaphore(%arg20 : memref<!tpu.dma_semaphore, #tpu.memory_space<semaphore_mem>>)
      %add3A_1832 = arith.constant 64 : i32
      %add3A_1833 = arith.addi %mul3A_1819, %add3A_1832 : i32
      %dma_start3A_1834 = arith.constant 0 : i32
      %dma_start3A_1835 = tpu.memref_slice %arg17[%add3A_1833, %dma_start3A_1834] : memref<8208x128xf32, #tpu.memory_space<vmem_shared>> -> memref<32x128xf32, #tpu.memory_space<vmem_shared>>
      %dma_start3A_1836 = arith.constant 0 : i32
      %dma_start3A_1837 = tpu.memref_slice %arg17[%add3A_1833, %dma_start3A_1836] : memref<8208x128xf32, #tpu.memory_space<vmem_shared>> -> memref<32x128xf32, #tpu.memory_space<vmem_shared>>
      tpu.enqueue_dma source(%arg16 : memref<32x128xf32, #tpu.memory_space<vmem>>) target(%dma_start3A_1837 : memref<32x128xf32, #tpu.memory_space<vmem_shared>>) target_semaphore(%arg20 : memref<!tpu.dma_semaphore, #tpu.memory_space<semaphore_mem>>)
      %add3A_1838 = arith.constant 96 : i32
      %add3A_1839 = arith.addi %mul3A_1819, %add3A_1838 : i32
      %dma_start3A_1840 = arith.constant 0 : i32
      %dma_start3A_1841 = tpu.memref_slice %arg17[%add3A_1839, %dma_start3A_1840] : memref<8208x128xf32, #tpu.memory_space<vmem_shared>> -> memref<32x128xf32, #tpu.memory_space<vmem_shared>>
      %dma_start3A_1842 = arith.constant 0 : i32
      %dma_start3A_1843 = tpu.memref_slice %arg17[%add3A_1839, %dma_start3A_1842] : memref<8208x128xf32, #tpu.memory_space<vmem_shared>> -> memref<32x128xf32, #tpu.memory_space<vmem_shared>>
      tpu.enqueue_dma source(%arg16 : memref<32x128xf32, #tpu.memory_space<vmem>>) target(%dma_start3A_1843 : memref<32x128xf32, #tpu.memory_space<vmem_shared>>) target_semaphore(%arg20 : memref<!tpu.dma_semaphore, #tpu.memory_space<semaphore_mem>>)
      %add3A_1844 = arith.constant 128 : i32
      %add3A_1845 = arith.addi %mul3A_1819, %add3A_1844 : i32
      %dma_start3A_1846 = arith.constant 0 : i32
      %dma_start3A_1847 = tpu.memref_slice %arg17[%add3A_1845, %dma_start3A_1846] : memref<8208x128xf32, #tpu.memory_space<vmem_shared>> -> memref<32x128xf32, #tpu.memory_space<vmem_shared>>
      %dma_start3A_1848 = arith.constant 0 : i32
      %dma_start3A_1849 = tpu.memref_slice %arg17[%add3A_1845, %dma_start3A_1848] : memref<8208x128xf32, #tpu.memory_space<vmem_shared>> -> memref<32x128xf32, #tpu.memory_space<vmem_shared>>
      tpu.enqueue_dma source(%arg16 : memref<32x128xf32, #tpu.memory_space<vmem>>) target(%dma_start3A_1849 : memref<32x128xf32, #tpu.memory_space<vmem_shared>>) target_semaphore(%arg20 : memref<!tpu.dma_semaphore, #tpu.memory_space<semaphore_mem>>)
      %add3A_1850 = arith.constant 160 : i32
      %add3A_1851 = arith.addi %mul3A_1819, %add3A_1850 : i32
      %dma_start3A_1852 = arith.constant 0 : i32
      %dma_start3A_1853 = tpu.memref_slice %arg17[%add3A_1851, %dma_start3A_1852] : memref<8208x128xf32, #tpu.memory_space<vmem_shared>> -> memref<32x128xf32, #tpu.memory_space<vmem_shared>>
      %dma_start3A_1854 = arith.constant 0 : i32
      %dma_start3A_1855 = tpu.memref_slice %arg17[%add3A_1851, %dma_start3A_1854] : memref<8208x128xf32, #tpu.memory_space<vmem_shared>> -> memref<32x128xf32, #tpu.memory_space<vmem_shared>>
      tpu.enqueue_dma source(%arg16 : memref<32x128xf32, #tpu.memory_space<vmem>>) target(%dma_start3A_1855 : memref<32x128xf32, #tpu.memory_space<vmem_shared>>) target_semaphore(%arg20 : memref<!tpu.dma_semaphore, #tpu.memory_space<semaphore_mem>>)
      %add3A_1856 = arith.constant 192 : i32
      %add3A_1857 = arith.addi %mul3A_1819, %add3A_1856 : i32
      %dma_start3A_1858 = arith.constant 0 : i32
      %dma_start3A_1859 = tpu.memref_slice %arg17[%add3A_1857, %dma_start3A_1858] : memref<8208x128xf32, #tpu.memory_space<vmem_shared>> -> memref<32x128xf32, #tpu.memory_space<vmem_shared>>
      %dma_start3A_1860 = arith.constant 0 : i32
      %dma_start3A_1861 = tpu.memref_slice %arg17[%add3A_1857, %dma_start3A_1860] : memref<8208x128xf32, #tpu.memory_space<vmem_shared>> -> memref<32x128xf32, #tpu.memory_space<vmem_shared>>
      tpu.enqueue_dma source(%arg16 : memref<32x128xf32, #tpu.memory_space<vmem>>) target(%dma_start3A_1861 : memref<32x128xf32, #tpu.memory_space<vmem_shared>>) target_semaphore(%arg20 : memref<!tpu.dma_semaphore, #tpu.memory_space<semaphore_mem>>)
      %add3A_1862 = arith.constant 224 : i32
      %add3A_1863 = arith.addi %mul3A_1819, %add3A_1862 : i32
      %dma_start3A_1864 = arith.constant 0 : i32
      %dma_start3A_1865 = tpu.memref_slice %arg17[%add3A_1863, %dma_start3A_1864] : memref<8208x128xf32, #tpu.memory_space<vmem_shared>> -> memref<32x128xf32, #tpu.memory_space<vmem_shared>>
      %dma_start3A_1866 = arith.constant 0 : i32
      %dma_start3A_1867 = tpu.memref_slice %arg17[%add3A_1863, %dma_start3A_1866] : memref<8208x128xf32, #tpu.memory_space<vmem_shared>> -> memref<32x128xf32, #tpu.memory_space<vmem_shared>>
      tpu.enqueue_dma source(%arg16 : memref<32x128xf32, #tpu.memory_space<vmem>>) target(%dma_start3A_1867 : memref<32x128xf32, #tpu.memory_space<vmem_shared>>) target_semaphore(%arg20 : memref<!tpu.dma_semaphore, #tpu.memory_space<semaphore_mem>>)
      %dma_wait3A_1868 = arith.constant 0 : i32
      %dma_wait3A_1869 = tpu.memref_slice %arg4[%add3A_1809, %dma_wait3A_1868] : memref<262144x128xf32, #tpu.memory_space<hbm>> -> memref<256x128xf32, #tpu.memory_space<hbm>>
      %dma_wait3A_1870 = arith.constant 0 : i32
      %dma_wait3A_1871 = tpu.memref_slice %arg17[%add3A_1804, %dma_wait3A_1870] : memref<8208x128xf32, #tpu.memory_space<vmem_shared>> -> memref<256x128xf32, #tpu.memory_space<vmem_shared>>
      tpu.wait_dma2 semaphore(%arg22 : memref<!tpu.dma_semaphore, #tpu.memory_space<semaphore_mem>>) src(%dma_wait3A_1871 : memref<256x128xf32, #tpu.memory_space<vmem_shared>>) dst(%dma_wait3A_1869 : memref<256x128xf32, #tpu.memory_space<hbm>>)
      %mul3A_1872 = arith.constant 512 : i32
      %mul3A_1873 = arith.muli %arg1, %mul3A_1872 : i32
      %add3A_1874 = arith.constant 256 : i32
      %add3A_1875 = arith.addi %mul3A_1873, %add3A_1874 : i32
      %add3A_1876 = arith.constant 0 : i32
      %add3A_1877 = arith.addi %add3A_1875, %add3A_1876 : i32
      %dma_start3A_1878 = arith.constant 0 : i32
      %dma_start3A_1879 = tpu.memref_slice %arg17[%add3A_1877, %dma_start3A_1878] : memref<8208x128xf32, #tpu.memory_space<vmem_shared>> -> memref<32x128xf32, #tpu.memory_space<vmem_shared>>
      %dma_start3A_1880 = arith.constant 0 : i32
      %dma_start3A_1881 = tpu.memref_slice %arg17[%add3A_1877, %dma_start3A_1880] : memref<8208x128xf32, #tpu.memory_space<vmem_shared>> -> memref<32x128xf32, #tpu.memory_space<vmem_shared>>
      tpu.enqueue_dma source(%arg16 : memref<32x128xf32, #tpu.memory_space<vmem>>) target(%dma_start3A_1881 : memref<32x128xf32, #tpu.memory_space<vmem_shared>>) target_semaphore(%arg20 : memref<!tpu.dma_semaphore, #tpu.memory_space<semaphore_mem>>)
      %add3A_1882 = arith.constant 32 : i32
      %add3A_1883 = arith.addi %add3A_1875, %add3A_1882 : i32
      %dma_start3A_1884 = arith.constant 0 : i32
      %dma_start3A_1885 = tpu.memref_slice %arg17[%add3A_1883, %dma_start3A_1884] : memref<8208x128xf32, #tpu.memory_space<vmem_shared>> -> memref<32x128xf32, #tpu.memory_space<vmem_shared>>
      %dma_start3A_1886 = arith.constant 0 : i32
      %dma_start3A_1887 = tpu.memref_slice %arg17[%add3A_1883, %dma_start3A_1886] : memref<8208x128xf32, #tpu.memory_space<vmem_shared>> -> memref<32x128xf32, #tpu.memory_space<vmem_shared>>
      tpu.enqueue_dma source(%arg16 : memref<32x128xf32, #tpu.memory_space<vmem>>) target(%dma_start3A_1887 : memref<32x128xf32, #tpu.memory_space<vmem_shared>>) target_semaphore(%arg20 : memref<!tpu.dma_semaphore, #tpu.memory_space<semaphore_mem>>)
      %add3A_1888 = arith.constant 64 : i32
      %add3A_1889 = arith.addi %add3A_1875, %add3A_1888 : i32
      %dma_start3A_1890 = arith.constant 0 : i32
      %dma_start3A_1891 = tpu.memref_slice %arg17[%add3A_1889, %dma_start3A_1890] : memref<8208x128xf32, #tpu.memory_space<vmem_shared>> -> memref<32x128xf32, #tpu.memory_space<vmem_shared>>
      %dma_start3A_1892 = arith.constant 0 : i32
      %dma_start3A_1893 = tpu.memref_slice %arg17[%add3A_1889, %dma_start3A_1892] : memref<8208x128xf32, #tpu.memory_space<vmem_shared>> -> memref<32x128xf32, #tpu.memory_space<vmem_shared>>
      tpu.enqueue_dma source(%arg16 : memref<32x128xf32, #tpu.memory_space<vmem>>) target(%dma_start3A_1893 : memref<32x128xf32, #tpu.memory_space<vmem_shared>>) target_semaphore(%arg20 : memref<!tpu.dma_semaphore, #tpu.memory_space<semaphore_mem>>)
      %add3A_1894 = arith.constant 96 : i32
      %add3A_1895 = arith.addi %add3A_1875, %add3A_1894 : i32
      %dma_start3A_1896 = arith.constant 0 : i32
      %dma_start3A_1897 = tpu.memref_slice %arg17[%add3A_1895, %dma_start3A_1896] : memref<8208x128xf32, #tpu.memory_space<vmem_shared>> -> memref<32x128xf32, #tpu.memory_space<vmem_shared>>
      %dma_start3A_1898 = arith.constant 0 : i32
      %dma_start3A_1899 = tpu.memref_slice %arg17[%add3A_1895, %dma_start3A_1898] : memref<8208x128xf32, #tpu.memory_space<vmem_shared>> -> memref<32x128xf32, #tpu.memory_space<vmem_shared>>
      tpu.enqueue_dma source(%arg16 : memref<32x128xf32, #tpu.memory_space<vmem>>) target(%dma_start3A_1899 : memref<32x128xf32, #tpu.memory_space<vmem_shared>>) target_semaphore(%arg20 : memref<!tpu.dma_semaphore, #tpu.memory_space<semaphore_mem>>)
      %add3A_1900 = arith.constant 128 : i32
      %add3A_1901 = arith.addi %add3A_1875, %add3A_1900 : i32
      %dma_start3A_1902 = arith.constant 0 : i32
      %dma_start3A_1903 = tpu.memref_slice %arg17[%add3A_1901, %dma_start3A_1902] : memref<8208x128xf32, #tpu.memory_space<vmem_shared>> -> memref<32x128xf32, #tpu.memory_space<vmem_shared>>
      %dma_start3A_1904 = arith.constant 0 : i32
      %dma_start3A_1905 = tpu.memref_slice %arg17[%add3A_1901, %dma_start3A_1904] : memref<8208x128xf32, #tpu.memory_space<vmem_shared>> -> memref<32x128xf32, #tpu.memory_space<vmem_shared>>
      tpu.enqueue_dma source(%arg16 : memref<32x128xf32, #tpu.memory_space<vmem>>) target(%dma_start3A_1905 : memref<32x128xf32, #tpu.memory_space<vmem_shared>>) target_semaphore(%arg20 : memref<!tpu.dma_semaphore, #tpu.memory_space<semaphore_mem>>)
      %add3A_1906 = arith.constant 160 : i32
      %add3A_1907 = arith.addi %add3A_1875, %add3A_1906 : i32
      %dma_start3A_1908 = arith.constant 0 : i32
      %dma_start3A_1909 = tpu.memref_slice %arg17[%add3A_1907, %dma_start3A_1908] : memref<8208x128xf32, #tpu.memory_space<vmem_shared>> -> memref<32x128xf32, #tpu.memory_space<vmem_shared>>
      %dma_start3A_1910 = arith.constant 0 : i32
      %dma_start3A_1911 = tpu.memref_slice %arg17[%add3A_1907, %dma_start3A_1910] : memref<8208x128xf32, #tpu.memory_space<vmem_shared>> -> memref<32x128xf32, #tpu.memory_space<vmem_shared>>
      tpu.enqueue_dma source(%arg16 : memref<32x128xf32, #tpu.memory_space<vmem>>) target(%dma_start3A_1911 : memref<32x128xf32, #tpu.memory_space<vmem_shared>>) target_semaphore(%arg20 : memref<!tpu.dma_semaphore, #tpu.memory_space<semaphore_mem>>)
      %add3A_1912 = arith.constant 192 : i32
      %add3A_1913 = arith.addi %add3A_1875, %add3A_1912 : i32
      %dma_start3A_1914 = arith.constant 0 : i32
      %dma_start3A_1915 = tpu.memref_slice %arg17[%add3A_1913, %dma_start3A_1914] : memref<8208x128xf32, #tpu.memory_space<vmem_shared>> -> memref<32x128xf32, #tpu.memory_space<vmem_shared>>
      %dma_start3A_1916 = arith.constant 0 : i32
      %dma_start3A_1917 = tpu.memref_slice %arg17[%add3A_1913, %dma_start3A_1916] : memref<8208x128xf32, #tpu.memory_space<vmem_shared>> -> memref<32x128xf32, #tpu.memory_space<vmem_shared>>
      tpu.enqueue_dma source(%arg16 : memref<32x128xf32, #tpu.memory_space<vmem>>) target(%dma_start3A_1917 : memref<32x128xf32, #tpu.memory_space<vmem_shared>>) target_semaphore(%arg20 : memref<!tpu.dma_semaphore, #tpu.memory_space<semaphore_mem>>)
      %add3A_1918 = arith.constant 224 : i32
      %add3A_1919 = arith.addi %add3A_1875, %add3A_1918 : i32
      %dma_start3A_1920 = arith.constant 0 : i32
      %dma_start3A_1921 = tpu.memref_slice %arg17[%add3A_1919, %dma_start3A_1920] : memref<8208x128xf32, #tpu.memory_space<vmem_shared>> -> memref<32x128xf32, #tpu.memory_space<vmem_shared>>
      %dma_start3A_1922 = arith.constant 0 : i32
      %dma_start3A_1923 = tpu.memref_slice %arg17[%add3A_1919, %dma_start3A_1922] : memref<8208x128xf32, #tpu.memory_space<vmem_shared>> -> memref<32x128xf32, #tpu.memory_space<vmem_shared>>
      tpu.enqueue_dma source(%arg16 : memref<32x128xf32, #tpu.memory_space<vmem>>) target(%dma_start3A_1923 : memref<32x128xf32, #tpu.memory_space<vmem_shared>>) target_semaphore(%arg20 : memref<!tpu.dma_semaphore, #tpu.memory_space<semaphore_mem>>)
      %scan3A_1924 = arith.constant 0 : i32
      scf.yield %scan3A_1924 : i32
    }
    %scan3A_1296 = arith.constant 16 : i32
    %mul3A_1297 = arith.constant 512 : i32
    %mul3A_1298 = arith.muli %arg1, %mul3A_1297 : i32
    %add3A_1299 = arith.constant 0 : i32
    %add3A_1300 = arith.addi %mul3A_1298, %add3A_1299 : i32
    %dma_wait3A = arith.constant 0 : i32
    %dma_wait3A_1301 = tpu.memref_slice %arg17[%add3A_1300, %dma_wait3A] : memref<8208x128xf32, #tpu.memory_space<vmem_shared>> -> memref<32x128xf32, #tpu.memory_space<vmem_shared>>
    %dma_wait3A_1302 = arith.constant 0 : i32
    %dma_wait3A_1303 = tpu.memref_slice %arg17[%add3A_1300, %dma_wait3A_1302] : memref<8208x128xf32, #tpu.memory_space<vmem_shared>> -> memref<32x128xf32, #tpu.memory_space<vmem_shared>>
    tpu.wait_dma2 semaphore(%arg20 : memref<!tpu.dma_semaphore, #tpu.memory_space<semaphore_mem>>) src(%arg16 : memref<32x128xf32, #tpu.memory_space<vmem>>) dst(%dma_wait3A_1303 : memref<32x128xf32, #tpu.memory_space<vmem_shared>>)
    %mul3A_1304 = arith.constant 512 : i32
    %mul3A_1305 = arith.muli %arg1, %mul3A_1304 : i32
    %add3A_1306 = arith.constant 32 : i32
    %add3A_1307 = arith.addi %mul3A_1305, %add3A_1306 : i32
    %dma_wait3A_1308 = arith.constant 0 : i32
    %dma_wait3A_1309 = tpu.memref_slice %arg17[%add3A_1307, %dma_wait3A_1308] : memref<8208x128xf32, #tpu.memory_space<vmem_shared>> -> memref<32x128xf32, #tpu.memory_space<vmem_shared>>
    %dma_wait3A_1310 = arith.constant 0 : i32
    %dma_wait3A_1311 = tpu.memref_slice %arg17[%add3A_1307, %dma_wait3A_1310] : memref<8208x128xf32, #tpu.memory_space<vmem_shared>> -> memref<32x128xf32, #tpu.memory_space<vmem_shared>>
    tpu.wait_dma2 semaphore(%arg20 : memref<!tpu.dma_semaphore, #tpu.memory_space<semaphore_mem>>) src(%arg16 : memref<32x128xf32, #tpu.memory_space<vmem>>) dst(%dma_wait3A_1311 : memref<32x128xf32, #tpu.memory_space<vmem_shared>>)
    %mul3A_1312 = arith.constant 512 : i32
    %mul3A_1313 = arith.muli %arg1, %mul3A_1312 : i32
    %add3A_1314 = arith.constant 64 : i32
    %add3A_1315 = arith.addi %mul3A_1313, %add3A_1314 : i32
    %dma_wait3A_1316 = arith.constant 0 : i32
    %dma_wait3A_1317 = tpu.memref_slice %arg17[%add3A_1315, %dma_wait3A_1316] : memref<8208x128xf32, #tpu.memory_space<vmem_shared>> -> memref<32x128xf32, #tpu.memory_space<vmem_shared>>
    %dma_wait3A_1318 = arith.constant 0 : i32
    %dma_wait3A_1319 = tpu.memref_slice %arg17[%add3A_1315, %dma_wait3A_1318] : memref<8208x128xf32, #tpu.memory_space<vmem_shared>> -> memref<32x128xf32, #tpu.memory_space<vmem_shared>>
    tpu.wait_dma2 semaphore(%arg20 : memref<!tpu.dma_semaphore, #tpu.memory_space<semaphore_mem>>) src(%arg16 : memref<32x128xf32, #tpu.memory_space<vmem>>) dst(%dma_wait3A_1319 : memref<32x128xf32, #tpu.memory_space<vmem_shared>>)
    %mul3A_1320 = arith.constant 512 : i32
    %mul3A_1321 = arith.muli %arg1, %mul3A_1320 : i32
    %add3A_1322 = arith.constant 96 : i32
    %add3A_1323 = arith.addi %mul3A_1321, %add3A_1322 : i32
    %dma_wait3A_1324 = arith.constant 0 : i32
    %dma_wait3A_1325 = tpu.memref_slice %arg17[%add3A_1323, %dma_wait3A_1324] : memref<8208x128xf32, #tpu.memory_space<vmem_shared>> -> memref<32x128xf32, #tpu.memory_space<vmem_shared>>
    %dma_wait3A_1326 = arith.constant 0 : i32
    %dma_wait3A_1327 = tpu.memref_slice %arg17[%add3A_1323, %dma_wait3A_1326] : memref<8208x128xf32, #tpu.memory_space<vmem_shared>> -> memref<32x128xf32, #tpu.memory_space<vmem_shared>>
    tpu.wait_dma2 semaphore(%arg20 : memref<!tpu.dma_semaphore, #tpu.memory_space<semaphore_mem>>) src(%arg16 : memref<32x128xf32, #tpu.memory_space<vmem>>) dst(%dma_wait3A_1327 : memref<32x128xf32, #tpu.memory_space<vmem_shared>>)
    %mul3A_1328 = arith.constant 512 : i32
    %mul3A_1329 = arith.muli %arg1, %mul3A_1328 : i32
    %add3A_1330 = arith.constant 128 : i32
    %add3A_1331 = arith.addi %mul3A_1329, %add3A_1330 : i32
    %dma_wait3A_1332 = arith.constant 0 : i32
    %dma_wait3A_1333 = tpu.memref_slice %arg17[%add3A_1331, %dma_wait3A_1332] : memref<8208x128xf32, #tpu.memory_space<vmem_shared>> -> memref<32x128xf32, #tpu.memory_space<vmem_shared>>
    %dma_wait3A_1334 = arith.constant 0 : i32
    %dma_wait3A_1335 = tpu.memref_slice %arg17[%add3A_1331, %dma_wait3A_1334] : memref<8208x128xf32, #tpu.memory_space<vmem_shared>> -> memref<32x128xf32, #tpu.memory_space<vmem_shared>>
    tpu.wait_dma2 semaphore(%arg20 : memref<!tpu.dma_semaphore, #tpu.memory_space<semaphore_mem>>) src(%arg16 : memref<32x128xf32, #tpu.memory_space<vmem>>) dst(%dma_wait3A_1335 : memref<32x128xf32, #tpu.memory_space<vmem_shared>>)
    %mul3A_1336 = arith.constant 512 : i32
    %mul3A_1337 = arith.muli %arg1, %mul3A_1336 : i32
    %add3A_1338 = arith.constant 160 : i32
    %add3A_1339 = arith.addi %mul3A_1337, %add3A_1338 : i32
    %dma_wait3A_1340 = arith.constant 0 : i32
    %dma_wait3A_1341 = tpu.memref_slice %arg17[%add3A_1339, %dma_wait3A_1340] : memref<8208x128xf32, #tpu.memory_space<vmem_shared>> -> memref<32x128xf32, #tpu.memory_space<vmem_shared>>
    %dma_wait3A_1342 = arith.constant 0 : i32
    %dma_wait3A_1343 = tpu.memref_slice %arg17[%add3A_1339, %dma_wait3A_1342] : memref<8208x128xf32, #tpu.memory_space<vmem_shared>> -> memref<32x128xf32, #tpu.memory_space<vmem_shared>>
    tpu.wait_dma2 semaphore(%arg20 : memref<!tpu.dma_semaphore, #tpu.memory_space<semaphore_mem>>) src(%arg16 : memref<32x128xf32, #tpu.memory_space<vmem>>) dst(%dma_wait3A_1343 : memref<32x128xf32, #tpu.memory_space<vmem_shared>>)
    %mul3A_1344 = arith.constant 512 : i32
    %mul3A_1345 = arith.muli %arg1, %mul3A_1344 : i32
    %add3A_1346 = arith.constant 192 : i32
    %add3A_1347 = arith.addi %mul3A_1345, %add3A_1346 : i32
    %dma_wait3A_1348 = arith.constant 0 : i32
    %dma_wait3A_1349 = tpu.memref_slice %arg17[%add3A_1347, %dma_wait3A_1348] : memref<8208x128xf32, #tpu.memory_space<vmem_shared>> -> memref<32x128xf32, #tpu.memory_space<vmem_shared>>
    %dma_wait3A_1350 = arith.constant 0 : i32
    %dma_wait3A_1351 = tpu.memref_slice %arg17[%add3A_1347, %dma_wait3A_1350] : memref<8208x128xf32, #tpu.memory_space<vmem_shared>> -> memref<32x128xf32, #tpu.memory_space<vmem_shared>>
    tpu.wait_dma2 semaphore(%arg20 : memref<!tpu.dma_semaphore, #tpu.memory_space<semaphore_mem>>) src(%arg16 : memref<32x128xf32, #tpu.memory_space<vmem>>) dst(%dma_wait3A_1351 : memref<32x128xf32, #tpu.memory_space<vmem_shared>>)
    %mul3A_1352 = arith.constant 512 : i32
    %mul3A_1353 = arith.muli %arg1, %mul3A_1352 : i32
    %add3A_1354 = arith.constant 224 : i32
    %add3A_1355 = arith.addi %mul3A_1353, %add3A_1354 : i32
    %dma_wait3A_1356 = arith.constant 0 : i32
    %dma_wait3A_1357 = tpu.memref_slice %arg17[%add3A_1355, %dma_wait3A_1356] : memref<8208x128xf32, #tpu.memory_space<vmem_shared>> -> memref<32x128xf32, #tpu.memory_space<vmem_shared>>
    %dma_wait3A_1358 = arith.constant 0 : i32
    %dma_wait3A_1359 = tpu.memref_slice %arg17[%add3A_1355, %dma_wait3A_1358] : memref<8208x128xf32, #tpu.memory_space<vmem_shared>> -> memref<32x128xf32, #tpu.memory_space<vmem_shared>>
    tpu.wait_dma2 semaphore(%arg20 : memref<!tpu.dma_semaphore, #tpu.memory_space<semaphore_mem>>) src(%arg16 : memref<32x128xf32, #tpu.memory_space<vmem>>) dst(%dma_wait3A_1359 : memref<32x128xf32, #tpu.memory_space<vmem_shared>>)
    %mul3A_1360 = arith.constant 512 : i32
    %mul3A_1361 = arith.muli %arg1, %mul3A_1360 : i32
    %add3A_1362 = arith.constant 256 : i32
    %add3A_1363 = arith.addi %mul3A_1361, %add3A_1362 : i32
    %dma_wait3A_1364 = arith.constant 0 : i32
    %dma_wait3A_1365 = tpu.memref_slice %arg17[%add3A_1363, %dma_wait3A_1364] : memref<8208x128xf32, #tpu.memory_space<vmem_shared>> -> memref<32x128xf32, #tpu.memory_space<vmem_shared>>
    %dma_wait3A_1366 = arith.constant 0 : i32
    %dma_wait3A_1367 = tpu.memref_slice %arg17[%add3A_1363, %dma_wait3A_1366] : memref<8208x128xf32, #tpu.memory_space<vmem_shared>> -> memref<32x128xf32, #tpu.memory_space<vmem_shared>>
    tpu.wait_dma2 semaphore(%arg20 : memref<!tpu.dma_semaphore, #tpu.memory_space<semaphore_mem>>) src(%arg16 : memref<32x128xf32, #tpu.memory_space<vmem>>) dst(%dma_wait3A_1367 : memref<32x128xf32, #tpu.memory_space<vmem_shared>>)
    %mul3A_1368 = arith.constant 512 : i32
    %mul3A_1369 = arith.muli %arg1, %mul3A_1368 : i32
    %add3A_1370 = arith.constant 288 : i32
    %add3A_1371 = arith.addi %mul3A_1369, %add3A_1370 : i32
    %dma_wait3A_1372 = arith.constant 0 : i32
    %dma_wait3A_1373 = tpu.memref_slice %arg17[%add3A_1371, %dma_wait3A_1372] : memref<8208x128xf32, #tpu.memory_space<vmem_shared>> -> memref<32x128xf32, #tpu.memory_space<vmem_shared>>
    %dma_wait3A_1374 = arith.constant 0 : i32
    %dma_wait3A_1375 = tpu.memref_slice %arg17[%add3A_1371, %dma_wait3A_1374] : memref<8208x128xf32, #tpu.memory_space<vmem_shared>> -> memref<32x128xf32, #tpu.memory_space<vmem_shared>>
    tpu.wait_dma2 semaphore(%arg20 : memref<!tpu.dma_semaphore, #tpu.memory_space<semaphore_mem>>) src(%arg16 : memref<32x128xf32, #tpu.memory_space<vmem>>) dst(%dma_wait3A_1375 : memref<32x128xf32, #tpu.memory_space<vmem_shared>>)
    %mul3A_1376 = arith.constant 512 : i32
    %mul3A_1377 = arith.muli %arg1, %mul3A_1376 : i32
    %add3A_1378 = arith.constant 320 : i32
    %add3A_1379 = arith.addi %mul3A_1377, %add3A_1378 : i32
    %dma_wait3A_1380 = arith.constant 0 : i32
    %dma_wait3A_1381 = tpu.memref_slice %arg17[%add3A_1379, %dma_wait3A_1380] : memref<8208x128xf32, #tpu.memory_space<vmem_shared>> -> memref<32x128xf32, #tpu.memory_space<vmem_shared>>
    %dma_wait3A_1382 = arith.constant 0 : i32
    %dma_wait3A_1383 = tpu.memref_slice %arg17[%add3A_1379, %dma_wait3A_1382] : memref<8208x128xf32, #tpu.memory_space<vmem_shared>> -> memref<32x128xf32, #tpu.memory_space<vmem_shared>>
    tpu.wait_dma2 semaphore(%arg20 : memref<!tpu.dma_semaphore, #tpu.memory_space<semaphore_mem>>) src(%arg16 : memref<32x128xf32, #tpu.memory_space<vmem>>) dst(%dma_wait3A_1383 : memref<32x128xf32, #tpu.memory_space<vmem_shared>>)
    %mul3A_1384 = arith.constant 512 : i32
    %mul3A_1385 = arith.muli %arg1, %mul3A_1384 : i32
    %add3A_1386 = arith.constant 352 : i32
    %add3A_1387 = arith.addi %mul3A_1385, %add3A_1386 : i32
    %dma_wait3A_1388 = arith.constant 0 : i32
    %dma_wait3A_1389 = tpu.memref_slice %arg17[%add3A_1387, %dma_wait3A_1388] : memref<8208x128xf32, #tpu.memory_space<vmem_shared>> -> memref<32x128xf32, #tpu.memory_space<vmem_shared>>
    %dma_wait3A_1390 = arith.constant 0 : i32
    %dma_wait3A_1391 = tpu.memref_slice %arg17[%add3A_1387, %dma_wait3A_1390] : memref<8208x128xf32, #tpu.memory_space<vmem_shared>> -> memref<32x128xf32, #tpu.memory_space<vmem_shared>>
    tpu.wait_dma2 semaphore(%arg20 : memref<!tpu.dma_semaphore, #tpu.memory_space<semaphore_mem>>) src(%arg16 : memref<32x128xf32, #tpu.memory_space<vmem>>) dst(%dma_wait3A_1391 : memref<32x128xf32, #tpu.memory_space<vmem_shared>>)
    %mul3A_1392 = arith.constant 512 : i32
    %mul3A_1393 = arith.muli %arg1, %mul3A_1392 : i32
    %add3A_1394 = arith.constant 384 : i32
    %add3A_1395 = arith.addi %mul3A_1393, %add3A_1394 : i32
    %dma_wait3A_1396 = arith.constant 0 : i32
    %dma_wait3A_1397 = tpu.memref_slice %arg17[%add3A_1395, %dma_wait3A_1396] : memref<8208x128xf32, #tpu.memory_space<vmem_shared>> -> memref<32x128xf32, #tpu.memory_space<vmem_shared>>
    %dma_wait3A_1398 = arith.constant 0 : i32
    %dma_wait3A_1399 = tpu.memref_slice %arg17[%add3A_1395, %dma_wait3A_1398] : memref<8208x128xf32, #tpu.memory_space<vmem_shared>> -> memref<32x128xf32, #tpu.memory_space<vmem_shared>>
    tpu.wait_dma2 semaphore(%arg20 : memref<!tpu.dma_semaphore, #tpu.memory_space<semaphore_mem>>) src(%arg16 : memref<32x128xf32, #tpu.memory_space<vmem>>) dst(%dma_wait3A_1399 : memref<32x128xf32, #tpu.memory_space<vmem_shared>>)
    %mul3A_1400 = arith.constant 512 : i32
    %mul3A_1401 = arith.muli %arg1, %mul3A_1400 : i32
    %add3A_1402 = arith.constant 416 : i32
    %add3A_1403 = arith.addi %mul3A_1401, %add3A_1402 : i32
    %dma_wait3A_1404 = arith.constant 0 : i32
    %dma_wait3A_1405 = tpu.memref_slice %arg17[%add3A_1403, %dma_wait3A_1404] : memref<8208x128xf32, #tpu.memory_space<vmem_shared>> -> memref<32x128xf32, #tpu.memory_space<vmem_shared>>
    %dma_wait3A_1406 = arith.constant 0 : i32
    %dma_wait3A_1407 = tpu.memref_slice %arg17[%add3A_1403, %dma_wait3A_1406] : memref<8208x128xf32, #tpu.memory_space<vmem_shared>> -> memref<32x128xf32, #tpu.memory_space<vmem_shared>>
    tpu.wait_dma2 semaphore(%arg20 : memref<!tpu.dma_semaphore, #tpu.memory_space<semaphore_mem>>) src(%arg16 : memref<32x128xf32, #tpu.memory_space<vmem>>) dst(%dma_wait3A_1407 : memref<32x128xf32, #tpu.memory_space<vmem_shared>>)
    %mul3A_1408 = arith.constant 512 : i32
    %mul3A_1409 = arith.muli %arg1, %mul3A_1408 : i32
    %add3A_1410 = arith.constant 448 : i32
    %add3A_1411 = arith.addi %mul3A_1409, %add3A_1410 : i32
    %dma_wait3A_1412 = arith.constant 0 : i32
    %dma_wait3A_1413 = tpu.memref_slice %arg17[%add3A_1411, %dma_wait3A_1412] : memref<8208x128xf32, #tpu.memory_space<vmem_shared>> -> memref<32x128xf32, #tpu.memory_space<vmem_shared>>
    %dma_wait3A_1414 = arith.constant 0 : i32
    %dma_wait3A_1415 = tpu.memref_slice %arg17[%add3A_1411, %dma_wait3A_1414] : memref<8208x128xf32, #tpu.memory_space<vmem_shared>> -> memref<32x128xf32, #tpu.memory_space<vmem_shared>>
    tpu.wait_dma2 semaphore(%arg20 : memref<!tpu.dma_semaphore, #tpu.memory_space<semaphore_mem>>) src(%arg16 : memref<32x128xf32, #tpu.memory_space<vmem>>) dst(%dma_wait3A_1415 : memref<32x128xf32, #tpu.memory_space<vmem_shared>>)
    %mul3A_1416 = arith.constant 512 : i32
    %mul3A_1417 = arith.muli %arg1, %mul3A_1416 : i32
    %add3A_1418 = arith.constant 480 : i32
    %add3A_1419 = arith.addi %mul3A_1417, %add3A_1418 : i32
    %dma_wait3A_1420 = arith.constant 0 : i32
    %dma_wait3A_1421 = tpu.memref_slice %arg17[%add3A_1419, %dma_wait3A_1420] : memref<8208x128xf32, #tpu.memory_space<vmem_shared>> -> memref<32x128xf32, #tpu.memory_space<vmem_shared>>
    %dma_wait3A_1422 = arith.constant 0 : i32
    %dma_wait3A_1423 = tpu.memref_slice %arg17[%add3A_1419, %dma_wait3A_1422] : memref<8208x128xf32, #tpu.memory_space<vmem_shared>> -> memref<32x128xf32, #tpu.memory_space<vmem_shared>>
    tpu.wait_dma2 semaphore(%arg20 : memref<!tpu.dma_semaphore, #tpu.memory_space<semaphore_mem>>) src(%arg16 : memref<32x128xf32, #tpu.memory_space<vmem>>) dst(%dma_wait3A_1423 : memref<32x128xf32, #tpu.memory_space<vmem_shared>>)
    return
  }
}

module attributes {stable_mosaic.version = 14 : i64} {
  func.func @_merge_body(%arg0: i32, %arg1: memref<64x8192xf32, #tpu.memory_space<vmem>>, %arg2: memref<8192x128xf32, #tpu.memory_space<vmem>>, %arg3: memref<64x8192xf32, #tpu.memory_space<vmem>>) attributes {dimension_semantics = [#tpu.dimension_semantics<arbitrary>], iteration_bounds = array<i64: 32>, scalar_prefetch = 0 : i64, scratch_operands = 0 : i64, tpu.core_type = #tpu.core_type<tc>, window_params = [{transform_indices = @transform_0, window_bounds = array<i64: 64, 8192>}, {transform_indices = @transform_1, window_bounds = array<i64: 8192, 128>}, {transform_indices = @transform_2, window_bounds = array<i64: 64, 8192>}]} {
    %get3A = arith.constant 0 : index
    %get3A_0 = arith.constant 0 : index
    %get3A_1 = vector.load %arg1[%get3A, %get3A_0] : memref<64x8192xf32, #tpu.memory_space<vmem>>, vector<64x8192xf32>
    %get3A_2 = arith.constant 0 : index
    %get3A_3 = arith.constant 0 : index
    %get3A_4 = vector.load %arg2[%get3A_2, %get3A_3] : memref<8192x128xf32, #tpu.memory_space<vmem>>, vector<8192x64xf32>
    %transpose3A = tpu.transpose %get3A_4, [1, 0] : vector<8192x64xf32> -> vector<64x8192xf32>
    %add3A = arith.addf %get3A_1, %transpose3A : vector<64x8192xf32>
    %swap3A = arith.constant 0 : index
    %swap3A_5 = arith.constant 0 : index
    %swap3A_6 = vector.load %arg3[%swap3A, %swap3A_5] : memref<64x8192xf32, #tpu.memory_space<vmem>>, vector<64x8192xf32>
    tpu.vector_store %arg3[%swap3A, %swap3A_5], %add3A {strides = array<i32>} : memref<64x8192xf32, #tpu.memory_space<vmem>>, vector<64x8192xf32>,
    return
  }
  func.func @transform_0(%arg0: i32) -> (i32, i32) {
    %c0_i32 = arith.constant 0 : i32
    %c0_i32_0 = arith.constant 0 : i32
    return %c0_i32, %arg0 : i32, i32
  }
  func.func @transform_1(%arg0: i32) -> (i32, i32) {
    %c0_i32 = arith.constant 0 : i32
    %c0_i32_0 = arith.constant 0 : i32
    return %arg0, %c0_i32 : i32, i32
  }
  func.func @transform_2(%arg0: i32) -> (i32, i32) {
    %c0_i32 = arith.constant 0 : i32
    %c0_i32_0 = arith.constant 0 : i32
    return %c0_i32, %arg0 : i32, i32
  }
}

module attributes {stable_mosaic.version = 14 : i64} {
  func.func @_mlp_body(%arg0: i32, %arg1: memref<64x8192xf32, #tpu.memory_space<vmem>>, %arg2: memref<64x128xf32, #tpu.memory_space<vmem>>, %arg3: memref<1x128xf32, #tpu.memory_space<vmem>>, %arg4: memref<128x128xf32, #tpu.memory_space<vmem>>, %arg5: memref<1x128xf32, #tpu.memory_space<vmem>>, %arg6: memref<8192x128xf32, #tpu.memory_space<vmem>>) attributes {dimension_semantics = [#tpu.dimension_semantics<arbitrary>], iteration_bounds = array<i64: 16>, scalar_prefetch = 0 : i64, scratch_operands = 0 : i64, tpu.core_type = #tpu.core_type<tc>, window_params = [{transform_indices = @transform_0, window_bounds = array<i64: 64, 8192>}, {pipeline_mode = #tpu.pipeline_mode<synchronous>, transform_indices = @transform_1, window_bounds = array<i64: 64, 128>}, {pipeline_mode = #tpu.pipeline_mode<synchronous>, transform_indices = @transform_2, window_bounds = array<i64: 1, 128>}, {pipeline_mode = #tpu.pipeline_mode<synchronous>, transform_indices = @transform_3, window_bounds = array<i64: 128, 128>}, {pipeline_mode = #tpu.pipeline_mode<synchronous>, transform_indices = @transform_4, window_bounds = array<i64: 1, 128>}, {transform_indices = @transform_5, window_bounds = array<i64: 8192, 128>}]} {
    %get3A = arith.constant 0 : index
    %get3A_0 = arith.constant 0 : index
    %get3A_1 = vector.load %arg1[%get3A, %get3A_0] : memref<64x8192xf32, #tpu.memory_space<vmem>>, vector<64x8192xf32>
    %get3A_2 = arith.constant 0 : index
    %get3A_3 = arith.constant 0 : index
    %get3A_4 = vector.load %arg2[%get3A_2, %get3A_3] : memref<64x128xf32, #tpu.memory_space<vmem>>, vector<64x128xf32>
    %dot_general3A = arith.constant dense<0.000000e+00> : vector<8192x128xf32>
    %dot_general3A_5 = tpu.matmul %get3A_1, %get3A_4, %dot_general3A {dimension_numbers = #tpu.dot_dimension_numbers<[0], [0], [1], [1], [0, 1, 1, 1], [], []>, transpose_lhs_hint = false} : vector<64x8192xf32>, vector<64x128xf32>, vector<8192x128xf32> -> vector<8192x128xf32>
    %get3A_6 = arith.constant 0 : index
    %get3A_7 = arith.constant 0 : index
    %get3A_8 = vector.load %arg3[%get3A_6, %get3A_7] : memref<1x128xf32, #tpu.memory_space<vmem>>, vector<1x128xf32>
    %add3A = vector.broadcast %get3A_8 : vector<1x128xf32> to vector<8192x128xf32>
    %add3A_9 = arith.addf %dot_general3A_5, %add3A : vector<8192x128xf32>
    %ge3A = arith.constant 0.000000e+00 : f32
    %ge3A_10 = vector.broadcast %ge3A : f32 to vector<8192x128xf32>
    %ge3A_11 = arith.cmpf oge, %add3A_9, %ge3A_10 : vector<8192x128xf32>
    %mul3A = arith.constant 2.500000e-01 : f32
    %mul3A_12 = vector.broadcast %mul3A : f32 to vector<8192x128xf32>
    %mul3A_13 = arith.mulf %mul3A_12, %add3A_9 : vector<8192x128xf32>
    %select_n3A = arith.select %ge3A_11, %add3A_9, %mul3A_13 : vector<8192x128xi1>, vector<8192x128xf32>
    %get3A_14 = arith.constant 0 : index
    %get3A_15 = arith.constant 0 : index
    %get3A_16 = vector.load %arg4[%get3A_14, %get3A_15] : memref<128x128xf32, #tpu.memory_space<vmem>>, vector<128x128xf32>
    %dot_general3A_17 = arith.constant dense<0.000000e+00> : vector<8192x128xf32>
    %dot_general3A_18 = tpu.matmul %select_n3A, %get3A_16, %dot_general3A_17 {dimension_numbers = #tpu.dot_dimension_numbers<[1], [0], [0], [1], [0, 0, 1, 1], [], []>, transpose_lhs_hint = false} : vector<8192x128xf32>, vector<128x128xf32>, vector<8192x128xf32> -> vector<8192x128xf32>
    %get3A_19 = arith.constant 0 : index
    %get3A_20 = arith.constant 0 : index
    %get3A_21 = vector.load %arg5[%get3A_19, %get3A_20] : memref<1x128xf32, #tpu.memory_space<vmem>>, vector<1x128xf32>
    %add3A_22 = vector.broadcast %get3A_21 : vector<1x128xf32> to vector<8192x128xf32>
    %add3A_23 = arith.addf %dot_general3A_18, %add3A_22 : vector<8192x128xf32>
    %ge3A_24 = arith.constant 0.000000e+00 : f32
    %ge3A_25 = vector.broadcast %ge3A_24 : f32 to vector<8192x128xf32>
    %ge3A_26 = arith.cmpf oge, %add3A_23, %ge3A_25 : vector<8192x128xf32>
    %mul3A_27 = arith.constant 2.500000e-01 : f32
    %mul3A_28 = vector.broadcast %mul3A_27 : f32 to vector<8192x128xf32>
    %mul3A_29 = arith.mulf %mul3A_28, %add3A_23 : vector<8192x128xf32>
    %select_n3A_30 = arith.select %ge3A_26, %add3A_23, %mul3A_29 : vector<8192x128xi1>, vector<8192x128xf32>
    %swap3A = arith.constant 0 : index
    %swap3A_31 = arith.constant 0 : index
    %swap3A_32 = vector.load %arg6[%swap3A, %swap3A_31] : memref<8192x128xf32, #tpu.memory_space<vmem>>, vector<8192x128xf32>
    tpu.vector_store %arg6[%swap3A, %swap3A_31], %select_n3A_30 {strides = array<i32>} : memref<8192x128xf32, #tpu.memory_space<vmem>>, vector<8192x128xf32>,
    return
  }
  func.func @transform_0(%arg0: i32) -> (i32, i32) {
    %c0_i32 = arith.constant 0 : i32
    %c0_i32_0 = arith.constant 0 : i32
    return %c0_i32, %arg0 : i32, i32
  }
  func.func @transform_1(%arg0: i32) -> (i32, i32) {
    %c0_i32 = arith.constant 0 : i32
    %c0_i32_0 = arith.constant 0 : i32
    %c0_i32_1 = arith.constant 0 : i32
    return %c0_i32, %c0_i32_0 : i32, i32
  }
  func.func @transform_2(%arg0: i32) -> (i32, i32) {
    %c0_i32 = arith.constant 0 : i32
    %c0_i32_0 = arith.constant 0 : i32
    %c0_i32_1 = arith.constant 0 : i32
    return %c0_i32, %c0_i32_0 : i32, i32
  }
  func.func @transform_3(%arg0: i32) -> (i32, i32) {
    %c0_i32 = arith.constant 0 : i32
    %c0_i32_0 = arith.constant 0 : i32
    %c0_i32_1 = arith.constant 0 : i32
    return %c0_i32, %c0_i32_0 : i32, i32
  }
  func.func @transform_4(%arg0: i32) -> (i32, i32) {
    %c0_i32 = arith.constant 0 : i32
    %c0_i32_0 = arith.constant 0 : i32
    %c0_i32_1 = arith.constant 0 : i32
    return %c0_i32, %c0_i32_0 : i32, i32
  }
  func.func @transform_5(%arg0: i32) -> (i32, i32) {
    %c0_i32 = arith.constant 0 : i32
    %c0_i32_0 = arith.constant 0 : i32
    return %arg0, %c0_i32 : i32, i32
  }
}

</mosaic_0001>

<sc_bundles>
// kernel: kernel.5.cloned.1.call-start
scs
__scs_entry_jumppad:
0x0: {  	(pc) =	sbr.rel $0x88, $3  }
0x1: {  	(tag) =	ssettag $0x0;
	lr =	simm.s32 $0x1  }
0x2: {  	[smem:$0x3F9A] =	sst lr;
	_ =	strace $0xD0000000  }
0x3: {  	_ = 	snop  }
0x4: {  	_ = 	snop  }
0x5: {  	_ = 	snop  }
0x6: {  	_ = 	snop  }
0x7: {  	_ = 	snop  }
__scs_overlays_trampoline_lowered:
0x8: {  	[smem:$0x3FA9] =	sst s0  }
0x9: {  	[smem:$0x3FAA] =	sst s1  }
0xa: {  	[smem:$0x3FAB] =	sst s2  }
0xb: {  	[smem:$0x3FAC] =	sst s3  }
0xc: {  	[smem:$0x3FAD] =	sst s4  }
0xd: {  	[smem:$0x3FAE] =	sst s5  }
0xe: {  	[smem:$0x3FAF] =	sst s6  }
0xf: {  	[smem:$0x3FB0] =	sst s7  }
0x10: {  	[smem:$0x3FB1] =	sst s8  }
0x11: {  	[smem:$0x3FB2] =	sst s9;
	s0 =	simm.s32 @!p0 $0x0  }
0x12: {  	s1 =	sld [smem:$0x3F98];
	s0 =	simm.s32 @p0 $0x1  }
0x13: {  	[smem:$0x3FB3] =	sst s0;
	s0 =	simm.s32 @!p1 $0x0  }
0x14: {  	s2 =	sld [smem:$0x3F97];
	s0 =	simm.s32 @p1 $0x1  }
0x15: {  	[smem:$0x3FB4] =	sst s0;
	s0 =	simm.s32 @!p2 $0x0  }
0x16: {  	s3 =	sld [smem:$0x3FDB];
	s0 =	simm.s32 @p2 $0x1  }
0x17: {  	s4 =	simm.s32 $0x1BF5;
	[smem:$0x3FB6] =	sst s0  }
0x18: {  	s0 =	sld [smem:$0x3F99];
	_ =	swait.ge [sflag:s4], $0x0  }
0x19: {  	s7 =	sld [smem:$0x3F9A]  }
0x1a: {  	s8 =	sadd.s32 $0xFFFFE003, lr  }
0x1b: {  	s9 =	sadd.s32 $0xFFFFFEF7, lr;
	s5 =	simm.s32 $0xFFFFFFFF;
	p2 =	slt.u32 s8, $0xFFFFF086  }
0x1c: {  	p1 =	slt.u32 s9, $0xF7A;
	s5 =	simm.s32 @!p2 $0x0  }
0x1d: {  	s5 =	simm.s32 @p1 $0x1;
	p0 =	seq.s32 s7, s2  }
0x1e: {  	s7 =	smul.u32 @!p0 $0xF7A, s2;
	p2 =	seq.s32 @!p0 s5, $0x0  }
0x1f: {  	s9 =	smul.u32 $0xF7A, s1;
	s8 =	simm.s32 @!p0 $0x1BF5;
	p2 =	por !p2, p0  }
0x20: {  	[sflag:s8] =	ssyncset.s32 @!p0 $0xFFFFF086;
	s6 =	sadd.s32 @!p0 s3, s7;
	s7 =	simm.s32 @!p0 $0x108  }
0x21: {  	s3 =	sadd.s32 s3, s9;
	s6 =	sadd.s32 @!p0 $0x88, s6;
	s7 =	simm.s32 @p2 $0x1082  }
0x22: {  	[simem:s7], [sflag:s8] =	dma.local @!p0 [hbm:s6], $0xF7A  }
0x23: {  	s9 =	sor.u32 $0xD0000000, s2;
	s6 =	simm.s32 $0x108;
	_ =	swait.ge @!p0 [sflag:s8], $0x0  }
0x24: {  	s3 =	sadd.s32 $0x88, s3;
	s6 =	simm.s32 @!p1 $0x1082;
	[sflag:s4] =	ssyncset.s32 $0xFFFFF086  }
0x25: {  	[simem:s6], [sflag:s4] =	dma.local [hbm:s3], $0xF7A  }
0x26: {  	[smem:$0x3F9A] =	sst s1;
	(tag) =	ssettag s2;
	_ =	strace s9  }
0x27: {  	s1 =	sld [smem:$0x3FAA]  }
0x28: {  	s2 =	sld [smem:$0x3FAB]  }
0x29: {  	s4 =	sld [smem:$0x3FAD]  }
0x2a: {  	p0 =	seq.s32 s5, $0x0;
	s5 =	sld [smem:$0x3FAE]  }
0x2b: {  	s6 =	sld [smem:$0x3FAF]  }
0x2c: {  	s7 =	sld [smem:$0x3FB0]  }
0x2d: {  	s3 =	simm.s32 $0x108;
	s8 =	sld [smem:$0x3FB1]  }
0x2e: {  	s3 =	simm.s32 @!p0 $0x1082;
	s9 =	sld [smem:$0x3FB2]  }
0x2f: {  	lr =	sadd.s32 s0, s3;
	s0 =	sld [smem:$0x3FA9]  }
0x30: {  	s3 =	sld [smem:$0x3FAC]  }
0x31: {  	[smem:$0x3FB5] =	sst s10  }
0x32: {  	s10 =	sld [smem:$0x3FB3];
	_ =	sdelay $0x3  }
0x33: {  	p0 =	seq.s32 s10, $0x1;
	s10 =	sld [smem:$0x3FB5];
	_ =	sdelay $0x3  }
0x34: {  	[smem:$0x3FB5] =	sst s10  }
0x35: {  	s10 =	sld [smem:$0x3FB4];
	_ =	sdelay $0x3  }
0x36: {  	p1 =	seq.s32 s10, $0x1;
	s10 =	sld [smem:$0x3FB5];
	_ =	sdelay $0x3  }
0x37: {  	[smem:$0x3FB5] =	sst s10  }
0x38: {  	s10 =	sld [smem:$0x3FB6]  }
0x39: {  	_ = 	snop;
	(pc) =	sbr.ind lr, $3  }
0x3a: {  	_ = 	snop  }
0x3b: {  	_ = 	snop  }
0x3c: {  	p2 =	seq.s32 s10, $0x1;
	s10 =	sld [smem:$0x3FB5]  }
0x3d: {  	_ =	shalt  }
0x3e: {  	_ =	shalt  }
0x3f: {  	_ =	shalt  }
0x40: {  	_ =	shalt  }
0x41: {  	_ =	shalt  }
0x42: {  	_ =	shalt  }
0x43: {  	_ =	shalt  }
0x44: {  	_ =	shalt  }
0x45: {  	_ =	shalt  }
0x46: {  	_ =	shalt  }
0x47: {  	_ =	shalt  }
0x48: {  	_ =	shalt  }
0x49: {  	_ =	shalt  }
0x4a: {  	_ =	shalt  }
0x4b: {  	_ =	shalt  }
0x4c: {  	_ =	shalt  }
0x4d: {  	_ =	shalt  }
0x4e: {  	_ =	shalt  }
0x4f: {  	_ =	shalt  }
0x50: {  	_ =	shalt  }
0x51: {  	_ =	shalt  }
0x52: {  	_ =	shalt  }
0x53: {  	_ =	shalt  }
0x54: {  	_ =	shalt  }
0x55: {  	_ =	shalt  }
0x56: {  	_ =	shalt  }
0x57: {  	_ =	shalt  }
0x58: {  	_ =	shalt  }
0x59: {  	_ =	shalt  }
0x5a: {  	_ =	shalt  }
0x5b: {  	_ =	shalt  }
0x5c: {  	_ =	shalt  }
0x5d: {  	_ =	shalt  }
0x5e: {  	_ =	shalt  }
0x5f: {  	_ =	shalt  }
0x60: {  	_ =	shalt  }
0x61: {  	_ =	shalt  }
0x62: {  	_ =	shalt  }
0x63: {  	_ =	shalt  }
0x64: {  	_ =	shalt  }
0x65: {  	_ =	shalt  }
0x66: {  	_ =	shalt  }
0x67: {  	_ =	shalt  }
0x68: {  	_ =	shalt  }
0x69: {  	_ =	shalt  }
0x6a: {  	_ =	shalt  }
0x6b: {  	_ =	shalt  }
0x6c: {  	_ =	shalt  }
0x6d: {  	_ =	shalt  }
0x6e: {  	_ =	shalt  }
0x6f: {  	_ =	shalt  }
0x70: {  	_ =	shalt  }
0x71: {  	_ =	shalt  }
0x72: {  	_ =	shalt  }
0x73: {  	_ =	shalt  }
0x74: {  	_ =	shalt  }
0x75: {  	_ =	shalt  }
0x76: {  	_ =	shalt  }
0x77: {  	_ =	shalt  }
0x78: {  	_ =	shalt  }
0x79: {  	_ =	shalt  }
0x7a: {  	_ =	shalt  }
0x7b: {  	_ =	shalt  }
0x7c: {  	_ =	shalt  }
0x7d: {  	_ =	shalt  }
0x7e: {  	_ =	shalt  }
0x7f: {  	_ =	shalt  }
0x80: {  	_ =	shalt  }
0x81: {  	_ =	shalt  }
0x82: {  	_ =	shalt  }
0x83: {  	_ =	shalt  }
0x84: {  	_ =	shalt  }
0x85: {  	_ =	shalt  }
0x86: {  	_ =	shalt  }
0x87: {  	_ =	shalt  }
.Lfunc_end0:
.L_simem_size_0:
called_computation_lowered:
.L_overlay_start_0:
0x88: {  	s2 =	sld [smem:$0x3FD9]  }
0x89: {  	s3 =	sld [smem:$0x3FFE];
	_ =	sdelay $0x1  }
0x8a: {  	s1 =	srdreg.scid  }
0x8b: {  	s0 =	sand.u32 $0x1, s1  }
0x8c: {  	s17 =	sshll.u32 s0, $0xA;
	s2 =	sadd.s32 s3, s2  }
0x8d: {  	s2 =	sadd.s32 s2, s17  }
0x8e: {  	[smem:$0x3FC1] =	sst s2  }
0x8f: {  	_ = 	snop  }
0x90: {  	s2 =	sld [smem:$0x3FC8]  }
0x91: {  	s18 =	sld [smem:$0x3FD0];
	(tm) =	ssettm $0x1  }
0x92: {  	s4 =	sld [smem:$0x3FFB];
	_ =	sdelay $0x3  }
0x93: {  	_ =	strace s4  }
0x94: {  	s4 =	sld [smem:$0x3FFC];
	_ =	sdelay $0x3  }
0x95: {  	_ =	strace s4  }
0x96: {  	s4 =	sld [smem:$0x3FFD];
	_ =	sdelay $0x3  }
0x97: {  	_ =	strace s4  }
0x98: {  	_ =	strace $0x8FFFFFFF  }
0x99: {  	s19 =	sld [smem:$0x3FDB];
	_ =	sdelay $0x1  }
0x9a: {  	s5 =	simm.s32 $_scs_section_size  }
0x9b: {  	s6 =	simm.s32 $_size__tile_overlayer_lowered;
	s7 =	simm.s32 $_tile_overlayer_lowered  }
0x9c: {  	s22 =	simm.s32 $0x1BFF;
	s21 =	sshll.u32 s7, $0x1;
	s4 =	sadd.s32 s5, s19  }
0x9d: {  	s8 =	simm.s32 $0x0;
	s20 =	sshll.u32 s6, $0x1;
	s6 =	sadd.s32 s21, s4  }
0x9e: {  	[timem:s8], [sflag:s22] =	dma.local [hbm:s6], s20  }
0x9f: {  	_ =	swait.ge [sflag:s22], s20  }
0xa0: {  	s5 =	ssub.s32 $0x0, s20;
	[sflag:s22] =	ssyncset.done $0x0  }
0xa1: {  	[sflag:s22] =	ssyncadd.s32 s5;
	_ =	sdelay $0x1  }
0xa2: {  	s23 =	simm.s32 $0x1B8B  }
0xa3: {  	_ =	swait.ge [sflag:s23], $0x1  }
0xa4: {  	[sflag:s23] =	ssyncset.done $0x0  }
0xa5: {  	s25 =	simm.s32 $0x1B8E;
	s24 =	sld [smem:$0x3FFE];
	[sflag:s23] =	ssyncadd.s32 $0xFFFFFFFF  }
0xa6: {  	s26 =	simm.s32 $execute0_lowered;
	[smem:$0x3FD2] =	sst s25  }
0xa7: {  	s6 =	sshll.u32 s26, $0x1;
	_ =	strace $0x80000046;
	[dreg:$0x1] =	wrdreg $0xFFFFFFFF  }
0xa8: {  	s28 =	simm.s32 $_size_execute0_lowered;
	s4 =	sadd.s32 s4, s6;
	[dreg:$0x0] =	wrdreg $0x0  }
0xa9: {  	s6 =	sshll.u32 s28, $0x1;
	[dreg:$0x2] =	wrdreg s4  }
0xaa: {  	[dreg:$0x3] =	wrdreg s6  }
0xab: {  	[dreg:$0x4] =	wrdreg $0xC0  }
0xac: {  	_ =	task [dreg:s8], $0x5FFFF  }
0xad: {  	[dreg:$0x1] =	wrdreg $0xFFFFFFFF  }
0xae: {  	[dreg:$0x0] =	wrdreg $0x60  }
0xaf: {  	[dreg:$0x2] =	wrdreg s2  }
0xb0: {  	[dreg:$0x3] =	wrdreg s18  }
0xb1: {  	[dreg:$0x4] =	wrdreg s24  }
0xb2: {  	[dreg:$0x5] =	wrdreg $0xF4000  }
0xb3: {  	[dreg:$0x6] =	wrdreg $0x9  }
0xb4: {  	_ =	task.clear_ibuf [dreg:s8], $0x7FFFF;
	_ =	strace $0x90000046  }
0xb5: {  	s29 =	simm.s32 $0x9;
	_ =	strace $0x80000048  }
0xb6: {  	_ =	swait.ge [sflag:s29], $0x1  }
0xb7: {  	[sflag:s29] =	ssyncadd.s32 $0xFFFFFFFF  }
0xb8: {  	_ =	strace $0x90000048  }
0xb9: {  	_ =	sfence  }
0xba: {  	s30 =	sld [smem:$0x0];
	_ =	sdelay $0x2  }
0xbb: {  	s31 =	sshll.u32 s1, $0xD;
	s1 =	sshrl.u32 s1, $0x2  }
0xbc: {  	s3 =	sand.u32 $0x4000, s31;
	s1 =	sadd.s32 s1, s30  }
0xbd: {  	s0 =	sor.u32 s3, s0;
	s1 =	sshll.u32 s1, $0x11  }
0xbe: {  	s0 =	sor.u32 s1, s0  }
0xbf: {  	s0 =	sadd.s32 $0x8F2B, s0  }
0xc0: {  	[sflag:s0] =	ssyncadd.remote.s32 $0x1  }
0xc1: {  	_ =	sfence.sel $0xFFFF  }
0xc2: {  	[dreg:$0x0] =	wrdreg $0xFFFFFFFF;
	(pc) =	sbr.abs _section_cstart, $3  }
0xc3: {  	[dreg:$0x1] =	wrdreg $0xFFFFFFFF  }
0xc4: {  	_ =	task.clear_ibuf [dreg:s8], $0x2FFFF;
	_ =	strace $0x9FFFFFFF  }
0xc5: {  	(tm) =	ssettm $0x7FFFFFFF  }
tec
execute0_lowered:
.L_overlay_start_1:
0x0: {  	(tag) =	ssettag $0x1  }
0x1: {  	s0 =	rddreg [dreg:$0x0]  }
0x2: {  	s1 =	rddreg [dreg:$0x1]  }
0x3: {  	s3 =	rddreg [dreg:$0x2]  }
0x4: {  	s2 =	rddreg [dreg:$0x3]  }
0x5: {  	s4 =	srdreg.scid;
	s5 =	simm.s32 $0x0;
	s8 =	stileid.u32  }
0x6: {  	[smem:$0x7FF] =	sst s5;
	s7 =	sadd.s32 $0x400, s3;
	s26 =	sshll.u32 s8, $0xA  }
0x7: {  	s3 =	sadd.s32 $0x1400, s3;
	_ =	strace $0x80000047;
	[dreg:$0x5] =	wrdreg s7  }
0x8: {  	s10 =	sshll.u32 s8, $0x10;
	s0 =	sadd.s32 s0, s26;
	[dreg:$0x16] =	wrdreg s3  }
0x9: {  	s4 =	sand.u32 $0x1, s4;
	s12 =	sadd.s32 s10, s2;
	[dreg:$0x7] =	wrdreg s0  }
0xa: {  	s9 =	sshll.u32 s4, $0x11;
	[dreg:$0x8] =	wrdreg s12  }
0xb: {  	s25 =	ssub.s32 $0x2, s4;
	s4 =	sadd.s32 $0x1000, s12;
	[dreg:$0x6] =	wrdreg s9  }
0xc: {  	s13 =	sadd.s32 $0x2000, s12;
	[dreg:$0x9] =	wrdreg s4  }
0xd: {  	s14 =	sadd.s32 $0x3000, s12;
	[dreg:$0xa] =	wrdreg s13  }
0xe: {  	s15 =	sadd.s32 $0x4000, s12;
	[dreg:$0xb] =	wrdreg s14  }
0xf: {  	s29 =	simm.s32 $0x4080;
	s16 =	sadd.s32 $0x5000, s12;
	[dreg:$0xc] =	wrdreg s15  }
0x10: {  	s30 =	simm.s32 $0x2000;
	s17 =	sadd.s32 $0x6000, s12;
	[dreg:$0xd] =	wrdreg s16  }
0x11: {  	s31 =	simm.s32 $0x1;
	s18 =	sadd.s32 $0x7000, s12;
	[dreg:$0xe] =	wrdreg s17  }
0x12: {  	s28 =	simm.s32 $0x40;
	s19 =	sadd.s32 $0x8000, s12;
	[dreg:$0xf] =	wrdreg s18  }
0x13: {  	s3 =	simm.s32 $0x6100;
	s20 =	sadd.s32 $0x9000, s12;
	[dreg:$0x10] =	wrdreg s19  }
0x14: {  	s7 =	simm.s32 $0x7;
	s21 =	sadd.s32 $0xA000, s12;
	[dreg:$0x11] =	wrdreg s20  }
0x15: {  	s10 =	simm.s32 $0x0;
	s22 =	sadd.s32 $0xB000, s12;
	[dreg:$0x12] =	wrdreg s21  }
0x16: {  	s6 =	sshrl.u32 s25, $0x1;
	s23 =	sadd.s32 $0xC000, s12;
	[dreg:$0x13] =	wrdreg s22  }
0x17: {  	s11 =	sadd.s32 $0x20000, s9;
	s24 =	sadd.s32 $0xD000, s12;
	[dreg:$0x14] =	wrdreg s23  }
.Ltmp0:
0x18: {  	s26 =	sadd.s32 $0xE000, s12;
	[dreg:$0x15] =	wrdreg s24;
	(pc) =	sbr.rel .LBB2_1-.Ltmp0, $4  }
0x19: {  	s0 =	sadd.s32 $0xF000, s12;
	s5 =	ssub.s32 s25, s6;
	[dreg:$0x18] =	wrdreg s26  }
0x1a: {  	s6 =	sshll.u32 s8, $0xD;
	[dreg:$0x19] =	wrdreg s0;
	s0 =	simm.s32 $0xE400  }
0x1b: {  	v2 =	vimm.f32 $0.0e+00;
	v3 =	vimm.s32 $0x0;
	s8 =	simm.s32 $0x8180;
	s24 =	simm.s32 $0x3;
	s25 =	smax.u32 s5, $0x1  }
0x1c: {  	v4 =	vlaneseq.u32;
	v1 =	vmov s9;
	s4 =	simm.s32 $0xA400;
	v0 =	vmov s11;
	s5 =	simm.s32 $0xA280;
	[dreg:$0x17] =	wrdreg s25  }
.LBB2_13:
0x1d: {  	_ =	swait.ge [sflag:s24], $0x1000  }
0x1e: {  	[sflag:s24] =	ssyncset.done $0x0  }
0x1f: {  	[sflag:s24] =	ssyncadd.s32 $0xFFFFF000  }
0x20: {  	_ =	swait.ge [sflag:s24], $0x1000  }
0x21: {  	[sflag:s24] =	ssyncset.done $0x0  }
0x22: {  	[sflag:s24] =	ssyncadd.s32 $0xFFFFF000  }
0x23: {  	_ =	swait.ge [sflag:s24], $0x1000  }
0x24: {  	[sflag:s24] =	ssyncset.done $0x0  }
0x25: {  	[sflag:s24] =	ssyncadd.s32 $0xFFFFF000  }
0x26: {  	_ =	swait.ge [sflag:s24], $0x1000  }
0x27: {  	[sflag:s24] =	ssyncset.done $0x0  }
0x28: {  	[sflag:s24] =	ssyncadd.s32 $0xFFFFF000  }
0x29: {  	_ =	swait.ge [sflag:s24], $0x1000  }
0x2a: {  	[sflag:s24] =	ssyncset.done $0x0  }
0x2b: {  	[sflag:s24] =	ssyncadd.s32 $0xFFFFF000  }
0x2c: {  	_ =	swait.ge [sflag:s24], $0x1000  }
0x2d: {  	[sflag:s24] =	ssyncset.done $0x0  }
0x2e: {  	[sflag:s24] =	ssyncadd.s32 $0xFFFFF000  }
0x2f: {  	_ =	swait.ge [sflag:s24], $0x1000  }
0x30: {  	[sflag:s24] =	ssyncset.done $0x0  }
0x31: {  	[sflag:s24] =	ssyncadd.s32 $0xFFFFF000  }
0x32: {  	_ =	swait.ge [sflag:s24], $0x1000  }
0x33: {  	[sflag:s24] =	ssyncset.done $0x0  }
0x34: {  	[sflag:s24] =	ssyncadd.s32 $0xFFFFF000  }
0x35: {  	_ =	swait.ge [sflag:s24], $0x1000  }
0x36: {  	[sflag:s24] =	ssyncset.done $0x0  }
0x37: {  	[sflag:s24] =	ssyncadd.s32 $0xFFFFF000  }
0x38: {  	_ =	swait.ge [sflag:s24], $0x1000  }
0x39: {  	[sflag:s24] =	ssyncset.done $0x0  }
0x3a: {  	[sflag:s24] =	ssyncadd.s32 $0xFFFFF000  }
0x3b: {  	_ =	swait.ge [sflag:s24], $0x1000  }
0x3c: {  	[sflag:s24] =	ssyncset.done $0x0  }
0x3d: {  	[sflag:s24] =	ssyncadd.s32 $0xFFFFF000  }
0x3e: {  	_ =	swait.ge [sflag:s24], $0x1000  }
0x3f: {  	[sflag:s24] =	ssyncset.done $0x0  }
0x40: {  	[sflag:s24] =	ssyncadd.s32 $0xFFFFF000  }
0x41: {  	_ =	swait.ge [sflag:s24], $0x1000  }
0x42: {  	[sflag:s24] =	ssyncset.done $0x0  }
0x43: {  	[sflag:s24] =	ssyncadd.s32 $0xFFFFF000  }
0x44: {  	_ =	swait.ge [sflag:s24], $0x1000  }
0x45: {  	[sflag:s24] =	ssyncset.done $0x0  }
0x46: {  	[sflag:s24] =	ssyncadd.s32 $0xFFFFF000  }
0x47: {  	_ =	swait.ge [sflag:s24], $0x1000  }
0x48: {  	[sflag:s24] =	ssyncset.done $0x0  }
0x49: {  	[sflag:s24] =	ssyncadd.s32 $0xFFFFF000  }
0x4a: {  	_ =	swait.ge [sflag:s24], $0x1000  }
0x4b: {  	s10 =	rddreg [dreg:$0x1a]  }
0x4c: {  	s9 =	rddreg [dreg:$0x17];
	s10 =	sadd.s32 $0x1, s10  }
0x4d: {  	p0 =	sne.s32 s10, s9  }
.Ltmp1:
0x4e: {  	_ = 	snop;
	(pc) =	sbr.rel @!p0 .LBB2_14-.Ltmp1, $3  }
0x4f: {  	_ =	sdelay $0x1  }
0x50: {  	[sflag:s24] =	ssyncset.done $0x0  }
0x51: {  	[sflag:s24] =	ssyncadd.s32 $0xFFFFF000  }
.LBB2_1:
0x52: {  	[dreg:$0x1a] =	wrdreg s10  }
0x53: {  	s9 =	simm.s32 $0x0;
	s14 =	rddreg [dreg:$0x7];
	s15 =	simm.s32 $0x6  }
0x54: {  	[tilespmem:s9], [sflag:$0x6] =	stream.linear.gather [hbm4b:s14+s9], $0x2000, $0x38;
	[tilespmem:$0x1F480] =	vst v63  }
0x55: {  	_ =	swait.ge [sflag:s15], $0x2000  }
0x56: {  	[sflag:s15] =	ssyncset.done $0x0  }
0x57: {  	[sflag:s15] =	ssyncadd.s32 $0xFFFFE000  }
0x58: {  	[tilespmem:$0xE400] =	vst v2  }
0x59: {  	[tilespmem:$0xE410] =	vst v2  }
0x5a: {  	[tilespmem:$0xE420] =	vst v2  }
0x5b: {  	[tilespmem:$0xE430] =	vst v2  }
0x5c: {  	[tilespmem:$0xE440] =	vst v2  }
0x5d: {  	[tilespmem:$0xE450] =	vst v2  }
0x5e: {  	[tilespmem:$0xE460] =	vst v2  }
0x5f: {  	[tilespmem:$0xE470] =	vst v2  }
0x60: {  	[tilespmem:$0xE480] =	vst v2  }
0x61: {  	[tilespmem:$0xE490] =	vst v2  }
0x62: {  	[tilespmem:$0xE4A0] =	vst v2  }
0x63: {  	[tilespmem:$0xE4B0] =	vst v2  }
0x64: {  	[tilespmem:$0xE4C0] =	vst v2  }
0x65: {  	[tilespmem:$0xE4D0] =	vst v2  }
0x66: {  	[tilespmem:$0xE4E0] =	vst v2  }
0x67: {  	[tilespmem:$0xE4F0] =	vst v2  }
0x68: {  	[tilespmem:$0xE500] =	vst v2  }
0x69: {  	[tilespmem:$0xE510] =	vst v2  }
0x6a: {  	[tilespmem:$0xE520] =	vst v2  }
0x6b: {  	[tilespmem:$0xE530] =	vst v2  }
0x6c: {  	[tilespmem:$0xE540] =	vst v2  }
0x6d: {  	[tilespmem:$0xE550] =	vst v2  }
0x6e: {  	[tilespmem:$0xE560] =	vst v2  }
0x6f: {  	[tilespmem:$0xE570] =	vst v2  }
0x70: {  	[tilespmem:$0xE580] =	vst v2  }
0x71: {  	[tilespmem:$0xE590] =	vst v2  }
0x72: {  	[tilespmem:$0xE5A0] =	vst v2  }
0x73: {  	[tilespmem:$0xE5B0] =	vst v2  }
0x74: {  	[tilespmem:$0xE5C0] =	vst v2  }
0x75: {  	[tilespmem:$0xE5D0] =	vst v2  }
0x76: {  	[tilespmem:$0xE5E0] =	vst v2  }
0x77: {  	[tilespmem:$0xE5F0] =	vst v2  }
0x78: {  	[tilespmem:$0xE600] =	vst v2  }
0x79: {  	[tilespmem:$0xE610] =	vst v2  }
0x7a: {  	[tilespmem:$0xE620] =	vst v2  }
0x7b: {  	[tilespmem:$0xE630] =	vst v2  }
0x7c: {  	[tilespmem:$0xE640] =	vst v2  }
0x7d: {  	[tilespmem:$0xE650] =	vst v2  }
0x7e: {  	[tilespmem:$0xE660] =	vst v2  }
0x7f: {  	[tilespmem:$0xE670] =	vst v2  }
0x80: {  	[tilespmem:$0xE680] =	vst v2  }
0x81: {  	[tilespmem:$0xE690] =	vst v2  }
0x82: {  	[tilespmem:$0xE6A0] =	vst v2  }
0x83: {  	[tilespmem:$0xE6B0] =	vst v2  }
0x84: {  	[tilespmem:$0xE6C0] =	vst v2  }
0x85: {  	[tilespmem:$0xE6D0] =	vst v2  }
0x86: {  	[tilespmem:$0xE6E0] =	vst v2  }
0x87: {  	[tilespmem:$0xE6F0] =	vst v2  }
0x88: {  	[tilespmem:$0xE700] =	vst v2  }
0x89: {  	[tilespmem:$0xE710] =	vst v2  }
0x8a: {  	[tilespmem:$0xE720] =	vst v2  }
0x8b: {  	[tilespmem:$0xE730] =	vst v2  }
0x8c: {  	[tilespmem:$0xE740] =	vst v2  }
0x8d: {  	[tilespmem:$0xE750] =	vst v2  }
0x8e: {  	[tilespmem:$0xE760] =	vst v2  }
0x8f: {  	[tilespmem:$0xE770] =	vst v2  }
0x90: {  	[tilespmem:$0xE780] =	vst v2  }
0x91: {  	[tilespmem:$0xE790] =	vst v2  }
0x92: {  	[tilespmem:$0xE7A0] =	vst v2  }
0x93: {  	[tilespmem:$0xE7B0] =	vst v2  }
0x94: {  	[tilespmem:$0xE7C0] =	vst v2  }
0x95: {  	[tilespmem:$0xE7D0] =	vst v2  }
0x96: {  	[tilespmem:$0xE7E0] =	vst v2  }
0x97: {  	[tilespmem:$0xE7F0] =	vst v2  }
0x98: {  	[tilespmem:$0xE800] =	vst v2  }
0x99: {  	[tilespmem:$0xE810] =	vst v2  }
0x9a: {  	[tilespmem:$0xE820] =	vst v2  }
0x9b: {  	[tilespmem:$0xE830] =	vst v2  }
0x9c: {  	[tilespmem:$0xE840] =	vst v2  }
0x9d: {  	[tilespmem:$0xE850] =	vst v2  }
0x9e: {  	[tilespmem:$0xE860] =	vst v2  }
0x9f: {  	[tilespmem:$0xE870] =	vst v2  }
0xa0: {  	[tilespmem:$0xE880] =	vst v2  }
0xa1: {  	[tilespmem:$0xE890] =	vst v2  }
0xa2: {  	[tilespmem:$0xE8A0] =	vst v2  }
0xa3: {  	[tilespmem:$0xE8B0] =	vst v2  }
0xa4: {  	[tilespmem:$0xE8C0] =	vst v2  }
0xa5: {  	[tilespmem:$0xE8D0] =	vst v2  }
0xa6: {  	[tilespmem:$0xE8E0] =	vst v2  }
0xa7: {  	[tilespmem:$0xE8F0] =	vst v2  }
0xa8: {  	[tilespmem:$0xE900] =	vst v2  }
0xa9: {  	[tilespmem:$0xE910] =	vst v2  }
0xaa: {  	[tilespmem:$0xE920] =	vst v2  }
0xab: {  	[tilespmem:$0xE930] =	vst v2  }
0xac: {  	[tilespmem:$0xE940] =	vst v2  }
0xad: {  	[tilespmem:$0xE950] =	vst v2  }
0xae: {  	[tilespmem:$0xE960] =	vst v2  }
0xaf: {  	[tilespmem:$0xE970] =	vst v2  }
0xb0: {  	[tilespmem:$0xE980] =	vst v2  }
0xb1: {  	[tilespmem:$0xE990] =	vst v2  }
0xb2: {  	[tilespmem:$0xE9A0] =	vst v2  }
0xb3: {  	[tilespmem:$0xE9B0] =	vst v2  }
0xb4: {  	[tilespmem:$0xE9C0] =	vst v2  }
0xb5: {  	[tilespmem:$0xE9D0] =	vst v2  }
0xb6: {  	[tilespmem:$0xE9E0] =	vst v2  }
0xb7: {  	[tilespmem:$0xE9F0] =	vst v2  }
0xb8: {  	[tilespmem:$0xEA00] =	vst v2  }
0xb9: {  	[tilespmem:$0xEA10] =	vst v2  }
0xba: {  	[tilespmem:$0xEA20] =	vst v2  }
0xbb: {  	[tilespmem:$0xEA30] =	vst v2  }
0xbc: {  	[tilespmem:$0xEA40] =	vst v2  }
0xbd: {  	[tilespmem:$0xEA50] =	vst v2  }
0xbe: {  	[tilespmem:$0xEA60] =	vst v2  }
0xbf: {  	[tilespmem:$0xEA70] =	vst v2  }
0xc0: {  	[tilespmem:$0xEA80] =	vst v2  }
0xc1: {  	[tilespmem:$0xEA90] =	vst v2  }
0xc2: {  	[tilespmem:$0xEAA0] =	vst v2  }
0xc3: {  	[tilespmem:$0xEAB0] =	vst v2  }
0xc4: {  	[tilespmem:$0xEAC0] =	vst v2  }
0xc5: {  	[tilespmem:$0xEAD0] =	vst v2  }
0xc6: {  	[tilespmem:$0xEAE0] =	vst v2  }
0xc7: {  	[tilespmem:$0xEAF0] =	vst v2  }
0xc8: {  	[tilespmem:$0xEB00] =	vst v2  }
0xc9: {  	[tilespmem:$0xEB10] =	vst v2  }
0xca: {  	[tilespmem:$0xEB20] =	vst v2  }
0xcb: {  	[tilespmem:$0xEB30] =	vst v2  }
0xcc: {  	[tilespmem:$0xEB40] =	vst v2  }
0xcd: {  	[tilespmem:$0xEB50] =	vst v2  }
0xce: {  	[tilespmem:$0xEB60] =	vst v2  }
0xcf: {  	[tilespmem:$0xEB70] =	vst v2  }
0xd0: {  	[tilespmem:$0xEB80] =	vst v2  }
0xd1: {  	[tilespmem:$0xEB90] =	vst v2  }
0xd2: {  	[tilespmem:$0xEBA0] =	vst v2  }
0xd3: {  	[tilespmem:$0xEBB0] =	vst v2  }
0xd4: {  	[tilespmem:$0xEBC0] =	vst v2  }
0xd5: {  	[tilespmem:$0xEBD0] =	vst v2  }
0xd6: {  	[tilespmem:$0xEBE0] =	vst v2  }
0xd7: {  	[tilespmem:$0xEBF0] =	vst v2  }
0xd8: {  	[tilespmem:$0xEC00] =	vst v2  }
0xd9: {  	[tilespmem:$0xEC10] =	vst v2  }
0xda: {  	[tilespmem:$0xEC20] =	vst v2  }
0xdb: {  	[tilespmem:$0xEC30] =	vst v2  }
0xdc: {  	[tilespmem:$0xEC40] =	vst v2  }
0xdd: {  	[tilespmem:$0xEC50] =	vst v2  }
0xde: {  	[tilespmem:$0xEC60] =	vst v2  }
0xdf: {  	[tilespmem:$0xEC70] =	vst v2  }
0xe0: {  	[tilespmem:$0xEC80] =	vst v2  }
0xe1: {  	[tilespmem:$0xEC90] =	vst v2  }
0xe2: {  	[tilespmem:$0xECA0] =	vst v2  }
0xe3: {  	[tilespmem:$0xECB0] =	vst v2  }
0xe4: {  	[tilespmem:$0xECC0] =	vst v2  }
0xe5: {  	[tilespmem:$0xECD0] =	vst v2  }
0xe6: {  	[tilespmem:$0xECE0] =	vst v2  }
0xe7: {  	[tilespmem:$0xECF0] =	vst v2  }
0xe8: {  	[tilespmem:$0xED00] =	vst v2  }
0xe9: {  	[tilespmem:$0xED10] =	vst v2  }
0xea: {  	[tilespmem:$0xED20] =	vst v2  }
0xeb: {  	[tilespmem:$0xED30] =	vst v2  }
0xec: {  	[tilespmem:$0xED40] =	vst v2  }
0xed: {  	[tilespmem:$0xED50] =	vst v2  }
0xee: {  	[tilespmem:$0xED60] =	vst v2  }
0xef: {  	[tilespmem:$0xED70] =	vst v2  }
0xf0: {  	[tilespmem:$0xED80] =	vst v2  }
0xf1: {  	[tilespmem:$0xED90] =	vst v2  }
0xf2: {  	[tilespmem:$0xEDA0] =	vst v2  }
0xf3: {  	[tilespmem:$0xEDB0] =	vst v2  }
0xf4: {  	[tilespmem:$0xEDC0] =	vst v2  }
0xf5: {  	[tilespmem:$0xEDD0] =	vst v2  }
0xf6: {  	[tilespmem:$0xEDE0] =	vst v2  }
0xf7: {  	[tilespmem:$0xEDF0] =	vst v2  }
0xf8: {  	[tilespmem:$0xEE00] =	vst v2  }
0xf9: {  	[tilespmem:$0xEE10] =	vst v2  }
0xfa: {  	[tilespmem:$0xEE20] =	vst v2  }
0xfb: {  	[tilespmem:$0xEE30] =	vst v2  }
0xfc: {  	[tilespmem:$0xEE40] =	vst v2  }
0xfd: {  	[tilespmem:$0xEE50] =	vst v2  }
0xfe: {  	[tilespmem:$0xEE60] =	vst v2  }
0xff: {  	[tilespmem:$0xEE70] =	vst v2  }
0x100: {  	[tilespmem:$0xEE80] =	vst v2  }
0x101: {  	[tilespmem:$0xEE90] =	vst v2  }
0x102: {  	[tilespmem:$0xEEA0] =	vst v2  }
0x103: {  	[tilespmem:$0xEEB0] =	vst v2  }
0x104: {  	[tilespmem:$0xEEC0] =	vst v2  }
0x105: {  	[tilespmem:$0xEED0] =	vst v2  }
0x106: {  	[tilespmem:$0xEEE0] =	vst v2  }
0x107: {  	[tilespmem:$0xEEF0] =	vst v2  }
0x108: {  	[tilespmem:$0xEF00] =	vst v2  }
0x109: {  	[tilespmem:$0xEF10] =	vst v2  }
0x10a: {  	[tilespmem:$0xEF20] =	vst v2  }
0x10b: {  	[tilespmem:$0xEF30] =	vst v2  }
0x10c: {  	[tilespmem:$0xEF40] =	vst v2  }
0x10d: {  	[tilespmem:$0xEF50] =	vst v2  }
0x10e: {  	[tilespmem:$0xEF60] =	vst v2  }
0x10f: {  	[tilespmem:$0xEF70] =	vst v2  }
0x110: {  	[tilespmem:$0xEF80] =	vst v2  }
0x111: {  	[tilespmem:$0xEF90] =	vst v2  }
0x112: {  	[tilespmem:$0xEFA0] =	vst v2  }
0x113: {  	[tilespmem:$0xEFB0] =	vst v2  }
0x114: {  	[tilespmem:$0xEFC0] =	vst v2  }
0x115: {  	[tilespmem:$0xEFD0] =	vst v2  }
0x116: {  	[tilespmem:$0xEFE0] =	vst v2  }
0x117: {  	[tilespmem:$0xEFF0] =	vst v2  }
0x118: {  	[tilespmem:$0xF000] =	vst v2  }
0x119: {  	[tilespmem:$0xF010] =	vst v2  }
0x11a: {  	[tilespmem:$0xF020] =	vst v2  }
0x11b: {  	[tilespmem:$0xF030] =	vst v2  }
0x11c: {  	[tilespmem:$0xF040] =	vst v2  }
0x11d: {  	[tilespmem:$0xF050] =	vst v2  }
0x11e: {  	[tilespmem:$0xF060] =	vst v2  }
0x11f: {  	[tilespmem:$0xF070] =	vst v2  }
0x120: {  	[tilespmem:$0xF080] =	vst v2  }
0x121: {  	[tilespmem:$0xF090] =	vst v2  }
0x122: {  	[tilespmem:$0xF0A0] =	vst v2  }
0x123: {  	[tilespmem:$0xF0B0] =	vst v2  }
0x124: {  	[tilespmem:$0xF0C0] =	vst v2  }
0x125: {  	[tilespmem:$0xF0D0] =	vst v2  }
0x126: {  	[tilespmem:$0xF0E0] =	vst v2  }
0x127: {  	[tilespmem:$0xF0F0] =	vst v2  }
0x128: {  	[tilespmem:$0xF100] =	vst v2  }
0x129: {  	[tilespmem:$0xF110] =	vst v2  }
0x12a: {  	[tilespmem:$0xF120] =	vst v2  }
0x12b: {  	[tilespmem:$0xF130] =	vst v2  }
0x12c: {  	[tilespmem:$0xF140] =	vst v2  }
0x12d: {  	[tilespmem:$0xF150] =	vst v2  }
0x12e: {  	[tilespmem:$0xF160] =	vst v2  }
0x12f: {  	[tilespmem:$0xF170] =	vst v2  }
0x130: {  	[tilespmem:$0xF180] =	vst v2  }
0x131: {  	[tilespmem:$0xF190] =	vst v2  }
0x132: {  	[tilespmem:$0xF1A0] =	vst v2  }
0x133: {  	[tilespmem:$0xF1B0] =	vst v2  }
0x134: {  	[tilespmem:$0xF1C0] =	vst v2  }
0x135: {  	[tilespmem:$0xF1D0] =	vst v2  }
0x136: {  	[tilespmem:$0xF1E0] =	vst v2  }
0x137: {  	[tilespmem:$0xF1F0] =	vst v2  }
0x138: {  	[tilespmem:$0xF200] =	vst v2  }
0x139: {  	[tilespmem:$0xF210] =	vst v2  }
0x13a: {  	[tilespmem:$0xF220] =	vst v2  }
0x13b: {  	[tilespmem:$0xF230] =	vst v2  }
0x13c: {  	[tilespmem:$0xF240] =	vst v2  }
0x13d: {  	[tilespmem:$0xF250] =	vst v2  }
0x13e: {  	[tilespmem:$0xF260] =	vst v2  }
0x13f: {  	[tilespmem:$0xF270] =	vst v2  }
0x140: {  	[tilespmem:$0xF280] =	vst v2  }
0x141: {  	[tilespmem:$0xF290] =	vst v2  }
0x142: {  	[tilespmem:$0xF2A0] =	vst v2  }
0x143: {  	[tilespmem:$0xF2B0] =	vst v2  }
0x144: {  	[tilespmem:$0xF2C0] =	vst v2  }
0x145: {  	[tilespmem:$0xF2D0] =	vst v2  }
0x146: {  	[tilespmem:$0xF2E0] =	vst v2  }
0x147: {  	[tilespmem:$0xF2F0] =	vst v2  }
0x148: {  	[tilespmem:$0xF300] =	vst v2  }
0x149: {  	[tilespmem:$0xF310] =	vst v2  }
0x14a: {  	[tilespmem:$0xF320] =	vst v2  }
0x14b: {  	[tilespmem:$0xF330] =	vst v2  }
0x14c: {  	[tilespmem:$0xF340] =	vst v2  }
0x14d: {  	[tilespmem:$0xF350] =	vst v2  }
0x14e: {  	[tilespmem:$0xF360] =	vst v2  }
0x14f: {  	[tilespmem:$0xF370] =	vst v2  }
0x150: {  	[tilespmem:$0xF380] =	vst v2  }
0x151: {  	[tilespmem:$0xF390] =	vst v2  }
0x152: {  	[tilespmem:$0xF3A0] =	vst v2  }
0x153: {  	[tilespmem:$0xF3B0] =	vst v2  }
0x154: {  	[tilespmem:$0xF3C0] =	vst v2  }
0x155: {  	[tilespmem:$0xF3D0] =	vst v2  }
0x156: {  	[tilespmem:$0xF3E0] =	vst v2  }
0x157: {  	[tilespmem:$0xF3F0] =	vst v2  }
0x158: {  	v11 =	vld [tilespmem:s28+$0xFFFFFFC0];
	_ =	sdelay $0x1  }
0x159: {  	v12 =	vld [tilespmem:s28+$0xFFFFFFD0];
	_ =	sdelay $0x1  }
0x15a: {  	v16 =	vld [tilespmem:s28+$0xFFFFFFE0]  }
0x15b: {  	vm0 =	vge.s32 v11, v1;
	vm1 =	vlt.s32 v11, v0  }
0x15c: {  	v6 =	vld [tilespmem:s28+$0xFFFFFFF0];
	vm7 =	vmand vm0, vm1  }
0x15d: {  	v5 =	vld [tilespmem:s28+$0x0];
	vm0 =	vge.s32 v12, v1;
	vm1 =	vlt.s32 v12, v0;
	v7 =	vsel vm7, $0x1, v3  }
0x15e: {  	v8 =	vld [tilespmem:s28+$0x10];
	vm6 =	vmand vm0, vm1;
	(xrf0) =	vadd.scan.msk.s32 $0xffff, v7  }
0x15f: {  	vm0 =	vge.s32 v16, v1;
	vm1 =	vlt.s32 v16, v0;
	v7 =	vsel vm6, $0x1, v3  }
0x160: {  	vm5 =	vmand vm0, vm1;
	(xrf0) =	vadd.scan.msk.s32 $0xffff, v7  }
0x161: {  	vm0 =	vge.s32 v6, v1;
	vm1 =	vlt.s32 v6, v0;
	v9 =	vsel vm5, $0x1, v3  }
0x162: {  	vm2 =	vlt.s32 v5, v0;
	v7 =	vld [tilespmem:s28+$0x20];
	vm0 =	vmand vm0, vm1;
	vm1 =	vge.s32 v5, v1;
	(xrf0) =	vadd.scan.msk.s32 $0xffff, v9  }
0x163: {  	vm3 =	vlt.s32 v8, v0;
	v9 =	vld [tilespmem:s28+$0x30];
	vm1 =	vmand vm1, vm2;
	vm2 =	vge.s32 v8, v1  }
0x164: {  	v10 =	vsel vm0, $0x1, v3;
	vm2 =	vmand vm2, vm3;
	v13, _, _ =	vpop (xrf0)  }
0x165: {  	v15 =	vsel vm2, $0x1, v3;
	(xrf0) =	vadd.scan.msk.s32 $0xffff, v10;
	v10 =	vsel vm1, $0x1, v3;
	(v2sf) =	vpush v13, $0xF  }
0x166: {  	v14, _, _ =	vpop (xrf0);
	(xrf0) =	vadd.scan.msk.s32 $0xffff, v10  }
0x167: {  	vm3 =	vge.s32 v7, v1;
	vm4 =	vlt.s32 v7, v0;
	(v2sf) =	vpush v14, $0xF;
	(xrf0) =	vadd.scan.msk.s32 $0xffff, v15  }
0x168: {  	vm3 =	vmand vm3, vm4;
	vm4 =	vge.s32 v9, v1;
	v15, _, _ =	vpop (xrf0)  }
0x169: {  	vm8 =	vlt.s32 v9, v0;
	v10 =	vsel vm3, $0x1, v3;
	(v2sf) =	vpush v15, $0xF  }
0x16a: {  	vm4 =	vmand vm4, vm8;
	(xrf0) =	vadd.scan.msk.s32 $0xffff, v10  }
0x16b: {  	v10 =	vsel vm4, $0x1, v3;
	v17, _, _ =	vpop (xrf0)  }
0x16c: {  	(xrf0) =	vadd.scan.msk.s32 $0xffff, v10;
	(v2sf) =	vpush v17, $0xF;
	v18, _, _ =	vpop (xrf0)  }
0x16d: {  	v19, _, _ =	vpop (xrf0);
	(v2sf) =	vpush v18, $0xF  }
0x16e: {  	(v2sf) =	vpush v19, $0xF;
	_ =	sdelay $0x1  }
0x16f: {  	v20, _, _ =	vpop (xrf0)  }
0x170: {  	(v2sf) =	vpush v20, $0xF  }
0x171: {  	v10, _, _ =	vpop (xrf0)  }
0x172: {  	(v2sf) =	vpush v10, $0xF  }
0x173: {  	v21 =	vmov s9;
	s11 =	spop (v2sf)  }
0x174: {  	v21 =	vadd.s32 $0xFFFFFFFF, v21;
	s11 =	sadd.s32 $0x0, s11  }
0x175: {  	v21 =	vbroadcast v21, $0x0;
	s12 =	spop (v2sf);
	v22 =	vmov s11  }
0x176: {  	s11 =	sadd.s32 s12, s11;
	v22 =	vadd.s32 $0xFFFFFFFF, v22  }
0x177: {  	v13 =	vadd.s32 v13, v21;
	s16 =	spop (v2sf);
	v59 =	vmov s11;
	v22 =	vbroadcast v22, $0x0  }
0x178: {  	s11 =	sadd.s32 s16, s11;
	v21 =	vadd.s32 $0xFFFFFFFF, v59  }
0x179: {  	v60 =	vmov s11;
	v21 =	vbroadcast v21, $0x0;
	v14 =	vadd.s32 v14, v22  }
0x17a: {  	s13 =	sadd.s32 $0x0, s6;
	s14 =	spop (v2sf);
	v22 =	vadd.s32 $0xFFFFFFFF, v60  }
0x17b: {  	s17 =	sadd.s32 $0x10, s13;
	v23 =	vor.u32 s13, v4;
	s11 =	sadd.s32 s14, s11;
	v21 =	vadd.s32 v15, v21;
	v15 =	vbroadcast v22, $0x0;
	s18 =	spop (v2sf)  }
0x17c: {  	v61 =	vor.u32 s17, v4;
	s15 =	sadd.s32 $0x20, s13;
	[tilespmem:v13+s29+$0x0] =	vst.idx.msk vm7, v23;
	s19 =	sadd.s32 s18, s11;
	s20 =	spop (v2sf);
	v62 =	vmov s11  }
0x17d: {  	v24 =	vor.u32 s15, v4;
	[tilespmem:v13+s30+$0x0] =	vst.idx.msk vm7, v11;
	v13 =	vadd.s32 v17, v15;
	s21 =	sadd.s32 s20, s19;
	v11 =	vadd.s32 $0xFFFFFFFF, v62  }
0x17e: {  	s16 =	sadd.s32 $0x30, s13;
	v15 =	vmov s19;
	v17 =	vmov s21;
	v11 =	vbroadcast v11, $0x0;
	[tilespmem:v14+s29+$0x0] =	vst.idx.msk vm6, v61  }
0x17f: {  	v25 =	vor.u32 s16, v4;
	s23 =	spop (v2sf);
	v15 =	vadd.s32 $0xFFFFFFFF, v15;
	[tilespmem:v14+s30+$0x0] =	vst.idx.msk vm6, v12;
	v12 =	vadd.s32 $0xFFFFFFFF, v17  }
0x180: {  	s22 =	sadd.s32 $0x40, s13;
	s25 =	sadd.s32 $0x50, s13;
	s11 =	sadd.s32 s23, s21;
	v17 =	vbroadcast v15, $0x0;
	[tilespmem:v21+s29+$0x0] =	vst.idx.msk vm5, v24;
	v63 =	vbroadcast v12, $0x0;
	v12 =	vadd.s32 v18, v11  }
0x181: {  	s12 =	simm.s32 $0x80;
	s16 =	sadd.s32 $0x60, s13;
	v14 =	vor.u32 s22, v4;
	v15 =	vor.u32 s25, v4;
	s26 =	spop (v2sf);
	v18 =	vmov s11;
	[tilespmem:v21+s30+$0x0] =	vst.idx.msk vm5, v16  }
0x182: {  	s14 =	sadd.s32 $0x70, s13;
	s13 =	simm.s32 $0x40;
	s11 =	sadd.s32 s26, s11;
	v16 =	vadd.s32 v19, v17;
	v17 =	vadd.s32 $0xFFFFFFFF, v18;
	[tilespmem:v13+s29+$0x0] =	vst.idx.msk vm0, v25;
	v11 =	vadd.s32 v20, v63  }
.LBB2_2:
0x183: {  	p0 =	sne.s32 s12, $0x1F80  }
0x184: {  	v18 =	vmov s11;
	[tilespmem:v13+s30+$0x0] =	vst.idx.msk vm0, v6;
	v6 =	vbroadcast v17, $0x0;
	s13 =	sadd.s32 $0x80, s13;
	s15 =	smov.u32 s12;
	s12 =	sadd.s32 $0x80, s12  }
0x185: {  	v17 =	vadd.s32 $0xFFFFFFFF, v18;
	[tilespmem:v12+s29+$0x0] =	vst.idx.msk vm1, v14  }
0x186: {  	[tilespmem:v12+s30+$0x0] =	vst.idx.msk vm1, v5;
	v5 =	vadd.s32 v10, v6  }
0x187: {  	[tilespmem:v16+s29+$0x0] =	vst.idx.msk vm2, v15  }
0x188: {  	v6 =	vor.u32 s16, v4;
	[tilespmem:v16+s30+$0x0] =	vst.idx.msk vm2, v8  }
0x189: {  	[tilespmem:v11+s29+$0x0] =	vst.idx.msk vm3, v6  }
0x18a: {  	v6 =	vor.u32 s14, v4;
	[tilespmem:v11+s30+$0x0] =	vst.idx.msk vm3, v7  }
0x18b: {  	[tilespmem:v5+s29+$0x0] =	vst.idx.msk vm4, v6  }
0x18c: {  	[tilespmem:v5+s30+$0x0] =	vst.idx.msk vm4, v9  }
0x18d: {  	v13 =	vld [tilespmem:s13+$0xFFFFFFC0]  }
0x18e: {  	v12 =	vld [tilespmem:s13+$0xFFFFFFD0]  }
0x18f: {  	v11 =	vld [tilespmem:s13+$0xFFFFFFE0];
	_ =	sdelay $0x2  }
0x190: {  	v14 =	vbroadcast v17, $0x0;
	vm0 =	vge.s32 v13, v1;
	vm1 =	vlt.s32 v13, v0;
	v6 =	vld [tilespmem:s13+$0xFFFFFFF0]  }
0x191: {  	vm7 =	vmand vm0, vm1;
	vm0 =	vge.s32 v12, v1;
	vm1 =	vlt.s32 v12, v0;
	v5 =	vld [tilespmem:s13+$0x0]  }
0x192: {  	v7 =	vsel vm7, $0x1, v3;
	vm6 =	vmand vm0, vm1;
	vm0 =	vge.s32 v11, v1  }
0x193: {  	vm1 =	vlt.s32 v11, v0;
	v9 =	vsel vm6, $0x1, v3;
	(xrf0) =	vadd.scan.msk.s32 $0xffff, v7  }
0x194: {  	v8 =	vld [tilespmem:s13+$0x10];
	(xrf0) =	vadd.scan.msk.s32 $0xffff, v9  }
0x195: {  	vm5 =	vmand vm0, vm1;
	vm0 =	vge.s32 v6, v1;
	vm1 =	vlt.s32 v6, v0;
	v7 =	vld [tilespmem:s13+$0x20]  }
0x196: {  	v9 =	vsel vm5, $0x1, v3;
	vm0 =	vmand vm0, vm1;
	vm1 =	vge.s32 v5, v1  }
0x197: {  	vm2 =	vlt.s32 v5, v0;
	v10 =	vsel vm0, $0x1, v3;
	(xrf0) =	vadd.scan.msk.s32 $0xffff, v9  }
0x198: {  	v9 =	vld [tilespmem:s13+$0x30];
	(xrf0) =	vadd.scan.msk.s32 $0xffff, v10  }
0x199: {  	vm1 =	vmand vm1, vm2;
	vm2 =	vge.s32 v8, v1;
	vm3 =	vlt.s32 v8, v0;
	v15, _, _ =	vpop (xrf0)  }
0x19a: {  	v10 =	vsel vm1, $0x1, v3;
	vm2 =	vmand vm2, vm3;
	v16, _, _ =	vpop (xrf0);
	(v2sf) =	vpush v15, $0xF  }
0x19b: {  	vm3 =	vge.s32 v7, v1;
	v18 =	vsel vm2, $0x1, v3;
	(xrf0) =	vadd.scan.msk.s32 $0xffff, v10;
	(v2sf) =	vpush v16, $0xF  }
0x19c: {  	vm4 =	vlt.s32 v7, v0;
	(xrf0) =	vadd.scan.msk.s32 $0xffff, v18  }
0x19d: {  	vm3 =	vmand vm3, vm4;
	vm4 =	vge.s32 v9, v1;
	vm8 =	vlt.s32 v9, v0;
	v17, _, _ =	vpop (xrf0)  }
0x19e: {  	v10 =	vsel vm3, $0x1, v3;
	vm4 =	vmand vm4, vm8;
	v18, _, _ =	vpop (xrf0);
	(v2sf) =	vpush v17, $0xF  }
0x19f: {  	v20 =	vsel vm4, $0x1, v3;
	(xrf0) =	vadd.scan.msk.s32 $0xffff, v10;
	(v2sf) =	vpush v18, $0xF  }
0x1a0: {  	(xrf0) =	vadd.scan.msk.s32 $0xffff, v20  }
0x1a1: {  	v19, _, _ =	vpop (xrf0)  }
0x1a2: {  	v20, _, _ =	vpop (xrf0);
	(v2sf) =	vpush v19, $0xF  }
0x1a3: {  	(v2sf) =	vpush v20, $0xF;
	_ =	sdelay $0x1  }
0x1a4: {  	v21, _, _ =	vpop (xrf0)  }
0x1a5: {  	v10, _, _ =	vpop (xrf0);
	(v2sf) =	vpush v21, $0xF  }
0x1a6: {  	(v2sf) =	vpush v10, $0xF  }
0x1a7: {  	s15 =	sadd.s32 s15, s6  }
0x1a8: {  	s16 =	sadd.s32 $0x10, s15;
	s14 =	sadd.s32 $0x70, s15;
	s18 =	spop (v2sf)  }
0x1a9: {  	v22 =	vor.u32 s15, v4;
	s11 =	sadd.s32 s11, s18;
	s18 =	sadd.s32 $0x30, s15;
	s19 =	spop (v2sf)  }
0x1aa: {  	v24 =	vor.u32 s16, v4;
	v23 =	vmov s11;
	s11 =	sadd.s32 s19, s11;
	s19 =	sadd.s32 $0x50, s15  }
0x1ab: {  	s20 =	sadd.s32 $0x20, s15;
	s16 =	sadd.s32 $0x60, s15;
	v14 =	vadd.s32 v15, v14;
	v15 =	vadd.s32 $0xFFFFFFFF, v23;
	v23 =	vmov s11  }
0x1ac: {  	v25 =	vor.u32 s20, v4;
	v15 =	vbroadcast v15, $0x0;
	v23 =	vadd.s32 $0xFFFFFFFF, v23;
	s20 =	spop (v2sf)  }
0x1ad: {  	v23 =	vbroadcast v23, $0x0;
	s11 =	sadd.s32 s20, s11;
	s20 =	spop (v2sf)  }
0x1ae: {  	v15 =	vadd.s32 v16, v15;
	v16 =	vmov s11;
	s11 =	sadd.s32 s20, s11  }
0x1af: {  	v16 =	vadd.s32 $0xFFFFFFFF, v16;
	v26 =	vmov s11  }
0x1b0: {  	v17 =	vadd.s32 v17, v23;
	v23 =	vor.u32 s18, v4;
	v16 =	vbroadcast v16, $0x0;
	s18 =	spop (v2sf)  }
0x1b1: {  	[tilespmem:v14+s29+$0x0] =	vst.idx.msk vm7, v22;
	v22 =	vadd.s32 $0xFFFFFFFF, v26;
	s11 =	sadd.s32 s18, s11;
	s18 =	spop (v2sf)  }
0x1b2: {  	s15 =	sadd.s32 $0x40, s15;
	[tilespmem:v14+s30+$0x0] =	vst.idx.msk vm7, v13;
	v13 =	vadd.s32 v18, v16;
	v16 =	vbroadcast v22, $0x0;
	v18 =	vmov s11;
	s11 =	sadd.s32 s18, s11  }
.Ltmp2:
0x1b3: {  	v14 =	vor.u32 s15, v4;
	[tilespmem:v15+s29+$0x0] =	vst.idx.msk vm6, v24;
	v18 =	vadd.s32 $0xFFFFFFFF, v18;
	v22 =	vmov s11;
	(pc) =	sbr.rel @p0 .LBB2_2-.Ltmp2, $4  }
0x1b4: {  	[tilespmem:v15+s30+$0x0] =	vst.idx.msk vm6, v12;
	v12 =	vadd.s32 v19, v16;
	v16 =	vbroadcast v18, $0x0;
	v18 =	vadd.s32 $0xFFFFFFFF, v22;
	s15 =	spop (v2sf)  }
0x1b5: {  	v15 =	vor.u32 s19, v4;
	[tilespmem:v17+s29+$0x0] =	vst.idx.msk vm5, v25;
	v18 =	vbroadcast v18, $0x0;
	s11 =	sadd.s32 s15, s11;
	s15 =	spop (v2sf)  }
0x1b6: {  	[tilespmem:v17+s30+$0x0] =	vst.idx.msk vm5, v11;
	v16 =	vadd.s32 v20, v16;
	v17 =	vmov s11;
	s11 =	sadd.s32 s15, s11  }
0x1b7: {  	[tilespmem:v13+s29+$0x0] =	vst.idx.msk vm0, v23;
	v11 =	vadd.s32 v21, v18;
	v17 =	vadd.s32 $0xFFFFFFFF, v17  }
0x1b8: {  	_ =	sdelay $0x4  }
0x1b9: {  	[tilespmem:v13+s30+$0x0] =	vst.idx.msk vm0, v6;
	v6 =	vbroadcast v17, $0x0  }
0x1ba: {  	[tilespmem:v12+s29+$0x0] =	vst.idx.msk vm1, v14  }
0x1bb: {  	s12 =	sand.u32 $0xF, s11;
	[tilespmem:v12+s30+$0x0] =	vst.idx.msk vm1, v5;
	v5 =	vadd.s32 v10, v6  }
0x1bc: {  	s13 =	sshra.s32 s11, $0x1F;
	p0 =	slt.s32 s11, $0x1;
	p1 =	sne.s32 s12, $0x0;
	[tilespmem:v16+s29+$0x0] =	vst.idx.msk vm2, v15  }
0x1bd: {  	s26 =	sshrl.u32 s13, $0x1C;
	v6 =	vor.u32 s16, v4;
	p0 =	por !p0, !p1;
	[tilespmem:v16+s30+$0x0] =	vst.idx.msk vm2, v8  }
0x1be: {  	s13 =	simm.s32 $0x1;
	s12 =	sadd.s32 s26, s11;
	p0 =	por !p0, !p0;
	[tilespmem:v11+s29+$0x0] =	vst.idx.msk vm3, v6  }
0x1bf: {  	s12 =	sshrl.u32 s12, $0x4;
	s13 =	simm.s32 @!p0 $0x0;
	v6 =	vor.u32 s14, v4;
	[tilespmem:v11+s30+$0x0] =	vst.idx.msk vm3, v7  }
0x1c0: {  	s12 =	ssub.s32 s12, s13;
	[tilespmem:v5+s29+$0x0] =	vst.idx.msk vm4, v6  }
0x1c1: {  	s12 =	sshll.u32 s12, $0x4;
	[tilespmem:v5+s30+$0x0] =	vst.idx.msk vm4, v9  }
0x1c2: {  	v5 =	vld [tilespmem:s12+$0x2000]  }
0x1c3: {  	v6 =	vld [tilespmem:s12+$0x2010]  }
0x1c4: {  	v7 =	vld [tilespmem:s12+$0x2020]  }
0x1c5: {  	v59 =	vor.u32 s12, v4;
	s9 =	sadd.s32 $0x10, s12;
	v9 =	vld [tilespmem:s12+$0x2030]  }
0x1c6: {  	s10 =	sadd.s32 $0x20, s12;
	vm7 =	vlt.s32 v59, s11;
	v60 =	vor.u32 s9, v4;
	v61 =	vld [tilespmem:s12+$0x2040]  }
0x1c7: {  	s14 =	sadd.s32 $0x30, s12;
	v62 =	vor.u32 s10, v4;
	vm8 =	vlt.s32 v60, s11;
	v11 =	vld [tilespmem:s12+$0x2050];
	v5 =	vnsel vm7, $0xFFFFFFFF, v5  }
0x1c8: {  	s15 =	sadd.s32 $0x40, s12;
	vm9 =	vlt.s32 v62, s11;
	v63 =	vld [tilespmem:s12+$0x2060];
	[tilespmem:s12+$0x2000] =	vst v5;
	v5 =	vnsel vm8, $0xFFFFFFFF, v6;
	v6 =	vor.u32 s14, v4  }
0x1c9: {  	s16 =	sadd.s32 $0x50, s12;
	[tilespmem:s12+$0x2010] =	vst v5;
	v5 =	vnsel vm9, $0xFFFFFFFF, v7;
	vm10 =	vlt.s32 v6, s11;
	v6 =	vor.u32 s15, v4;
	v7 =	vld [tilespmem:s12+$0x2070]  }
0x1ca: {  	s17 =	sadd.s32 $0x60, s12;
	[tilespmem:s12+$0x2020] =	vst v5;
	v5 =	vnsel vm10, $0xFFFFFFFF, v9;
	vm11 =	vlt.s32 v6, s11;
	v6 =	vor.u32 s16, v4  }
0x1cb: {  	s18 =	sadd.s32 $0x70, s12;
	[tilespmem:s12+$0x2030] =	vst v5;
	v5 =	vnsel vm11, $0xFFFFFFFF, v61;
	vm12 =	vlt.s32 v6, s11;
	v6 =	vor.u32 s17, v4  }
0x1cc: {  	[tilespmem:s12+$0x2040] =	vst v5;
	v5 =	vnsel vm12, $0xFFFFFFFF, v11;
	vm13 =	vlt.s32 v6, s11;
	v6 =	vor.u32 s18, v4  }
0x1cd: {  	s19 =	sadd.s32 $0x80, s12;
	[tilespmem:s12+$0x2050] =	vst v5;
	v5 =	vnsel vm13, $0xFFFFFFFF, v63;
	vm14 =	vlt.s32 v6, s11  }
0x1ce: {  	s20 =	sand.u32 $0xFFFFFF80, s19;
	s15 =	sand.u32 $0x70, s12;
	[tilespmem:s12+$0x2060] =	vst v5;
	v5 =	vnsel vm14, $0xFFFFFFFF, v7  }
0x1cf: {  	s21 =	sor.u32 s15, s20;
	[tilespmem:s12+$0x2070] =	vst v5  }
0x1d0: {  	v5 =	vld [tilespmem:s21+$0x2000];
	_ =	sdelay $0x2  }
0x1d1: {  	v6 =	vor.u32 s19, v4  }
0x1d2: {  	vm15 =	vlt.s32 v6, s11  }
0x1d3: {  	v5 =	vnsel vm15, $0xFFFFFFFF, v5  }
0x1d4: {  	s9 =	rddreg [dreg:$0x8];
	[tilespmem:s21+$0x2000] =	vst v5  }
0x1d5: {  	[spmem:s9] =	stream.linear.scatter [tilespmem:s0], [sflag:$0x3], $0x1000, $0x38;
	[tilespmem:$0x1F480] =	vst v63  }
0x1d6: {  	s22 =	rddreg [dreg:$0x9]  }
0x1d7: {  	[spmem:s22] =	stream.linear.scatter [tilespmem:s0], [sflag:$0x3], $0x1000, $0x38;
	[tilespmem:$0x1F480] =	vst v63  }
0x1d8: {  	s23 =	rddreg [dreg:$0xa]  }
0x1d9: {  	[spmem:s23] =	stream.linear.scatter [tilespmem:s0], [sflag:$0x3], $0x1000, $0x38;
	[tilespmem:$0x1F480] =	vst v63  }
0x1da: {  	s25 =	rddreg [dreg:$0xb]  }
0x1db: {  	[spmem:s25] =	stream.linear.scatter [tilespmem:s0], [sflag:$0x3], $0x1000, $0x38;
	[tilespmem:$0x1F480] =	vst v63  }
0x1dc: {  	s26 =	rddreg [dreg:$0xc]  }
0x1dd: {  	[spmem:s26] =	stream.linear.scatter [tilespmem:s0], [sflag:$0x3], $0x1000, $0x38;
	[tilespmem:$0x1F480] =	vst v63  }
0x1de: {  	s10 =	rddreg [dreg:$0xd]  }
0x1df: {  	[spmem:s10] =	stream.linear.scatter [tilespmem:s0], [sflag:$0x3], $0x1000, $0x38;
	[tilespmem:$0x1F480] =	vst v63  }
0x1e0: {  	s12 =	rddreg [dreg:$0xe]  }
0x1e1: {  	[spmem:s12] =	stream.linear.scatter [tilespmem:s0], [sflag:$0x3], $0x1000, $0x38;
	[tilespmem:$0x1F480] =	vst v63  }
0x1e2: {  	s13 =	rddreg [dreg:$0xf];
	s16 =	sadd.s32 $0x7F, s11  }
0x1e3: {  	[spmem:s13] =	stream.linear.scatter [tilespmem:s0], [sflag:$0x3], $0x1000, $0x38;
	[tilespmem:$0x1F480] =	vst v63  }
0x1e4: {  	s14 =	rddreg [dreg:$0x10];
	s18 =	sand.u32 $0x7F, s16  }
0x1e5: {  	[spmem:s14] =	stream.linear.scatter [tilespmem:s0], [sflag:$0x3], $0x1000, $0x38;
	[tilespmem:$0x1F480] =	vst v63  }
0x1e6: {  	s15 =	rddreg [dreg:$0x11];
	p5 =	slt.s32 s16, $0x1;
	p6 =	sne.s32 s18, $0x0  }
0x1e7: {  	[spmem:s15] =	stream.linear.scatter [tilespmem:s0], [sflag:$0x3], $0x1000, $0x38;
	[tilespmem:$0x1F480] =	vst v63  }
0x1e8: {  	s17 =	rddreg [dreg:$0x12];
	s20 =	sshra.s32 s16, $0x1F;
	p0 =	por !p5, !p6  }
0x1e9: {  	[spmem:s17] =	stream.linear.scatter [tilespmem:s0], [sflag:$0x3], $0x1000, $0x38;
	[tilespmem:$0x1F480] =	vst v63  }
0x1ea: {  	s19 =	rddreg [dreg:$0x13];
	p0 =	por !p0, !p0;
	s22 =	sshrl.u32 s20, $0x19  }
0x1eb: {  	[spmem:s19] =	stream.linear.scatter [tilespmem:s0], [sflag:$0x3], $0x1000, $0x38;
	[tilespmem:$0x1F480] =	vst v63  }
0x1ec: {  	s21 =	rddreg [dreg:$0x14];
	s11 =	sadd.s32 s22, s16;
	s12 =	simm.s32 $0x1  }
0x1ed: {  	[spmem:s21] =	stream.linear.scatter [tilespmem:s0], [sflag:$0x3], $0x1000, $0x38;
	[tilespmem:$0x1F480] =	vst v63  }
0x1ee: {  	s23 =	rddreg [dreg:$0x15];
	s11 =	sshra.s32 s11, $0x7;
	s12 =	simm.s32 @!p0 $0x0  }
0x1ef: {  	[spmem:s23] =	stream.linear.scatter [tilespmem:s0], [sflag:$0x3], $0x1000, $0x38;
	[tilespmem:$0x1F480] =	vst v63  }
0x1f0: {  	s25 =	rddreg [dreg:$0x18];
	s11 =	ssub.s32 s11, s12  }
0x1f1: {  	[spmem:s25] =	stream.linear.scatter [tilespmem:s0], [sflag:$0x3], $0x1000, $0x38;
	[tilespmem:$0x1F480] =	vst v63  }
0x1f2: {  	s26 =	rddreg [dreg:$0x19];
	s12 =	simm.s32 $0x0;
	p0 =	slt.s32 s11, $0x1  }
0x1f3: {  	[spmem:s26] =	stream.linear.scatter [tilespmem:s0], [sflag:$0x3], $0x1000, $0x38;
	[tilespmem:$0x1F480] =	vst v63  }
.LBB2_4:
.Ltmp3:
0x1f4: {  	(pc) =	sbr.rel @p0 .LBB2_8-.Ltmp3, $3  }
0x1f5: {  	_ =	sdelay $0x1  }
0x1f6: {  	s13 =	sshll.u32 s12, $0xD;
	s9 =	rddreg [dreg:$0x6]  }
0x1f7: {  	s16 =	simm.s32 $0x0;
	s13 =	sadd.s32 s9, s13  }
0x1f8: {  	s14 =	simm.s32 $0x2040  }
0x1f9: {  	v6 =	vld [tilespmem:s14+$0xFFFFFFC0];
	_ =	sdelay $0x1  }
0x1fa: {  	v7 =	vld [tilespmem:s14+$0xFFFFFFD0];
	_ =	sdelay $0x1  }
0x1fb: {  	v5 =	vmov s13;
	v8 =	vld [tilespmem:s14+$0xFFFFFFE0]  }
0x1fc: {  	v9 =	vsub.s32 v6, v5  }
0x1fd: {  	v6 =	vld [tilespmem:s14+$0xFFFFFFF0];
	vm6 =	vlt.u32 v9, $0x2000  }
0x1fe: {  	v7 =	vsub.s32 v7, v5;
	v10 =	vsel vm6, $0x1, v3  }
0x1ff: {  	v11 =	vld [tilespmem:s14+$0x0];
	vm4 =	vlt.u32 v7, $0x2000;
	(xrf0) =	vadd.scan.msk.s32 $0xffff, v10  }
0x200: {  	v8 =	vsub.s32 v8, v5;
	v48 =	vsel vm4, $0x1, v3  }
0x201: {  	v12 =	vld [tilespmem:s14+$0x10];
	vm1 =	vlt.u32 v8, $0x2000;
	(xrf0) =	vadd.scan.msk.s32 $0xffff, v48  }
0x202: {  	v49 =	vsub.s32 v6, v5;
	v6 =	vsel vm1, $0x1, v3  }
0x203: {  	v13 =	vld [tilespmem:s14+$0x20];
	vm2 =	vlt.u32 v49, $0x2000;
	(xrf0) =	vadd.scan.msk.s32 $0xffff, v6  }
0x204: {  	v11 =	vsub.s32 v11, v5;
	v6 =	vsel vm2, $0x1, v3  }
0x205: {  	vm3 =	vlt.u32 v11, $0x2000;
	(xrf0) =	vadd.scan.msk.s32 $0xffff, v6;
	v14, _, _ =	vpop (xrf0)  }
0x206: {  	v12 =	vsub.s32 v12, v5;
	v6 =	vsel vm3, $0x1, v3;
	(v2sf) =	vpush v14, $0xF  }
0x207: {  	vm5 =	vlt.u32 v12, $0x2000;
	(xrf0) =	vadd.scan.msk.s32 $0xffff, v6;
	v15, _, _ =	vpop (xrf0)  }
0x208: {  	v13 =	vsub.s32 v13, v5;
	v6 =	vsel vm5, $0x1, v3;
	(v2sf) =	vpush v15, $0xF  }
0x209: {  	vm7 =	vlt.u32 v13, $0x2000;
	(xrf0) =	vadd.scan.msk.s32 $0xffff, v6;
	v16, _, _ =	vpop (xrf0)  }
0x20a: {  	v6 =	vsel vm7, $0x1, v3;
	(v2sf) =	vpush v16, $0xF  }
0x20b: {  	(xrf0) =	vadd.scan.msk.s32 $0xffff, v6;
	v17, _, _ =	vpop (xrf0)  }
0x20c: {  	(v2sf) =	vpush v17, $0xF  }
0x20d: {  	v6 =	vld [tilespmem:s14+$0x30];
	v18, _, _ =	vpop (xrf0)  }
0x20e: {  	(v2sf) =	vpush v18, $0xF  }
0x20f: {  	v19, _, _ =	vpop (xrf0)  }
0x210: {  	(v2sf) =	vpush v19, $0xF  }
0x211: {  	v20, _, _ =	vpop (xrf0)  }
0x212: {  	v6 =	vsub.s32 v6, v5;
	(v2sf) =	vpush v20, $0xF  }
0x213: {  	vm0 =	vlt.u32 v6, $0x2000  }
0x214: {  	s16 =	simm.s32 $0x0;
	v21 =	vsel vm0, $0x1, v3  }
0x215: {  	v22 =	vmov s16;
	(xrf0) =	vadd.scan.msk.s32 $0xffff, v21;
	s20 =	spop (v2sf)  }
0x216: {  	s15 =	simm.s32 $0x40C0;
	v50 =	vadd.s32 $0xFFFFFFFF, v22;
	s16 =	sadd.s32 $0x0, s20  }
0x217: {  	v51 =	vld [tilespmem:s15+$0x30];
	v21 =	vbroadcast v50, $0x0;
	s18 =	spop (v2sf);
	v24 =	vmov s16  }
0x218: {  	v23 =	vld [tilespmem:s15+$0x20];
	s16 =	sadd.s32 s16, s18;
	v24 =	vadd.s32 $0xFFFFFFFF, v24  }
0x219: {  	v26 =	vld [tilespmem:s15+$0xFFFFFFC0];
	v14 =	vadd.s32 v14, v21;
	s21 =	spop (v2sf);
	v52 =	vmov s16;
	v24 =	vbroadcast v24, $0x0  }
0x21a: {  	v25 =	vld [tilespmem:s15+$0x10];
	s16 =	sadd.s32 s16, s21;
	v21 =	vadd.s32 $0xFFFFFFFF, v52  }
0x21b: {  	v30 =	vld [tilespmem:s15+$0xFFFFFFD0];
	v28, _, _ =	vpop (xrf0);
	s22 =	spop (v2sf);
	v29 =	vmov s16;
	v21 =	vbroadcast v21, $0x0;
	v15 =	vadd.s32 v15, v24  }
0x21c: {  	v27 =	vld [tilespmem:s15+$0x0];
	(v2sf) =	vpush v28, $0xF;
	s16 =	sadd.s32 s16, s22;
	v53 =	vadd.s32 $0xFFFFFFFF, v29  }
0x21d: {  	v32 =	vld [tilespmem:s15+$0xFFFFFFE0];
	s23 =	spop (v2sf);
	v31 =	vmov s16;
	v24 =	vbroadcast v53, $0x0;
	v16 =	vadd.s32 v16, v21  }
0x21e: {  	v54 =	vld [tilespmem:s15+$0xFFFFFFF0];
	[tilespmem:v14+s3+$0x0] =	vst.idx.msk vm6, v26;
	s16 =	sadd.s32 s16, s23;
	v55 =	vadd.s32 $0xFFFFFFFF, v31  }
0x21f: {  	[tilespmem:v14+s8+$0x0] =	vst.idx.msk vm6, v9;
	s25 =	spop (v2sf);
	v56 =	vmov s16;
	v21 =	vbroadcast v55, $0x0;
	v57 =	vadd.s32 v17, v24  }
0x220: {  	s16 =	sadd.s32 s16, s25;
	v58 =	vadd.s32 $0xFFFFFFFF, v56;
	[tilespmem:v15+s3+$0x0] =	vst.idx.msk vm4, v30  }
0x221: {  	s26 =	spop (v2sf);
	v59 =	vmov s16;
	v14 =	vbroadcast v58, $0x0;
	[tilespmem:v15+s8+$0x0] =	vst.idx.msk vm4, v7;
	v7 =	vadd.s32 v18, v21  }
0x222: {  	s16 =	sadd.s32 s16, s26;
	v60 =	vadd.s32 $0xFFFFFFFF, v59;
	[tilespmem:v16+s3+$0x0] =	vst.idx.msk vm1, v32  }
0x223: {  	v61 =	vmov s16;
	v15 =	vbroadcast v60, $0x0;
	[tilespmem:v16+s8+$0x0] =	vst.idx.msk vm1, v8;
	v8 =	vadd.s32 v19, v14  }
0x224: {  	v62 =	vadd.s32 $0xFFFFFFFF, v61;
	[tilespmem:v57+s3+$0x0] =	vst.idx.msk vm2, v54  }
0x225: {  	v14 =	vbroadcast v62, $0x0;
	v63 =	vadd.s32 v20, v15;
	[tilespmem:v57+s8+$0x0] =	vst.idx.msk vm2, v49  }
0x226: {  	[tilespmem:v7+s3+$0x0] =	vst.idx.msk vm3, v27  }
0x227: {  	p1 =	sne.s32 s11, $0x1;
	[tilespmem:v7+s8+$0x0] =	vst.idx.msk vm3, v11;
	v7 =	vadd.s32 v28, v14  }
.Ltmp4:
0x228: {  	[tilespmem:v8+s3+$0x0] =	vst.idx.msk vm5, v25;
	(pc) =	sbr.rel @!p1 .LBB2_7-.Ltmp4, $4  }
0x229: {  	[tilespmem:v8+s8+$0x0] =	vst.idx.msk vm5, v12  }
0x22a: {  	[tilespmem:v63+s3+$0x0] =	vst.idx.msk vm7, v23  }
0x22b: {  	s19 =	spop (v2sf);
	[tilespmem:v63+s8+$0x0] =	vst.idx.msk vm7, v13  }
0x22c: {  	s18 =	sadd.s32 $0xFFFFFFFF, s11;
	s16 =	sadd.s32 s16, s19;
	[tilespmem:v7+s3+$0x0] =	vst.idx.msk vm0, v51  }
.LBB2_6:
0x22d: {  	p1 =	sne.s32 s18, $0x1;
	[tilespmem:v7+s8+$0x0] =	vst.idx.msk vm0, v6;
	s14 =	sadd.s32 $0x80, s14;
	s15 =	sadd.s32 $0x80, s15  }
0x22e: {  	s18 =	sadd.s32 $0xFFFFFFFF, s18;
	v6 =	vld [tilespmem:s14+$0xFFFFFFC0]  }
0x22f: {  	v7 =	vld [tilespmem:s14+$0xFFFFFFD0]  }
0x230: {  	v8 =	vld [tilespmem:s14+$0xFFFFFFE0]  }
0x231: {  	v9 =	vld [tilespmem:s14+$0xFFFFFFF0]  }
0x232: {  	v10 =	vld [tilespmem:s14+$0x0]  }
0x233: {  	v13 =	vsub.s32 v6, v5;
	v6 =	vld [tilespmem:s14+$0x10]  }
0x234: {  	v14 =	vmov s16;
	vm6 =	vlt.u32 v13, $0x2000;
	v7 =	vsub.s32 v7, v5;
	v12 =	vld [tilespmem:s14+$0x20]  }
0x235: {  	v11 =	vsel vm6, $0x1, v3;
	vm1 =	vlt.u32 v7, $0x2000;
	v8 =	vsub.s32 v8, v5;
	v15 =	vld [tilespmem:s14+$0x30]  }
0x236: {  	v16 =	vsel vm1, $0x1, v3;
	vm2 =	vlt.u32 v8, $0x2000;
	v9 =	vsub.s32 v9, v5;
	(xrf0) =	vadd.scan.msk.s32 $0xffff, v11  }
0x237: {  	v17 =	vsel vm2, $0x1, v3;
	vm3 =	vlt.u32 v9, $0x2000;
	v10 =	vsub.s32 v10, v5;
	(xrf0) =	vadd.scan.msk.s32 $0xffff, v16  }
0x238: {  	v16 =	vsel vm3, $0x1, v3;
	vm4 =	vlt.u32 v10, $0x2000;
	v11 =	vsub.s32 v6, v5;
	(xrf0) =	vadd.scan.msk.s32 $0xffff, v17  }
0x239: {  	v17 =	vsel vm4, $0x1, v3;
	vm5 =	vlt.u32 v11, $0x2000;
	v12 =	vsub.s32 v12, v5;
	(xrf0) =	vadd.scan.msk.s32 $0xffff, v16  }
0x23a: {  	v16 =	vsel vm5, $0x1, v3;
	vm7 =	vlt.u32 v12, $0x2000;
	v6 =	vsub.s32 v15, v5;
	(xrf0) =	vadd.scan.msk.s32 $0xffff, v17  }
0x23b: {  	v14 =	vadd.s32 $0xFFFFFFFF, v14;
	v18 =	vsel vm7, $0x1, v3;
	vm0 =	vlt.u32 v6, $0x2000;
	(xrf0) =	vadd.scan.msk.s32 $0xffff, v16  }
0x23c: {  	v14 =	vbroadcast v14, $0x0;
	v19 =	vsel vm0, $0x1, v3;
	v17, _, _ =	vpop (xrf0);
	(xrf0) =	vadd.scan.msk.s32 $0xffff, v18  }
0x23d: {  	v15, _, _ =	vpop (xrf0);
	(xrf0) =	vadd.scan.msk.s32 $0xffff, v19;
	(v2sf) =	vpush v17, $0xF  }
0x23e: {  	v14 =	vadd.s32 v17, v14;
	v16, _, _ =	vpop (xrf0);
	(v2sf) =	vpush v15, $0xF  }
0x23f: {  	v17, _, _ =	vpop (xrf0);
	(v2sf) =	vpush v16, $0xF  }
0x240: {  	v18, _, _ =	vpop (xrf0);
	(v2sf) =	vpush v17, $0xF  }
0x241: {  	v19, _, _ =	vpop (xrf0);
	(v2sf) =	vpush v18, $0xF  }
0x242: {  	v20, _, _ =	vpop (xrf0);
	(v2sf) =	vpush v19, $0xF  }
0x243: {  	v21, _, _ =	vpop (xrf0);
	(v2sf) =	vpush v20, $0xF  }
0x244: {  	(v2sf) =	vpush v21, $0xF;
	_ =	sdelay $0x7  }
0x245: {  	s19 =	spop (v2sf)  }
0x246: {  	v22 =	vld [tilespmem:s15+$0x30];
	s16 =	sadd.s32 s16, s19;
	s19 =	spop (v2sf)  }
0x247: {  	v23 =	vld [tilespmem:s15+$0x20];
	v24 =	vmov s16;
	s16 =	sadd.s32 s16, s19;
	s19 =	spop (v2sf)  }
0x248: {  	v25 =	vld [tilespmem:s15+$0x10];
	v24 =	vadd.s32 $0xFFFFFFFF, v24;
	v26 =	vmov s16;
	s16 =	sadd.s32 s16, s19;
	s19 =	spop (v2sf)  }
0x249: {  	v27 =	vld [tilespmem:s15+$0xFFFFFFC0];
	v24 =	vbroadcast v24, $0x0;
	v26 =	vadd.s32 $0xFFFFFFFF, v26;
	v28 =	vmov s16;
	s16 =	sadd.s32 s16, s19;
	s19 =	spop (v2sf)  }
0x24a: {  	v29 =	vld [tilespmem:s15+$0x0];
	v26 =	vbroadcast v26, $0x0;
	v28 =	vadd.s32 $0xFFFFFFFF, v28;
	v30 =	vmov s16;
	s16 =	sadd.s32 s16, s19;
	s19 =	spop (v2sf)  }
0x24b: {  	v31 =	vld [tilespmem:s15+$0xFFFFFFD0];
	v15 =	vadd.s32 v15, v24;
	v24 =	vbroadcast v28, $0x0;
	v28 =	vadd.s32 $0xFFFFFFFF, v30;
	s19 =	sadd.s32 s16, s19;
	s20 =	spop (v2sf)  }
0x24c: {  	v32 =	vmov s16;
	v30 =	vld [tilespmem:s15+$0xFFFFFFF0];
	v28 =	vbroadcast v28, $0x0;
	v33 =	vmov s19;
	s19 =	sadd.s32 s19, s20;
	s16 =	spop (v2sf)  }
0x24d: {  	v16 =	vadd.s32 v16, v26;
	v26 =	vadd.s32 $0xFFFFFFFF, v32;
	v34 =	vld [tilespmem:s15+$0xFFFFFFE0];
	v32 =	vadd.s32 $0xFFFFFFFF, v33;
	s16 =	sadd.s32 s19, s16  }
0x24e: {  	v26 =	vbroadcast v26, $0x0;
	[tilespmem:v14+s3+$0x0] =	vst.idx.msk vm6, v27;
	v27 =	vbroadcast v32, $0x0;
	v32 =	vmov s19  }
0x24f: {  	[tilespmem:v14+s8+$0x0] =	vst.idx.msk vm6, v13;
	v13 =	vadd.s32 v17, v24;
	v14 =	vadd.s32 $0xFFFFFFFF, v32  }
0x250: {  	[tilespmem:v15+s3+$0x0] =	vst.idx.msk vm1, v31;
	v14 =	vbroadcast v14, $0x0  }
0x251: {  	[tilespmem:v15+s8+$0x0] =	vst.idx.msk vm1, v7;
	v7 =	vadd.s32 v18, v28  }
0x252: {  	[tilespmem:v16+s3+$0x0] =	vst.idx.msk vm2, v34  }
0x253: {  	[tilespmem:v16+s8+$0x0] =	vst.idx.msk vm2, v8;
	v8 =	vadd.s32 v19, v26  }
0x254: {  	[tilespmem:v13+s3+$0x0] =	vst.idx.msk vm3, v30  }
0x255: {  	[tilespmem:v13+s8+$0x0] =	vst.idx.msk vm3, v9;
	v9 =	vadd.s32 v20, v27  }
0x256: {  	[tilespmem:v7+s3+$0x0] =	vst.idx.msk vm4, v29  }
0x257: {  	[tilespmem:v7+s8+$0x0] =	vst.idx.msk vm4, v10;
	v7 =	vadd.s32 v21, v14  }
.Ltmp5:
0x258: {  	[tilespmem:v8+s3+$0x0] =	vst.idx.msk vm5, v25;
	(pc) =	sbr.rel @p1 .LBB2_6-.Ltmp5, $4  }
0x259: {  	[tilespmem:v8+s8+$0x0] =	vst.idx.msk vm5, v11  }
0x25a: {  	[tilespmem:v9+s3+$0x0] =	vst.idx.msk vm7, v23  }
0x25b: {  	[tilespmem:v9+s8+$0x0] =	vst.idx.msk vm7, v12  }
0x25c: {  	[tilespmem:v7+s3+$0x0] =	vst.idx.msk vm0, v22  }
.LBB2_7:
0x25d: {  	_ =	sdelay $0x4  }
0x25e: {  	[tilespmem:v7+s8+$0x0] =	vst.idx.msk vm0, v6  }
.LBB2_8:
0x25f: {  	s14 =	sand.u32 $0xF, s16  }
0x260: {  	s15 =	sshra.s32 s16, $0x1F;
	p1 =	slt.s32 s16, $0x1;
	p2 =	sne.s32 s14, $0x0  }
0x261: {  	s17 =	sshrl.u32 s15, $0x1C;
	p1 =	por !p1, !p2  }
0x262: {  	s15 =	simm.s32 $0x1;
	s14 =	sadd.s32 s17, s16;
	p1 =	por !p1, !p1  }
0x263: {  	s14 =	sshrl.u32 s14, $0x4;
	s15 =	simm.s32 @!p1 $0x0  }
0x264: {  	s14 =	ssub.s32 s14, s15  }
0x265: {  	s14 =	sshll.u32 s14, $0x4  }
0x266: {  	v5 =	vld [tilespmem:s14+$0x6100]  }
0x267: {  	v6 =	vld [tilespmem:s14+$0x8180]  }
0x268: {  	v7 =	vld [tilespmem:s14+$0x6110]  }
0x269: {  	v8 =	vor.u32 s14, v4;
	v9 =	vld [tilespmem:s14+$0x8190]  }
0x26a: {  	s18 =	sadd.s32 $0x10, s14;
	v58 =	vld [tilespmem:s14+$0x6120];
	vm0 =	vlt.s32 v8, s16  }
0x26b: {  	v10 =	vor.u32 $0x2000, v4;
	v12 =	vld [tilespmem:s14+$0x81A0];
	v11 =	vor.u32 s18, v4;
	v5 =	vsel vm0, v5, v4  }
0x26c: {  	s19 =	sadd.s32 $0x20, s14;
	vm12 =	vlt.s32 v11, s16;
	[tilespmem:s14+$0x6100] =	vst v5;
	v5 =	vsel vm0, v6, v10;
	v6 =	vld [tilespmem:s14+$0x6130]  }
0x26d: {  	v59 =	vld [tilespmem:s14+$0x81B0];
	[tilespmem:s14+$0x8180] =	vst v5;
	v5 =	vsel vm12, v7, v4;
	v7 =	vor.u32 s19, v4  }
0x26e: {  	s20 =	sadd.s32 $0x30, s14;
	[tilespmem:s14+$0x6110] =	vst v5;
	v5 =	vsel vm12, v9, v10;
	vm13 =	vlt.s32 v7, s16;
	v7 =	vld [tilespmem:s14+$0x6140]  }
0x26f: {  	v61 =	vld [tilespmem:s14+$0x81C0];
	v60 =	vor.u32 s20, v4;
	[tilespmem:s14+$0x8190] =	vst v5;
	v5 =	vsel vm13, v58, v4  }
0x270: {  	s21 =	sadd.s32 $0x40, s14;
	vm14 =	vlt.s32 v60, s16;
	[tilespmem:s14+$0x6120] =	vst v5;
	v5 =	vsel vm13, v12, v10  }
0x271: {  	[tilespmem:s14+$0x81A0] =	vst v5;
	v5 =	vsel vm14, v6, v4;
	v6 =	vor.u32 s21, v4  }
0x272: {  	[tilespmem:s14+$0x6130] =	vst v5;
	v5 =	vsel vm14, v59, v10;
	vm15 =	vlt.s32 v6, s16  }
0x273: {  	[tilespmem:s14+$0x81B0] =	vst v5;
	v5 =	vsel vm15, v7, v4  }
0x274: {  	[tilespmem:s14+$0x6140] =	vst v5;
	v5 =	vsel vm15, v61, v10  }
0x275: {  	[tilespmem:s14+$0x81C0] =	vst v5  }
0x276: {  	_ =	swait.ge [sflag:s24], $0x1000  }
0x277: {  	[sflag:s24] =	ssyncset.done $0x0  }
0x278: {  	[sflag:s24] =	ssyncadd.s32 $0xFFFFF000  }
0x279: {  	_ =	swait.ge [sflag:s24], $0x1000  }
0x27a: {  	[sflag:s24] =	ssyncset.done $0x0  }
0x27b: {  	[sflag:s24] =	ssyncadd.s32 $0xFFFFF000  }
0x27c: {  	_ =	swait.ge [sflag:s24], $0x1000  }
0x27d: {  	[sflag:s24] =	ssyncset.done $0x0  }
0x27e: {  	[sflag:s24] =	ssyncadd.s32 $0xFFFFF000  }
0x27f: {  	_ =	swait.ge [sflag:s24], $0x1000  }
0x280: {  	[sflag:s24] =	ssyncset.done $0x0  }
0x281: {  	[sflag:s24] =	ssyncadd.s32 $0xFFFFF000  }
0x282: {  	_ =	swait.ge [sflag:s24], $0x1000  }
0x283: {  	[sflag:s24] =	ssyncset.done $0x0  }
0x284: {  	[sflag:s24] =	ssyncadd.s32 $0xFFFFF000  }
0x285: {  	_ =	swait.ge [sflag:s24], $0x1000  }
0x286: {  	[sflag:s24] =	ssyncset.done $0x0  }
0x287: {  	[sflag:s24] =	ssyncadd.s32 $0xFFFFF000  }
0x288: {  	_ =	swait.ge [sflag:s24], $0x1000  }
0x289: {  	[sflag:s24] =	ssyncset.done $0x0  }
0x28a: {  	[sflag:s24] =	ssyncadd.s32 $0xFFFFF000  }
0x28b: {  	_ =	swait.ge [sflag:s24], $0x1000  }
0x28c: {  	[sflag:s24] =	ssyncset.done $0x0  }
0x28d: {  	[sflag:s24] =	ssyncadd.s32 $0xFFFFF000  }
0x28e: {  	_ =	swait.ge [sflag:s24], $0x1000  }
0x28f: {  	[sflag:s24] =	ssyncset.done $0x0  }
0x290: {  	[sflag:s24] =	ssyncadd.s32 $0xFFFFF000  }
0x291: {  	_ =	swait.ge [sflag:s24], $0x1000  }
0x292: {  	[sflag:s24] =	ssyncset.done $0x0  }
0x293: {  	[sflag:s24] =	ssyncadd.s32 $0xFFFFF000  }
0x294: {  	_ =	swait.ge [sflag:s24], $0x1000  }
0x295: {  	[sflag:s24] =	ssyncset.done $0x0  }
0x296: {  	[sflag:s24] =	ssyncadd.s32 $0xFFFFF000  }
0x297: {  	_ =	swait.ge [sflag:s24], $0x1000  }
0x298: {  	[sflag:s24] =	ssyncset.done $0x0  }
0x299: {  	[sflag:s24] =	ssyncadd.s32 $0xFFFFF000  }
0x29a: {  	_ =	swait.ge [sflag:s24], $0x1000  }
0x29b: {  	[sflag:s24] =	ssyncset.done $0x0  }
0x29c: {  	[sflag:s24] =	ssyncadd.s32 $0xFFFFF000  }
0x29d: {  	_ =	swait.ge [sflag:s24], $0x1000  }
0x29e: {  	[sflag:s24] =	ssyncset.done $0x0  }
0x29f: {  	[sflag:s24] =	ssyncadd.s32 $0xFFFFF000  }
0x2a0: {  	_ =	swait.ge [sflag:s24], $0x1000  }
0x2a1: {  	[sflag:s24] =	ssyncset.done $0x0  }
0x2a2: {  	[sflag:s24] =	ssyncadd.s32 $0xFFFFF000  }
0x2a3: {  	_ =	swait.ge [sflag:s24], $0x1000  }
0x2a4: {  	s22 =	sadd.s32 $0x3F, s16;
	[sflag:s24] =	ssyncset.done $0x0  }
0x2a5: {  	s23 =	sand.u32 $0x3F, s22;
	p5 =	slt.s32 s22, $0x1;
	[sflag:s24] =	ssyncadd.s32 $0xFFFFF000  }
0x2a6: {  	p6 =	sne.s32 s23, $0x0;
	s16 =	sshra.s32 s22, $0x1F;
	[bflag:$0x0] =	sbarrier.arrive $0xFFFF  }
0x2a7: {  	p1 =	por !p5, !p6;
	s25 =	sshrl.u32 s16, $0x1A;
	v5 =	vld [tilespmem:$0x6100]  }
0x2a8: {  	p1 =	por !p1, !p1;
	s15 =	simm.s32 $0x1;
	s14 =	sadd.s32 s25, s22;
	v6 =	vld [tilespmem:$0x8180]  }
0x2a9: {  	s15 =	simm.s32 @!p1 $0x0;
	s14 =	sshra.s32 s14, $0x6;
	v7 =	vld [tilespmem:$0x6110]  }
0x2aa: {  	s14 =	ssub.s32 s14, s15;
	v62 =	vld [tilespmem:$0x8190]  }
0x2ab: {  	p1 =	sgt.s32 s14, $0x1;
	v63 =	vld [tilespmem:$0x6120]  }
0x2ac: {  	s14 =	simm.s32 @!p1 $0x1;
	[tilespmem:$0xA200] =	vst v5;
	v5 =	vld [tilespmem:$0x81A0]  }
0x2ad: {  	s26 =	sadd.s32 $0x1, s14;
	[tilespmem:$0xA280] =	vst v6;
	v6 =	vld [tilespmem:$0x6130]  }
0x2ae: {  	s18 =	sand.u32 $0x7FFFFFFE, s26;
	[tilespmem:$0xA210] =	vst v7;
	v7 =	vld [tilespmem:$0x81B0]  }
0x2af: {  	p1 =	sne.s32 s18, $0x2;
	[tilespmem:$0xA290] =	vst v62  }
.Ltmp6:
0x2b0: {  	[tilespmem:$0xA220] =	vst v63;
	(pc) =	sbr.rel @!p1 .LBB2_9-.Ltmp6, $4  }
0x2b1: {  	s9 =	simm.s32 $0xA200;
	[tilespmem:$0xA2A0] =	vst v5  }
0x2b2: {  	p2 =	por $0x0, $0x0;
	s20 =	simm.s32 $0x40;
	s19 =	simm.s32 $0x2;
	[tilespmem:$0xA230] =	vst v6  }
0x2b3: {  	s16 =	simm.s32 $0x61B0;
	s22 =	simm.s32 $0x1;
	s15 =	simm.s32 $0x8230;
	[tilespmem:$0xA2B0] =	vst v7  }
0x2b4: {  	[tilespmem:s4], [sflag:$0x1] =	stream.indirect.gather [hbm4b:s1+s20], $0x80, s9, s20, $0xb8;
	[tilespmem:$0x1F480] =	vst v63  }
0x2b5: {  	p1 =	sle.u32 s14, $0x1  }
0x2b6: {  	v5 =	vld @!p1 [tilespmem:s16+$0xFFFFFF90];
	_ =	sdelay $0x4  }
0x2b7: {  	[tilespmem:$0xA300] =	vst @!p1 v5  }
0x2b8: {  	v5 =	vld @!p1 [tilespmem:s15+$0xFFFFFF90];
	_ =	sdelay $0x4  }
0x2b9: {  	s19 =	sor.u32 @!p1 $0x50, s20;
	[tilespmem:$0xA380] =	vst @!p1 v5  }
0x2ba: {  	v5 =	vld @!p1 [tilespmem:s19+$0x6100];
	_ =	sdelay $0x4  }
0x2bb: {  	[tilespmem:$0xA310] =	vst @!p1 v5  }
0x2bc: {  	v5 =	vld @!p1 [tilespmem:s19+$0x8180];
	_ =	sdelay $0x4  }
0x2bd: {  	s19 =	sor.u32 @!p1 $0x60, s20;
	[tilespmem:$0xA390] =	vst @!p1 v5  }
0x2be: {  	v5 =	vld @!p1 [tilespmem:s19+$0x6100];
	_ =	sdelay $0x4  }
0x2bf: {  	[tilespmem:$0xA320] =	vst @!p1 v5  }
0x2c0: {  	v5 =	vld @!p1 [tilespmem:s19+$0x8180];
	_ =	sdelay $0x4  }
0x2c1: {  	s19 =	sor.u32 @!p1 $0x70, s20;
	[tilespmem:$0xA3A0] =	vst @!p1 v5  }
0x2c2: {  	v5 =	vld @!p1 [tilespmem:s19+$0x6100];
	_ =	sdelay $0x4  }
0x2c3: {  	[tilespmem:$0xA330] =	vst @!p1 v5  }
0x2c4: {  	v5 =	vld @!p1 [tilespmem:s19+$0x8180];
	_ =	sdelay $0x4  }
0x2c5: {  	s21 =	simm.s32 @!p1 $0xC400;
	s20 =	simm.s32 @!p1 $0x40;
	s19 =	simm.s32 @!p1 $0xA300;
	[tilespmem:$0xA3B0] =	vst @!p1 v5  }
0x2c6: {  	[tilespmem:s21], [sflag:$0x2] =	stream.indirect.gather @!p1 [hbm4b:s1+s20], $0x80, s19, s20, $0xb8;
	[tilespmem:$0x1F480] =	vst v63  }
0x2c7: {  	_ =	swait.ge [sflag:s31], $0x2000  }
0x2c8: {  	[sflag:s31] =	ssyncset.done $0x0  }
0x2c9: {  	[sflag:s31] =	ssyncadd.s32 $0xFFFFE000  }
0x2ca: {  	[spmem:s2] =	stream.indirect.scatter.add.f32 [tilespmem:s4], [sflag:$0x7], $0x80, s5, s28, $0xb8;
	[tilespmem:$0x1F480] =	vst v63  }
0x2cb: {  	_ =	swait.ge [sflag:s7], $0x2000  }
0x2cc: {  	[sflag:s7] =	ssyncset.done $0x0  }
0x2cd: {  	p2 =	sle.u32 s14, $0x2;
	[sflag:s7] =	ssyncadd.s32 $0xFFFFE000  }
0x2ce: {  	v5 =	vld @!p2 [tilespmem:s16+$0xFFFFFFD0];
	_ =	sdelay $0x4  }
0x2cf: {  	[tilespmem:$0xA200] =	vst @!p2 v5  }
0x2d0: {  	v5 =	vld @!p2 [tilespmem:s15+$0xFFFFFFD0];
	_ =	sdelay $0x4  }
0x2d1: {  	[tilespmem:$0xA280] =	vst @!p2 v5  }
0x2d2: {  	v5 =	vld @!p2 [tilespmem:s16+$0xFFFFFFE0];
	_ =	sdelay $0x4  }
0x2d3: {  	[tilespmem:$0xA210] =	vst @!p2 v5  }
0x2d4: {  	v5 =	vld @!p2 [tilespmem:s15+$0xFFFFFFE0];
	_ =	sdelay $0x4  }
0x2d5: {  	[tilespmem:$0xA290] =	vst @!p2 v5  }
0x2d6: {  	v5 =	vld @!p2 [tilespmem:s16+$0xFFFFFFF0];
	_ =	sdelay $0x4  }
0x2d7: {  	[tilespmem:$0xA220] =	vst @!p2 v5  }
0x2d8: {  	v5 =	vld @!p2 [tilespmem:s15+$0xFFFFFFF0];
	_ =	sdelay $0x4  }
0x2d9: {  	[tilespmem:$0xA2A0] =	vst @!p2 v5  }
0x2da: {  	v5 =	vld @!p2 [tilespmem:s16+$0x0];
	_ =	sdelay $0x4  }
0x2db: {  	[tilespmem:$0xA230] =	vst @!p2 v5  }
0x2dc: {  	v5 =	vld @!p2 [tilespmem:s15+$0x0];
	_ =	sdelay $0x3  }
0x2dd: {  	p3 =	sne.s32 s18, $0x4;
	s22 =	simm.s32 @!p1 $0x2  }
0x2de: {  	s19 =	simm.s32 @!p2 $0xA200;
	s16 =	simm.s32 @!p2 $0x40;
	s15 =	simm.s32 @!p2 $0xA400;
	[tilespmem:$0xA2B0] =	vst @!p2 v5  }
0x2df: {  	[tilespmem:s15], [sflag:$0x1] =	stream.indirect.gather @!p2 [hbm4b:s1+s16], $0x80, s19, s16, $0xb8;
	[tilespmem:$0x1F480] =	vst v63  }
0x2e0: {  	s23 =	simm.s32 @!p1 $0x6;
	s19 =	simm.s32 $0x4;
	_ =	swait.ge @!p1 [sflag:s22], $0x2000  }
.Ltmp7:
0x2e1: {  	s15 =	simm.s32 @!p1 $0xA380;
	[sflag:s22] =	ssyncset.done @!p1 $0x0;
	(pc) =	sbr.rel @!p3 .LBB2_12-.Ltmp7, $4  }
0x2e2: {  	s16 =	simm.s32 $0x6230;
	p2 =	por $0x1, $0x1;
	[sflag:s22] =	ssyncadd.s32 @!p1 $0xFFFFE000  }
0x2e3: {  	[spmem:s2] =	stream.indirect.scatter.add.f32 @!p1 [tilespmem:s21], [sflag:$0x6], $0x80, s15, s20, $0xb8;
	[tilespmem:$0x1F480] =	vst v63  }
0x2e4: {  	s22 =	simm.s32 $0x3;
	s15 =	simm.s32 $0x82B0;
	_ =	swait.ge @!p1 [sflag:s23], $0x2000  }
0x2e5: {  	s20 =	simm.s32 $0xC0;
	s21 =	simm.s32 $0x4;
	[sflag:s23] =	ssyncset.done @!p1 $0x0  }
.LBB2_11:
0x2e6: {  	[sflag:s23] =	ssyncadd.s32 @!p1 $0xFFFFE000  }
0x2e7: {  	p1 =	sge.u32 s22, s14;
	s22 =	smov.u32 s21;
	s21 =	sadd.s32 $0x2, s21  }
0x2e8: {  	p3 =	sne.s32 s18, s21;
	v5 =	vld @!p1 [tilespmem:s16+$0xFFFFFF90];
	_ =	sdelay $0x4  }
0x2e9: {  	[tilespmem:$0xA300] =	vst @!p1 v5  }
0x2ea: {  	v5 =	vld @!p1 [tilespmem:s15+$0xFFFFFF90];
	_ =	sdelay $0x4  }
0x2eb: {  	s23 =	sor.u32 @!p1 $0x50, s20;
	[tilespmem:$0xA380] =	vst @!p1 v5  }
0x2ec: {  	v5 =	vld @!p1 [tilespmem:s23+$0x6100];
	_ =	sdelay $0x4  }
0x2ed: {  	[tilespmem:$0xA310] =	vst @!p1 v5  }
0x2ee: {  	v5 =	vld @!p1 [tilespmem:s23+$0x8180];
	_ =	sdelay $0x4  }
0x2ef: {  	s23 =	sor.u32 @!p1 $0x60, s20;
	[tilespmem:$0xA390] =	vst @!p1 v5  }
0x2f0: {  	v5 =	vld @!p1 [tilespmem:s23+$0x6100];
	_ =	sdelay $0x4  }
0x2f1: {  	[tilespmem:$0xA320] =	vst @!p1 v5  }
0x2f2: {  	v5 =	vld @!p1 [tilespmem:s23+$0x8180];
	_ =	sdelay $0x4  }
0x2f3: {  	s23 =	sor.u32 @!p1 $0x70, s20;
	[tilespmem:$0xA3A0] =	vst @!p1 v5  }
0x2f4: {  	v5 =	vld @!p1 [tilespmem:s23+$0x6100];
	_ =	sdelay $0x4  }
0x2f5: {  	[tilespmem:$0xA330] =	vst @!p1 v5  }
0x2f6: {  	v5 =	vld @!p1 [tilespmem:s23+$0x8180];
	_ =	sdelay $0x4  }
0x2f7: {  	s25 =	simm.s32 @!p1 $0x40;
	s26 =	simm.s32 @!p1 $0xC400;
	s23 =	simm.s32 @!p1 $0xA300;
	[tilespmem:$0xA3B0] =	vst @!p1 v5  }
0x2f8: {  	[tilespmem:s26], [sflag:$0x2] =	stream.indirect.gather @!p1 [hbm4b:s1+s25], $0x80, s23, s25, $0xb8;
	[tilespmem:$0x1F480] =	vst v63  }
0x2f9: {  	_ =	swait.ge [sflag:s31], $0x2000  }
0x2fa: {  	[sflag:s31] =	ssyncset.done $0x0  }
0x2fb: {  	[sflag:s31] =	ssyncadd.s32 $0xFFFFE000  }
0x2fc: {  	[spmem:s2] =	stream.indirect.scatter.add.f32 [tilespmem:s4], [sflag:$0x7], $0x80, s5, s28, $0xb8;
	[tilespmem:$0x1F480] =	vst v63  }
0x2fd: {  	_ =	swait.ge [sflag:s7], $0x2000  }
0x2fe: {  	[sflag:s7] =	ssyncset.done $0x0  }
0x2ff: {  	p4 =	sge.u32 s19, s14;
	s19 =	smov.u32 s21;
	[sflag:s7] =	ssyncadd.s32 $0xFFFFE000  }
0x300: {  	v5 =	vld @!p4 [tilespmem:s16+$0xFFFFFFD0];
	_ =	sdelay $0x4  }
0x301: {  	[tilespmem:$0xA200] =	vst @!p4 v5  }
0x302: {  	v5 =	vld @!p4 [tilespmem:s15+$0xFFFFFFD0];
	_ =	sdelay $0x4  }
0x303: {  	[tilespmem:$0xA280] =	vst @!p4 v5  }
0x304: {  	v5 =	vld @!p4 [tilespmem:s16+$0xFFFFFFE0];
	_ =	sdelay $0x4  }
0x305: {  	[tilespmem:$0xA210] =	vst @!p4 v5  }
0x306: {  	v5 =	vld @!p4 [tilespmem:s15+$0xFFFFFFE0];
	_ =	sdelay $0x4  }
0x307: {  	[tilespmem:$0xA290] =	vst @!p4 v5  }
0x308: {  	v5 =	vld @!p4 [tilespmem:s16+$0xFFFFFFF0];
	_ =	sdelay $0x4  }
0x309: {  	[tilespmem:$0xA220] =	vst @!p4 v5  }
0x30a: {  	v5 =	vld @!p4 [tilespmem:s15+$0xFFFFFFF0];
	_ =	sdelay $0x4  }
0x30b: {  	[tilespmem:$0xA2A0] =	vst @!p4 v5  }
0x30c: {  	v5 =	vld @!p4 [tilespmem:s16+$0x0];
	_ =	sdelay $0x4  }
0x30d: {  	[tilespmem:$0xA230] =	vst @!p4 v5  }
0x30e: {  	v5 =	vld @!p4 [tilespmem:s15+$0x0];
	_ =	sdelay $0x3  }
0x30f: {  	s23 =	simm.s32 @!p4 $0xA400  }
0x310: {  	s10 =	simm.s32 @!p4 $0x40;
	s17 =	simm.s32 @!p4 $0xA200;
	s9 =	simm.s32 @!p1 $0x2;
	[tilespmem:$0xA2B0] =	vst @!p4 v5  }
0x311: {  	[tilespmem:s23], [sflag:$0x1] =	stream.indirect.gather @!p4 [hbm4b:s1+s10], $0x80, s17, s10, $0xb8;
	[tilespmem:$0x1F480] =	vst v63  }
0x312: {  	_ =	swait.ge @!p1 [sflag:s9], $0x2000  }
.Ltmp8:
0x313: {  	[sflag:s9] =	ssyncset.done @!p1 $0x0;
	(pc) =	sbr.rel @p3 .LBB2_11-.Ltmp8, $4  }
0x314: {  	s23 =	simm.s32 @!p1 $0x6;
	[sflag:s9] =	ssyncadd.s32 @!p1 $0xFFFFE000;
	s9 =	simm.s32 @!p1 $0xA380  }
0x315: {  	[spmem:s2] =	stream.indirect.scatter.add.f32 @!p1 [tilespmem:s26], [sflag:$0x6], $0x80, s9, s25, $0xb8;
	[tilespmem:$0x1F480] =	vst v63  }
0x316: {  	s16 =	sadd.s32 $0x80, s16;
	s15 =	sadd.s32 $0x80, s15;
	_ =	swait.ge @!p1 [sflag:s23], $0x2000  }
0x317: {  	s22 =	sadd.s32 $0x1, s22;
	s20 =	sadd.s32 $0x80, s20;
	[sflag:s23] =	ssyncset.done @!p1 $0x0  }
.LBB2_12:
0x318: {  	p2 =	por p1, !p2  }
0x319: {  	p1 =	sge.u32 s22, s14;
	[sflag:s23] =	ssyncadd.s32 @!p2 $0xFFFFE000  }
0x31a: {  	v5 =	vld @!p1 [tilespmem:s16+$0xFFFFFF90];
	_ =	sdelay $0x4  }
0x31b: {  	[tilespmem:$0xA300] =	vst @!p1 v5  }
0x31c: {  	v5 =	vld @!p1 [tilespmem:s15+$0xFFFFFF90];
	_ =	sdelay $0x4  }
0x31d: {  	s9 =	sor.u32 @!p1 $0x50, s20;
	[tilespmem:$0xA380] =	vst @!p1 v5  }
0x31e: {  	v5 =	vld @!p1 [tilespmem:s9+$0x6100];
	_ =	sdelay $0x4  }
0x31f: {  	[tilespmem:$0xA310] =	vst @!p1 v5  }
0x320: {  	v5 =	vld @!p1 [tilespmem:s9+$0x8180];
	_ =	sdelay $0x4  }
0x321: {  	s9 =	sor.u32 @!p1 $0x60, s20;
	[tilespmem:$0xA390] =	vst @!p1 v5  }
0x322: {  	v5 =	vld @!p1 [tilespmem:s9+$0x6100];
	_ =	sdelay $0x4  }
0x323: {  	[tilespmem:$0xA320] =	vst @!p1 v5  }
0x324: {  	v5 =	vld @!p1 [tilespmem:s9+$0x8180];
	_ =	sdelay $0x4  }
0x325: {  	s9 =	sor.u32 @!p1 $0x70, s20;
	[tilespmem:$0xA3A0] =	vst @!p1 v5  }
0x326: {  	v5 =	vld @!p1 [tilespmem:s9+$0x6100];
	_ =	sdelay $0x4  }
0x327: {  	[tilespmem:$0xA330] =	vst @!p1 v5  }
0x328: {  	v5 =	vld @!p1 [tilespmem:s9+$0x8180];
	_ =	sdelay $0x4  }
0x329: {  	s10 =	simm.s32 @!p1 $0xA300;
	s17 =	simm.s32 @!p1 $0xC400;
	s9 =	simm.s32 @!p1 $0x40;
	[tilespmem:$0xA3B0] =	vst @!p1 v5  }
0x32a: {  	[tilespmem:s17], [sflag:$0x2] =	stream.indirect.gather @!p1 [hbm4b:s1+s9], $0x80, s10, s9, $0xb8;
	[tilespmem:$0x1F480] =	vst v63  }
0x32b: {  	_ =	swait.ge [sflag:s31], $0x2000  }
0x32c: {  	[sflag:s31] =	ssyncset.done $0x0  }
0x32d: {  	[sflag:s31] =	ssyncadd.s32 $0xFFFFE000  }
0x32e: {  	[spmem:s2] =	stream.indirect.scatter.add.f32 [tilespmem:s4], [sflag:$0x7], $0x80, s5, s28, $0xb8;
	[tilespmem:$0x1F480] =	vst v63  }
0x32f: {  	_ =	swait.ge [sflag:s7], $0x2000  }
0x330: {  	[sflag:s7] =	ssyncset.done $0x0  }
0x331: {  	p2 =	sge.u32 s19, s14;
	[sflag:s7] =	ssyncadd.s32 $0xFFFFE000  }
0x332: {  	v5 =	vld @!p2 [tilespmem:s16+$0xFFFFFFD0];
	_ =	sdelay $0x4  }
0x333: {  	[tilespmem:$0xA200] =	vst @!p2 v5  }
0x334: {  	v5 =	vld @!p2 [tilespmem:s15+$0xFFFFFFD0];
	_ =	sdelay $0x4  }
0x335: {  	[tilespmem:$0xA280] =	vst @!p2 v5  }
0x336: {  	v5 =	vld @!p2 [tilespmem:s16+$0xFFFFFFE0];
	_ =	sdelay $0x4  }
0x337: {  	[tilespmem:$0xA210] =	vst @!p2 v5  }
0x338: {  	v5 =	vld @!p2 [tilespmem:s15+$0xFFFFFFE0];
	_ =	sdelay $0x4  }
0x339: {  	[tilespmem:$0xA290] =	vst @!p2 v5  }
0x33a: {  	v5 =	vld @!p2 [tilespmem:s16+$0xFFFFFFF0];
	_ =	sdelay $0x4  }
0x33b: {  	[tilespmem:$0xA220] =	vst @!p2 v5  }
0x33c: {  	v5 =	vld @!p2 [tilespmem:s15+$0xFFFFFFF0];
	_ =	sdelay $0x4  }
0x33d: {  	[tilespmem:$0xA2A0] =	vst @!p2 v5  }
0x33e: {  	v5 =	vld @!p2 [tilespmem:s16+$0x0];
	_ =	sdelay $0x4  }
0x33f: {  	[tilespmem:$0xA230] =	vst @!p2 v5  }
0x340: {  	v5 =	vld @!p2 [tilespmem:s15+$0x0];
	_ =	sdelay $0x4  }
0x341: {  	s14 =	simm.s32 @!p2 $0x40;
	s10 =	simm.s32 @!p2 $0xA400;
	s15 =	simm.s32 @!p2 $0xA200;
	[tilespmem:$0xA2B0] =	vst @!p2 v5  }
0x342: {  	[tilespmem:s10], [sflag:$0x1] =	stream.indirect.gather @!p2 [hbm4b:s1+s14], $0x80, s15, s14, $0xb8;
	[tilespmem:$0x1F480] =	vst v63  }
0x343: {  	s10 =	simm.s32 @!p1 $0x2  }
0x344: {  	_ =	swait.ge @!p1 [sflag:s10], $0x2000  }
0x345: {  	[sflag:s10] =	ssyncset.done @!p1 $0x0  }
0x346: {  	s14 =	simm.s32 @!p1 $0x6;
	[sflag:s10] =	ssyncadd.s32 @!p1 $0xFFFFE000;
	s10 =	simm.s32 @!p1 $0xA380  }
0x347: {  	[spmem:s2] =	stream.indirect.scatter.add.f32 @!p1 [tilespmem:s17], [sflag:$0x6], $0x80, s10, s9, $0xb8;
	[tilespmem:$0x1F480] =	vst v63  }
0x348: {  	_ =	swait.ge @!p1 [sflag:s14], $0x2000  }
0x349: {  	[sflag:s14] =	ssyncset.done @!p1 $0x0  }
0x34a: {  	[sflag:s14] =	ssyncadd.s32 @!p1 $0xFFFFE000  }
0x34b: {  	[bflag:$0x0] =	sbarrier.arrive $0xFFFF  }
0x34c: {  	s16 =	sshll.u32 s13, $0x4;
	s17 =	stileid.u32;
	s18 =	rddreg [dreg:$0x5]  }
0x34d: {  	s9 =	sor.u32 s6, s16;
	s10 =	sshll.u32 s17, $0x6;
	s20 =	rddreg [dreg:$0x8]  }
0x34e: {  	s19 =	sor.u32 $0x1C04, s10;
	s13 =	sadd.s32 s18, s9;
	s21 =	sshrl.u32 s20, $0x3  }
0x34f: {  	[hbm:s13], [sflag:s19] =	dma.local [spmem:s21], $0x1000  }
0x350: {  	s13 =	rddreg [dreg:$0x16]  }
0x351: {  	s23 =	simm.s32 $0x4;
	s14 =	rddreg [dreg:$0x10]  }
0x352: {  	s10 =	sor.u32 $0x1C05, s10;
	s9 =	sadd.s32 s9, s13;
	s22 =	sshrl.u32 s14, $0x3  }
0x353: {  	[hbm:s9], [sflag:s10] =	dma.local [spmem:s22], $0x1000  }
0x354: {  	_ =	swait.ge [sflag:s23], $0x1000  }
0x355: {  	[sflag:s23] =	ssyncset.done $0x0  }
0x356: {  	[sflag:s23] =	ssyncadd.s32 $0xFFFFF000  }
0x357: {  	[spmem:s20] =	stream.linear.scatter [tilespmem:s0], [sflag:$0x3], $0x1000, $0x38;
	[tilespmem:$0x1F480] =	vst v63  }
0x358: {  	s25 =	rddreg [dreg:$0x9]  }
0x359: {  	[spmem:s25] =	stream.linear.scatter [tilespmem:s0], [sflag:$0x3], $0x1000, $0x38;
	[tilespmem:$0x1F480] =	vst v63  }
0x35a: {  	s26 =	rddreg [dreg:$0xa]  }
0x35b: {  	[spmem:s26] =	stream.linear.scatter [tilespmem:s0], [sflag:$0x3], $0x1000, $0x38;
	[tilespmem:$0x1F480] =	vst v63  }
0x35c: {  	s10 =	rddreg [dreg:$0xb]  }
0x35d: {  	[spmem:s10] =	stream.linear.scatter [tilespmem:s0], [sflag:$0x3], $0x1000, $0x38;
	[tilespmem:$0x1F480] =	vst v63  }
0x35e: {  	s13 =	rddreg [dreg:$0xc]  }
0x35f: {  	[spmem:s13] =	stream.linear.scatter [tilespmem:s0], [sflag:$0x3], $0x1000, $0x38;
	[tilespmem:$0x1F480] =	vst v63  }
0x360: {  	s15 =	rddreg [dreg:$0xd]  }
0x361: {  	[spmem:s15] =	stream.linear.scatter [tilespmem:s0], [sflag:$0x3], $0x1000, $0x38;
	[tilespmem:$0x1F480] =	vst v63  }
0x362: {  	s16 =	rddreg [dreg:$0xe]  }
0x363: {  	[spmem:s16] =	stream.linear.scatter [tilespmem:s0], [sflag:$0x3], $0x1000, $0x38;
	[tilespmem:$0x1F480] =	vst v63  }
0x364: {  	s18 =	simm.s32 $0x5;
	s17 =	rddreg [dreg:$0xf]  }
0x365: {  	[spmem:s17] =	stream.linear.scatter [tilespmem:s0], [sflag:$0x3], $0x1000, $0x38;
	[tilespmem:$0x1F480] =	vst v63  }
0x366: {  	_ =	swait.ge [sflag:s18], $0x1000  }
0x367: {  	[sflag:s18] =	ssyncset.done $0x0  }
0x368: {  	[sflag:s18] =	ssyncadd.s32 $0xFFFFF000  }
0x369: {  	[spmem:s14] =	stream.linear.scatter [tilespmem:s0], [sflag:$0x3], $0x1000, $0x38;
	[tilespmem:$0x1F480] =	vst v63  }
0x36a: {  	s19 =	rddreg [dreg:$0x11]  }
0x36b: {  	[spmem:s19] =	stream.linear.scatter [tilespmem:s0], [sflag:$0x3], $0x1000, $0x38;
	[tilespmem:$0x1F480] =	vst v63  }
0x36c: {  	s20 =	rddreg [dreg:$0x12]  }
0x36d: {  	[spmem:s20] =	stream.linear.scatter [tilespmem:s0], [sflag:$0x3], $0x1000, $0x38;
	[tilespmem:$0x1F480] =	vst v63  }
0x36e: {  	s21 =	rddreg [dreg:$0x13]  }
0x36f: {  	[spmem:s21] =	stream.linear.scatter [tilespmem:s0], [sflag:$0x3], $0x1000, $0x38;
	[tilespmem:$0x1F480] =	vst v63  }
0x370: {  	s12 =	sadd.s32 $0x1, s12;
	s22 =	rddreg [dreg:$0x14]  }
0x371: {  	[spmem:s22] =	stream.linear.scatter [tilespmem:s0], [sflag:$0x3], $0x1000, $0x38;
	[tilespmem:$0x1F480] =	vst v63  }
0x372: {  	p1 =	sne.s32 s12, $0x10;
	s23 =	rddreg [dreg:$0x15]  }
0x373: {  	[spmem:s23] =	stream.linear.scatter [tilespmem:s0], [sflag:$0x3], $0x1000, $0x38;
	[tilespmem:$0x1F480] =	vst v63  }
.Ltmp9:
0x374: {  	_ = 	snop;
	(pc) =	sbr.rel @p1 .LBB2_4-.Ltmp9, $4  }
.Ltmp10:
0x375: {  	s25 =	rddreg [dreg:$0x18];
	(pc) =	sbr.rel @!p1 .LBB2_13-.Ltmp10, $4  }
0x376: {  	[spmem:s25] =	stream.linear.scatter [tilespmem:s0], [sflag:$0x3], $0x1000, $0x38;
	[tilespmem:$0x1F480] =	vst v63  }
0x377: {  	s26 =	rddreg [dreg:$0x19]  }
0x378: {  	[spmem:s26] =	stream.linear.scatter [tilespmem:s0], [sflag:$0x3], $0x1000, $0x38;
	[tilespmem:$0x1F480] =	vst v63  }
0x379: {  	_ = 	snop  }
.LBB2_9:
.Ltmp11:
0x37a: {  	(pc) =	sbr.rel .LBB2_12-.Ltmp11, $2  }
0x37b: {  	_ =	sdelay $0x2  }
0x37c: {  	_ = 	snop  }
.LBB2_14:
0x37d: {  	_ =	sfence.sel $0x180000  }
0x37e: {  	[bflag:$0x0] =	sbarrier.arrive $0xFFFF  }
0x37f: {  	_ =	strace $0x90000047  }
0x380: {  	s0 =	stileid.u32;
	[bflag:$0x2] =	sbarrier.arrive $0xFFFF  }
0x381: {  	p0 =	sne.s32 s0, $0x0;
	s0 =	rddreg [dreg:$0x4]  }
0x382: {  	s0 =	sadd.s32 @!p0 $0x100000, s0  }
0x383: {  	[sflag:s0] =	ssyncadd.tile.s32 @!p0 $0x1;
	_ =	shalt  }
.Lfunc_end2:
_tile_overlayer_lowered:
.L_overlay_start_2:
0x384: {  	(tag) =	ssettag $0x2  }
0x385: {  	s0 =	rddreg [dreg:$0x0];
	s2 =	stileid.u32  }
0x386: {  	s1 =	rddreg [dreg:$0x1];
	p0 =	sne.s32 s2, $0x0  }
0x387: {  	s3 =	rddreg [dreg:$0x2];
	[bflag:$0x3] =	sbarrier.arrive $0xFFFF;
	s2 =	simm.s32 @!p0 $0x1C06  }
0x388: {  	[timem:s3], [sflag:s2] =	dma.local @!p0 [hbm:s0], s1  }
0x389: {  	s0 =	simm.s32 @!p0 $0x6  }
0x38a: {  	_ =	swait.ge @!p0 [sflag:s0], s1  }
0x38b: {  	s1 =	ssub.s32 @!p0 $0x0, s1;
	[sflag:s0] =	ssyncset.done @!p0 $0x0  }
0x38c: {  	[sflag:s0] =	ssyncadd.s32 @!p0 s1  }
0x38d: {  	[bflag:$0x3] =	sbarrier.arrive $0xFFFF  }
0x38e: {  	_ =	shalt  }

</sc_bundles>
